<compile_context>
chip_gen: v7x
topology: tpu7x:2x2x1
jax: 0.10.2.dev20260603
libtpu: 0.0.44.dev20260713+nightly
codegen_flags: <defaults>
</compile_context>

<pallas_src>
import functools

import jax
import jax.numpy as jnp
from jax import lax
from jax.experimental import pallas as pl
from jax.experimental.pallas import tpu as pltpu
from jax.experimental.pallas import tpu_sc as plsc

_BATCH = 16384
_SEQ = 16
_DIM = 64
_N = _BATCH * _SEQ
_K = 8192

_info = plsc.get_sparse_core_info()
_NC = _info.num_cores
_NS = _info.num_subcores
_NW = _NC * _NS
_PER_W = _N // _NW
_CHUNK = 128
_NCHUNK = _PER_W // _CHUNK
_G = 2
_GROUP_ROWS = _G * _CHUNK
_NGROUP = _NCHUNK // _G
_NBUF = 4
_PREFETCH = 2
_K_PER_S = _K // _NS

_mesh = plsc.VectorSubcoreMesh(core_axis_name="c", subcore_axis_name="s")


@functools.partial(
    pl.kernel,
    mesh=_mesh,
    out_type=jax.ShapeDtypeStruct((_NW, _NGROUP, _GROUP_ROWS, _DIM), jnp.float32),
    scratch_types=[
        pltpu.VMEM((_NCHUNK, _CHUNK), jnp.int32),
        pltpu.VMEM((_NBUF, _GROUP_ROWS, _DIM), jnp.float32),
        pltpu.VMEM_SHARED((_K, _DIM), jnp.float32),
    ]
    + [pltpu.SemaphoreType.DMA] * (2 * _NBUF),
    compiler_params=pltpu.CompilerParams(use_tc_tiling_on_sc=False),
)
def _vq_gather(codes_hbm, table_hbm, out_hbm, idx_v, rows_v, table_sh, *sems):
    gsems = sems[:_NBUF]
    osems = sems[_NBUF:]
    cid = lax.axis_index("c")
    sid = lax.axis_index("s")
    wid = sid * _NC + cid

    pltpu.sync_copy(codes_hbm.at[wid], idx_v)

    gather_cps = {}
    wb_cps = {}

    def fire_gathers(g, table):
        b = g % _NBUF
        cps = []
        for c in range(_G):
            ch = g * _G + c
            cps.append(pltpu.async_copy(
                table.at[idx_v.at[ch]],
                rows_v.at[b, pl.ds(c * _CHUNK, _CHUNK)],
                gsems[b],
            ))
        gather_cps[g] = cps

    for g in range(_PREFETCH):
        fire_gathers(g, table_hbm)

    pltpu.sync_copy(
        table_hbm.at[pl.ds(sid * _K_PER_S, _K_PER_S)],
        table_sh.at[pl.ds(sid * _K_PER_S, _K_PER_S)],
    )
    plsc.subcore_barrier()

    for t in range(_NGROUP):
        b = t % _NBUF
        nxt = t + _PREFETCH
        if nxt < _NGROUP:
            prev_wb = nxt - _NBUF
            if prev_wb >= 0:
                wb_cps.pop(prev_wb).wait()
            fire_gathers(nxt, table_sh)
        for cp in gather_cps.pop(t):
            cp.wait()
        wb_cps[t] = pltpu.async_copy(rows_v.at[b], out_hbm.at[wid, t], osems[b])

    for t in sorted(wb_cps):
        wb_cps.pop(t).wait()


def kernel(codes, codebooks):
    codes_blocks = codes.reshape(_NW, _NCHUNK, _CHUNK)
    out = _vq_gather(codes_blocks, codebooks)
    return out.reshape(_BATCH, _SEQ, _DIM)

# --- scband reference (transcript-rebuilt; emitter-appended) ---
"""Pipeline reference for scband-lamencoder-vqinference-33457795236530 (READ-ONLY COPY).

The authoritative reference and input builder live on the scoring server;
editing this copy changes nothing except your own understanding.
"""

import jax, jax.numpy as jnp
import numpy as np

CODEBOOK_SIZE = 8192
CODE_SEQ_LEN = 16
CODEBOOK_DIM = 64
BATCH = 16384


def setup_inputs(seed: int = 0) -> dict:
    key = jax.random.key(seed)
    k_codes, k_cb = jax.random.split(key)
    # code ids [B, S], values in [0, codebook_size)
    codes = jax.random.randint(k_codes, (BATCH, CODE_SEQ_LEN), 0, CODEBOOK_SIZE, dtype=jnp.int32)
    # learned codebook parameter [K, D] (frozen in the wrapper, but still a param)
    codebooks = jax.random.normal(k_cb, (CODEBOOK_SIZE, CODEBOOK_DIM), dtype=jnp.float32)
    return {"codes": codes, "codebooks": codebooks}


def reference(codes, codebooks):
    # vectors_from_codes: self._model.vq.codebooks[codes]
    # codes [B, S] -> vectors [B, S, D] via row gather from the codebook table
    if codes.ndim != 2:
        raise ValueError(f"Expected codes [B, S], got {tuple(codes.shape)}")
    vectors = jnp.take(codebooks, codes, axis=0)
    return vectors

if __name__ == "__main__":
    import jax
    _d = setup_inputs()
    print(jax.jit(kernel)(*tuple(_d.values())))

</pallas_src>

<mosaic_0001>
#map = affine_map<(d0, d1) -> (0, 0, 0)>
#map1 = affine_map<(d0, d1) -> (0, 0)>
#map2 = affine_map<(d0, d1) -> (0, 0, 0, 0)>
module attributes {stable_mosaic.version = 14 : i64} {
  func.func @_vq_gather(%arg0: i32, %arg1: i32, %arg2: memref<32x64x128xi32, #tpu.memory_space<hbm>>, %arg3: memref<8192x64xf32, #tpu.memory_space<hbm>>, %arg4: memref<32x32x256x64xf32, #tpu.memory_space<hbm>>, %arg5: memref<64x128xi32, #tpu.memory_space<vmem>>, %arg6: memref<4x256x64xf32, #tpu.memory_space<vmem>>, %arg7: memref<8192x64xf32, #tpu.memory_space<vmem_shared>>, %arg8: memref<!tpu.dma_semaphore, #tpu.memory_space<semaphore_mem>>, %arg9: memref<!tpu.dma_semaphore, #tpu.memory_space<semaphore_mem>>, %arg10: memref<!tpu.dma_semaphore, #tpu.memory_space<semaphore_mem>>, %arg11: memref<!tpu.dma_semaphore, #tpu.memory_space<semaphore_mem>>, %arg12: memref<!tpu.dma_semaphore, #tpu.memory_space<semaphore_mem>>, %arg13: memref<!tpu.dma_semaphore, #tpu.memory_space<semaphore_mem>>, %arg14: memref<!tpu.dma_semaphore, #tpu.memory_space<semaphore_mem>>, %arg15: memref<!tpu.dma_semaphore, #tpu.memory_space<semaphore_mem>>) attributes {dimension_semantics = [#tpu.dimension_semantics<core_parallel>, #tpu.dimension_semantics<subcore_parallel>], iteration_bounds = array<i64: 2, 16>, scalar_prefetch = 0 : i64, scratch_operands = 11 : i64, tpu.core_type = #tpu.core_type<sc_vector_subcore>, window_params = [{transform_indices = #map}, {transform_indices = #map1}, {transform_indices = #map2}]} {
    %mul3A = arith.constant 2 : i32
    %mul3A_0 = arith.muli %arg1, %mul3A : i32
    %add3A = arith.addi %mul3A_0, %arg0 : i32
    "tpu.region"() ({
      %run_scoped3A = tpu.sem_alloc : memref<!tpu.dma_semaphore, #tpu.memory_space<semaphore_mem>>
      %dma_start3A_2691 = arith.constant 0 : i32
      %dma_start3A_2692 = arith.constant 0 : i32
      %dma_start3A_2693 = tpu.memref_slice %arg2[%add3A, %dma_start3A_2691, %dma_start3A_2692] : memref<32x64x128xi32, #tpu.memory_space<hbm>> -> memref<1x64x128xi32, #tpu.memory_space<hbm>>
      %dma_start3A_2694 = tpu.memref_squeeze %dma_start3A_2693 : memref<1x64x128xi32, #tpu.memory_space<hbm>> -> memref<64x128xi32, #tpu.memory_space<hbm>>
      %dma_start3A_2695 = arith.constant 0 : i32
      %dma_start3A_2696 = arith.constant 0 : i32
      %dma_start3A_2697 = tpu.memref_slice %arg2[%add3A, %dma_start3A_2695, %dma_start3A_2696] : memref<32x64x128xi32, #tpu.memory_space<hbm>> -> memref<1x64x128xi32, #tpu.memory_space<hbm>>
      %dma_start3A_2698 = tpu.memref_squeeze %dma_start3A_2697 : memref<1x64x128xi32, #tpu.memory_space<hbm>> -> memref<64x128xi32, #tpu.memory_space<hbm>>
      tpu.enqueue_dma source(%dma_start3A_2698 : memref<64x128xi32, #tpu.memory_space<hbm>>) target(%arg5 : memref<64x128xi32, #tpu.memory_space<vmem>>) target_semaphore(%run_scoped3A : memref<!tpu.dma_semaphore, #tpu.memory_space<semaphore_mem>>)
      %dma_wait3A_2699 = arith.constant 0 : i32
      %dma_wait3A_2700 = arith.constant 0 : i32
      %dma_wait3A_2701 = tpu.memref_slice %arg2[%add3A, %dma_wait3A_2699, %dma_wait3A_2700] : memref<32x64x128xi32, #tpu.memory_space<hbm>> -> memref<1x64x128xi32, #tpu.memory_space<hbm>>
      %dma_wait3A_2702 = tpu.memref_squeeze %dma_wait3A_2701 : memref<1x64x128xi32, #tpu.memory_space<hbm>> -> memref<64x128xi32, #tpu.memory_space<hbm>>
      %dma_wait3A_2703 = arith.constant 0 : i32
      %dma_wait3A_2704 = arith.constant 0 : i32
      %dma_wait3A_2705 = tpu.memref_slice %arg2[%add3A, %dma_wait3A_2703, %dma_wait3A_2704] : memref<32x64x128xi32, #tpu.memory_space<hbm>> -> memref<1x64x128xi32, #tpu.memory_space<hbm>>
      %dma_wait3A_2706 = tpu.memref_squeeze %dma_wait3A_2705 : memref<1x64x128xi32, #tpu.memory_space<hbm>> -> memref<64x128xi32, #tpu.memory_space<hbm>>
      tpu.wait_dma2 semaphore(%run_scoped3A : memref<!tpu.dma_semaphore, #tpu.memory_space<semaphore_mem>>) src(%dma_wait3A_2706 : memref<64x128xi32, #tpu.memory_space<hbm>>) dst(%arg5 : memref<64x128xi32, #tpu.memory_space<vmem>>)
      tpu.yield
    }) : () -> ()
    %dma_start3A = arith.constant 0 : i32
    %dma_start3A_1 = arith.constant 0 : i32
    %dma_start3A_2 = arith.constant 0 : i32
    %dma_start3A_3 = arith.constant 0 : i32
    %dma_start3A_4 = tpu.memref_slice %arg6[%dma_start3A_1, %dma_start3A_2, %dma_start3A_3] : memref<4x256x64xf32, #tpu.memory_space<vmem>> -> memref<1x128x64xf32, #tpu.memory_space<vmem>>
    %dma_start3A_5 = tpu.memref_squeeze %dma_start3A_4 : memref<1x128x64xf32, #tpu.memory_space<vmem>> -> memref<128x64xf32, #tpu.memory_space<vmem>>
    %dma_start3A_6 = arith.constant 0 : i32
    %dma_start3A_7 = tpu.memref_slice %arg5[%dma_start3A, %dma_start3A_6] : memref<64x128xi32, #tpu.memory_space<vmem>> -> memref<1x128xi32, #tpu.memory_space<vmem>>
    %dma_start3A_8 = tpu.memref_squeeze %dma_start3A_7 : memref<1x128xi32, #tpu.memory_space<vmem>> -> memref<128xi32, #tpu.memory_space<vmem>>
    %dma_start3A_9 = arith.constant 0 : i32
    %dma_start3A_10 = arith.constant 0 : i32
    %dma_start3A_11 = tpu.memref_slice %arg3[%dma_start3A_9, %dma_start3A_10] : memref<8192x64xf32, #tpu.memory_space<hbm>> -> memref<8192x64xf32, #tpu.memory_space<hbm>>
    tpu.enqueue_indirect_dma source(%dma_start3A_11 : memref<8192x64xf32, #tpu.memory_space<hbm>>) target(%dma_start3A_5 : memref<128x64xf32, #tpu.memory_space<vmem>>) offsets(%dma_start3A_8 : memref<128xi32, #tpu.memory_space<vmem>>) semaphore(%arg8 : memref<!tpu.dma_semaphore, #tpu.memory_space<semaphore_mem>>)
    %dma_start3A_12 = arith.constant 1 : i32
    %dma_start3A_13 = arith.constant 0 : i32
    %dma_start3A_14 = arith.constant 128 : i32
    %dma_start3A_15 = arith.constant 0 : i32
    %dma_start3A_16 = tpu.memref_slice %arg6[%dma_start3A_13, %dma_start3A_14, %dma_start3A_15] : memref<4x256x64xf32, #tpu.memory_space<vmem>> -> memref<1x128x64xf32, #tpu.memory_space<vmem>>
    %dma_start3A_17 = tpu.memref_squeeze %dma_start3A_16 : memref<1x128x64xf32, #tpu.memory_space<vmem>> -> memref<128x64xf32, #tpu.memory_space<vmem>>
    %dma_start3A_18 = arith.constant 0 : i32
    %dma_start3A_19 = tpu.memref_slice %arg5[%dma_start3A_12, %dma_start3A_18] : memref<64x128xi32, #tpu.memory_space<vmem>> -> memref<1x128xi32, #tpu.memory_space<vmem>>
    %dma_start3A_20 = tpu.memref_squeeze %dma_start3A_19 : memref<1x128xi32, #tpu.memory_space<vmem>> -> memref<128xi32, #tpu.memory_space<vmem>>
    %dma_start3A_21 = arith.constant 0 : i32
    %dma_start3A_22 = arith.constant 0 : i32
    %dma_start3A_23 = tpu.memref_slice %arg3[%dma_start3A_21, %dma_start3A_22] : memref<8192x64xf32, #tpu.memory_space<hbm>> -> memref<8192x64xf32, #tpu.memory_space<hbm>>
    tpu.enqueue_indirect_dma source(%dma_start3A_23 : memref<8192x64xf32, #tpu.memory_space<hbm>>) target(%dma_start3A_17 : memref<128x64xf32, #tpu.memory_space<vmem>>) offsets(%dma_start3A_20 : memref<128xi32, #tpu.memory_space<vmem>>) semaphore(%arg8 : memref<!tpu.dma_semaphore, #tpu.memory_space<semaphore_mem>>)
    %dma_start3A_24 = arith.constant 2 : i32
    %dma_start3A_25 = arith.constant 1 : i32
    %dma_start3A_26 = arith.constant 0 : i32
    %dma_start3A_27 = arith.constant 0 : i32
    %dma_start3A_28 = tpu.memref_slice %arg6[%dma_start3A_25, %dma_start3A_26, %dma_start3A_27] : memref<4x256x64xf32, #tpu.memory_space<vmem>> -> memref<1x128x64xf32, #tpu.memory_space<vmem>>
    %dma_start3A_29 = tpu.memref_squeeze %dma_start3A_28 : memref<1x128x64xf32, #tpu.memory_space<vmem>> -> memref<128x64xf32, #tpu.memory_space<vmem>>
    %dma_start3A_30 = arith.constant 0 : i32
    %dma_start3A_31 = tpu.memref_slice %arg5[%dma_start3A_24, %dma_start3A_30] : memref<64x128xi32, #tpu.memory_space<vmem>> -> memref<1x128xi32, #tpu.memory_space<vmem>>
    %dma_start3A_32 = tpu.memref_squeeze %dma_start3A_31 : memref<1x128xi32, #tpu.memory_space<vmem>> -> memref<128xi32, #tpu.memory_space<vmem>>
    %dma_start3A_33 = arith.constant 0 : i32
    %dma_start3A_34 = arith.constant 0 : i32
    %dma_start3A_35 = tpu.memref_slice %arg3[%dma_start3A_33, %dma_start3A_34] : memref<8192x64xf32, #tpu.memory_space<hbm>> -> memref<8192x64xf32, #tpu.memory_space<hbm>>
    tpu.enqueue_indirect_dma source(%dma_start3A_35 : memref<8192x64xf32, #tpu.memory_space<hbm>>) target(%dma_start3A_29 : memref<128x64xf32, #tpu.memory_space<vmem>>) offsets(%dma_start3A_32 : memref<128xi32, #tpu.memory_space<vmem>>) semaphore(%arg9 : memref<!tpu.dma_semaphore, #tpu.memory_space<semaphore_mem>>)
    %dma_start3A_36 = arith.constant 3 : i32
    %dma_start3A_37 = arith.constant 1 : i32
    %dma_start3A_38 = arith.constant 128 : i32
    %dma_start3A_39 = arith.constant 0 : i32
    %dma_start3A_40 = tpu.memref_slice %arg6[%dma_start3A_37, %dma_start3A_38, %dma_start3A_39] : memref<4x256x64xf32, #tpu.memory_space<vmem>> -> memref<1x128x64xf32, #tpu.memory_space<vmem>>
    %dma_start3A_41 = tpu.memref_squeeze %dma_start3A_40 : memref<1x128x64xf32, #tpu.memory_space<vmem>> -> memref<128x64xf32, #tpu.memory_space<vmem>>
    %dma_start3A_42 = arith.constant 0 : i32
    %dma_start3A_43 = tpu.memref_slice %arg5[%dma_start3A_36, %dma_start3A_42] : memref<64x128xi32, #tpu.memory_space<vmem>> -> memref<1x128xi32, #tpu.memory_space<vmem>>
    %dma_start3A_44 = tpu.memref_squeeze %dma_start3A_43 : memref<1x128xi32, #tpu.memory_space<vmem>> -> memref<128xi32, #tpu.memory_space<vmem>>
    %dma_start3A_45 = arith.constant 0 : i32
    %dma_start3A_46 = arith.constant 0 : i32
    %dma_start3A_47 = tpu.memref_slice %arg3[%dma_start3A_45, %dma_start3A_46] : memref<8192x64xf32, #tpu.memory_space<hbm>> -> memref<8192x64xf32, #tpu.memory_space<hbm>>
    tpu.enqueue_indirect_dma source(%dma_start3A_47 : memref<8192x64xf32, #tpu.memory_space<hbm>>) target(%dma_start3A_41 : memref<128x64xf32, #tpu.memory_space<vmem>>) offsets(%dma_start3A_44 : memref<128xi32, #tpu.memory_space<vmem>>) semaphore(%arg9 : memref<!tpu.dma_semaphore, #tpu.memory_space<semaphore_mem>>)
    %mul3A_48 = arith.constant 512 : i32
    %mul3A_49 = arith.muli %arg1, %mul3A_48 : i32
    %mul3A_50 = arith.constant 512 : i32
    %mul3A_51 = arith.muli %arg1, %mul3A_50 : i32
    "tpu.region"() ({
      %run_scoped3A = tpu.sem_alloc : memref<!tpu.dma_semaphore, #tpu.memory_space<semaphore_mem>>
      %dma_start3A_2691 = arith.constant 0 : i32
      %dma_start3A_2692 = tpu.memref_slice %arg7[%mul3A_51, %dma_start3A_2691] : memref<8192x64xf32, #tpu.memory_space<vmem_shared>> -> memref<512x64xf32, #tpu.memory_space<vmem_shared>>
      %dma_start3A_2693 = arith.constant 0 : i32
      %dma_start3A_2694 = tpu.memref_slice %arg3[%mul3A_49, %dma_start3A_2693] : memref<8192x64xf32, #tpu.memory_space<hbm>> -> memref<512x64xf32, #tpu.memory_space<hbm>>
      tpu.enqueue_dma source(%dma_start3A_2694 : memref<512x64xf32, #tpu.memory_space<hbm>>) target(%dma_start3A_2692 : memref<512x64xf32, #tpu.memory_space<vmem_shared>>) target_semaphore(%run_scoped3A : memref<!tpu.dma_semaphore, #tpu.memory_space<semaphore_mem>>)
      %dma_wait3A_2695 = arith.constant 0 : i32
      %dma_wait3A_2696 = tpu.memref_slice %arg7[%mul3A_51, %dma_wait3A_2695] : memref<8192x64xf32, #tpu.memory_space<vmem_shared>> -> memref<512x64xf32, #tpu.memory_space<vmem_shared>>
      %dma_wait3A_2697 = arith.constant 0 : i32
      %dma_wait3A_2698 = tpu.memref_slice %arg3[%mul3A_49, %dma_wait3A_2697] : memref<8192x64xf32, #tpu.memory_space<hbm>> -> memref<512x64xf32, #tpu.memory_space<hbm>>
      tpu.wait_dma2 semaphore(%run_scoped3A : memref<!tpu.dma_semaphore, #tpu.memory_space<semaphore_mem>>) src(%dma_wait3A_2698 : memref<512x64xf32, #tpu.memory_space<hbm>>) dst(%dma_wait3A_2696 : memref<512x64xf32, #tpu.memory_space<vmem_shared>>)
      tpu.yield
    }) : () -> ()
    %barrier3A = arith.constant 0 : index
    tpu.barrier barrier_id(%barrier3A)
    %dma_start3A_52 = arith.constant 4 : i32
    %dma_start3A_53 = arith.constant 2 : i32
    %dma_start3A_54 = arith.constant 0 : i32
    %dma_start3A_55 = arith.constant 0 : i32
    %dma_start3A_56 = tpu.memref_slice %arg6[%dma_start3A_53, %dma_start3A_54, %dma_start3A_55] : memref<4x256x64xf32, #tpu.memory_space<vmem>> -> memref<1x128x64xf32, #tpu.memory_space<vmem>>
    %dma_start3A_57 = tpu.memref_squeeze %dma_start3A_56 : memref<1x128x64xf32, #tpu.memory_space<vmem>> -> memref<128x64xf32, #tpu.memory_space<vmem>>
    %dma_start3A_58 = arith.constant 0 : i32
    %dma_start3A_59 = tpu.memref_slice %arg5[%dma_start3A_52, %dma_start3A_58] : memref<64x128xi32, #tpu.memory_space<vmem>> -> memref<1x128xi32, #tpu.memory_space<vmem>>
    %dma_start3A_60 = tpu.memref_squeeze %dma_start3A_59 : memref<1x128xi32, #tpu.memory_space<vmem>> -> memref<128xi32, #tpu.memory_space<vmem>>
    %dma_start3A_61 = arith.constant 0 : i32
    %dma_start3A_62 = arith.constant 0 : i32
    %dma_start3A_63 = tpu.memref_slice %arg7[%dma_start3A_61, %dma_start3A_62] : memref<8192x64xf32, #tpu.memory_space<vmem_shared>> -> memref<8192x64xf32, #tpu.memory_space<vmem_shared>>
    tpu.enqueue_indirect_dma source(%dma_start3A_63 : memref<8192x64xf32, #tpu.memory_space<vmem_shared>>) target(%dma_start3A_57 : memref<128x64xf32, #tpu.memory_space<vmem>>) offsets(%dma_start3A_60 : memref<128xi32, #tpu.memory_space<vmem>>) semaphore(%arg10 : memref<!tpu.dma_semaphore, #tpu.memory_space<semaphore_mem>>)
    %dma_start3A_64 = arith.constant 5 : i32
    %dma_start3A_65 = arith.constant 2 : i32
    %dma_start3A_66 = arith.constant 128 : i32
    %dma_start3A_67 = arith.constant 0 : i32
    %dma_start3A_68 = tpu.memref_slice %arg6[%dma_start3A_65, %dma_start3A_66, %dma_start3A_67] : memref<4x256x64xf32, #tpu.memory_space<vmem>> -> memref<1x128x64xf32, #tpu.memory_space<vmem>>
    %dma_start3A_69 = tpu.memref_squeeze %dma_start3A_68 : memref<1x128x64xf32, #tpu.memory_space<vmem>> -> memref<128x64xf32, #tpu.memory_space<vmem>>
    %dma_start3A_70 = arith.constant 0 : i32
    %dma_start3A_71 = tpu.memref_slice %arg5[%dma_start3A_64, %dma_start3A_70] : memref<64x128xi32, #tpu.memory_space<vmem>> -> memref<1x128xi32, #tpu.memory_space<vmem>>
    %dma_start3A_72 = tpu.memref_squeeze %dma_start3A_71 : memref<1x128xi32, #tpu.memory_space<vmem>> -> memref<128xi32, #tpu.memory_space<vmem>>
    %dma_start3A_73 = arith.constant 0 : i32
    %dma_start3A_74 = arith.constant 0 : i32
    %dma_start3A_75 = tpu.memref_slice %arg7[%dma_start3A_73, %dma_start3A_74] : memref<8192x64xf32, #tpu.memory_space<vmem_shared>> -> memref<8192x64xf32, #tpu.memory_space<vmem_shared>>
    tpu.enqueue_indirect_dma source(%dma_start3A_75 : memref<8192x64xf32, #tpu.memory_space<vmem_shared>>) target(%dma_start3A_69 : memref<128x64xf32, #tpu.memory_space<vmem>>) offsets(%dma_start3A_72 : memref<128xi32, #tpu.memory_space<vmem>>) semaphore(%arg10 : memref<!tpu.dma_semaphore, #tpu.memory_space<semaphore_mem>>)
    %dma_wait3A = arith.constant 0 : i32
    %dma_wait3A_76 = arith.constant 0 : i32
    %dma_wait3A_77 = arith.constant 0 : i32
    %dma_wait3A_78 = arith.constant 0 : i32
    %dma_wait3A_79 = tpu.memref_slice %arg6[%dma_wait3A_76, %dma_wait3A_77, %dma_wait3A_78] : memref<4x256x64xf32, #tpu.memory_space<vmem>> -> memref<1x128x64xf32, #tpu.memory_space<vmem>>
    %dma_wait3A_80 = tpu.memref_squeeze %dma_wait3A_79 : memref<1x128x64xf32, #tpu.memory_space<vmem>> -> memref<128x64xf32, #tpu.memory_space<vmem>>
    %dma_wait3A_81 = arith.constant 0 : i32
    %dma_wait3A_82 = tpu.memref_slice %arg5[%dma_wait3A, %dma_wait3A_81] : memref<64x128xi32, #tpu.memory_space<vmem>> -> memref<1x128xi32, #tpu.memory_space<vmem>>
    %dma_wait3A_83 = tpu.memref_squeeze %dma_wait3A_82 : memref<1x128xi32, #tpu.memory_space<vmem>> -> memref<128xi32, #tpu.memory_space<vmem>>
    %dma_wait3A_84 = arith.constant 0 : i32
    %dma_wait3A_85 = arith.constant 0 : i32
    %dma_wait3A_86 = tpu.memref_slice %arg3[%dma_wait3A_84, %dma_wait3A_85] : memref<8192x64xf32, #tpu.memory_space<hbm>> -> memref<8192x64xf32, #tpu.memory_space<hbm>>
    tpu.wait_indirect_dma semaphore(%arg8 : memref<!tpu.dma_semaphore, #tpu.memory_space<semaphore_mem>>) src(%dma_wait3A_86 : memref<8192x64xf32, #tpu.memory_space<hbm>>) dst(%dma_wait3A_80 : memref<128x64xf32, #tpu.memory_space<vmem>>)
    %dma_wait3A_87 = arith.constant 1 : i32
    %dma_wait3A_88 = arith.constant 0 : i32
    %dma_wait3A_89 = arith.constant 128 : i32
    %dma_wait3A_90 = arith.constant 0 : i32
    %dma_wait3A_91 = tpu.memref_slice %arg6[%dma_wait3A_88, %dma_wait3A_89, %dma_wait3A_90] : memref<4x256x64xf32, #tpu.memory_space<vmem>> -> memref<1x128x64xf32, #tpu.memory_space<vmem>>
    %dma_wait3A_92 = tpu.memref_squeeze %dma_wait3A_91 : memref<1x128x64xf32, #tpu.memory_space<vmem>> -> memref<128x64xf32, #tpu.memory_space<vmem>>
    %dma_wait3A_93 = arith.constant 0 : i32
    %dma_wait3A_94 = tpu.memref_slice %arg5[%dma_wait3A_87, %dma_wait3A_93] : memref<64x128xi32, #tpu.memory_space<vmem>> -> memref<1x128xi32, #tpu.memory_space<vmem>>
    %dma_wait3A_95 = tpu.memref_squeeze %dma_wait3A_94 : memref<1x128xi32, #tpu.memory_space<vmem>> -> memref<128xi32, #tpu.memory_space<vmem>>
    %dma_wait3A_96 = arith.constant 0 : i32
    %dma_wait3A_97 = arith.constant 0 : i32
    %dma_wait3A_98 = tpu.memref_slice %arg3[%dma_wait3A_96, %dma_wait3A_97] : memref<8192x64xf32, #tpu.memory_space<hbm>> -> memref<8192x64xf32, #tpu.memory_space<hbm>>
    tpu.wait_indirect_dma semaphore(%arg8 : memref<!tpu.dma_semaphore, #tpu.memory_space<semaphore_mem>>) src(%dma_wait3A_98 : memref<8192x64xf32, #tpu.memory_space<hbm>>) dst(%dma_wait3A_92 : memref<128x64xf32, #tpu.memory_space<vmem>>)
    %dma_start3A_99 = arith.constant 0 : i32
    %dma_start3A_100 = arith.constant 0 : i32
    %dma_start3A_101 = arith.constant 0 : i32
    %dma_start3A_102 = arith.constant 0 : i32
    %dma_start3A_103 = tpu.memref_slice %arg6[%dma_start3A_99, %dma_start3A_101, %dma_start3A_102] : memref<4x256x64xf32, #tpu.memory_space<vmem>> -> memref<1x256x64xf32, #tpu.memory_space<vmem>>
    %dma_start3A_104 = tpu.memref_squeeze %dma_start3A_103 : memref<1x256x64xf32, #tpu.memory_space<vmem>> -> memref<256x64xf32, #tpu.memory_space<vmem>>
    %dma_start3A_105 = arith.constant 0 : i32
    %dma_start3A_106 = arith.constant 0 : i32
    %dma_start3A_107 = tpu.memref_slice %arg4[%add3A, %dma_start3A_100, %dma_start3A_105, %dma_start3A_106] : memref<32x32x256x64xf32, #tpu.memory_space<hbm>> -> memref<1x1x256x64xf32, #tpu.memory_space<hbm>>
    %dma_start3A_108 = tpu.memref_squeeze %dma_start3A_107 : memref<1x1x256x64xf32, #tpu.memory_space<hbm>> -> memref<256x64xf32, #tpu.memory_space<hbm>>
    %dma_start3A_109 = arith.constant 0 : i32
    %dma_start3A_110 = arith.constant 0 : i32
    %dma_start3A_111 = tpu.memref_slice %arg4[%add3A, %dma_start3A_100, %dma_start3A_109, %dma_start3A_110] : memref<32x32x256x64xf32, #tpu.memory_space<hbm>> -> memref<1x1x256x64xf32, #tpu.memory_space<hbm>>
    %dma_start3A_112 = tpu.memref_squeeze %dma_start3A_111 : memref<1x1x256x64xf32, #tpu.memory_space<hbm>> -> memref<256x64xf32, #tpu.memory_space<hbm>>
    %dma_start3A_113 = arith.constant 0 : i32
    %dma_start3A_114 = arith.constant 0 : i32
    %dma_start3A_115 = tpu.memref_slice %arg6[%dma_start3A_99, %dma_start3A_113, %dma_start3A_114] : memref<4x256x64xf32, #tpu.memory_space<vmem>> -> memref<1x256x64xf32, #tpu.memory_space<vmem>>
    %dma_start3A_116 = tpu.memref_squeeze %dma_start3A_115 : memref<1x256x64xf32, #tpu.memory_space<vmem>> -> memref<256x64xf32, #tpu.memory_space<vmem>>
    tpu.enqueue_dma source(%dma_start3A_116 : memref<256x64xf32, #tpu.memory_space<vmem>>) target(%dma_start3A_112 : memref<256x64xf32, #tpu.memory_space<hbm>>) target_semaphore(%arg12 : memref<!tpu.dma_semaphore, #tpu.memory_space<semaphore_mem>>)
    %dma_start3A_117 = arith.constant 6 : i32
    %dma_start3A_118 = arith.constant 3 : i32
    %dma_start3A_119 = arith.constant 0 : i32
    %dma_start3A_120 = arith.constant 0 : i32
    %dma_start3A_121 = tpu.memref_slice %arg6[%dma_start3A_118, %dma_start3A_119, %dma_start3A_120] : memref<4x256x64xf32, #tpu.memory_space<vmem>> -> memref<1x128x64xf32, #tpu.memory_space<vmem>>
    %dma_start3A_122 = tpu.memref_squeeze %dma_start3A_121 : memref<1x128x64xf32, #tpu.memory_space<vmem>> -> memref<128x64xf32, #tpu.memory_space<vmem>>
    %dma_start3A_123 = arith.constant 0 : i32
    %dma_start3A_124 = tpu.memref_slice %arg5[%dma_start3A_117, %dma_start3A_123] : memref<64x128xi32, #tpu.memory_space<vmem>> -> memref<1x128xi32, #tpu.memory_space<vmem>>
    %dma_start3A_125 = tpu.memref_squeeze %dma_start3A_124 : memref<1x128xi32, #tpu.memory_space<vmem>> -> memref<128xi32, #tpu.memory_space<vmem>>
    %dma_start3A_126 = arith.constant 0 : i32
    %dma_start3A_127 = arith.constant 0 : i32
    %dma_start3A_128 = tpu.memref_slice %arg7[%dma_start3A_126, %dma_start3A_127] : memref<8192x64xf32, #tpu.memory_space<vmem_shared>> -> memref<8192x64xf32, #tpu.memory_space<vmem_shared>>
    tpu.enqueue_indirect_dma source(%dma_start3A_128 : memref<8192x64xf32, #tpu.memory_space<vmem_shared>>) target(%dma_start3A_122 : memref<128x64xf32, #tpu.memory_space<vmem>>) offsets(%dma_start3A_125 : memref<128xi32, #tpu.memory_space<vmem>>) semaphore(%arg11 : memref<!tpu.dma_semaphore, #tpu.memory_space<semaphore_mem>>)
    %dma_start3A_129 = arith.constant 7 : i32
    %dma_start3A_130 = arith.constant 3 : i32
    %dma_start3A_131 = arith.constant 128 : i32
    %dma_start3A_132 = arith.constant 0 : i32
    %dma_start3A_133 = tpu.memref_slice %arg6[%dma_start3A_130, %dma_start3A_131, %dma_start3A_132] : memref<4x256x64xf32, #tpu.memory_space<vmem>> -> memref<1x128x64xf32, #tpu.memory_space<vmem>>
    %dma_start3A_134 = tpu.memref_squeeze %dma_start3A_133 : memref<1x128x64xf32, #tpu.memory_space<vmem>> -> memref<128x64xf32, #tpu.memory_space<vmem>>
    %dma_start3A_135 = arith.constant 0 : i32
    %dma_start3A_136 = tpu.memref_slice %arg5[%dma_start3A_129, %dma_start3A_135] : memref<64x128xi32, #tpu.memory_space<vmem>> -> memref<1x128xi32, #tpu.memory_space<vmem>>
    %dma_start3A_137 = tpu.memref_squeeze %dma_start3A_136 : memref<1x128xi32, #tpu.memory_space<vmem>> -> memref<128xi32, #tpu.memory_space<vmem>>
    %dma_start3A_138 = arith.constant 0 : i32
    %dma_start3A_139 = arith.constant 0 : i32
    %dma_start3A_140 = tpu.memref_slice %arg7[%dma_start3A_138, %dma_start3A_139] : memref<8192x64xf32, #tpu.memory_space<vmem_shared>> -> memref<8192x64xf32, #tpu.memory_space<vmem_shared>>
    tpu.enqueue_indirect_dma source(%dma_start3A_140 : memref<8192x64xf32, #tpu.memory_space<vmem_shared>>) target(%dma_start3A_134 : memref<128x64xf32, #tpu.memory_space<vmem>>) offsets(%dma_start3A_137 : memref<128xi32, #tpu.memory_space<vmem>>) semaphore(%arg11 : memref<!tpu.dma_semaphore, #tpu.memory_space<semaphore_mem>>)
    %dma_wait3A_141 = arith.constant 2 : i32
    %dma_wait3A_142 = arith.constant 1 : i32
    %dma_wait3A_143 = arith.constant 0 : i32
    %dma_wait3A_144 = arith.constant 0 : i32
    %dma_wait3A_145 = tpu.memref_slice %arg6[%dma_wait3A_142, %dma_wait3A_143, %dma_wait3A_144] : memref<4x256x64xf32, #tpu.memory_space<vmem>> -> memref<1x128x64xf32, #tpu.memory_space<vmem>>
    %dma_wait3A_146 = tpu.memref_squeeze %dma_wait3A_145 : memref<1x128x64xf32, #tpu.memory_space<vmem>> -> memref<128x64xf32, #tpu.memory_space<vmem>>
    %dma_wait3A_147 = arith.constant 0 : i32
    %dma_wait3A_148 = tpu.memref_slice %arg5[%dma_wait3A_141, %dma_wait3A_147] : memref<64x128xi32, #tpu.memory_space<vmem>> -> memref<1x128xi32, #tpu.memory_space<vmem>>
    %dma_wait3A_149 = tpu.memref_squeeze %dma_wait3A_148 : memref<1x128xi32, #tpu.memory_space<vmem>> -> memref<128xi32, #tpu.memory_space<vmem>>
    %dma_wait3A_150 = arith.constant 0 : i32
    %dma_wait3A_151 = arith.constant 0 : i32
    %dma_wait3A_152 = tpu.memref_slice %arg3[%dma_wait3A_150, %dma_wait3A_151] : memref<8192x64xf32, #tpu.memory_space<hbm>> -> memref<8192x64xf32, #tpu.memory_space<hbm>>
    tpu.wait_indirect_dma semaphore(%arg9 : memref<!tpu.dma_semaphore, #tpu.memory_space<semaphore_mem>>) src(%dma_wait3A_152 : memref<8192x64xf32, #tpu.memory_space<hbm>>) dst(%dma_wait3A_146 : memref<128x64xf32, #tpu.memory_space<vmem>>)
    %dma_wait3A_153 = arith.constant 3 : i32
    %dma_wait3A_154 = arith.constant 1 : i32
    %dma_wait3A_155 = arith.constant 128 : i32
    %dma_wait3A_156 = arith.constant 0 : i32
    %dma_wait3A_157 = tpu.memref_slice %arg6[%dma_wait3A_154, %dma_wait3A_155, %dma_wait3A_156] : memref<4x256x64xf32, #tpu.memory_space<vmem>> -> memref<1x128x64xf32, #tpu.memory_space<vmem>>
    %dma_wait3A_158 = tpu.memref_squeeze %dma_wait3A_157 : memref<1x128x64xf32, #tpu.memory_space<vmem>> -> memref<128x64xf32, #tpu.memory_space<vmem>>
    %dma_wait3A_159 = arith.constant 0 : i32
    %dma_wait3A_160 = tpu.memref_slice %arg5[%dma_wait3A_153, %dma_wait3A_159] : memref<64x128xi32, #tpu.memory_space<vmem>> -> memref<1x128xi32, #tpu.memory_space<vmem>>
    %dma_wait3A_161 = tpu.memref_squeeze %dma_wait3A_160 : memref<1x128xi32, #tpu.memory_space<vmem>> -> memref<128xi32, #tpu.memory_space<vmem>>
    %dma_wait3A_162 = arith.constant 0 : i32
    %dma_wait3A_163 = arith.constant 0 : i32
    %dma_wait3A_164 = tpu.memref_slice %arg3[%dma_wait3A_162, %dma_wait3A_163] : memref<8192x64xf32, #tpu.memory_space<hbm>> -> memref<8192x64xf32, #tpu.memory_space<hbm>>
    tpu.wait_indirect_dma semaphore(%arg9 : memref<!tpu.dma_semaphore, #tpu.memory_space<semaphore_mem>>) src(%dma_wait3A_164 : memref<8192x64xf32, #tpu.memory_space<hbm>>) dst(%dma_wait3A_158 : memref<128x64xf32, #tpu.memory_space<vmem>>)
    %dma_start3A_165 = arith.constant 1 : i32
    %dma_start3A_166 = arith.constant 1 : i32
    %dma_start3A_167 = arith.constant 0 : i32
    %dma_start3A_168 = arith.constant 0 : i32
    %dma_start3A_169 = tpu.memref_slice %arg6[%dma_start3A_165, %dma_start3A_167, %dma_start3A_168] : memref<4x256x64xf32, #tpu.memory_space<vmem>> -> memref<1x256x64xf32, #tpu.memory_space<vmem>>
    %dma_start3A_170 = tpu.memref_squeeze %dma_start3A_169 : memref<1x256x64xf32, #tpu.memory_space<vmem>> -> memref<256x64xf32, #tpu.memory_space<vmem>>
    %dma_start3A_171 = arith.constant 0 : i32
    %dma_start3A_172 = arith.constant 0 : i32
    %dma_start3A_173 = tpu.memref_slice %arg4[%add3A, %dma_start3A_166, %dma_start3A_171, %dma_start3A_172] : memref<32x32x256x64xf32, #tpu.memory_space<hbm>> -> memref<1x1x256x64xf32, #tpu.memory_space<hbm>>
    %dma_start3A_174 = tpu.memref_squeeze %dma_start3A_173 : memref<1x1x256x64xf32, #tpu.memory_space<hbm>> -> memref<256x64xf32, #tpu.memory_space<hbm>>
    %dma_start3A_175 = arith.constant 0 : i32
    %dma_start3A_176 = arith.constant 0 : i32
    %dma_start3A_177 = tpu.memref_slice %arg4[%add3A, %dma_start3A_166, %dma_start3A_175, %dma_start3A_176] : memref<32x32x256x64xf32, #tpu.memory_space<hbm>> -> memref<1x1x256x64xf32, #tpu.memory_space<hbm>>
    %dma_start3A_178 = tpu.memref_squeeze %dma_start3A_177 : memref<1x1x256x64xf32, #tpu.memory_space<hbm>> -> memref<256x64xf32, #tpu.memory_space<hbm>>
    %dma_start3A_179 = arith.constant 0 : i32
    %dma_start3A_180 = arith.constant 0 : i32
    %dma_start3A_181 = tpu.memref_slice %arg6[%dma_start3A_165, %dma_start3A_179, %dma_start3A_180] : memref<4x256x64xf32, #tpu.memory_space<vmem>> -> memref<1x256x64xf32, #tpu.memory_space<vmem>>
    %dma_start3A_182 = tpu.memref_squeeze %dma_start3A_181 : memref<1x256x64xf32, #tpu.memory_space<vmem>> -> memref<256x64xf32, #tpu.memory_space<vmem>>
    tpu.enqueue_dma source(%dma_start3A_182 : memref<256x64xf32, #tpu.memory_space<vmem>>) target(%dma_start3A_178 : memref<256x64xf32, #tpu.memory_space<hbm>>) target_semaphore(%arg13 : memref<!tpu.dma_semaphore, #tpu.memory_space<semaphore_mem>>)
    %dma_wait3A_183 = arith.constant 0 : i32
    %dma_wait3A_184 = arith.constant 0 : i32
    %dma_wait3A_185 = arith.constant 0 : i32
    %dma_wait3A_186 = arith.constant 0 : i32
    %dma_wait3A_187 = tpu.memref_slice %arg6[%dma_wait3A_183, %dma_wait3A_185, %dma_wait3A_186] : memref<4x256x64xf32, #tpu.memory_space<vmem>> -> memref<1x256x64xf32, #tpu.memory_space<vmem>>
    %dma_wait3A_188 = tpu.memref_squeeze %dma_wait3A_187 : memref<1x256x64xf32, #tpu.memory_space<vmem>> -> memref<256x64xf32, #tpu.memory_space<vmem>>
    %dma_wait3A_189 = arith.constant 0 : i32
    %dma_wait3A_190 = arith.constant 0 : i32
    %dma_wait3A_191 = tpu.memref_slice %arg4[%add3A, %dma_wait3A_184, %dma_wait3A_189, %dma_wait3A_190] : memref<32x32x256x64xf32, #tpu.memory_space<hbm>> -> memref<1x1x256x64xf32, #tpu.memory_space<hbm>>
    %dma_wait3A_192 = tpu.memref_squeeze %dma_wait3A_191 : memref<1x1x256x64xf32, #tpu.memory_space<hbm>> -> memref<256x64xf32, #tpu.memory_space<hbm>>
    %dma_wait3A_193 = arith.constant 0 : i32
    %dma_wait3A_194 = arith.constant 0 : i32
    %dma_wait3A_195 = tpu.memref_slice %arg4[%add3A, %dma_wait3A_184, %dma_wait3A_193, %dma_wait3A_194] : memref<32x32x256x64xf32, #tpu.memory_space<hbm>> -> memref<1x1x256x64xf32, #tpu.memory_space<hbm>>
    %dma_wait3A_196 = tpu.memref_squeeze %dma_wait3A_195 : memref<1x1x256x64xf32, #tpu.memory_space<hbm>> -> memref<256x64xf32, #tpu.memory_space<hbm>>
    %dma_wait3A_197 = arith.constant 0 : i32
    %dma_wait3A_198 = arith.constant 0 : i32
    %dma_wait3A_199 = tpu.memref_slice %arg6[%dma_wait3A_183, %dma_wait3A_197, %dma_wait3A_198] : memref<4x256x64xf32, #tpu.memory_space<vmem>> -> memref<1x256x64xf32, #tpu.memory_space<vmem>>
    %dma_wait3A_200 = tpu.memref_squeeze %dma_wait3A_199 : memref<1x256x64xf32, #tpu.memory_space<vmem>> -> memref<256x64xf32, #tpu.memory_space<vmem>>
    tpu.wait_dma2 semaphore(%arg12 : memref<!tpu.dma_semaphore, #tpu.memory_space<semaphore_mem>>) src(%dma_wait3A_200 : memref<256x64xf32, #tpu.memory_space<vmem>>) dst(%dma_wait3A_196 : memref<256x64xf32, #tpu.memory_space<hbm>>)
    %dma_start3A_201 = arith.constant 8 : i32
    %dma_start3A_202 = arith.constant 0 : i32
    %dma_start3A_203 = arith.constant 0 : i32
    %dma_start3A_204 = arith.constant 0 : i32
    %dma_start3A_205 = tpu.memref_slice %arg6[%dma_start3A_202, %dma_start3A_203, %dma_start3A_204] : memref<4x256x64xf32, #tpu.memory_space<vmem>> -> memref<1x128x64xf32, #tpu.memory_space<vmem>>
    %dma_start3A_206 = tpu.memref_squeeze %dma_start3A_205 : memref<1x128x64xf32, #tpu.memory_space<vmem>> -> memref<128x64xf32, #tpu.memory_space<vmem>>
    %dma_start3A_207 = arith.constant 0 : i32
    %dma_start3A_208 = tpu.memref_slice %arg5[%dma_start3A_201, %dma_start3A_207] : memref<64x128xi32, #tpu.memory_space<vmem>> -> memref<1x128xi32, #tpu.memory_space<vmem>>
    %dma_start3A_209 = tpu.memref_squeeze %dma_start3A_208 : memref<1x128xi32, #tpu.memory_space<vmem>> -> memref<128xi32, #tpu.memory_space<vmem>>
    %dma_start3A_210 = arith.constant 0 : i32
    %dma_start3A_211 = arith.constant 0 : i32
    %dma_start3A_212 = tpu.memref_slice %arg7[%dma_start3A_210, %dma_start3A_211] : memref<8192x64xf32, #tpu.memory_space<vmem_shared>> -> memref<8192x64xf32, #tpu.memory_space<vmem_shared>>
    tpu.enqueue_indirect_dma source(%dma_start3A_212 : memref<8192x64xf32, #tpu.memory_space<vmem_shared>>) target(%dma_start3A_206 : memref<128x64xf32, #tpu.memory_space<vmem>>) offsets(%dma_start3A_209 : memref<128xi32, #tpu.memory_space<vmem>>) semaphore(%arg8 : memref<!tpu.dma_semaphore, #tpu.memory_space<semaphore_mem>>)
    %dma_start3A_213 = arith.constant 9 : i32
    %dma_start3A_214 = arith.constant 0 : i32
    %dma_start3A_215 = arith.constant 128 : i32
    %dma_start3A_216 = arith.constant 0 : i32
    %dma_start3A_217 = tpu.memref_slice %arg6[%dma_start3A_214, %dma_start3A_215, %dma_start3A_216] : memref<4x256x64xf32, #tpu.memory_space<vmem>> -> memref<1x128x64xf32, #tpu.memory_space<vmem>>
    %dma_start3A_218 = tpu.memref_squeeze %dma_start3A_217 : memref<1x128x64xf32, #tpu.memory_space<vmem>> -> memref<128x64xf32, #tpu.memory_space<vmem>>
    %dma_start3A_219 = arith.constant 0 : i32
    %dma_start3A_220 = tpu.memref_slice %arg5[%dma_start3A_213, %dma_start3A_219] : memref<64x128xi32, #tpu.memory_space<vmem>> -> memref<1x128xi32, #tpu.memory_space<vmem>>
    %dma_start3A_221 = tpu.memref_squeeze %dma_start3A_220 : memref<1x128xi32, #tpu.memory_space<vmem>> -> memref<128xi32, #tpu.memory_space<vmem>>
    %dma_start3A_222 = arith.constant 0 : i32
    %dma_start3A_223 = arith.constant 0 : i32
    %dma_start3A_224 = tpu.memref_slice %arg7[%dma_start3A_222, %dma_start3A_223] : memref<8192x64xf32, #tpu.memory_space<vmem_shared>> -> memref<8192x64xf32, #tpu.memory_space<vmem_shared>>
    tpu.enqueue_indirect_dma source(%dma_start3A_224 : memref<8192x64xf32, #tpu.memory_space<vmem_shared>>) target(%dma_start3A_218 : memref<128x64xf32, #tpu.memory_space<vmem>>) offsets(%dma_start3A_221 : memref<128xi32, #tpu.memory_space<vmem>>) semaphore(%arg8 : memref<!tpu.dma_semaphore, #tpu.memory_space<semaphore_mem>>)
    %dma_wait3A_225 = arith.constant 4 : i32
    %dma_wait3A_226 = arith.constant 2 : i32
    %dma_wait3A_227 = arith.constant 0 : i32
    %dma_wait3A_228 = arith.constant 0 : i32
    %dma_wait3A_229 = tpu.memref_slice %arg6[%dma_wait3A_226, %dma_wait3A_227, %dma_wait3A_228] : memref<4x256x64xf32, #tpu.memory_space<vmem>> -> memref<1x128x64xf32, #tpu.memory_space<vmem>>
    %dma_wait3A_230 = tpu.memref_squeeze %dma_wait3A_229 : memref<1x128x64xf32, #tpu.memory_space<vmem>> -> memref<128x64xf32, #tpu.memory_space<vmem>>
    %dma_wait3A_231 = arith.constant 0 : i32
    %dma_wait3A_232 = tpu.memref_slice %arg5[%dma_wait3A_225, %dma_wait3A_231] : memref<64x128xi32, #tpu.memory_space<vmem>> -> memref<1x128xi32, #tpu.memory_space<vmem>>
    %dma_wait3A_233 = tpu.memref_squeeze %dma_wait3A_232 : memref<1x128xi32, #tpu.memory_space<vmem>> -> memref<128xi32, #tpu.memory_space<vmem>>
    %dma_wait3A_234 = arith.constant 0 : i32
    %dma_wait3A_235 = arith.constant 0 : i32
    %dma_wait3A_236 = tpu.memref_slice %arg7[%dma_wait3A_234, %dma_wait3A_235] : memref<8192x64xf32, #tpu.memory_space<vmem_shared>> -> memref<8192x64xf32, #tpu.memory_space<vmem_shared>>
    tpu.wait_indirect_dma semaphore(%arg10 : memref<!tpu.dma_semaphore, #tpu.memory_space<semaphore_mem>>) src(%dma_wait3A_236 : memref<8192x64xf32, #tpu.memory_space<vmem_shared>>) dst(%dma_wait3A_230 : memref<128x64xf32, #tpu.memory_space<vmem>>)
    %dma_wait3A_237 = arith.constant 5 : i32
    %dma_wait3A_238 = arith.constant 2 : i32
    %dma_wait3A_239 = arith.constant 128 : i32
    %dma_wait3A_240 = arith.constant 0 : i32
    %dma_wait3A_241 = tpu.memref_slice %arg6[%dma_wait3A_238, %dma_wait3A_239, %dma_wait3A_240] : memref<4x256x64xf32, #tpu.memory_space<vmem>> -> memref<1x128x64xf32, #tpu.memory_space<vmem>>
    %dma_wait3A_242 = tpu.memref_squeeze %dma_wait3A_241 : memref<1x128x64xf32, #tpu.memory_space<vmem>> -> memref<128x64xf32, #tpu.memory_space<vmem>>
    %dma_wait3A_243 = arith.constant 0 : i32
    %dma_wait3A_244 = tpu.memref_slice %arg5[%dma_wait3A_237, %dma_wait3A_243] : memref<64x128xi32, #tpu.memory_space<vmem>> -> memref<1x128xi32, #tpu.memory_space<vmem>>
    %dma_wait3A_245 = tpu.memref_squeeze %dma_wait3A_244 : memref<1x128xi32, #tpu.memory_space<vmem>> -> memref<128xi32, #tpu.memory_space<vmem>>
    %dma_wait3A_246 = arith.constant 0 : i32
    %dma_wait3A_247 = arith.constant 0 : i32
    %dma_wait3A_248 = tpu.memref_slice %arg7[%dma_wait3A_246, %dma_wait3A_247] : memref<8192x64xf32, #tpu.memory_space<vmem_shared>> -> memref<8192x64xf32, #tpu.memory_space<vmem_shared>>
    tpu.wait_indirect_dma semaphore(%arg10 : memref<!tpu.dma_semaphore, #tpu.memory_space<semaphore_mem>>) src(%dma_wait3A_248 : memref<8192x64xf32, #tpu.memory_space<vmem_shared>>) dst(%dma_wait3A_242 : memref<128x64xf32, #tpu.memory_space<vmem>>)
    %dma_start3A_249 = arith.constant 2 : i32
    %dma_start3A_250 = arith.constant 2 : i32
    %dma_start3A_251 = arith.constant 0 : i32
    %dma_start3A_252 = arith.constant 0 : i32
    %dma_start3A_253 = tpu.memref_slice %arg6[%dma_start3A_249, %dma_start3A_251, %dma_start3A_252] : memref<4x256x64xf32, #tpu.memory_space<vmem>> -> memref<1x256x64xf32, #tpu.memory_space<vmem>>
    %dma_start3A_254 = tpu.memref_squeeze %dma_start3A_253 : memref<1x256x64xf32, #tpu.memory_space<vmem>> -> memref<256x64xf32, #tpu.memory_space<vmem>>
    %dma_start3A_255 = arith.constant 0 : i32
    %dma_start3A_256 = arith.constant 0 : i32
    %dma_start3A_257 = tpu.memref_slice %arg4[%add3A, %dma_start3A_250, %dma_start3A_255, %dma_start3A_256] : memref<32x32x256x64xf32, #tpu.memory_space<hbm>> -> memref<1x1x256x64xf32, #tpu.memory_space<hbm>>
    %dma_start3A_258 = tpu.memref_squeeze %dma_start3A_257 : memref<1x1x256x64xf32, #tpu.memory_space<hbm>> -> memref<256x64xf32, #tpu.memory_space<hbm>>
    %dma_start3A_259 = arith.constant 0 : i32
    %dma_start3A_260 = arith.constant 0 : i32
    %dma_start3A_261 = tpu.memref_slice %arg4[%add3A, %dma_start3A_250, %dma_start3A_259, %dma_start3A_260] : memref<32x32x256x64xf32, #tpu.memory_space<hbm>> -> memref<1x1x256x64xf32, #tpu.memory_space<hbm>>
    %dma_start3A_262 = tpu.memref_squeeze %dma_start3A_261 : memref<1x1x256x64xf32, #tpu.memory_space<hbm>> -> memref<256x64xf32, #tpu.memory_space<hbm>>
    %dma_start3A_263 = arith.constant 0 : i32
    %dma_start3A_264 = arith.constant 0 : i32
    %dma_start3A_265 = tpu.memref_slice %arg6[%dma_start3A_249, %dma_start3A_263, %dma_start3A_264] : memref<4x256x64xf32, #tpu.memory_space<vmem>> -> memref<1x256x64xf32, #tpu.memory_space<vmem>>
    %dma_start3A_266 = tpu.memref_squeeze %dma_start3A_265 : memref<1x256x64xf32, #tpu.memory_space<vmem>> -> memref<256x64xf32, #tpu.memory_space<vmem>>
    tpu.enqueue_dma source(%dma_start3A_266 : memref<256x64xf32, #tpu.memory_space<vmem>>) target(%dma_start3A_262 : memref<256x64xf32, #tpu.memory_space<hbm>>) target_semaphore(%arg14 : memref<!tpu.dma_semaphore, #tpu.memory_space<semaphore_mem>>)
    %dma_wait3A_267 = arith.constant 1 : i32
    %dma_wait3A_268 = arith.constant 1 : i32
    %dma_wait3A_269 = arith.constant 0 : i32
    %dma_wait3A_270 = arith.constant 0 : i32
    %dma_wait3A_271 = tpu.memref_slice %arg6[%dma_wait3A_267, %dma_wait3A_269, %dma_wait3A_270] : memref<4x256x64xf32, #tpu.memory_space<vmem>> -> memref<1x256x64xf32, #tpu.memory_space<vmem>>
    %dma_wait3A_272 = tpu.memref_squeeze %dma_wait3A_271 : memref<1x256x64xf32, #tpu.memory_space<vmem>> -> memref<256x64xf32, #tpu.memory_space<vmem>>
    %dma_wait3A_273 = arith.constant 0 : i32
    %dma_wait3A_274 = arith.constant 0 : i32
    %dma_wait3A_275 = tpu.memref_slice %arg4[%add3A, %dma_wait3A_268, %dma_wait3A_273, %dma_wait3A_274] : memref<32x32x256x64xf32, #tpu.memory_space<hbm>> -> memref<1x1x256x64xf32, #tpu.memory_space<hbm>>
    %dma_wait3A_276 = tpu.memref_squeeze %dma_wait3A_275 : memref<1x1x256x64xf32, #tpu.memory_space<hbm>> -> memref<256x64xf32, #tpu.memory_space<hbm>>
    %dma_wait3A_277 = arith.constant 0 : i32
    %dma_wait3A_278 = arith.constant 0 : i32
    %dma_wait3A_279 = tpu.memref_slice %arg4[%add3A, %dma_wait3A_268, %dma_wait3A_277, %dma_wait3A_278] : memref<32x32x256x64xf32, #tpu.memory_space<hbm>> -> memref<1x1x256x64xf32, #tpu.memory_space<hbm>>
    %dma_wait3A_280 = tpu.memref_squeeze %dma_wait3A_279 : memref<1x1x256x64xf32, #tpu.memory_space<hbm>> -> memref<256x64xf32, #tpu.memory_space<hbm>>
    %dma_wait3A_281 = arith.constant 0 : i32
    %dma_wait3A_282 = arith.constant 0 : i32
    %dma_wait3A_283 = tpu.memref_slice %arg6[%dma_wait3A_267, %dma_wait3A_281, %dma_wait3A_282] : memref<4x256x64xf32, #tpu.memory_space<vmem>> -> memref<1x256x64xf32, #tpu.memory_space<vmem>>
    %dma_wait3A_284 = tpu.memref_squeeze %dma_wait3A_283 : memref<1x256x64xf32, #tpu.memory_space<vmem>> -> memref<256x64xf32, #tpu.memory_space<vmem>>
    tpu.wait_dma2 semaphore(%arg13 : memref<!tpu.dma_semaphore, #tpu.memory_space<semaphore_mem>>) src(%dma_wait3A_284 : memref<256x64xf32, #tpu.memory_space<vmem>>) dst(%dma_wait3A_280 : memref<256x64xf32, #tpu.memory_space<hbm>>)
    %dma_start3A_285 = arith.constant 10 : i32
    %dma_start3A_286 = arith.constant 1 : i32
    %dma_start3A_287 = arith.constant 0 : i32
    %dma_start3A_288 = arith.constant 0 : i32
    %dma_start3A_289 = tpu.memref_slice %arg6[%dma_start3A_286, %dma_start3A_287, %dma_start3A_288] : memref<4x256x64xf32, #tpu.memory_space<vmem>> -> memref<1x128x64xf32, #tpu.memory_space<vmem>>
    %dma_start3A_290 = tpu.memref_squeeze %dma_start3A_289 : memref<1x128x64xf32, #tpu.memory_space<vmem>> -> memref<128x64xf32, #tpu.memory_space<vmem>>
    %dma_start3A_291 = arith.constant 0 : i32
    %dma_start3A_292 = tpu.memref_slice %arg5[%dma_start3A_285, %dma_start3A_291] : memref<64x128xi32, #tpu.memory_space<vmem>> -> memref<1x128xi32, #tpu.memory_space<vmem>>
    %dma_start3A_293 = tpu.memref_squeeze %dma_start3A_292 : memref<1x128xi32, #tpu.memory_space<vmem>> -> memref<128xi32, #tpu.memory_space<vmem>>
    %dma_start3A_294 = arith.constant 0 : i32
    %dma_start3A_295 = arith.constant 0 : i32
    %dma_start3A_296 = tpu.memref_slice %arg7[%dma_start3A_294, %dma_start3A_295] : memref<8192x64xf32, #tpu.memory_space<vmem_shared>> -> memref<8192x64xf32, #tpu.memory_space<vmem_shared>>
    tpu.enqueue_indirect_dma source(%dma_start3A_296 : memref<8192x64xf32, #tpu.memory_space<vmem_shared>>) target(%dma_start3A_290 : memref<128x64xf32, #tpu.memory_space<vmem>>) offsets(%dma_start3A_293 : memref<128xi32, #tpu.memory_space<vmem>>) semaphore(%arg9 : memref<!tpu.dma_semaphore, #tpu.memory_space<semaphore_mem>>)
    %dma_start3A_297 = arith.constant 11 : i32
    %dma_start3A_298 = arith.constant 1 : i32
    %dma_start3A_299 = arith.constant 128 : i32
    %dma_start3A_300 = arith.constant 0 : i32
    %dma_start3A_301 = tpu.memref_slice %arg6[%dma_start3A_298, %dma_start3A_299, %dma_start3A_300] : memref<4x256x64xf32, #tpu.memory_space<vmem>> -> memref<1x128x64xf32, #tpu.memory_space<vmem>>
    %dma_start3A_302 = tpu.memref_squeeze %dma_start3A_301 : memref<1x128x64xf32, #tpu.memory_space<vmem>> -> memref<128x64xf32, #tpu.memory_space<vmem>>
    %dma_start3A_303 = arith.constant 0 : i32
    %dma_start3A_304 = tpu.memref_slice %arg5[%dma_start3A_297, %dma_start3A_303] : memref<64x128xi32, #tpu.memory_space<vmem>> -> memref<1x128xi32, #tpu.memory_space<vmem>>
    %dma_start3A_305 = tpu.memref_squeeze %dma_start3A_304 : memref<1x128xi32, #tpu.memory_space<vmem>> -> memref<128xi32, #tpu.memory_space<vmem>>
    %dma_start3A_306 = arith.constant 0 : i32
    %dma_start3A_307 = arith.constant 0 : i32
    %dma_start3A_308 = tpu.memref_slice %arg7[%dma_start3A_306, %dma_start3A_307] : memref<8192x64xf32, #tpu.memory_space<vmem_shared>> -> memref<8192x64xf32, #tpu.memory_space<vmem_shared>>
    tpu.enqueue_indirect_dma source(%dma_start3A_308 : memref<8192x64xf32, #tpu.memory_space<vmem_shared>>) target(%dma_start3A_302 : memref<128x64xf32, #tpu.memory_space<vmem>>) offsets(%dma_start3A_305 : memref<128xi32, #tpu.memory_space<vmem>>) semaphore(%arg9 : memref<!tpu.dma_semaphore, #tpu.memory_space<semaphore_mem>>)
    %dma_wait3A_309 = arith.constant 6 : i32
    %dma_wait3A_310 = arith.constant 3 : i32
    %dma_wait3A_311 = arith.constant 0 : i32
    %dma_wait3A_312 = arith.constant 0 : i32
    %dma_wait3A_313 = tpu.memref_slice %arg6[%dma_wait3A_310, %dma_wait3A_311, %dma_wait3A_312] : memref<4x256x64xf32, #tpu.memory_space<vmem>> -> memref<1x128x64xf32, #tpu.memory_space<vmem>>
    %dma_wait3A_314 = tpu.memref_squeeze %dma_wait3A_313 : memref<1x128x64xf32, #tpu.memory_space<vmem>> -> memref<128x64xf32, #tpu.memory_space<vmem>>
    %dma_wait3A_315 = arith.constant 0 : i32
    %dma_wait3A_316 = tpu.memref_slice %arg5[%dma_wait3A_309, %dma_wait3A_315] : memref<64x128xi32, #tpu.memory_space<vmem>> -> memref<1x128xi32, #tpu.memory_space<vmem>>
    %dma_wait3A_317 = tpu.memref_squeeze %dma_wait3A_316 : memref<1x128xi32, #tpu.memory_space<vmem>> -> memref<128xi32, #tpu.memory_space<vmem>>
    %dma_wait3A_318 = arith.constant 0 : i32
    %dma_wait3A_319 = arith.constant 0 : i32
    %dma_wait3A_320 = tpu.memref_slice %arg7[%dma_wait3A_318, %dma_wait3A_319] : memref<8192x64xf32, #tpu.memory_space<vmem_shared>> -> memref<8192x64xf32, #tpu.memory_space<vmem_shared>>
    tpu.wait_indirect_dma semaphore(%arg11 : memref<!tpu.dma_semaphore, #tpu.memory_space<semaphore_mem>>) src(%dma_wait3A_320 : memref<8192x64xf32, #tpu.memory_space<vmem_shared>>) dst(%dma_wait3A_314 : memref<128x64xf32, #tpu.memory_space<vmem>>)
    %dma_wait3A_321 = arith.constant 7 : i32
    %dma_wait3A_322 = arith.constant 3 : i32
    %dma_wait3A_323 = arith.constant 128 : i32
    %dma_wait3A_324 = arith.constant 0 : i32
    %dma_wait3A_325 = tpu.memref_slice %arg6[%dma_wait3A_322, %dma_wait3A_323, %dma_wait3A_324] : memref<4x256x64xf32, #tpu.memory_space<vmem>> -> memref<1x128x64xf32, #tpu.memory_space<vmem>>
    %dma_wait3A_326 = tpu.memref_squeeze %dma_wait3A_325 : memref<1x128x64xf32, #tpu.memory_space<vmem>> -> memref<128x64xf32, #tpu.memory_space<vmem>>
    %dma_wait3A_327 = arith.constant 0 : i32
    %dma_wait3A_328 = tpu.memref_slice %arg5[%dma_wait3A_321, %dma_wait3A_327] : memref<64x128xi32, #tpu.memory_space<vmem>> -> memref<1x128xi32, #tpu.memory_space<vmem>>
    %dma_wait3A_329 = tpu.memref_squeeze %dma_wait3A_328 : memref<1x128xi32, #tpu.memory_space<vmem>> -> memref<128xi32, #tpu.memory_space<vmem>>
    %dma_wait3A_330 = arith.constant 0 : i32
    %dma_wait3A_331 = arith.constant 0 : i32
    %dma_wait3A_332 = tpu.memref_slice %arg7[%dma_wait3A_330, %dma_wait3A_331] : memref<8192x64xf32, #tpu.memory_space<vmem_shared>> -> memref<8192x64xf32, #tpu.memory_space<vmem_shared>>
    tpu.wait_indirect_dma semaphore(%arg11 : memref<!tpu.dma_semaphore, #tpu.memory_space<semaphore_mem>>) src(%dma_wait3A_332 : memref<8192x64xf32, #tpu.memory_space<vmem_shared>>) dst(%dma_wait3A_326 : memref<128x64xf32, #tpu.memory_space<vmem>>)
    %dma_start3A_333 = arith.constant 3 : i32
    %dma_start3A_334 = arith.constant 3 : i32
    %dma_start3A_335 = arith.constant 0 : i32
    %dma_start3A_336 = arith.constant 0 : i32
    %dma_start3A_337 = tpu.memref_slice %arg6[%dma_start3A_333, %dma_start3A_335, %dma_start3A_336] : memref<4x256x64xf32, #tpu.memory_space<vmem>> -> memref<1x256x64xf32, #tpu.memory_space<vmem>>
    %dma_start3A_338 = tpu.memref_squeeze %dma_start3A_337 : memref<1x256x64xf32, #tpu.memory_space<vmem>> -> memref<256x64xf32, #tpu.memory_space<vmem>>
    %dma_start3A_339 = arith.constant 0 : i32
    %dma_start3A_340 = arith.constant 0 : i32
    %dma_start3A_341 = tpu.memref_slice %arg4[%add3A, %dma_start3A_334, %dma_start3A_339, %dma_start3A_340] : memref<32x32x256x64xf32, #tpu.memory_space<hbm>> -> memref<1x1x256x64xf32, #tpu.memory_space<hbm>>
    %dma_start3A_342 = tpu.memref_squeeze %dma_start3A_341 : memref<1x1x256x64xf32, #tpu.memory_space<hbm>> -> memref<256x64xf32, #tpu.memory_space<hbm>>
    %dma_start3A_343 = arith.constant 0 : i32
    %dma_start3A_344 = arith.constant 0 : i32
    %dma_start3A_345 = tpu.memref_slice %arg4[%add3A, %dma_start3A_334, %dma_start3A_343, %dma_start3A_344] : memref<32x32x256x64xf32, #tpu.memory_space<hbm>> -> memref<1x1x256x64xf32, #tpu.memory_space<hbm>>
    %dma_start3A_346 = tpu.memref_squeeze %dma_start3A_345 : memref<1x1x256x64xf32, #tpu.memory_space<hbm>> -> memref<256x64xf32, #tpu.memory_space<hbm>>
    %dma_start3A_347 = arith.constant 0 : i32
    %dma_start3A_348 = arith.constant 0 : i32
    %dma_start3A_349 = tpu.memref_slice %arg6[%dma_start3A_333, %dma_start3A_347, %dma_start3A_348] : memref<4x256x64xf32, #tpu.memory_space<vmem>> -> memref<1x256x64xf32, #tpu.memory_space<vmem>>
    %dma_start3A_350 = tpu.memref_squeeze %dma_start3A_349 : memref<1x256x64xf32, #tpu.memory_space<vmem>> -> memref<256x64xf32, #tpu.memory_space<vmem>>
    tpu.enqueue_dma source(%dma_start3A_350 : memref<256x64xf32, #tpu.memory_space<vmem>>) target(%dma_start3A_346 : memref<256x64xf32, #tpu.memory_space<hbm>>) target_semaphore(%arg15 : memref<!tpu.dma_semaphore, #tpu.memory_space<semaphore_mem>>)
    %dma_wait3A_351 = arith.constant 2 : i32
    %dma_wait3A_352 = arith.constant 2 : i32
    %dma_wait3A_353 = arith.constant 0 : i32
    %dma_wait3A_354 = arith.constant 0 : i32
    %dma_wait3A_355 = tpu.memref_slice %arg6[%dma_wait3A_351, %dma_wait3A_353, %dma_wait3A_354] : memref<4x256x64xf32, #tpu.memory_space<vmem>> -> memref<1x256x64xf32, #tpu.memory_space<vmem>>
    %dma_wait3A_356 = tpu.memref_squeeze %dma_wait3A_355 : memref<1x256x64xf32, #tpu.memory_space<vmem>> -> memref<256x64xf32, #tpu.memory_space<vmem>>
    %dma_wait3A_357 = arith.constant 0 : i32
    %dma_wait3A_358 = arith.constant 0 : i32
    %dma_wait3A_359 = tpu.memref_slice %arg4[%add3A, %dma_wait3A_352, %dma_wait3A_357, %dma_wait3A_358] : memref<32x32x256x64xf32, #tpu.memory_space<hbm>> -> memref<1x1x256x64xf32, #tpu.memory_space<hbm>>
    %dma_wait3A_360 = tpu.memref_squeeze %dma_wait3A_359 : memref<1x1x256x64xf32, #tpu.memory_space<hbm>> -> memref<256x64xf32, #tpu.memory_space<hbm>>
    %dma_wait3A_361 = arith.constant 0 : i32
    %dma_wait3A_362 = arith.constant 0 : i32
    %dma_wait3A_363 = tpu.memref_slice %arg4[%add3A, %dma_wait3A_352, %dma_wait3A_361, %dma_wait3A_362] : memref<32x32x256x64xf32, #tpu.memory_space<hbm>> -> memref<1x1x256x64xf32, #tpu.memory_space<hbm>>
    %dma_wait3A_364 = tpu.memref_squeeze %dma_wait3A_363 : memref<1x1x256x64xf32, #tpu.memory_space<hbm>> -> memref<256x64xf32, #tpu.memory_space<hbm>>
    %dma_wait3A_365 = arith.constant 0 : i32
    %dma_wait3A_366 = arith.constant 0 : i32
    %dma_wait3A_367 = tpu.memref_slice %arg6[%dma_wait3A_351, %dma_wait3A_365, %dma_wait3A_366] : memref<4x256x64xf32, #tpu.memory_space<vmem>> -> memref<1x256x64xf32, #tpu.memory_space<vmem>>
    %dma_wait3A_368 = tpu.memref_squeeze %dma_wait3A_367 : memref<1x256x64xf32, #tpu.memory_space<vmem>> -> memref<256x64xf32, #tpu.memory_space<vmem>>
    tpu.wait_dma2 semaphore(%arg14 : memref<!tpu.dma_semaphore, #tpu.memory_space<semaphore_mem>>) src(%dma_wait3A_368 : memref<256x64xf32, #tpu.memory_space<vmem>>) dst(%dma_wait3A_364 : memref<256x64xf32, #tpu.memory_space<hbm>>)
    %dma_start3A_369 = arith.constant 12 : i32
    %dma_start3A_370 = arith.constant 2 : i32
    %dma_start3A_371 = arith.constant 0 : i32
    %dma_start3A_372 = arith.constant 0 : i32
    %dma_start3A_373 = tpu.memref_slice %arg6[%dma_start3A_370, %dma_start3A_371, %dma_start3A_372] : memref<4x256x64xf32, #tpu.memory_space<vmem>> -> memref<1x128x64xf32, #tpu.memory_space<vmem>>
    %dma_start3A_374 = tpu.memref_squeeze %dma_start3A_373 : memref<1x128x64xf32, #tpu.memory_space<vmem>> -> memref<128x64xf32, #tpu.memory_space<vmem>>
    %dma_start3A_375 = arith.constant 0 : i32
    %dma_start3A_376 = tpu.memref_slice %arg5[%dma_start3A_369, %dma_start3A_375] : memref<64x128xi32, #tpu.memory_space<vmem>> -> memref<1x128xi32, #tpu.memory_space<vmem>>
    %dma_start3A_377 = tpu.memref_squeeze %dma_start3A_376 : memref<1x128xi32, #tpu.memory_space<vmem>> -> memref<128xi32, #tpu.memory_space<vmem>>
    %dma_start3A_378 = arith.constant 0 : i32
    %dma_start3A_379 = arith.constant 0 : i32
    %dma_start3A_380 = tpu.memref_slice %arg7[%dma_start3A_378, %dma_start3A_379] : memref<8192x64xf32, #tpu.memory_space<vmem_shared>> -> memref<8192x64xf32, #tpu.memory_space<vmem_shared>>
    tpu.enqueue_indirect_dma source(%dma_start3A_380 : memref<8192x64xf32, #tpu.memory_space<vmem_shared>>) target(%dma_start3A_374 : memref<128x64xf32, #tpu.memory_space<vmem>>) offsets(%dma_start3A_377 : memref<128xi32, #tpu.memory_space<vmem>>) semaphore(%arg10 : memref<!tpu.dma_semaphore, #tpu.memory_space<semaphore_mem>>)
    %dma_start3A_381 = arith.constant 13 : i32
    %dma_start3A_382 = arith.constant 2 : i32
    %dma_start3A_383 = arith.constant 128 : i32
    %dma_start3A_384 = arith.constant 0 : i32
    %dma_start3A_385 = tpu.memref_slice %arg6[%dma_start3A_382, %dma_start3A_383, %dma_start3A_384] : memref<4x256x64xf32, #tpu.memory_space<vmem>> -> memref<1x128x64xf32, #tpu.memory_space<vmem>>
    %dma_start3A_386 = tpu.memref_squeeze %dma_start3A_385 : memref<1x128x64xf32, #tpu.memory_space<vmem>> -> memref<128x64xf32, #tpu.memory_space<vmem>>
    %dma_start3A_387 = arith.constant 0 : i32
    %dma_start3A_388 = tpu.memref_slice %arg5[%dma_start3A_381, %dma_start3A_387] : memref<64x128xi32, #tpu.memory_space<vmem>> -> memref<1x128xi32, #tpu.memory_space<vmem>>
    %dma_start3A_389 = tpu.memref_squeeze %dma_start3A_388 : memref<1x128xi32, #tpu.memory_space<vmem>> -> memref<128xi32, #tpu.memory_space<vmem>>
    %dma_start3A_390 = arith.constant 0 : i32
    %dma_start3A_391 = arith.constant 0 : i32
    %dma_start3A_392 = tpu.memref_slice %arg7[%dma_start3A_390, %dma_start3A_391] : memref<8192x64xf32, #tpu.memory_space<vmem_shared>> -> memref<8192x64xf32, #tpu.memory_space<vmem_shared>>
    tpu.enqueue_indirect_dma source(%dma_start3A_392 : memref<8192x64xf32, #tpu.memory_space<vmem_shared>>) target(%dma_start3A_386 : memref<128x64xf32, #tpu.memory_space<vmem>>) offsets(%dma_start3A_389 : memref<128xi32, #tpu.memory_space<vmem>>) semaphore(%arg10 : memref<!tpu.dma_semaphore, #tpu.memory_space<semaphore_mem>>)
    %dma_wait3A_393 = arith.constant 8 : i32
    %dma_wait3A_394 = arith.constant 0 : i32
    %dma_wait3A_395 = arith.constant 0 : i32
    %dma_wait3A_396 = arith.constant 0 : i32
    %dma_wait3A_397 = tpu.memref_slice %arg6[%dma_wait3A_394, %dma_wait3A_395, %dma_wait3A_396] : memref<4x256x64xf32, #tpu.memory_space<vmem>> -> memref<1x128x64xf32, #tpu.memory_space<vmem>>
    %dma_wait3A_398 = tpu.memref_squeeze %dma_wait3A_397 : memref<1x128x64xf32, #tpu.memory_space<vmem>> -> memref<128x64xf32, #tpu.memory_space<vmem>>
    %dma_wait3A_399 = arith.constant 0 : i32
    %dma_wait3A_400 = tpu.memref_slice %arg5[%dma_wait3A_393, %dma_wait3A_399] : memref<64x128xi32, #tpu.memory_space<vmem>> -> memref<1x128xi32, #tpu.memory_space<vmem>>
    %dma_wait3A_401 = tpu.memref_squeeze %dma_wait3A_400 : memref<1x128xi32, #tpu.memory_space<vmem>> -> memref<128xi32, #tpu.memory_space<vmem>>
    %dma_wait3A_402 = arith.constant 0 : i32
    %dma_wait3A_403 = arith.constant 0 : i32
    %dma_wait3A_404 = tpu.memref_slice %arg7[%dma_wait3A_402, %dma_wait3A_403] : memref<8192x64xf32, #tpu.memory_space<vmem_shared>> -> memref<8192x64xf32, #tpu.memory_space<vmem_shared>>
    tpu.wait_indirect_dma semaphore(%arg8 : memref<!tpu.dma_semaphore, #tpu.memory_space<semaphore_mem>>) src(%dma_wait3A_404 : memref<8192x64xf32, #tpu.memory_space<vmem_shared>>) dst(%dma_wait3A_398 : memref<128x64xf32, #tpu.memory_space<vmem>>)
    %dma_wait3A_405 = arith.constant 9 : i32
    %dma_wait3A_406 = arith.constant 0 : i32
    %dma_wait3A_407 = arith.constant 128 : i32
    %dma_wait3A_408 = arith.constant 0 : i32
    %dma_wait3A_409 = tpu.memref_slice %arg6[%dma_wait3A_406, %dma_wait3A_407, %dma_wait3A_408] : memref<4x256x64xf32, #tpu.memory_space<vmem>> -> memref<1x128x64xf32, #tpu.memory_space<vmem>>
    %dma_wait3A_410 = tpu.memref_squeeze %dma_wait3A_409 : memref<1x128x64xf32, #tpu.memory_space<vmem>> -> memref<128x64xf32, #tpu.memory_space<vmem>>
    %dma_wait3A_411 = arith.constant 0 : i32
    %dma_wait3A_412 = tpu.memref_slice %arg5[%dma_wait3A_405, %dma_wait3A_411] : memref<64x128xi32, #tpu.memory_space<vmem>> -> memref<1x128xi32, #tpu.memory_space<vmem>>
    %dma_wait3A_413 = tpu.memref_squeeze %dma_wait3A_412 : memref<1x128xi32, #tpu.memory_space<vmem>> -> memref<128xi32, #tpu.memory_space<vmem>>
    %dma_wait3A_414 = arith.constant 0 : i32
    %dma_wait3A_415 = arith.constant 0 : i32
    %dma_wait3A_416 = tpu.memref_slice %arg7[%dma_wait3A_414, %dma_wait3A_415] : memref<8192x64xf32, #tpu.memory_space<vmem_shared>> -> memref<8192x64xf32, #tpu.memory_space<vmem_shared>>
    tpu.wait_indirect_dma semaphore(%arg8 : memref<!tpu.dma_semaphore, #tpu.memory_space<semaphore_mem>>) src(%dma_wait3A_416 : memref<8192x64xf32, #tpu.memory_space<vmem_shared>>) dst(%dma_wait3A_410 : memref<128x64xf32, #tpu.memory_space<vmem>>)
    %dma_start3A_417 = arith.constant 0 : i32
    %dma_start3A_418 = arith.constant 4 : i32
    %dma_start3A_419 = arith.constant 0 : i32
    %dma_start3A_420 = arith.constant 0 : i32
    %dma_start3A_421 = tpu.memref_slice %arg6[%dma_start3A_417, %dma_start3A_419, %dma_start3A_420] : memref<4x256x64xf32, #tpu.memory_space<vmem>> -> memref<1x256x64xf32, #tpu.memory_space<vmem>>
    %dma_start3A_422 = tpu.memref_squeeze %dma_start3A_421 : memref<1x256x64xf32, #tpu.memory_space<vmem>> -> memref<256x64xf32, #tpu.memory_space<vmem>>
    %dma_start3A_423 = arith.constant 0 : i32
    %dma_start3A_424 = arith.constant 0 : i32
    %dma_start3A_425 = tpu.memref_slice %arg4[%add3A, %dma_start3A_418, %dma_start3A_423, %dma_start3A_424] : memref<32x32x256x64xf32, #tpu.memory_space<hbm>> -> memref<1x1x256x64xf32, #tpu.memory_space<hbm>>
    %dma_start3A_426 = tpu.memref_squeeze %dma_start3A_425 : memref<1x1x256x64xf32, #tpu.memory_space<hbm>> -> memref<256x64xf32, #tpu.memory_space<hbm>>
    %dma_start3A_427 = arith.constant 0 : i32
    %dma_start3A_428 = arith.constant 0 : i32
    %dma_start3A_429 = tpu.memref_slice %arg4[%add3A, %dma_start3A_418, %dma_start3A_427, %dma_start3A_428] : memref<32x32x256x64xf32, #tpu.memory_space<hbm>> -> memref<1x1x256x64xf32, #tpu.memory_space<hbm>>
    %dma_start3A_430 = tpu.memref_squeeze %dma_start3A_429 : memref<1x1x256x64xf32, #tpu.memory_space<hbm>> -> memref<256x64xf32, #tpu.memory_space<hbm>>
    %dma_start3A_431 = arith.constant 0 : i32
    %dma_start3A_432 = arith.constant 0 : i32
    %dma_start3A_433 = tpu.memref_slice %arg6[%dma_start3A_417, %dma_start3A_431, %dma_start3A_432] : memref<4x256x64xf32, #tpu.memory_space<vmem>> -> memref<1x256x64xf32, #tpu.memory_space<vmem>>
    %dma_start3A_434 = tpu.memref_squeeze %dma_start3A_433 : memref<1x256x64xf32, #tpu.memory_space<vmem>> -> memref<256x64xf32, #tpu.memory_space<vmem>>
    tpu.enqueue_dma source(%dma_start3A_434 : memref<256x64xf32, #tpu.memory_space<vmem>>) target(%dma_start3A_430 : memref<256x64xf32, #tpu.memory_space<hbm>>) target_semaphore(%arg12 : memref<!tpu.dma_semaphore, #tpu.memory_space<semaphore_mem>>)
    %dma_wait3A_435 = arith.constant 3 : i32
    %dma_wait3A_436 = arith.constant 3 : i32
    %dma_wait3A_437 = arith.constant 0 : i32
    %dma_wait3A_438 = arith.constant 0 : i32
    %dma_wait3A_439 = tpu.memref_slice %arg6[%dma_wait3A_435, %dma_wait3A_437, %dma_wait3A_438] : memref<4x256x64xf32, #tpu.memory_space<vmem>> -> memref<1x256x64xf32, #tpu.memory_space<vmem>>
    %dma_wait3A_440 = tpu.memref_squeeze %dma_wait3A_439 : memref<1x256x64xf32, #tpu.memory_space<vmem>> -> memref<256x64xf32, #tpu.memory_space<vmem>>
    %dma_wait3A_441 = arith.constant 0 : i32
    %dma_wait3A_442 = arith.constant 0 : i32
    %dma_wait3A_443 = tpu.memref_slice %arg4[%add3A, %dma_wait3A_436, %dma_wait3A_441, %dma_wait3A_442] : memref<32x32x256x64xf32, #tpu.memory_space<hbm>> -> memref<1x1x256x64xf32, #tpu.memory_space<hbm>>
    %dma_wait3A_444 = tpu.memref_squeeze %dma_wait3A_443 : memref<1x1x256x64xf32, #tpu.memory_space<hbm>> -> memref<256x64xf32, #tpu.memory_space<hbm>>
    %dma_wait3A_445 = arith.constant 0 : i32
    %dma_wait3A_446 = arith.constant 0 : i32
    %dma_wait3A_447 = tpu.memref_slice %arg4[%add3A, %dma_wait3A_436, %dma_wait3A_445, %dma_wait3A_446] : memref<32x32x256x64xf32, #tpu.memory_space<hbm>> -> memref<1x1x256x64xf32, #tpu.memory_space<hbm>>
    %dma_wait3A_448 = tpu.memref_squeeze %dma_wait3A_447 : memref<1x1x256x64xf32, #tpu.memory_space<hbm>> -> memref<256x64xf32, #tpu.memory_space<hbm>>
    %dma_wait3A_449 = arith.constant 0 : i32
    %dma_wait3A_450 = arith.constant 0 : i32
    %dma_wait3A_451 = tpu.memref_slice %arg6[%dma_wait3A_435, %dma_wait3A_449, %dma_wait3A_450] : memref<4x256x64xf32, #tpu.memory_space<vmem>> -> memref<1x256x64xf32, #tpu.memory_space<vmem>>
    %dma_wait3A_452 = tpu.memref_squeeze %dma_wait3A_451 : memref<1x256x64xf32, #tpu.memory_space<vmem>> -> memref<256x64xf32, #tpu.memory_space<vmem>>
    tpu.wait_dma2 semaphore(%arg15 : memref<!tpu.dma_semaphore, #tpu.memory_space<semaphore_mem>>) src(%dma_wait3A_452 : memref<256x64xf32, #tpu.memory_space<vmem>>) dst(%dma_wait3A_448 : memref<256x64xf32, #tpu.memory_space<hbm>>)
    %dma_start3A_453 = arith.constant 14 : i32
    %dma_start3A_454 = arith.constant 3 : i32
    %dma_start3A_455 = arith.constant 0 : i32
    %dma_start3A_456 = arith.constant 0 : i32
    %dma_start3A_457 = tpu.memref_slice %arg6[%dma_start3A_454, %dma_start3A_455, %dma_start3A_456] : memref<4x256x64xf32, #tpu.memory_space<vmem>> -> memref<1x128x64xf32, #tpu.memory_space<vmem>>
    %dma_start3A_458 = tpu.memref_squeeze %dma_start3A_457 : memref<1x128x64xf32, #tpu.memory_space<vmem>> -> memref<128x64xf32, #tpu.memory_space<vmem>>
    %dma_start3A_459 = arith.constant 0 : i32
    %dma_start3A_460 = tpu.memref_slice %arg5[%dma_start3A_453, %dma_start3A_459] : memref<64x128xi32, #tpu.memory_space<vmem>> -> memref<1x128xi32, #tpu.memory_space<vmem>>
    %dma_start3A_461 = tpu.memref_squeeze %dma_start3A_460 : memref<1x128xi32, #tpu.memory_space<vmem>> -> memref<128xi32, #tpu.memory_space<vmem>>
    %dma_start3A_462 = arith.constant 0 : i32
    %dma_start3A_463 = arith.constant 0 : i32
    %dma_start3A_464 = tpu.memref_slice %arg7[%dma_start3A_462, %dma_start3A_463] : memref<8192x64xf32, #tpu.memory_space<vmem_shared>> -> memref<8192x64xf32, #tpu.memory_space<vmem_shared>>
    tpu.enqueue_indirect_dma source(%dma_start3A_464 : memref<8192x64xf32, #tpu.memory_space<vmem_shared>>) target(%dma_start3A_458 : memref<128x64xf32, #tpu.memory_space<vmem>>) offsets(%dma_start3A_461 : memref<128xi32, #tpu.memory_space<vmem>>) semaphore(%arg11 : memref<!tpu.dma_semaphore, #tpu.memory_space<semaphore_mem>>)
    %dma_start3A_465 = arith.constant 15 : i32
    %dma_start3A_466 = arith.constant 3 : i32
    %dma_start3A_467 = arith.constant 128 : i32
    %dma_start3A_468 = arith.constant 0 : i32
    %dma_start3A_469 = tpu.memref_slice %arg6[%dma_start3A_466, %dma_start3A_467, %dma_start3A_468] : memref<4x256x64xf32, #tpu.memory_space<vmem>> -> memref<1x128x64xf32, #tpu.memory_space<vmem>>
    %dma_start3A_470 = tpu.memref_squeeze %dma_start3A_469 : memref<1x128x64xf32, #tpu.memory_space<vmem>> -> memref<128x64xf32, #tpu.memory_space<vmem>>
    %dma_start3A_471 = arith.constant 0 : i32
    %dma_start3A_472 = tpu.memref_slice %arg5[%dma_start3A_465, %dma_start3A_471] : memref<64x128xi32, #tpu.memory_space<vmem>> -> memref<1x128xi32, #tpu.memory_space<vmem>>
    %dma_start3A_473 = tpu.memref_squeeze %dma_start3A_472 : memref<1x128xi32, #tpu.memory_space<vmem>> -> memref<128xi32, #tpu.memory_space<vmem>>
    %dma_start3A_474 = arith.constant 0 : i32
    %dma_start3A_475 = arith.constant 0 : i32
    %dma_start3A_476 = tpu.memref_slice %arg7[%dma_start3A_474, %dma_start3A_475] : memref<8192x64xf32, #tpu.memory_space<vmem_shared>> -> memref<8192x64xf32, #tpu.memory_space<vmem_shared>>
    tpu.enqueue_indirect_dma source(%dma_start3A_476 : memref<8192x64xf32, #tpu.memory_space<vmem_shared>>) target(%dma_start3A_470 : memref<128x64xf32, #tpu.memory_space<vmem>>) offsets(%dma_start3A_473 : memref<128xi32, #tpu.memory_space<vmem>>) semaphore(%arg11 : memref<!tpu.dma_semaphore, #tpu.memory_space<semaphore_mem>>)
    %dma_wait3A_477 = arith.constant 10 : i32
    %dma_wait3A_478 = arith.constant 1 : i32
    %dma_wait3A_479 = arith.constant 0 : i32
    %dma_wait3A_480 = arith.constant 0 : i32
    %dma_wait3A_481 = tpu.memref_slice %arg6[%dma_wait3A_478, %dma_wait3A_479, %dma_wait3A_480] : memref<4x256x64xf32, #tpu.memory_space<vmem>> -> memref<1x128x64xf32, #tpu.memory_space<vmem>>
    %dma_wait3A_482 = tpu.memref_squeeze %dma_wait3A_481 : memref<1x128x64xf32, #tpu.memory_space<vmem>> -> memref<128x64xf32, #tpu.memory_space<vmem>>
    %dma_wait3A_483 = arith.constant 0 : i32
    %dma_wait3A_484 = tpu.memref_slice %arg5[%dma_wait3A_477, %dma_wait3A_483] : memref<64x128xi32, #tpu.memory_space<vmem>> -> memref<1x128xi32, #tpu.memory_space<vmem>>
    %dma_wait3A_485 = tpu.memref_squeeze %dma_wait3A_484 : memref<1x128xi32, #tpu.memory_space<vmem>> -> memref<128xi32, #tpu.memory_space<vmem>>
    %dma_wait3A_486 = arith.constant 0 : i32
    %dma_wait3A_487 = arith.constant 0 : i32
    %dma_wait3A_488 = tpu.memref_slice %arg7[%dma_wait3A_486, %dma_wait3A_487] : memref<8192x64xf32, #tpu.memory_space<vmem_shared>> -> memref<8192x64xf32, #tpu.memory_space<vmem_shared>>
    tpu.wait_indirect_dma semaphore(%arg9 : memref<!tpu.dma_semaphore, #tpu.memory_space<semaphore_mem>>) src(%dma_wait3A_488 : memref<8192x64xf32, #tpu.memory_space<vmem_shared>>) dst(%dma_wait3A_482 : memref<128x64xf32, #tpu.memory_space<vmem>>)
    %dma_wait3A_489 = arith.constant 11 : i32
    %dma_wait3A_490 = arith.constant 1 : i32
    %dma_wait3A_491 = arith.constant 128 : i32
    %dma_wait3A_492 = arith.constant 0 : i32
    %dma_wait3A_493 = tpu.memref_slice %arg6[%dma_wait3A_490, %dma_wait3A_491, %dma_wait3A_492] : memref<4x256x64xf32, #tpu.memory_space<vmem>> -> memref<1x128x64xf32, #tpu.memory_space<vmem>>
    %dma_wait3A_494 = tpu.memref_squeeze %dma_wait3A_493 : memref<1x128x64xf32, #tpu.memory_space<vmem>> -> memref<128x64xf32, #tpu.memory_space<vmem>>
    %dma_wait3A_495 = arith.constant 0 : i32
    %dma_wait3A_496 = tpu.memref_slice %arg5[%dma_wait3A_489, %dma_wait3A_495] : memref<64x128xi32, #tpu.memory_space<vmem>> -> memref<1x128xi32, #tpu.memory_space<vmem>>
    %dma_wait3A_497 = tpu.memref_squeeze %dma_wait3A_496 : memref<1x128xi32, #tpu.memory_space<vmem>> -> memref<128xi32, #tpu.memory_space<vmem>>
    %dma_wait3A_498 = arith.constant 0 : i32
    %dma_wait3A_499 = arith.constant 0 : i32
    %dma_wait3A_500 = tpu.memref_slice %arg7[%dma_wait3A_498, %dma_wait3A_499] : memref<8192x64xf32, #tpu.memory_space<vmem_shared>> -> memref<8192x64xf32, #tpu.memory_space<vmem_shared>>
    tpu.wait_indirect_dma semaphore(%arg9 : memref<!tpu.dma_semaphore, #tpu.memory_space<semaphore_mem>>) src(%dma_wait3A_500 : memref<8192x64xf32, #tpu.memory_space<vmem_shared>>) dst(%dma_wait3A_494 : memref<128x64xf32, #tpu.memory_space<vmem>>)
    %dma_start3A_501 = arith.constant 1 : i32
    %dma_start3A_502 = arith.constant 5 : i32
    %dma_start3A_503 = arith.constant 0 : i32
    %dma_start3A_504 = arith.constant 0 : i32
    %dma_start3A_505 = tpu.memref_slice %arg6[%dma_start3A_501, %dma_start3A_503, %dma_start3A_504] : memref<4x256x64xf32, #tpu.memory_space<vmem>> -> memref<1x256x64xf32, #tpu.memory_space<vmem>>
    %dma_start3A_506 = tpu.memref_squeeze %dma_start3A_505 : memref<1x256x64xf32, #tpu.memory_space<vmem>> -> memref<256x64xf32, #tpu.memory_space<vmem>>
    %dma_start3A_507 = arith.constant 0 : i32
    %dma_start3A_508 = arith.constant 0 : i32
    %dma_start3A_509 = tpu.memref_slice %arg4[%add3A, %dma_start3A_502, %dma_start3A_507, %dma_start3A_508] : memref<32x32x256x64xf32, #tpu.memory_space<hbm>> -> memref<1x1x256x64xf32, #tpu.memory_space<hbm>>
    %dma_start3A_510 = tpu.memref_squeeze %dma_start3A_509 : memref<1x1x256x64xf32, #tpu.memory_space<hbm>> -> memref<256x64xf32, #tpu.memory_space<hbm>>
    %dma_start3A_511 = arith.constant 0 : i32
    %dma_start3A_512 = arith.constant 0 : i32
    %dma_start3A_513 = tpu.memref_slice %arg4[%add3A, %dma_start3A_502, %dma_start3A_511, %dma_start3A_512] : memref<32x32x256x64xf32, #tpu.memory_space<hbm>> -> memref<1x1x256x64xf32, #tpu.memory_space<hbm>>
    %dma_start3A_514 = tpu.memref_squeeze %dma_start3A_513 : memref<1x1x256x64xf32, #tpu.memory_space<hbm>> -> memref<256x64xf32, #tpu.memory_space<hbm>>
    %dma_start3A_515 = arith.constant 0 : i32
    %dma_start3A_516 = arith.constant 0 : i32
    %dma_start3A_517 = tpu.memref_slice %arg6[%dma_start3A_501, %dma_start3A_515, %dma_start3A_516] : memref<4x256x64xf32, #tpu.memory_space<vmem>> -> memref<1x256x64xf32, #tpu.memory_space<vmem>>
    %dma_start3A_518 = tpu.memref_squeeze %dma_start3A_517 : memref<1x256x64xf32, #tpu.memory_space<vmem>> -> memref<256x64xf32, #tpu.memory_space<vmem>>
    tpu.enqueue_dma source(%dma_start3A_518 : memref<256x64xf32, #tpu.memory_space<vmem>>) target(%dma_start3A_514 : memref<256x64xf32, #tpu.memory_space<hbm>>) target_semaphore(%arg13 : memref<!tpu.dma_semaphore, #tpu.memory_space<semaphore_mem>>)
    %dma_wait3A_519 = arith.constant 0 : i32
    %dma_wait3A_520 = arith.constant 4 : i32
    %dma_wait3A_521 = arith.constant 0 : i32
    %dma_wait3A_522 = arith.constant 0 : i32
    %dma_wait3A_523 = tpu.memref_slice %arg6[%dma_wait3A_519, %dma_wait3A_521, %dma_wait3A_522] : memref<4x256x64xf32, #tpu.memory_space<vmem>> -> memref<1x256x64xf32, #tpu.memory_space<vmem>>
    %dma_wait3A_524 = tpu.memref_squeeze %dma_wait3A_523 : memref<1x256x64xf32, #tpu.memory_space<vmem>> -> memref<256x64xf32, #tpu.memory_space<vmem>>
    %dma_wait3A_525 = arith.constant 0 : i32
    %dma_wait3A_526 = arith.constant 0 : i32
    %dma_wait3A_527 = tpu.memref_slice %arg4[%add3A, %dma_wait3A_520, %dma_wait3A_525, %dma_wait3A_526] : memref<32x32x256x64xf32, #tpu.memory_space<hbm>> -> memref<1x1x256x64xf32, #tpu.memory_space<hbm>>
    %dma_wait3A_528 = tpu.memref_squeeze %dma_wait3A_527 : memref<1x1x256x64xf32, #tpu.memory_space<hbm>> -> memref<256x64xf32, #tpu.memory_space<hbm>>
    %dma_wait3A_529 = arith.constant 0 : i32
    %dma_wait3A_530 = arith.constant 0 : i32
    %dma_wait3A_531 = tpu.memref_slice %arg4[%add3A, %dma_wait3A_520, %dma_wait3A_529, %dma_wait3A_530] : memref<32x32x256x64xf32, #tpu.memory_space<hbm>> -> memref<1x1x256x64xf32, #tpu.memory_space<hbm>>
    %dma_wait3A_532 = tpu.memref_squeeze %dma_wait3A_531 : memref<1x1x256x64xf32, #tpu.memory_space<hbm>> -> memref<256x64xf32, #tpu.memory_space<hbm>>
    %dma_wait3A_533 = arith.constant 0 : i32
    %dma_wait3A_534 = arith.constant 0 : i32
    %dma_wait3A_535 = tpu.memref_slice %arg6[%dma_wait3A_519, %dma_wait3A_533, %dma_wait3A_534] : memref<4x256x64xf32, #tpu.memory_space<vmem>> -> memref<1x256x64xf32, #tpu.memory_space<vmem>>
    %dma_wait3A_536 = tpu.memref_squeeze %dma_wait3A_535 : memref<1x256x64xf32, #tpu.memory_space<vmem>> -> memref<256x64xf32, #tpu.memory_space<vmem>>
    tpu.wait_dma2 semaphore(%arg12 : memref<!tpu.dma_semaphore, #tpu.memory_space<semaphore_mem>>) src(%dma_wait3A_536 : memref<256x64xf32, #tpu.memory_space<vmem>>) dst(%dma_wait3A_532 : memref<256x64xf32, #tpu.memory_space<hbm>>)
    %dma_start3A_537 = arith.constant 16 : i32
    %dma_start3A_538 = arith.constant 0 : i32
    %dma_start3A_539 = arith.constant 0 : i32
    %dma_start3A_540 = arith.constant 0 : i32
    %dma_start3A_541 = tpu.memref_slice %arg6[%dma_start3A_538, %dma_start3A_539, %dma_start3A_540] : memref<4x256x64xf32, #tpu.memory_space<vmem>> -> memref<1x128x64xf32, #tpu.memory_space<vmem>>
    %dma_start3A_542 = tpu.memref_squeeze %dma_start3A_541 : memref<1x128x64xf32, #tpu.memory_space<vmem>> -> memref<128x64xf32, #tpu.memory_space<vmem>>
    %dma_start3A_543 = arith.constant 0 : i32
    %dma_start3A_544 = tpu.memref_slice %arg5[%dma_start3A_537, %dma_start3A_543] : memref<64x128xi32, #tpu.memory_space<vmem>> -> memref<1x128xi32, #tpu.memory_space<vmem>>
    %dma_start3A_545 = tpu.memref_squeeze %dma_start3A_544 : memref<1x128xi32, #tpu.memory_space<vmem>> -> memref<128xi32, #tpu.memory_space<vmem>>
    %dma_start3A_546 = arith.constant 0 : i32
    %dma_start3A_547 = arith.constant 0 : i32
    %dma_start3A_548 = tpu.memref_slice %arg7[%dma_start3A_546, %dma_start3A_547] : memref<8192x64xf32, #tpu.memory_space<vmem_shared>> -> memref<8192x64xf32, #tpu.memory_space<vmem_shared>>
    tpu.enqueue_indirect_dma source(%dma_start3A_548 : memref<8192x64xf32, #tpu.memory_space<vmem_shared>>) target(%dma_start3A_542 : memref<128x64xf32, #tpu.memory_space<vmem>>) offsets(%dma_start3A_545 : memref<128xi32, #tpu.memory_space<vmem>>) semaphore(%arg8 : memref<!tpu.dma_semaphore, #tpu.memory_space<semaphore_mem>>)
    %dma_start3A_549 = arith.constant 17 : i32
    %dma_start3A_550 = arith.constant 0 : i32
    %dma_start3A_551 = arith.constant 128 : i32
    %dma_start3A_552 = arith.constant 0 : i32
    %dma_start3A_553 = tpu.memref_slice %arg6[%dma_start3A_550, %dma_start3A_551, %dma_start3A_552] : memref<4x256x64xf32, #tpu.memory_space<vmem>> -> memref<1x128x64xf32, #tpu.memory_space<vmem>>
    %dma_start3A_554 = tpu.memref_squeeze %dma_start3A_553 : memref<1x128x64xf32, #tpu.memory_space<vmem>> -> memref<128x64xf32, #tpu.memory_space<vmem>>
    %dma_start3A_555 = arith.constant 0 : i32
    %dma_start3A_556 = tpu.memref_slice %arg5[%dma_start3A_549, %dma_start3A_555] : memref<64x128xi32, #tpu.memory_space<vmem>> -> memref<1x128xi32, #tpu.memory_space<vmem>>
    %dma_start3A_557 = tpu.memref_squeeze %dma_start3A_556 : memref<1x128xi32, #tpu.memory_space<vmem>> -> memref<128xi32, #tpu.memory_space<vmem>>
    %dma_start3A_558 = arith.constant 0 : i32
    %dma_start3A_559 = arith.constant 0 : i32
    %dma_start3A_560 = tpu.memref_slice %arg7[%dma_start3A_558, %dma_start3A_559] : memref<8192x64xf32, #tpu.memory_space<vmem_shared>> -> memref<8192x64xf32, #tpu.memory_space<vmem_shared>>
    tpu.enqueue_indirect_dma source(%dma_start3A_560 : memref<8192x64xf32, #tpu.memory_space<vmem_shared>>) target(%dma_start3A_554 : memref<128x64xf32, #tpu.memory_space<vmem>>) offsets(%dma_start3A_557 : memref<128xi32, #tpu.memory_space<vmem>>) semaphore(%arg8 : memref<!tpu.dma_semaphore, #tpu.memory_space<semaphore_mem>>)
    %dma_wait3A_561 = arith.constant 12 : i32
    %dma_wait3A_562 = arith.constant 2 : i32
    %dma_wait3A_563 = arith.constant 0 : i32
    %dma_wait3A_564 = arith.constant 0 : i32
    %dma_wait3A_565 = tpu.memref_slice %arg6[%dma_wait3A_562, %dma_wait3A_563, %dma_wait3A_564] : memref<4x256x64xf32, #tpu.memory_space<vmem>> -> memref<1x128x64xf32, #tpu.memory_space<vmem>>
    %dma_wait3A_566 = tpu.memref_squeeze %dma_wait3A_565 : memref<1x128x64xf32, #tpu.memory_space<vmem>> -> memref<128x64xf32, #tpu.memory_space<vmem>>
    %dma_wait3A_567 = arith.constant 0 : i32
    %dma_wait3A_568 = tpu.memref_slice %arg5[%dma_wait3A_561, %dma_wait3A_567] : memref<64x128xi32, #tpu.memory_space<vmem>> -> memref<1x128xi32, #tpu.memory_space<vmem>>
    %dma_wait3A_569 = tpu.memref_squeeze %dma_wait3A_568 : memref<1x128xi32, #tpu.memory_space<vmem>> -> memref<128xi32, #tpu.memory_space<vmem>>
    %dma_wait3A_570 = arith.constant 0 : i32
    %dma_wait3A_571 = arith.constant 0 : i32
    %dma_wait3A_572 = tpu.memref_slice %arg7[%dma_wait3A_570, %dma_wait3A_571] : memref<8192x64xf32, #tpu.memory_space<vmem_shared>> -> memref<8192x64xf32, #tpu.memory_space<vmem_shared>>
    tpu.wait_indirect_dma semaphore(%arg10 : memref<!tpu.dma_semaphore, #tpu.memory_space<semaphore_mem>>) src(%dma_wait3A_572 : memref<8192x64xf32, #tpu.memory_space<vmem_shared>>) dst(%dma_wait3A_566 : memref<128x64xf32, #tpu.memory_space<vmem>>)
    %dma_wait3A_573 = arith.constant 13 : i32
    %dma_wait3A_574 = arith.constant 2 : i32
    %dma_wait3A_575 = arith.constant 128 : i32
    %dma_wait3A_576 = arith.constant 0 : i32
    %dma_wait3A_577 = tpu.memref_slice %arg6[%dma_wait3A_574, %dma_wait3A_575, %dma_wait3A_576] : memref<4x256x64xf32, #tpu.memory_space<vmem>> -> memref<1x128x64xf32, #tpu.memory_space<vmem>>
    %dma_wait3A_578 = tpu.memref_squeeze %dma_wait3A_577 : memref<1x128x64xf32, #tpu.memory_space<vmem>> -> memref<128x64xf32, #tpu.memory_space<vmem>>
    %dma_wait3A_579 = arith.constant 0 : i32
    %dma_wait3A_580 = tpu.memref_slice %arg5[%dma_wait3A_573, %dma_wait3A_579] : memref<64x128xi32, #tpu.memory_space<vmem>> -> memref<1x128xi32, #tpu.memory_space<vmem>>
    %dma_wait3A_581 = tpu.memref_squeeze %dma_wait3A_580 : memref<1x128xi32, #tpu.memory_space<vmem>> -> memref<128xi32, #tpu.memory_space<vmem>>
    %dma_wait3A_582 = arith.constant 0 : i32
    %dma_wait3A_583 = arith.constant 0 : i32
    %dma_wait3A_584 = tpu.memref_slice %arg7[%dma_wait3A_582, %dma_wait3A_583] : memref<8192x64xf32, #tpu.memory_space<vmem_shared>> -> memref<8192x64xf32, #tpu.memory_space<vmem_shared>>
    tpu.wait_indirect_dma semaphore(%arg10 : memref<!tpu.dma_semaphore, #tpu.memory_space<semaphore_mem>>) src(%dma_wait3A_584 : memref<8192x64xf32, #tpu.memory_space<vmem_shared>>) dst(%dma_wait3A_578 : memref<128x64xf32, #tpu.memory_space<vmem>>)
    %dma_start3A_585 = arith.constant 2 : i32
    %dma_start3A_586 = arith.constant 6 : i32
    %dma_start3A_587 = arith.constant 0 : i32
    %dma_start3A_588 = arith.constant 0 : i32
    %dma_start3A_589 = tpu.memref_slice %arg6[%dma_start3A_585, %dma_start3A_587, %dma_start3A_588] : memref<4x256x64xf32, #tpu.memory_space<vmem>> -> memref<1x256x64xf32, #tpu.memory_space<vmem>>
    %dma_start3A_590 = tpu.memref_squeeze %dma_start3A_589 : memref<1x256x64xf32, #tpu.memory_space<vmem>> -> memref<256x64xf32, #tpu.memory_space<vmem>>
    %dma_start3A_591 = arith.constant 0 : i32
    %dma_start3A_592 = arith.constant 0 : i32
    %dma_start3A_593 = tpu.memref_slice %arg4[%add3A, %dma_start3A_586, %dma_start3A_591, %dma_start3A_592] : memref<32x32x256x64xf32, #tpu.memory_space<hbm>> -> memref<1x1x256x64xf32, #tpu.memory_space<hbm>>
    %dma_start3A_594 = tpu.memref_squeeze %dma_start3A_593 : memref<1x1x256x64xf32, #tpu.memory_space<hbm>> -> memref<256x64xf32, #tpu.memory_space<hbm>>
    %dma_start3A_595 = arith.constant 0 : i32
    %dma_start3A_596 = arith.constant 0 : i32
    %dma_start3A_597 = tpu.memref_slice %arg4[%add3A, %dma_start3A_586, %dma_start3A_595, %dma_start3A_596] : memref<32x32x256x64xf32, #tpu.memory_space<hbm>> -> memref<1x1x256x64xf32, #tpu.memory_space<hbm>>
    %dma_start3A_598 = tpu.memref_squeeze %dma_start3A_597 : memref<1x1x256x64xf32, #tpu.memory_space<hbm>> -> memref<256x64xf32, #tpu.memory_space<hbm>>
    %dma_start3A_599 = arith.constant 0 : i32
    %dma_start3A_600 = arith.constant 0 : i32
    %dma_start3A_601 = tpu.memref_slice %arg6[%dma_start3A_585, %dma_start3A_599, %dma_start3A_600] : memref<4x256x64xf32, #tpu.memory_space<vmem>> -> memref<1x256x64xf32, #tpu.memory_space<vmem>>
    %dma_start3A_602 = tpu.memref_squeeze %dma_start3A_601 : memref<1x256x64xf32, #tpu.memory_space<vmem>> -> memref<256x64xf32, #tpu.memory_space<vmem>>
    tpu.enqueue_dma source(%dma_start3A_602 : memref<256x64xf32, #tpu.memory_space<vmem>>) target(%dma_start3A_598 : memref<256x64xf32, #tpu.memory_space<hbm>>) target_semaphore(%arg14 : memref<!tpu.dma_semaphore, #tpu.memory_space<semaphore_mem>>)
    %dma_wait3A_603 = arith.constant 1 : i32
    %dma_wait3A_604 = arith.constant 5 : i32
    %dma_wait3A_605 = arith.constant 0 : i32
    %dma_wait3A_606 = arith.constant 0 : i32
    %dma_wait3A_607 = tpu.memref_slice %arg6[%dma_wait3A_603, %dma_wait3A_605, %dma_wait3A_606] : memref<4x256x64xf32, #tpu.memory_space<vmem>> -> memref<1x256x64xf32, #tpu.memory_space<vmem>>
    %dma_wait3A_608 = tpu.memref_squeeze %dma_wait3A_607 : memref<1x256x64xf32, #tpu.memory_space<vmem>> -> memref<256x64xf32, #tpu.memory_space<vmem>>
    %dma_wait3A_609 = arith.constant 0 : i32
    %dma_wait3A_610 = arith.constant 0 : i32
    %dma_wait3A_611 = tpu.memref_slice %arg4[%add3A, %dma_wait3A_604, %dma_wait3A_609, %dma_wait3A_610] : memref<32x32x256x64xf32, #tpu.memory_space<hbm>> -> memref<1x1x256x64xf32, #tpu.memory_space<hbm>>
    %dma_wait3A_612 = tpu.memref_squeeze %dma_wait3A_611 : memref<1x1x256x64xf32, #tpu.memory_space<hbm>> -> memref<256x64xf32, #tpu.memory_space<hbm>>
    %dma_wait3A_613 = arith.constant 0 : i32
    %dma_wait3A_614 = arith.constant 0 : i32
    %dma_wait3A_615 = tpu.memref_slice %arg4[%add3A, %dma_wait3A_604, %dma_wait3A_613, %dma_wait3A_614] : memref<32x32x256x64xf32, #tpu.memory_space<hbm>> -> memref<1x1x256x64xf32, #tpu.memory_space<hbm>>
    %dma_wait3A_616 = tpu.memref_squeeze %dma_wait3A_615 : memref<1x1x256x64xf32, #tpu.memory_space<hbm>> -> memref<256x64xf32, #tpu.memory_space<hbm>>
    %dma_wait3A_617 = arith.constant 0 : i32
    %dma_wait3A_618 = arith.constant 0 : i32
    %dma_wait3A_619 = tpu.memref_slice %arg6[%dma_wait3A_603, %dma_wait3A_617, %dma_wait3A_618] : memref<4x256x64xf32, #tpu.memory_space<vmem>> -> memref<1x256x64xf32, #tpu.memory_space<vmem>>
    %dma_wait3A_620 = tpu.memref_squeeze %dma_wait3A_619 : memref<1x256x64xf32, #tpu.memory_space<vmem>> -> memref<256x64xf32, #tpu.memory_space<vmem>>
    tpu.wait_dma2 semaphore(%arg13 : memref<!tpu.dma_semaphore, #tpu.memory_space<semaphore_mem>>) src(%dma_wait3A_620 : memref<256x64xf32, #tpu.memory_space<vmem>>) dst(%dma_wait3A_616 : memref<256x64xf32, #tpu.memory_space<hbm>>)
    %dma_start3A_621 = arith.constant 18 : i32
    %dma_start3A_622 = arith.constant 1 : i32
    %dma_start3A_623 = arith.constant 0 : i32
    %dma_start3A_624 = arith.constant 0 : i32
    %dma_start3A_625 = tpu.memref_slice %arg6[%dma_start3A_622, %dma_start3A_623, %dma_start3A_624] : memref<4x256x64xf32, #tpu.memory_space<vmem>> -> memref<1x128x64xf32, #tpu.memory_space<vmem>>
    %dma_start3A_626 = tpu.memref_squeeze %dma_start3A_625 : memref<1x128x64xf32, #tpu.memory_space<vmem>> -> memref<128x64xf32, #tpu.memory_space<vmem>>
    %dma_start3A_627 = arith.constant 0 : i32
    %dma_start3A_628 = tpu.memref_slice %arg5[%dma_start3A_621, %dma_start3A_627] : memref<64x128xi32, #tpu.memory_space<vmem>> -> memref<1x128xi32, #tpu.memory_space<vmem>>
    %dma_start3A_629 = tpu.memref_squeeze %dma_start3A_628 : memref<1x128xi32, #tpu.memory_space<vmem>> -> memref<128xi32, #tpu.memory_space<vmem>>
    %dma_start3A_630 = arith.constant 0 : i32
    %dma_start3A_631 = arith.constant 0 : i32
    %dma_start3A_632 = tpu.memref_slice %arg7[%dma_start3A_630, %dma_start3A_631] : memref<8192x64xf32, #tpu.memory_space<vmem_shared>> -> memref<8192x64xf32, #tpu.memory_space<vmem_shared>>
    tpu.enqueue_indirect_dma source(%dma_start3A_632 : memref<8192x64xf32, #tpu.memory_space<vmem_shared>>) target(%dma_start3A_626 : memref<128x64xf32, #tpu.memory_space<vmem>>) offsets(%dma_start3A_629 : memref<128xi32, #tpu.memory_space<vmem>>) semaphore(%arg9 : memref<!tpu.dma_semaphore, #tpu.memory_space<semaphore_mem>>)
    %dma_start3A_633 = arith.constant 19 : i32
    %dma_start3A_634 = arith.constant 1 : i32
    %dma_start3A_635 = arith.constant 128 : i32
    %dma_start3A_636 = arith.constant 0 : i32
    %dma_start3A_637 = tpu.memref_slice %arg6[%dma_start3A_634, %dma_start3A_635, %dma_start3A_636] : memref<4x256x64xf32, #tpu.memory_space<vmem>> -> memref<1x128x64xf32, #tpu.memory_space<vmem>>
    %dma_start3A_638 = tpu.memref_squeeze %dma_start3A_637 : memref<1x128x64xf32, #tpu.memory_space<vmem>> -> memref<128x64xf32, #tpu.memory_space<vmem>>
    %dma_start3A_639 = arith.constant 0 : i32
    %dma_start3A_640 = tpu.memref_slice %arg5[%dma_start3A_633, %dma_start3A_639] : memref<64x128xi32, #tpu.memory_space<vmem>> -> memref<1x128xi32, #tpu.memory_space<vmem>>
    %dma_start3A_641 = tpu.memref_squeeze %dma_start3A_640 : memref<1x128xi32, #tpu.memory_space<vmem>> -> memref<128xi32, #tpu.memory_space<vmem>>
    %dma_start3A_642 = arith.constant 0 : i32
    %dma_start3A_643 = arith.constant 0 : i32
    %dma_start3A_644 = tpu.memref_slice %arg7[%dma_start3A_642, %dma_start3A_643] : memref<8192x64xf32, #tpu.memory_space<vmem_shared>> -> memref<8192x64xf32, #tpu.memory_space<vmem_shared>>
    tpu.enqueue_indirect_dma source(%dma_start3A_644 : memref<8192x64xf32, #tpu.memory_space<vmem_shared>>) target(%dma_start3A_638 : memref<128x64xf32, #tpu.memory_space<vmem>>) offsets(%dma_start3A_641 : memref<128xi32, #tpu.memory_space<vmem>>) semaphore(%arg9 : memref<!tpu.dma_semaphore, #tpu.memory_space<semaphore_mem>>)
    %dma_wait3A_645 = arith.constant 14 : i32
    %dma_wait3A_646 = arith.constant 3 : i32
    %dma_wait3A_647 = arith.constant 0 : i32
    %dma_wait3A_648 = arith.constant 0 : i32
    %dma_wait3A_649 = tpu.memref_slice %arg6[%dma_wait3A_646, %dma_wait3A_647, %dma_wait3A_648] : memref<4x256x64xf32, #tpu.memory_space<vmem>> -> memref<1x128x64xf32, #tpu.memory_space<vmem>>
    %dma_wait3A_650 = tpu.memref_squeeze %dma_wait3A_649 : memref<1x128x64xf32, #tpu.memory_space<vmem>> -> memref<128x64xf32, #tpu.memory_space<vmem>>
    %dma_wait3A_651 = arith.constant 0 : i32
    %dma_wait3A_652 = tpu.memref_slice %arg5[%dma_wait3A_645, %dma_wait3A_651] : memref<64x128xi32, #tpu.memory_space<vmem>> -> memref<1x128xi32, #tpu.memory_space<vmem>>
    %dma_wait3A_653 = tpu.memref_squeeze %dma_wait3A_652 : memref<1x128xi32, #tpu.memory_space<vmem>> -> memref<128xi32, #tpu.memory_space<vmem>>
    %dma_wait3A_654 = arith.constant 0 : i32
    %dma_wait3A_655 = arith.constant 0 : i32
    %dma_wait3A_656 = tpu.memref_slice %arg7[%dma_wait3A_654, %dma_wait3A_655] : memref<8192x64xf32, #tpu.memory_space<vmem_shared>> -> memref<8192x64xf32, #tpu.memory_space<vmem_shared>>
    tpu.wait_indirect_dma semaphore(%arg11 : memref<!tpu.dma_semaphore, #tpu.memory_space<semaphore_mem>>) src(%dma_wait3A_656 : memref<8192x64xf32, #tpu.memory_space<vmem_shared>>) dst(%dma_wait3A_650 : memref<128x64xf32, #tpu.memory_space<vmem>>)
    %dma_wait3A_657 = arith.constant 15 : i32
    %dma_wait3A_658 = arith.constant 3 : i32
    %dma_wait3A_659 = arith.constant 128 : i32
    %dma_wait3A_660 = arith.constant 0 : i32
    %dma_wait3A_661 = tpu.memref_slice %arg6[%dma_wait3A_658, %dma_wait3A_659, %dma_wait3A_660] : memref<4x256x64xf32, #tpu.memory_space<vmem>> -> memref<1x128x64xf32, #tpu.memory_space<vmem>>
    %dma_wait3A_662 = tpu.memref_squeeze %dma_wait3A_661 : memref<1x128x64xf32, #tpu.memory_space<vmem>> -> memref<128x64xf32, #tpu.memory_space<vmem>>
    %dma_wait3A_663 = arith.constant 0 : i32
    %dma_wait3A_664 = tpu.memref_slice %arg5[%dma_wait3A_657, %dma_wait3A_663] : memref<64x128xi32, #tpu.memory_space<vmem>> -> memref<1x128xi32, #tpu.memory_space<vmem>>
    %dma_wait3A_665 = tpu.memref_squeeze %dma_wait3A_664 : memref<1x128xi32, #tpu.memory_space<vmem>> -> memref<128xi32, #tpu.memory_space<vmem>>
    %dma_wait3A_666 = arith.constant 0 : i32
    %dma_wait3A_667 = arith.constant 0 : i32
    %dma_wait3A_668 = tpu.memref_slice %arg7[%dma_wait3A_666, %dma_wait3A_667] : memref<8192x64xf32, #tpu.memory_space<vmem_shared>> -> memref<8192x64xf32, #tpu.memory_space<vmem_shared>>
    tpu.wait_indirect_dma semaphore(%arg11 : memref<!tpu.dma_semaphore, #tpu.memory_space<semaphore_mem>>) src(%dma_wait3A_668 : memref<8192x64xf32, #tpu.memory_space<vmem_shared>>) dst(%dma_wait3A_662 : memref<128x64xf32, #tpu.memory_space<vmem>>)
    %dma_start3A_669 = arith.constant 3 : i32
    %dma_start3A_670 = arith.constant 7 : i32
    %dma_start3A_671 = arith.constant 0 : i32
    %dma_start3A_672 = arith.constant 0 : i32
    %dma_start3A_673 = tpu.memref_slice %arg6[%dma_start3A_669, %dma_start3A_671, %dma_start3A_672] : memref<4x256x64xf32, #tpu.memory_space<vmem>> -> memref<1x256x64xf32, #tpu.memory_space<vmem>>
    %dma_start3A_674 = tpu.memref_squeeze %dma_start3A_673 : memref<1x256x64xf32, #tpu.memory_space<vmem>> -> memref<256x64xf32, #tpu.memory_space<vmem>>
    %dma_start3A_675 = arith.constant 0 : i32
    %dma_start3A_676 = arith.constant 0 : i32
    %dma_start3A_677 = tpu.memref_slice %arg4[%add3A, %dma_start3A_670, %dma_start3A_675, %dma_start3A_676] : memref<32x32x256x64xf32, #tpu.memory_space<hbm>> -> memref<1x1x256x64xf32, #tpu.memory_space<hbm>>
    %dma_start3A_678 = tpu.memref_squeeze %dma_start3A_677 : memref<1x1x256x64xf32, #tpu.memory_space<hbm>> -> memref<256x64xf32, #tpu.memory_space<hbm>>
    %dma_start3A_679 = arith.constant 0 : i32
    %dma_start3A_680 = arith.constant 0 : i32
    %dma_start3A_681 = tpu.memref_slice %arg4[%add3A, %dma_start3A_670, %dma_start3A_679, %dma_start3A_680] : memref<32x32x256x64xf32, #tpu.memory_space<hbm>> -> memref<1x1x256x64xf32, #tpu.memory_space<hbm>>
    %dma_start3A_682 = tpu.memref_squeeze %dma_start3A_681 : memref<1x1x256x64xf32, #tpu.memory_space<hbm>> -> memref<256x64xf32, #tpu.memory_space<hbm>>
    %dma_start3A_683 = arith.constant 0 : i32
    %dma_start3A_684 = arith.constant 0 : i32
    %dma_start3A_685 = tpu.memref_slice %arg6[%dma_start3A_669, %dma_start3A_683, %dma_start3A_684] : memref<4x256x64xf32, #tpu.memory_space<vmem>> -> memref<1x256x64xf32, #tpu.memory_space<vmem>>
    %dma_start3A_686 = tpu.memref_squeeze %dma_start3A_685 : memref<1x256x64xf32, #tpu.memory_space<vmem>> -> memref<256x64xf32, #tpu.memory_space<vmem>>
    tpu.enqueue_dma source(%dma_start3A_686 : memref<256x64xf32, #tpu.memory_space<vmem>>) target(%dma_start3A_682 : memref<256x64xf32, #tpu.memory_space<hbm>>) target_semaphore(%arg15 : memref<!tpu.dma_semaphore, #tpu.memory_space<semaphore_mem>>)
    %dma_wait3A_687 = arith.constant 2 : i32
    %dma_wait3A_688 = arith.constant 6 : i32
    %dma_wait3A_689 = arith.constant 0 : i32
    %dma_wait3A_690 = arith.constant 0 : i32
    %dma_wait3A_691 = tpu.memref_slice %arg6[%dma_wait3A_687, %dma_wait3A_689, %dma_wait3A_690] : memref<4x256x64xf32, #tpu.memory_space<vmem>> -> memref<1x256x64xf32, #tpu.memory_space<vmem>>
    %dma_wait3A_692 = tpu.memref_squeeze %dma_wait3A_691 : memref<1x256x64xf32, #tpu.memory_space<vmem>> -> memref<256x64xf32, #tpu.memory_space<vmem>>
    %dma_wait3A_693 = arith.constant 0 : i32
    %dma_wait3A_694 = arith.constant 0 : i32
    %dma_wait3A_695 = tpu.memref_slice %arg4[%add3A, %dma_wait3A_688, %dma_wait3A_693, %dma_wait3A_694] : memref<32x32x256x64xf32, #tpu.memory_space<hbm>> -> memref<1x1x256x64xf32, #tpu.memory_space<hbm>>
    %dma_wait3A_696 = tpu.memref_squeeze %dma_wait3A_695 : memref<1x1x256x64xf32, #tpu.memory_space<hbm>> -> memref<256x64xf32, #tpu.memory_space<hbm>>
    %dma_wait3A_697 = arith.constant 0 : i32
    %dma_wait3A_698 = arith.constant 0 : i32
    %dma_wait3A_699 = tpu.memref_slice %arg4[%add3A, %dma_wait3A_688, %dma_wait3A_697, %dma_wait3A_698] : memref<32x32x256x64xf32, #tpu.memory_space<hbm>> -> memref<1x1x256x64xf32, #tpu.memory_space<hbm>>
    %dma_wait3A_700 = tpu.memref_squeeze %dma_wait3A_699 : memref<1x1x256x64xf32, #tpu.memory_space<hbm>> -> memref<256x64xf32, #tpu.memory_space<hbm>>
    %dma_wait3A_701 = arith.constant 0 : i32
    %dma_wait3A_702 = arith.constant 0 : i32
    %dma_wait3A_703 = tpu.memref_slice %arg6[%dma_wait3A_687, %dma_wait3A_701, %dma_wait3A_702] : memref<4x256x64xf32, #tpu.memory_space<vmem>> -> memref<1x256x64xf32, #tpu.memory_space<vmem>>
    %dma_wait3A_704 = tpu.memref_squeeze %dma_wait3A_703 : memref<1x256x64xf32, #tpu.memory_space<vmem>> -> memref<256x64xf32, #tpu.memory_space<vmem>>
    tpu.wait_dma2 semaphore(%arg14 : memref<!tpu.dma_semaphore, #tpu.memory_space<semaphore_mem>>) src(%dma_wait3A_704 : memref<256x64xf32, #tpu.memory_space<vmem>>) dst(%dma_wait3A_700 : memref<256x64xf32, #tpu.memory_space<hbm>>)
    %dma_start3A_705 = arith.constant 20 : i32
    %dma_start3A_706 = arith.constant 2 : i32
    %dma_start3A_707 = arith.constant 0 : i32
    %dma_start3A_708 = arith.constant 0 : i32
    %dma_start3A_709 = tpu.memref_slice %arg6[%dma_start3A_706, %dma_start3A_707, %dma_start3A_708] : memref<4x256x64xf32, #tpu.memory_space<vmem>> -> memref<1x128x64xf32, #tpu.memory_space<vmem>>
    %dma_start3A_710 = tpu.memref_squeeze %dma_start3A_709 : memref<1x128x64xf32, #tpu.memory_space<vmem>> -> memref<128x64xf32, #tpu.memory_space<vmem>>
    %dma_start3A_711 = arith.constant 0 : i32
    %dma_start3A_712 = tpu.memref_slice %arg5[%dma_start3A_705, %dma_start3A_711] : memref<64x128xi32, #tpu.memory_space<vmem>> -> memref<1x128xi32, #tpu.memory_space<vmem>>
    %dma_start3A_713 = tpu.memref_squeeze %dma_start3A_712 : memref<1x128xi32, #tpu.memory_space<vmem>> -> memref<128xi32, #tpu.memory_space<vmem>>
    %dma_start3A_714 = arith.constant 0 : i32
    %dma_start3A_715 = arith.constant 0 : i32
    %dma_start3A_716 = tpu.memref_slice %arg7[%dma_start3A_714, %dma_start3A_715] : memref<8192x64xf32, #tpu.memory_space<vmem_shared>> -> memref<8192x64xf32, #tpu.memory_space<vmem_shared>>
    tpu.enqueue_indirect_dma source(%dma_start3A_716 : memref<8192x64xf32, #tpu.memory_space<vmem_shared>>) target(%dma_start3A_710 : memref<128x64xf32, #tpu.memory_space<vmem>>) offsets(%dma_start3A_713 : memref<128xi32, #tpu.memory_space<vmem>>) semaphore(%arg10 : memref<!tpu.dma_semaphore, #tpu.memory_space<semaphore_mem>>)
    %dma_start3A_717 = arith.constant 21 : i32
    %dma_start3A_718 = arith.constant 2 : i32
    %dma_start3A_719 = arith.constant 128 : i32
    %dma_start3A_720 = arith.constant 0 : i32
    %dma_start3A_721 = tpu.memref_slice %arg6[%dma_start3A_718, %dma_start3A_719, %dma_start3A_720] : memref<4x256x64xf32, #tpu.memory_space<vmem>> -> memref<1x128x64xf32, #tpu.memory_space<vmem>>
    %dma_start3A_722 = tpu.memref_squeeze %dma_start3A_721 : memref<1x128x64xf32, #tpu.memory_space<vmem>> -> memref<128x64xf32, #tpu.memory_space<vmem>>
    %dma_start3A_723 = arith.constant 0 : i32
    %dma_start3A_724 = tpu.memref_slice %arg5[%dma_start3A_717, %dma_start3A_723] : memref<64x128xi32, #tpu.memory_space<vmem>> -> memref<1x128xi32, #tpu.memory_space<vmem>>
    %dma_start3A_725 = tpu.memref_squeeze %dma_start3A_724 : memref<1x128xi32, #tpu.memory_space<vmem>> -> memref<128xi32, #tpu.memory_space<vmem>>
    %dma_start3A_726 = arith.constant 0 : i32
    %dma_start3A_727 = arith.constant 0 : i32
    %dma_start3A_728 = tpu.memref_slice %arg7[%dma_start3A_726, %dma_start3A_727] : memref<8192x64xf32, #tpu.memory_space<vmem_shared>> -> memref<8192x64xf32, #tpu.memory_space<vmem_shared>>
    tpu.enqueue_indirect_dma source(%dma_start3A_728 : memref<8192x64xf32, #tpu.memory_space<vmem_shared>>) target(%dma_start3A_722 : memref<128x64xf32, #tpu.memory_space<vmem>>) offsets(%dma_start3A_725 : memref<128xi32, #tpu.memory_space<vmem>>) semaphore(%arg10 : memref<!tpu.dma_semaphore, #tpu.memory_space<semaphore_mem>>)
    %dma_wait3A_729 = arith.constant 16 : i32
    %dma_wait3A_730 = arith.constant 0 : i32
    %dma_wait3A_731 = arith.constant 0 : i32
    %dma_wait3A_732 = arith.constant 0 : i32
    %dma_wait3A_733 = tpu.memref_slice %arg6[%dma_wait3A_730, %dma_wait3A_731, %dma_wait3A_732] : memref<4x256x64xf32, #tpu.memory_space<vmem>> -> memref<1x128x64xf32, #tpu.memory_space<vmem>>
    %dma_wait3A_734 = tpu.memref_squeeze %dma_wait3A_733 : memref<1x128x64xf32, #tpu.memory_space<vmem>> -> memref<128x64xf32, #tpu.memory_space<vmem>>
    %dma_wait3A_735 = arith.constant 0 : i32
    %dma_wait3A_736 = tpu.memref_slice %arg5[%dma_wait3A_729, %dma_wait3A_735] : memref<64x128xi32, #tpu.memory_space<vmem>> -> memref<1x128xi32, #tpu.memory_space<vmem>>
    %dma_wait3A_737 = tpu.memref_squeeze %dma_wait3A_736 : memref<1x128xi32, #tpu.memory_space<vmem>> -> memref<128xi32, #tpu.memory_space<vmem>>
    %dma_wait3A_738 = arith.constant 0 : i32
    %dma_wait3A_739 = arith.constant 0 : i32
    %dma_wait3A_740 = tpu.memref_slice %arg7[%dma_wait3A_738, %dma_wait3A_739] : memref<8192x64xf32, #tpu.memory_space<vmem_shared>> -> memref<8192x64xf32, #tpu.memory_space<vmem_shared>>
    tpu.wait_indirect_dma semaphore(%arg8 : memref<!tpu.dma_semaphore, #tpu.memory_space<semaphore_mem>>) src(%dma_wait3A_740 : memref<8192x64xf32, #tpu.memory_space<vmem_shared>>) dst(%dma_wait3A_734 : memref<128x64xf32, #tpu.memory_space<vmem>>)
    %dma_wait3A_741 = arith.constant 17 : i32
    %dma_wait3A_742 = arith.constant 0 : i32
    %dma_wait3A_743 = arith.constant 128 : i32
    %dma_wait3A_744 = arith.constant 0 : i32
    %dma_wait3A_745 = tpu.memref_slice %arg6[%dma_wait3A_742, %dma_wait3A_743, %dma_wait3A_744] : memref<4x256x64xf32, #tpu.memory_space<vmem>> -> memref<1x128x64xf32, #tpu.memory_space<vmem>>
    %dma_wait3A_746 = tpu.memref_squeeze %dma_wait3A_745 : memref<1x128x64xf32, #tpu.memory_space<vmem>> -> memref<128x64xf32, #tpu.memory_space<vmem>>
    %dma_wait3A_747 = arith.constant 0 : i32
    %dma_wait3A_748 = tpu.memref_slice %arg5[%dma_wait3A_741, %dma_wait3A_747] : memref<64x128xi32, #tpu.memory_space<vmem>> -> memref<1x128xi32, #tpu.memory_space<vmem>>
    %dma_wait3A_749 = tpu.memref_squeeze %dma_wait3A_748 : memref<1x128xi32, #tpu.memory_space<vmem>> -> memref<128xi32, #tpu.memory_space<vmem>>
    %dma_wait3A_750 = arith.constant 0 : i32
    %dma_wait3A_751 = arith.constant 0 : i32
    %dma_wait3A_752 = tpu.memref_slice %arg7[%dma_wait3A_750, %dma_wait3A_751] : memref<8192x64xf32, #tpu.memory_space<vmem_shared>> -> memref<8192x64xf32, #tpu.memory_space<vmem_shared>>
    tpu.wait_indirect_dma semaphore(%arg8 : memref<!tpu.dma_semaphore, #tpu.memory_space<semaphore_mem>>) src(%dma_wait3A_752 : memref<8192x64xf32, #tpu.memory_space<vmem_shared>>) dst(%dma_wait3A_746 : memref<128x64xf32, #tpu.memory_space<vmem>>)
    %dma_start3A_753 = arith.constant 0 : i32
    %dma_start3A_754 = arith.constant 8 : i32
    %dma_start3A_755 = arith.constant 0 : i32
    %dma_start3A_756 = arith.constant 0 : i32
    %dma_start3A_757 = tpu.memref_slice %arg6[%dma_start3A_753, %dma_start3A_755, %dma_start3A_756] : memref<4x256x64xf32, #tpu.memory_space<vmem>> -> memref<1x256x64xf32, #tpu.memory_space<vmem>>
    %dma_start3A_758 = tpu.memref_squeeze %dma_start3A_757 : memref<1x256x64xf32, #tpu.memory_space<vmem>> -> memref<256x64xf32, #tpu.memory_space<vmem>>
    %dma_start3A_759 = arith.constant 0 : i32
    %dma_start3A_760 = arith.constant 0 : i32
    %dma_start3A_761 = tpu.memref_slice %arg4[%add3A, %dma_start3A_754, %dma_start3A_759, %dma_start3A_760] : memref<32x32x256x64xf32, #tpu.memory_space<hbm>> -> memref<1x1x256x64xf32, #tpu.memory_space<hbm>>
    %dma_start3A_762 = tpu.memref_squeeze %dma_start3A_761 : memref<1x1x256x64xf32, #tpu.memory_space<hbm>> -> memref<256x64xf32, #tpu.memory_space<hbm>>
    %dma_start3A_763 = arith.constant 0 : i32
    %dma_start3A_764 = arith.constant 0 : i32
    %dma_start3A_765 = tpu.memref_slice %arg4[%add3A, %dma_start3A_754, %dma_start3A_763, %dma_start3A_764] : memref<32x32x256x64xf32, #tpu.memory_space<hbm>> -> memref<1x1x256x64xf32, #tpu.memory_space<hbm>>
    %dma_start3A_766 = tpu.memref_squeeze %dma_start3A_765 : memref<1x1x256x64xf32, #tpu.memory_space<hbm>> -> memref<256x64xf32, #tpu.memory_space<hbm>>
    %dma_start3A_767 = arith.constant 0 : i32
    %dma_start3A_768 = arith.constant 0 : i32
    %dma_start3A_769 = tpu.memref_slice %arg6[%dma_start3A_753, %dma_start3A_767, %dma_start3A_768] : memref<4x256x64xf32, #tpu.memory_space<vmem>> -> memref<1x256x64xf32, #tpu.memory_space<vmem>>
    %dma_start3A_770 = tpu.memref_squeeze %dma_start3A_769 : memref<1x256x64xf32, #tpu.memory_space<vmem>> -> memref<256x64xf32, #tpu.memory_space<vmem>>
    tpu.enqueue_dma source(%dma_start3A_770 : memref<256x64xf32, #tpu.memory_space<vmem>>) target(%dma_start3A_766 : memref<256x64xf32, #tpu.memory_space<hbm>>) target_semaphore(%arg12 : memref<!tpu.dma_semaphore, #tpu.memory_space<semaphore_mem>>)
    %dma_wait3A_771 = arith.constant 3 : i32
    %dma_wait3A_772 = arith.constant 7 : i32
    %dma_wait3A_773 = arith.constant 0 : i32
    %dma_wait3A_774 = arith.constant 0 : i32
    %dma_wait3A_775 = tpu.memref_slice %arg6[%dma_wait3A_771, %dma_wait3A_773, %dma_wait3A_774] : memref<4x256x64xf32, #tpu.memory_space<vmem>> -> memref<1x256x64xf32, #tpu.memory_space<vmem>>
    %dma_wait3A_776 = tpu.memref_squeeze %dma_wait3A_775 : memref<1x256x64xf32, #tpu.memory_space<vmem>> -> memref<256x64xf32, #tpu.memory_space<vmem>>
    %dma_wait3A_777 = arith.constant 0 : i32
    %dma_wait3A_778 = arith.constant 0 : i32
    %dma_wait3A_779 = tpu.memref_slice %arg4[%add3A, %dma_wait3A_772, %dma_wait3A_777, %dma_wait3A_778] : memref<32x32x256x64xf32, #tpu.memory_space<hbm>> -> memref<1x1x256x64xf32, #tpu.memory_space<hbm>>
    %dma_wait3A_780 = tpu.memref_squeeze %dma_wait3A_779 : memref<1x1x256x64xf32, #tpu.memory_space<hbm>> -> memref<256x64xf32, #tpu.memory_space<hbm>>
    %dma_wait3A_781 = arith.constant 0 : i32
    %dma_wait3A_782 = arith.constant 0 : i32
    %dma_wait3A_783 = tpu.memref_slice %arg4[%add3A, %dma_wait3A_772, %dma_wait3A_781, %dma_wait3A_782] : memref<32x32x256x64xf32, #tpu.memory_space<hbm>> -> memref<1x1x256x64xf32, #tpu.memory_space<hbm>>
    %dma_wait3A_784 = tpu.memref_squeeze %dma_wait3A_783 : memref<1x1x256x64xf32, #tpu.memory_space<hbm>> -> memref<256x64xf32, #tpu.memory_space<hbm>>
    %dma_wait3A_785 = arith.constant 0 : i32
    %dma_wait3A_786 = arith.constant 0 : i32
    %dma_wait3A_787 = tpu.memref_slice %arg6[%dma_wait3A_771, %dma_wait3A_785, %dma_wait3A_786] : memref<4x256x64xf32, #tpu.memory_space<vmem>> -> memref<1x256x64xf32, #tpu.memory_space<vmem>>
    %dma_wait3A_788 = tpu.memref_squeeze %dma_wait3A_787 : memref<1x256x64xf32, #tpu.memory_space<vmem>> -> memref<256x64xf32, #tpu.memory_space<vmem>>
    tpu.wait_dma2 semaphore(%arg15 : memref<!tpu.dma_semaphore, #tpu.memory_space<semaphore_mem>>) src(%dma_wait3A_788 : memref<256x64xf32, #tpu.memory_space<vmem>>) dst(%dma_wait3A_784 : memref<256x64xf32, #tpu.memory_space<hbm>>)
    %dma_start3A_789 = arith.constant 22 : i32
    %dma_start3A_790 = arith.constant 3 : i32
    %dma_start3A_791 = arith.constant 0 : i32
    %dma_start3A_792 = arith.constant 0 : i32
    %dma_start3A_793 = tpu.memref_slice %arg6[%dma_start3A_790, %dma_start3A_791, %dma_start3A_792] : memref<4x256x64xf32, #tpu.memory_space<vmem>> -> memref<1x128x64xf32, #tpu.memory_space<vmem>>
    %dma_start3A_794 = tpu.memref_squeeze %dma_start3A_793 : memref<1x128x64xf32, #tpu.memory_space<vmem>> -> memref<128x64xf32, #tpu.memory_space<vmem>>
    %dma_start3A_795 = arith.constant 0 : i32
    %dma_start3A_796 = tpu.memref_slice %arg5[%dma_start3A_789, %dma_start3A_795] : memref<64x128xi32, #tpu.memory_space<vmem>> -> memref<1x128xi32, #tpu.memory_space<vmem>>
    %dma_start3A_797 = tpu.memref_squeeze %dma_start3A_796 : memref<1x128xi32, #tpu.memory_space<vmem>> -> memref<128xi32, #tpu.memory_space<vmem>>
    %dma_start3A_798 = arith.constant 0 : i32
    %dma_start3A_799 = arith.constant 0 : i32
    %dma_start3A_800 = tpu.memref_slice %arg7[%dma_start3A_798, %dma_start3A_799] : memref<8192x64xf32, #tpu.memory_space<vmem_shared>> -> memref<8192x64xf32, #tpu.memory_space<vmem_shared>>
    tpu.enqueue_indirect_dma source(%dma_start3A_800 : memref<8192x64xf32, #tpu.memory_space<vmem_shared>>) target(%dma_start3A_794 : memref<128x64xf32, #tpu.memory_space<vmem>>) offsets(%dma_start3A_797 : memref<128xi32, #tpu.memory_space<vmem>>) semaphore(%arg11 : memref<!tpu.dma_semaphore, #tpu.memory_space<semaphore_mem>>)
    %dma_start3A_801 = arith.constant 23 : i32
    %dma_start3A_802 = arith.constant 3 : i32
    %dma_start3A_803 = arith.constant 128 : i32
    %dma_start3A_804 = arith.constant 0 : i32
    %dma_start3A_805 = tpu.memref_slice %arg6[%dma_start3A_802, %dma_start3A_803, %dma_start3A_804] : memref<4x256x64xf32, #tpu.memory_space<vmem>> -> memref<1x128x64xf32, #tpu.memory_space<vmem>>
    %dma_start3A_806 = tpu.memref_squeeze %dma_start3A_805 : memref<1x128x64xf32, #tpu.memory_space<vmem>> -> memref<128x64xf32, #tpu.memory_space<vmem>>
    %dma_start3A_807 = arith.constant 0 : i32
    %dma_start3A_808 = tpu.memref_slice %arg5[%dma_start3A_801, %dma_start3A_807] : memref<64x128xi32, #tpu.memory_space<vmem>> -> memref<1x128xi32, #tpu.memory_space<vmem>>
    %dma_start3A_809 = tpu.memref_squeeze %dma_start3A_808 : memref<1x128xi32, #tpu.memory_space<vmem>> -> memref<128xi32, #tpu.memory_space<vmem>>
    %dma_start3A_810 = arith.constant 0 : i32
    %dma_start3A_811 = arith.constant 0 : i32
    %dma_start3A_812 = tpu.memref_slice %arg7[%dma_start3A_810, %dma_start3A_811] : memref<8192x64xf32, #tpu.memory_space<vmem_shared>> -> memref<8192x64xf32, #tpu.memory_space<vmem_shared>>
    tpu.enqueue_indirect_dma source(%dma_start3A_812 : memref<8192x64xf32, #tpu.memory_space<vmem_shared>>) target(%dma_start3A_806 : memref<128x64xf32, #tpu.memory_space<vmem>>) offsets(%dma_start3A_809 : memref<128xi32, #tpu.memory_space<vmem>>) semaphore(%arg11 : memref<!tpu.dma_semaphore, #tpu.memory_space<semaphore_mem>>)
    %dma_wait3A_813 = arith.constant 18 : i32
    %dma_wait3A_814 = arith.constant 1 : i32
    %dma_wait3A_815 = arith.constant 0 : i32
    %dma_wait3A_816 = arith.constant 0 : i32
    %dma_wait3A_817 = tpu.memref_slice %arg6[%dma_wait3A_814, %dma_wait3A_815, %dma_wait3A_816] : memref<4x256x64xf32, #tpu.memory_space<vmem>> -> memref<1x128x64xf32, #tpu.memory_space<vmem>>
    %dma_wait3A_818 = tpu.memref_squeeze %dma_wait3A_817 : memref<1x128x64xf32, #tpu.memory_space<vmem>> -> memref<128x64xf32, #tpu.memory_space<vmem>>
    %dma_wait3A_819 = arith.constant 0 : i32
    %dma_wait3A_820 = tpu.memref_slice %arg5[%dma_wait3A_813, %dma_wait3A_819] : memref<64x128xi32, #tpu.memory_space<vmem>> -> memref<1x128xi32, #tpu.memory_space<vmem>>
    %dma_wait3A_821 = tpu.memref_squeeze %dma_wait3A_820 : memref<1x128xi32, #tpu.memory_space<vmem>> -> memref<128xi32, #tpu.memory_space<vmem>>
    %dma_wait3A_822 = arith.constant 0 : i32
    %dma_wait3A_823 = arith.constant 0 : i32
    %dma_wait3A_824 = tpu.memref_slice %arg7[%dma_wait3A_822, %dma_wait3A_823] : memref<8192x64xf32, #tpu.memory_space<vmem_shared>> -> memref<8192x64xf32, #tpu.memory_space<vmem_shared>>
    tpu.wait_indirect_dma semaphore(%arg9 : memref<!tpu.dma_semaphore, #tpu.memory_space<semaphore_mem>>) src(%dma_wait3A_824 : memref<8192x64xf32, #tpu.memory_space<vmem_shared>>) dst(%dma_wait3A_818 : memref<128x64xf32, #tpu.memory_space<vmem>>)
    %dma_wait3A_825 = arith.constant 19 : i32
    %dma_wait3A_826 = arith.constant 1 : i32
    %dma_wait3A_827 = arith.constant 128 : i32
    %dma_wait3A_828 = arith.constant 0 : i32
    %dma_wait3A_829 = tpu.memref_slice %arg6[%dma_wait3A_826, %dma_wait3A_827, %dma_wait3A_828] : memref<4x256x64xf32, #tpu.memory_space<vmem>> -> memref<1x128x64xf32, #tpu.memory_space<vmem>>
    %dma_wait3A_830 = tpu.memref_squeeze %dma_wait3A_829 : memref<1x128x64xf32, #tpu.memory_space<vmem>> -> memref<128x64xf32, #tpu.memory_space<vmem>>
    %dma_wait3A_831 = arith.constant 0 : i32
    %dma_wait3A_832 = tpu.memref_slice %arg5[%dma_wait3A_825, %dma_wait3A_831] : memref<64x128xi32, #tpu.memory_space<vmem>> -> memref<1x128xi32, #tpu.memory_space<vmem>>
    %dma_wait3A_833 = tpu.memref_squeeze %dma_wait3A_832 : memref<1x128xi32, #tpu.memory_space<vmem>> -> memref<128xi32, #tpu.memory_space<vmem>>
    %dma_wait3A_834 = arith.constant 0 : i32
    %dma_wait3A_835 = arith.constant 0 : i32
    %dma_wait3A_836 = tpu.memref_slice %arg7[%dma_wait3A_834, %dma_wait3A_835] : memref<8192x64xf32, #tpu.memory_space<vmem_shared>> -> memref<8192x64xf32, #tpu.memory_space<vmem_shared>>
    tpu.wait_indirect_dma semaphore(%arg9 : memref<!tpu.dma_semaphore, #tpu.memory_space<semaphore_mem>>) src(%dma_wait3A_836 : memref<8192x64xf32, #tpu.memory_space<vmem_shared>>) dst(%dma_wait3A_830 : memref<128x64xf32, #tpu.memory_space<vmem>>)
    %dma_start3A_837 = arith.constant 1 : i32
    %dma_start3A_838 = arith.constant 9 : i32
    %dma_start3A_839 = arith.constant 0 : i32
    %dma_start3A_840 = arith.constant 0 : i32
    %dma_start3A_841 = tpu.memref_slice %arg6[%dma_start3A_837, %dma_start3A_839, %dma_start3A_840] : memref<4x256x64xf32, #tpu.memory_space<vmem>> -> memref<1x256x64xf32, #tpu.memory_space<vmem>>
    %dma_start3A_842 = tpu.memref_squeeze %dma_start3A_841 : memref<1x256x64xf32, #tpu.memory_space<vmem>> -> memref<256x64xf32, #tpu.memory_space<vmem>>
    %dma_start3A_843 = arith.constant 0 : i32
    %dma_start3A_844 = arith.constant 0 : i32
    %dma_start3A_845 = tpu.memref_slice %arg4[%add3A, %dma_start3A_838, %dma_start3A_843, %dma_start3A_844] : memref<32x32x256x64xf32, #tpu.memory_space<hbm>> -> memref<1x1x256x64xf32, #tpu.memory_space<hbm>>
    %dma_start3A_846 = tpu.memref_squeeze %dma_start3A_845 : memref<1x1x256x64xf32, #tpu.memory_space<hbm>> -> memref<256x64xf32, #tpu.memory_space<hbm>>
    %dma_start3A_847 = arith.constant 0 : i32
    %dma_start3A_848 = arith.constant 0 : i32
    %dma_start3A_849 = tpu.memref_slice %arg4[%add3A, %dma_start3A_838, %dma_start3A_847, %dma_start3A_848] : memref<32x32x256x64xf32, #tpu.memory_space<hbm>> -> memref<1x1x256x64xf32, #tpu.memory_space<hbm>>
    %dma_start3A_850 = tpu.memref_squeeze %dma_start3A_849 : memref<1x1x256x64xf32, #tpu.memory_space<hbm>> -> memref<256x64xf32, #tpu.memory_space<hbm>>
    %dma_start3A_851 = arith.constant 0 : i32
    %dma_start3A_852 = arith.constant 0 : i32
    %dma_start3A_853 = tpu.memref_slice %arg6[%dma_start3A_837, %dma_start3A_851, %dma_start3A_852] : memref<4x256x64xf32, #tpu.memory_space<vmem>> -> memref<1x256x64xf32, #tpu.memory_space<vmem>>
    %dma_start3A_854 = tpu.memref_squeeze %dma_start3A_853 : memref<1x256x64xf32, #tpu.memory_space<vmem>> -> memref<256x64xf32, #tpu.memory_space<vmem>>
    tpu.enqueue_dma source(%dma_start3A_854 : memref<256x64xf32, #tpu.memory_space<vmem>>) target(%dma_start3A_850 : memref<256x64xf32, #tpu.memory_space<hbm>>) target_semaphore(%arg13 : memref<!tpu.dma_semaphore, #tpu.memory_space<semaphore_mem>>)
    %dma_wait3A_855 = arith.constant 0 : i32
    %dma_wait3A_856 = arith.constant 8 : i32
    %dma_wait3A_857 = arith.constant 0 : i32
    %dma_wait3A_858 = arith.constant 0 : i32
    %dma_wait3A_859 = tpu.memref_slice %arg6[%dma_wait3A_855, %dma_wait3A_857, %dma_wait3A_858] : memref<4x256x64xf32, #tpu.memory_space<vmem>> -> memref<1x256x64xf32, #tpu.memory_space<vmem>>
    %dma_wait3A_860 = tpu.memref_squeeze %dma_wait3A_859 : memref<1x256x64xf32, #tpu.memory_space<vmem>> -> memref<256x64xf32, #tpu.memory_space<vmem>>
    %dma_wait3A_861 = arith.constant 0 : i32
    %dma_wait3A_862 = arith.constant 0 : i32
    %dma_wait3A_863 = tpu.memref_slice %arg4[%add3A, %dma_wait3A_856, %dma_wait3A_861, %dma_wait3A_862] : memref<32x32x256x64xf32, #tpu.memory_space<hbm>> -> memref<1x1x256x64xf32, #tpu.memory_space<hbm>>
    %dma_wait3A_864 = tpu.memref_squeeze %dma_wait3A_863 : memref<1x1x256x64xf32, #tpu.memory_space<hbm>> -> memref<256x64xf32, #tpu.memory_space<hbm>>
    %dma_wait3A_865 = arith.constant 0 : i32
    %dma_wait3A_866 = arith.constant 0 : i32
    %dma_wait3A_867 = tpu.memref_slice %arg4[%add3A, %dma_wait3A_856, %dma_wait3A_865, %dma_wait3A_866] : memref<32x32x256x64xf32, #tpu.memory_space<hbm>> -> memref<1x1x256x64xf32, #tpu.memory_space<hbm>>
    %dma_wait3A_868 = tpu.memref_squeeze %dma_wait3A_867 : memref<1x1x256x64xf32, #tpu.memory_space<hbm>> -> memref<256x64xf32, #tpu.memory_space<hbm>>
    %dma_wait3A_869 = arith.constant 0 : i32
    %dma_wait3A_870 = arith.constant 0 : i32
    %dma_wait3A_871 = tpu.memref_slice %arg6[%dma_wait3A_855, %dma_wait3A_869, %dma_wait3A_870] : memref<4x256x64xf32, #tpu.memory_space<vmem>> -> memref<1x256x64xf32, #tpu.memory_space<vmem>>
    %dma_wait3A_872 = tpu.memref_squeeze %dma_wait3A_871 : memref<1x256x64xf32, #tpu.memory_space<vmem>> -> memref<256x64xf32, #tpu.memory_space<vmem>>
    tpu.wait_dma2 semaphore(%arg12 : memref<!tpu.dma_semaphore, #tpu.memory_space<semaphore_mem>>) src(%dma_wait3A_872 : memref<256x64xf32, #tpu.memory_space<vmem>>) dst(%dma_wait3A_868 : memref<256x64xf32, #tpu.memory_space<hbm>>)
    %dma_start3A_873 = arith.constant 24 : i32
    %dma_start3A_874 = arith.constant 0 : i32
    %dma_start3A_875 = arith.constant 0 : i32
    %dma_start3A_876 = arith.constant 0 : i32
    %dma_start3A_877 = tpu.memref_slice %arg6[%dma_start3A_874, %dma_start3A_875, %dma_start3A_876] : memref<4x256x64xf32, #tpu.memory_space<vmem>> -> memref<1x128x64xf32, #tpu.memory_space<vmem>>
    %dma_start3A_878 = tpu.memref_squeeze %dma_start3A_877 : memref<1x128x64xf32, #tpu.memory_space<vmem>> -> memref<128x64xf32, #tpu.memory_space<vmem>>
    %dma_start3A_879 = arith.constant 0 : i32
    %dma_start3A_880 = tpu.memref_slice %arg5[%dma_start3A_873, %dma_start3A_879] : memref<64x128xi32, #tpu.memory_space<vmem>> -> memref<1x128xi32, #tpu.memory_space<vmem>>
    %dma_start3A_881 = tpu.memref_squeeze %dma_start3A_880 : memref<1x128xi32, #tpu.memory_space<vmem>> -> memref<128xi32, #tpu.memory_space<vmem>>
    %dma_start3A_882 = arith.constant 0 : i32
    %dma_start3A_883 = arith.constant 0 : i32
    %dma_start3A_884 = tpu.memref_slice %arg7[%dma_start3A_882, %dma_start3A_883] : memref<8192x64xf32, #tpu.memory_space<vmem_shared>> -> memref<8192x64xf32, #tpu.memory_space<vmem_shared>>
    tpu.enqueue_indirect_dma source(%dma_start3A_884 : memref<8192x64xf32, #tpu.memory_space<vmem_shared>>) target(%dma_start3A_878 : memref<128x64xf32, #tpu.memory_space<vmem>>) offsets(%dma_start3A_881 : memref<128xi32, #tpu.memory_space<vmem>>) semaphore(%arg8 : memref<!tpu.dma_semaphore, #tpu.memory_space<semaphore_mem>>)
    %dma_start3A_885 = arith.constant 25 : i32
    %dma_start3A_886 = arith.constant 0 : i32
    %dma_start3A_887 = arith.constant 128 : i32
    %dma_start3A_888 = arith.constant 0 : i32
    %dma_start3A_889 = tpu.memref_slice %arg6[%dma_start3A_886, %dma_start3A_887, %dma_start3A_888] : memref<4x256x64xf32, #tpu.memory_space<vmem>> -> memref<1x128x64xf32, #tpu.memory_space<vmem>>
    %dma_start3A_890 = tpu.memref_squeeze %dma_start3A_889 : memref<1x128x64xf32, #tpu.memory_space<vmem>> -> memref<128x64xf32, #tpu.memory_space<vmem>>
    %dma_start3A_891 = arith.constant 0 : i32
    %dma_start3A_892 = tpu.memref_slice %arg5[%dma_start3A_885, %dma_start3A_891] : memref<64x128xi32, #tpu.memory_space<vmem>> -> memref<1x128xi32, #tpu.memory_space<vmem>>
    %dma_start3A_893 = tpu.memref_squeeze %dma_start3A_892 : memref<1x128xi32, #tpu.memory_space<vmem>> -> memref<128xi32, #tpu.memory_space<vmem>>
    %dma_start3A_894 = arith.constant 0 : i32
    %dma_start3A_895 = arith.constant 0 : i32
    %dma_start3A_896 = tpu.memref_slice %arg7[%dma_start3A_894, %dma_start3A_895] : memref<8192x64xf32, #tpu.memory_space<vmem_shared>> -> memref<8192x64xf32, #tpu.memory_space<vmem_shared>>
    tpu.enqueue_indirect_dma source(%dma_start3A_896 : memref<8192x64xf32, #tpu.memory_space<vmem_shared>>) target(%dma_start3A_890 : memref<128x64xf32, #tpu.memory_space<vmem>>) offsets(%dma_start3A_893 : memref<128xi32, #tpu.memory_space<vmem>>) semaphore(%arg8 : memref<!tpu.dma_semaphore, #tpu.memory_space<semaphore_mem>>)
    %dma_wait3A_897 = arith.constant 20 : i32
    %dma_wait3A_898 = arith.constant 2 : i32
    %dma_wait3A_899 = arith.constant 0 : i32
    %dma_wait3A_900 = arith.constant 0 : i32
    %dma_wait3A_901 = tpu.memref_slice %arg6[%dma_wait3A_898, %dma_wait3A_899, %dma_wait3A_900] : memref<4x256x64xf32, #tpu.memory_space<vmem>> -> memref<1x128x64xf32, #tpu.memory_space<vmem>>
    %dma_wait3A_902 = tpu.memref_squeeze %dma_wait3A_901 : memref<1x128x64xf32, #tpu.memory_space<vmem>> -> memref<128x64xf32, #tpu.memory_space<vmem>>
    %dma_wait3A_903 = arith.constant 0 : i32
    %dma_wait3A_904 = tpu.memref_slice %arg5[%dma_wait3A_897, %dma_wait3A_903] : memref<64x128xi32, #tpu.memory_space<vmem>> -> memref<1x128xi32, #tpu.memory_space<vmem>>
    %dma_wait3A_905 = tpu.memref_squeeze %dma_wait3A_904 : memref<1x128xi32, #tpu.memory_space<vmem>> -> memref<128xi32, #tpu.memory_space<vmem>>
    %dma_wait3A_906 = arith.constant 0 : i32
    %dma_wait3A_907 = arith.constant 0 : i32
    %dma_wait3A_908 = tpu.memref_slice %arg7[%dma_wait3A_906, %dma_wait3A_907] : memref<8192x64xf32, #tpu.memory_space<vmem_shared>> -> memref<8192x64xf32, #tpu.memory_space<vmem_shared>>
    tpu.wait_indirect_dma semaphore(%arg10 : memref<!tpu.dma_semaphore, #tpu.memory_space<semaphore_mem>>) src(%dma_wait3A_908 : memref<8192x64xf32, #tpu.memory_space<vmem_shared>>) dst(%dma_wait3A_902 : memref<128x64xf32, #tpu.memory_space<vmem>>)
    %dma_wait3A_909 = arith.constant 21 : i32
    %dma_wait3A_910 = arith.constant 2 : i32
    %dma_wait3A_911 = arith.constant 128 : i32
    %dma_wait3A_912 = arith.constant 0 : i32
    %dma_wait3A_913 = tpu.memref_slice %arg6[%dma_wait3A_910, %dma_wait3A_911, %dma_wait3A_912] : memref<4x256x64xf32, #tpu.memory_space<vmem>> -> memref<1x128x64xf32, #tpu.memory_space<vmem>>
    %dma_wait3A_914 = tpu.memref_squeeze %dma_wait3A_913 : memref<1x128x64xf32, #tpu.memory_space<vmem>> -> memref<128x64xf32, #tpu.memory_space<vmem>>
    %dma_wait3A_915 = arith.constant 0 : i32
    %dma_wait3A_916 = tpu.memref_slice %arg5[%dma_wait3A_909, %dma_wait3A_915] : memref<64x128xi32, #tpu.memory_space<vmem>> -> memref<1x128xi32, #tpu.memory_space<vmem>>
    %dma_wait3A_917 = tpu.memref_squeeze %dma_wait3A_916 : memref<1x128xi32, #tpu.memory_space<vmem>> -> memref<128xi32, #tpu.memory_space<vmem>>
    %dma_wait3A_918 = arith.constant 0 : i32
    %dma_wait3A_919 = arith.constant 0 : i32
    %dma_wait3A_920 = tpu.memref_slice %arg7[%dma_wait3A_918, %dma_wait3A_919] : memref<8192x64xf32, #tpu.memory_space<vmem_shared>> -> memref<8192x64xf32, #tpu.memory_space<vmem_shared>>
    tpu.wait_indirect_dma semaphore(%arg10 : memref<!tpu.dma_semaphore, #tpu.memory_space<semaphore_mem>>) src(%dma_wait3A_920 : memref<8192x64xf32, #tpu.memory_space<vmem_shared>>) dst(%dma_wait3A_914 : memref<128x64xf32, #tpu.memory_space<vmem>>)
    %dma_start3A_921 = arith.constant 2 : i32
    %dma_start3A_922 = arith.constant 10 : i32
    %dma_start3A_923 = arith.constant 0 : i32
    %dma_start3A_924 = arith.constant 0 : i32
    %dma_start3A_925 = tpu.memref_slice %arg6[%dma_start3A_921, %dma_start3A_923, %dma_start3A_924] : memref<4x256x64xf32, #tpu.memory_space<vmem>> -> memref<1x256x64xf32, #tpu.memory_space<vmem>>
    %dma_start3A_926 = tpu.memref_squeeze %dma_start3A_925 : memref<1x256x64xf32, #tpu.memory_space<vmem>> -> memref<256x64xf32, #tpu.memory_space<vmem>>
    %dma_start3A_927 = arith.constant 0 : i32
    %dma_start3A_928 = arith.constant 0 : i32
    %dma_start3A_929 = tpu.memref_slice %arg4[%add3A, %dma_start3A_922, %dma_start3A_927, %dma_start3A_928] : memref<32x32x256x64xf32, #tpu.memory_space<hbm>> -> memref<1x1x256x64xf32, #tpu.memory_space<hbm>>
    %dma_start3A_930 = tpu.memref_squeeze %dma_start3A_929 : memref<1x1x256x64xf32, #tpu.memory_space<hbm>> -> memref<256x64xf32, #tpu.memory_space<hbm>>
    %dma_start3A_931 = arith.constant 0 : i32
    %dma_start3A_932 = arith.constant 0 : i32
    %dma_start3A_933 = tpu.memref_slice %arg4[%add3A, %dma_start3A_922, %dma_start3A_931, %dma_start3A_932] : memref<32x32x256x64xf32, #tpu.memory_space<hbm>> -> memref<1x1x256x64xf32, #tpu.memory_space<hbm>>
    %dma_start3A_934 = tpu.memref_squeeze %dma_start3A_933 : memref<1x1x256x64xf32, #tpu.memory_space<hbm>> -> memref<256x64xf32, #tpu.memory_space<hbm>>
    %dma_start3A_935 = arith.constant 0 : i32
    %dma_start3A_936 = arith.constant 0 : i32
    %dma_start3A_937 = tpu.memref_slice %arg6[%dma_start3A_921, %dma_start3A_935, %dma_start3A_936] : memref<4x256x64xf32, #tpu.memory_space<vmem>> -> memref<1x256x64xf32, #tpu.memory_space<vmem>>
    %dma_start3A_938 = tpu.memref_squeeze %dma_start3A_937 : memref<1x256x64xf32, #tpu.memory_space<vmem>> -> memref<256x64xf32, #tpu.memory_space<vmem>>
    tpu.enqueue_dma source(%dma_start3A_938 : memref<256x64xf32, #tpu.memory_space<vmem>>) target(%dma_start3A_934 : memref<256x64xf32, #tpu.memory_space<hbm>>) target_semaphore(%arg14 : memref<!tpu.dma_semaphore, #tpu.memory_space<semaphore_mem>>)
    %dma_wait3A_939 = arith.constant 1 : i32
    %dma_wait3A_940 = arith.constant 9 : i32
    %dma_wait3A_941 = arith.constant 0 : i32
    %dma_wait3A_942 = arith.constant 0 : i32
    %dma_wait3A_943 = tpu.memref_slice %arg6[%dma_wait3A_939, %dma_wait3A_941, %dma_wait3A_942] : memref<4x256x64xf32, #tpu.memory_space<vmem>> -> memref<1x256x64xf32, #tpu.memory_space<vmem>>
    %dma_wait3A_944 = tpu.memref_squeeze %dma_wait3A_943 : memref<1x256x64xf32, #tpu.memory_space<vmem>> -> memref<256x64xf32, #tpu.memory_space<vmem>>
    %dma_wait3A_945 = arith.constant 0 : i32
    %dma_wait3A_946 = arith.constant 0 : i32
    %dma_wait3A_947 = tpu.memref_slice %arg4[%add3A, %dma_wait3A_940, %dma_wait3A_945, %dma_wait3A_946] : memref<32x32x256x64xf32, #tpu.memory_space<hbm>> -> memref<1x1x256x64xf32, #tpu.memory_space<hbm>>
    %dma_wait3A_948 = tpu.memref_squeeze %dma_wait3A_947 : memref<1x1x256x64xf32, #tpu.memory_space<hbm>> -> memref<256x64xf32, #tpu.memory_space<hbm>>
    %dma_wait3A_949 = arith.constant 0 : i32
    %dma_wait3A_950 = arith.constant 0 : i32
    %dma_wait3A_951 = tpu.memref_slice %arg4[%add3A, %dma_wait3A_940, %dma_wait3A_949, %dma_wait3A_950] : memref<32x32x256x64xf32, #tpu.memory_space<hbm>> -> memref<1x1x256x64xf32, #tpu.memory_space<hbm>>
    %dma_wait3A_952 = tpu.memref_squeeze %dma_wait3A_951 : memref<1x1x256x64xf32, #tpu.memory_space<hbm>> -> memref<256x64xf32, #tpu.memory_space<hbm>>
    %dma_wait3A_953 = arith.constant 0 : i32
    %dma_wait3A_954 = arith.constant 0 : i32
    %dma_wait3A_955 = tpu.memref_slice %arg6[%dma_wait3A_939, %dma_wait3A_953, %dma_wait3A_954] : memref<4x256x64xf32, #tpu.memory_space<vmem>> -> memref<1x256x64xf32, #tpu.memory_space<vmem>>
    %dma_wait3A_956 = tpu.memref_squeeze %dma_wait3A_955 : memref<1x256x64xf32, #tpu.memory_space<vmem>> -> memref<256x64xf32, #tpu.memory_space<vmem>>
    tpu.wait_dma2 semaphore(%arg13 : memref<!tpu.dma_semaphore, #tpu.memory_space<semaphore_mem>>) src(%dma_wait3A_956 : memref<256x64xf32, #tpu.memory_space<vmem>>) dst(%dma_wait3A_952 : memref<256x64xf32, #tpu.memory_space<hbm>>)
    %dma_start3A_957 = arith.constant 26 : i32
    %dma_start3A_958 = arith.constant 1 : i32
    %dma_start3A_959 = arith.constant 0 : i32
    %dma_start3A_960 = arith.constant 0 : i32
    %dma_start3A_961 = tpu.memref_slice %arg6[%dma_start3A_958, %dma_start3A_959, %dma_start3A_960] : memref<4x256x64xf32, #tpu.memory_space<vmem>> -> memref<1x128x64xf32, #tpu.memory_space<vmem>>
    %dma_start3A_962 = tpu.memref_squeeze %dma_start3A_961 : memref<1x128x64xf32, #tpu.memory_space<vmem>> -> memref<128x64xf32, #tpu.memory_space<vmem>>
    %dma_start3A_963 = arith.constant 0 : i32
    %dma_start3A_964 = tpu.memref_slice %arg5[%dma_start3A_957, %dma_start3A_963] : memref<64x128xi32, #tpu.memory_space<vmem>> -> memref<1x128xi32, #tpu.memory_space<vmem>>
    %dma_start3A_965 = tpu.memref_squeeze %dma_start3A_964 : memref<1x128xi32, #tpu.memory_space<vmem>> -> memref<128xi32, #tpu.memory_space<vmem>>
    %dma_start3A_966 = arith.constant 0 : i32
    %dma_start3A_967 = arith.constant 0 : i32
    %dma_start3A_968 = tpu.memref_slice %arg7[%dma_start3A_966, %dma_start3A_967] : memref<8192x64xf32, #tpu.memory_space<vmem_shared>> -> memref<8192x64xf32, #tpu.memory_space<vmem_shared>>
    tpu.enqueue_indirect_dma source(%dma_start3A_968 : memref<8192x64xf32, #tpu.memory_space<vmem_shared>>) target(%dma_start3A_962 : memref<128x64xf32, #tpu.memory_space<vmem>>) offsets(%dma_start3A_965 : memref<128xi32, #tpu.memory_space<vmem>>) semaphore(%arg9 : memref<!tpu.dma_semaphore, #tpu.memory_space<semaphore_mem>>)
    %dma_start3A_969 = arith.constant 27 : i32
    %dma_start3A_970 = arith.constant 1 : i32
    %dma_start3A_971 = arith.constant 128 : i32
    %dma_start3A_972 = arith.constant 0 : i32
    %dma_start3A_973 = tpu.memref_slice %arg6[%dma_start3A_970, %dma_start3A_971, %dma_start3A_972] : memref<4x256x64xf32, #tpu.memory_space<vmem>> -> memref<1x128x64xf32, #tpu.memory_space<vmem>>
    %dma_start3A_974 = tpu.memref_squeeze %dma_start3A_973 : memref<1x128x64xf32, #tpu.memory_space<vmem>> -> memref<128x64xf32, #tpu.memory_space<vmem>>
    %dma_start3A_975 = arith.constant 0 : i32
    %dma_start3A_976 = tpu.memref_slice %arg5[%dma_start3A_969, %dma_start3A_975] : memref<64x128xi32, #tpu.memory_space<vmem>> -> memref<1x128xi32, #tpu.memory_space<vmem>>
    %dma_start3A_977 = tpu.memref_squeeze %dma_start3A_976 : memref<1x128xi32, #tpu.memory_space<vmem>> -> memref<128xi32, #tpu.memory_space<vmem>>
    %dma_start3A_978 = arith.constant 0 : i32
    %dma_start3A_979 = arith.constant 0 : i32
    %dma_start3A_980 = tpu.memref_slice %arg7[%dma_start3A_978, %dma_start3A_979] : memref<8192x64xf32, #tpu.memory_space<vmem_shared>> -> memref<8192x64xf32, #tpu.memory_space<vmem_shared>>
    tpu.enqueue_indirect_dma source(%dma_start3A_980 : memref<8192x64xf32, #tpu.memory_space<vmem_shared>>) target(%dma_start3A_974 : memref<128x64xf32, #tpu.memory_space<vmem>>) offsets(%dma_start3A_977 : memref<128xi32, #tpu.memory_space<vmem>>) semaphore(%arg9 : memref<!tpu.dma_semaphore, #tpu.memory_space<semaphore_mem>>)
    %dma_wait3A_981 = arith.constant 22 : i32
    %dma_wait3A_982 = arith.constant 3 : i32
    %dma_wait3A_983 = arith.constant 0 : i32
    %dma_wait3A_984 = arith.constant 0 : i32
    %dma_wait3A_985 = tpu.memref_slice %arg6[%dma_wait3A_982, %dma_wait3A_983, %dma_wait3A_984] : memref<4x256x64xf32, #tpu.memory_space<vmem>> -> memref<1x128x64xf32, #tpu.memory_space<vmem>>
    %dma_wait3A_986 = tpu.memref_squeeze %dma_wait3A_985 : memref<1x128x64xf32, #tpu.memory_space<vmem>> -> memref<128x64xf32, #tpu.memory_space<vmem>>
    %dma_wait3A_987 = arith.constant 0 : i32
    %dma_wait3A_988 = tpu.memref_slice %arg5[%dma_wait3A_981, %dma_wait3A_987] : memref<64x128xi32, #tpu.memory_space<vmem>> -> memref<1x128xi32, #tpu.memory_space<vmem>>
    %dma_wait3A_989 = tpu.memref_squeeze %dma_wait3A_988 : memref<1x128xi32, #tpu.memory_space<vmem>> -> memref<128xi32, #tpu.memory_space<vmem>>
    %dma_wait3A_990 = arith.constant 0 : i32
    %dma_wait3A_991 = arith.constant 0 : i32
    %dma_wait3A_992 = tpu.memref_slice %arg7[%dma_wait3A_990, %dma_wait3A_991] : memref<8192x64xf32, #tpu.memory_space<vmem_shared>> -> memref<8192x64xf32, #tpu.memory_space<vmem_shared>>
    tpu.wait_indirect_dma semaphore(%arg11 : memref<!tpu.dma_semaphore, #tpu.memory_space<semaphore_mem>>) src(%dma_wait3A_992 : memref<8192x64xf32, #tpu.memory_space<vmem_shared>>) dst(%dma_wait3A_986 : memref<128x64xf32, #tpu.memory_space<vmem>>)
    %dma_wait3A_993 = arith.constant 23 : i32
    %dma_wait3A_994 = arith.constant 3 : i32
    %dma_wait3A_995 = arith.constant 128 : i32
    %dma_wait3A_996 = arith.constant 0 : i32
    %dma_wait3A_997 = tpu.memref_slice %arg6[%dma_wait3A_994, %dma_wait3A_995, %dma_wait3A_996] : memref<4x256x64xf32, #tpu.memory_space<vmem>> -> memref<1x128x64xf32, #tpu.memory_space<vmem>>
    %dma_wait3A_998 = tpu.memref_squeeze %dma_wait3A_997 : memref<1x128x64xf32, #tpu.memory_space<vmem>> -> memref<128x64xf32, #tpu.memory_space<vmem>>
    %dma_wait3A_999 = arith.constant 0 : i32
    %dma_wait3A_1000 = tpu.memref_slice %arg5[%dma_wait3A_993, %dma_wait3A_999] : memref<64x128xi32, #tpu.memory_space<vmem>> -> memref<1x128xi32, #tpu.memory_space<vmem>>
    %dma_wait3A_1001 = tpu.memref_squeeze %dma_wait3A_1000 : memref<1x128xi32, #tpu.memory_space<vmem>> -> memref<128xi32, #tpu.memory_space<vmem>>
    %dma_wait3A_1002 = arith.constant 0 : i32
    %dma_wait3A_1003 = arith.constant 0 : i32
    %dma_wait3A_1004 = tpu.memref_slice %arg7[%dma_wait3A_1002, %dma_wait3A_1003] : memref<8192x64xf32, #tpu.memory_space<vmem_shared>> -> memref<8192x64xf32, #tpu.memory_space<vmem_shared>>
    tpu.wait_indirect_dma semaphore(%arg11 : memref<!tpu.dma_semaphore, #tpu.memory_space<semaphore_mem>>) src(%dma_wait3A_1004 : memref<8192x64xf32, #tpu.memory_space<vmem_shared>>) dst(%dma_wait3A_998 : memref<128x64xf32, #tpu.memory_space<vmem>>)
    %dma_start3A_1005 = arith.constant 3 : i32
    %dma_start3A_1006 = arith.constant 11 : i32
    %dma_start3A_1007 = arith.constant 0 : i32
    %dma_start3A_1008 = arith.constant 0 : i32
    %dma_start3A_1009 = tpu.memref_slice %arg6[%dma_start3A_1005, %dma_start3A_1007, %dma_start3A_1008] : memref<4x256x64xf32, #tpu.memory_space<vmem>> -> memref<1x256x64xf32, #tpu.memory_space<vmem>>
    %dma_start3A_1010 = tpu.memref_squeeze %dma_start3A_1009 : memref<1x256x64xf32, #tpu.memory_space<vmem>> -> memref<256x64xf32, #tpu.memory_space<vmem>>
    %dma_start3A_1011 = arith.constant 0 : i32
    %dma_start3A_1012 = arith.constant 0 : i32
    %dma_start3A_1013 = tpu.memref_slice %arg4[%add3A, %dma_start3A_1006, %dma_start3A_1011, %dma_start3A_1012] : memref<32x32x256x64xf32, #tpu.memory_space<hbm>> -> memref<1x1x256x64xf32, #tpu.memory_space<hbm>>
    %dma_start3A_1014 = tpu.memref_squeeze %dma_start3A_1013 : memref<1x1x256x64xf32, #tpu.memory_space<hbm>> -> memref<256x64xf32, #tpu.memory_space<hbm>>
    %dma_start3A_1015 = arith.constant 0 : i32
    %dma_start3A_1016 = arith.constant 0 : i32
    %dma_start3A_1017 = tpu.memref_slice %arg4[%add3A, %dma_start3A_1006, %dma_start3A_1015, %dma_start3A_1016] : memref<32x32x256x64xf32, #tpu.memory_space<hbm>> -> memref<1x1x256x64xf32, #tpu.memory_space<hbm>>
    %dma_start3A_1018 = tpu.memref_squeeze %dma_start3A_1017 : memref<1x1x256x64xf32, #tpu.memory_space<hbm>> -> memref<256x64xf32, #tpu.memory_space<hbm>>
    %dma_start3A_1019 = arith.constant 0 : i32
    %dma_start3A_1020 = arith.constant 0 : i32
    %dma_start3A_1021 = tpu.memref_slice %arg6[%dma_start3A_1005, %dma_start3A_1019, %dma_start3A_1020] : memref<4x256x64xf32, #tpu.memory_space<vmem>> -> memref<1x256x64xf32, #tpu.memory_space<vmem>>
    %dma_start3A_1022 = tpu.memref_squeeze %dma_start3A_1021 : memref<1x256x64xf32, #tpu.memory_space<vmem>> -> memref<256x64xf32, #tpu.memory_space<vmem>>
    tpu.enqueue_dma source(%dma_start3A_1022 : memref<256x64xf32, #tpu.memory_space<vmem>>) target(%dma_start3A_1018 : memref<256x64xf32, #tpu.memory_space<hbm>>) target_semaphore(%arg15 : memref<!tpu.dma_semaphore, #tpu.memory_space<semaphore_mem>>)
    %dma_wait3A_1023 = arith.constant 2 : i32
    %dma_wait3A_1024 = arith.constant 10 : i32
    %dma_wait3A_1025 = arith.constant 0 : i32
    %dma_wait3A_1026 = arith.constant 0 : i32
    %dma_wait3A_1027 = tpu.memref_slice %arg6[%dma_wait3A_1023, %dma_wait3A_1025, %dma_wait3A_1026] : memref<4x256x64xf32, #tpu.memory_space<vmem>> -> memref<1x256x64xf32, #tpu.memory_space<vmem>>
    %dma_wait3A_1028 = tpu.memref_squeeze %dma_wait3A_1027 : memref<1x256x64xf32, #tpu.memory_space<vmem>> -> memref<256x64xf32, #tpu.memory_space<vmem>>
    %dma_wait3A_1029 = arith.constant 0 : i32
    %dma_wait3A_1030 = arith.constant 0 : i32
    %dma_wait3A_1031 = tpu.memref_slice %arg4[%add3A, %dma_wait3A_1024, %dma_wait3A_1029, %dma_wait3A_1030] : memref<32x32x256x64xf32, #tpu.memory_space<hbm>> -> memref<1x1x256x64xf32, #tpu.memory_space<hbm>>
    %dma_wait3A_1032 = tpu.memref_squeeze %dma_wait3A_1031 : memref<1x1x256x64xf32, #tpu.memory_space<hbm>> -> memref<256x64xf32, #tpu.memory_space<hbm>>
    %dma_wait3A_1033 = arith.constant 0 : i32
    %dma_wait3A_1034 = arith.constant 0 : i32
    %dma_wait3A_1035 = tpu.memref_slice %arg4[%add3A, %dma_wait3A_1024, %dma_wait3A_1033, %dma_wait3A_1034] : memref<32x32x256x64xf32, #tpu.memory_space<hbm>> -> memref<1x1x256x64xf32, #tpu.memory_space<hbm>>
    %dma_wait3A_1036 = tpu.memref_squeeze %dma_wait3A_1035 : memref<1x1x256x64xf32, #tpu.memory_space<hbm>> -> memref<256x64xf32, #tpu.memory_space<hbm>>
    %dma_wait3A_1037 = arith.constant 0 : i32
    %dma_wait3A_1038 = arith.constant 0 : i32
    %dma_wait3A_1039 = tpu.memref_slice %arg6[%dma_wait3A_1023, %dma_wait3A_1037, %dma_wait3A_1038] : memref<4x256x64xf32, #tpu.memory_space<vmem>> -> memref<1x256x64xf32, #tpu.memory_space<vmem>>
    %dma_wait3A_1040 = tpu.memref_squeeze %dma_wait3A_1039 : memref<1x256x64xf32, #tpu.memory_space<vmem>> -> memref<256x64xf32, #tpu.memory_space<vmem>>
    tpu.wait_dma2 semaphore(%arg14 : memref<!tpu.dma_semaphore, #tpu.memory_space<semaphore_mem>>) src(%dma_wait3A_1040 : memref<256x64xf32, #tpu.memory_space<vmem>>) dst(%dma_wait3A_1036 : memref<256x64xf32, #tpu.memory_space<hbm>>)
    %dma_start3A_1041 = arith.constant 28 : i32
    %dma_start3A_1042 = arith.constant 2 : i32
    %dma_start3A_1043 = arith.constant 0 : i32
    %dma_start3A_1044 = arith.constant 0 : i32
    %dma_start3A_1045 = tpu.memref_slice %arg6[%dma_start3A_1042, %dma_start3A_1043, %dma_start3A_1044] : memref<4x256x64xf32, #tpu.memory_space<vmem>> -> memref<1x128x64xf32, #tpu.memory_space<vmem>>
    %dma_start3A_1046 = tpu.memref_squeeze %dma_start3A_1045 : memref<1x128x64xf32, #tpu.memory_space<vmem>> -> memref<128x64xf32, #tpu.memory_space<vmem>>
    %dma_start3A_1047 = arith.constant 0 : i32
    %dma_start3A_1048 = tpu.memref_slice %arg5[%dma_start3A_1041, %dma_start3A_1047] : memref<64x128xi32, #tpu.memory_space<vmem>> -> memref<1x128xi32, #tpu.memory_space<vmem>>
    %dma_start3A_1049 = tpu.memref_squeeze %dma_start3A_1048 : memref<1x128xi32, #tpu.memory_space<vmem>> -> memref<128xi32, #tpu.memory_space<vmem>>
    %dma_start3A_1050 = arith.constant 0 : i32
    %dma_start3A_1051 = arith.constant 0 : i32
    %dma_start3A_1052 = tpu.memref_slice %arg7[%dma_start3A_1050, %dma_start3A_1051] : memref<8192x64xf32, #tpu.memory_space<vmem_shared>> -> memref<8192x64xf32, #tpu.memory_space<vmem_shared>>
    tpu.enqueue_indirect_dma source(%dma_start3A_1052 : memref<8192x64xf32, #tpu.memory_space<vmem_shared>>) target(%dma_start3A_1046 : memref<128x64xf32, #tpu.memory_space<vmem>>) offsets(%dma_start3A_1049 : memref<128xi32, #tpu.memory_space<vmem>>) semaphore(%arg10 : memref<!tpu.dma_semaphore, #tpu.memory_space<semaphore_mem>>)
    %dma_start3A_1053 = arith.constant 29 : i32
    %dma_start3A_1054 = arith.constant 2 : i32
    %dma_start3A_1055 = arith.constant 128 : i32
    %dma_start3A_1056 = arith.constant 0 : i32
    %dma_start3A_1057 = tpu.memref_slice %arg6[%dma_start3A_1054, %dma_start3A_1055, %dma_start3A_1056] : memref<4x256x64xf32, #tpu.memory_space<vmem>> -> memref<1x128x64xf32, #tpu.memory_space<vmem>>
    %dma_start3A_1058 = tpu.memref_squeeze %dma_start3A_1057 : memref<1x128x64xf32, #tpu.memory_space<vmem>> -> memref<128x64xf32, #tpu.memory_space<vmem>>
    %dma_start3A_1059 = arith.constant 0 : i32
    %dma_start3A_1060 = tpu.memref_slice %arg5[%dma_start3A_1053, %dma_start3A_1059] : memref<64x128xi32, #tpu.memory_space<vmem>> -> memref<1x128xi32, #tpu.memory_space<vmem>>
    %dma_start3A_1061 = tpu.memref_squeeze %dma_start3A_1060 : memref<1x128xi32, #tpu.memory_space<vmem>> -> memref<128xi32, #tpu.memory_space<vmem>>
    %dma_start3A_1062 = arith.constant 0 : i32
    %dma_start3A_1063 = arith.constant 0 : i32
    %dma_start3A_1064 = tpu.memref_slice %arg7[%dma_start3A_1062, %dma_start3A_1063] : memref<8192x64xf32, #tpu.memory_space<vmem_shared>> -> memref<8192x64xf32, #tpu.memory_space<vmem_shared>>
    tpu.enqueue_indirect_dma source(%dma_start3A_1064 : memref<8192x64xf32, #tpu.memory_space<vmem_shared>>) target(%dma_start3A_1058 : memref<128x64xf32, #tpu.memory_space<vmem>>) offsets(%dma_start3A_1061 : memref<128xi32, #tpu.memory_space<vmem>>) semaphore(%arg10 : memref<!tpu.dma_semaphore, #tpu.memory_space<semaphore_mem>>)
    %dma_wait3A_1065 = arith.constant 24 : i32
    %dma_wait3A_1066 = arith.constant 0 : i32
    %dma_wait3A_1067 = arith.constant 0 : i32
    %dma_wait3A_1068 = arith.constant 0 : i32
    %dma_wait3A_1069 = tpu.memref_slice %arg6[%dma_wait3A_1066, %dma_wait3A_1067, %dma_wait3A_1068] : memref<4x256x64xf32, #tpu.memory_space<vmem>> -> memref<1x128x64xf32, #tpu.memory_space<vmem>>
    %dma_wait3A_1070 = tpu.memref_squeeze %dma_wait3A_1069 : memref<1x128x64xf32, #tpu.memory_space<vmem>> -> memref<128x64xf32, #tpu.memory_space<vmem>>
    %dma_wait3A_1071 = arith.constant 0 : i32
    %dma_wait3A_1072 = tpu.memref_slice %arg5[%dma_wait3A_1065, %dma_wait3A_1071] : memref<64x128xi32, #tpu.memory_space<vmem>> -> memref<1x128xi32, #tpu.memory_space<vmem>>
    %dma_wait3A_1073 = tpu.memref_squeeze %dma_wait3A_1072 : memref<1x128xi32, #tpu.memory_space<vmem>> -> memref<128xi32, #tpu.memory_space<vmem>>
    %dma_wait3A_1074 = arith.constant 0 : i32
    %dma_wait3A_1075 = arith.constant 0 : i32
    %dma_wait3A_1076 = tpu.memref_slice %arg7[%dma_wait3A_1074, %dma_wait3A_1075] : memref<8192x64xf32, #tpu.memory_space<vmem_shared>> -> memref<8192x64xf32, #tpu.memory_space<vmem_shared>>
    tpu.wait_indirect_dma semaphore(%arg8 : memref<!tpu.dma_semaphore, #tpu.memory_space<semaphore_mem>>) src(%dma_wait3A_1076 : memref<8192x64xf32, #tpu.memory_space<vmem_shared>>) dst(%dma_wait3A_1070 : memref<128x64xf32, #tpu.memory_space<vmem>>)
    %dma_wait3A_1077 = arith.constant 25 : i32
    %dma_wait3A_1078 = arith.constant 0 : i32
    %dma_wait3A_1079 = arith.constant 128 : i32
    %dma_wait3A_1080 = arith.constant 0 : i32
    %dma_wait3A_1081 = tpu.memref_slice %arg6[%dma_wait3A_1078, %dma_wait3A_1079, %dma_wait3A_1080] : memref<4x256x64xf32, #tpu.memory_space<vmem>> -> memref<1x128x64xf32, #tpu.memory_space<vmem>>
    %dma_wait3A_1082 = tpu.memref_squeeze %dma_wait3A_1081 : memref<1x128x64xf32, #tpu.memory_space<vmem>> -> memref<128x64xf32, #tpu.memory_space<vmem>>
    %dma_wait3A_1083 = arith.constant 0 : i32
    %dma_wait3A_1084 = tpu.memref_slice %arg5[%dma_wait3A_1077, %dma_wait3A_1083] : memref<64x128xi32, #tpu.memory_space<vmem>> -> memref<1x128xi32, #tpu.memory_space<vmem>>
    %dma_wait3A_1085 = tpu.memref_squeeze %dma_wait3A_1084 : memref<1x128xi32, #tpu.memory_space<vmem>> -> memref<128xi32, #tpu.memory_space<vmem>>
    %dma_wait3A_1086 = arith.constant 0 : i32
    %dma_wait3A_1087 = arith.constant 0 : i32
    %dma_wait3A_1088 = tpu.memref_slice %arg7[%dma_wait3A_1086, %dma_wait3A_1087] : memref<8192x64xf32, #tpu.memory_space<vmem_shared>> -> memref<8192x64xf32, #tpu.memory_space<vmem_shared>>
    tpu.wait_indirect_dma semaphore(%arg8 : memref<!tpu.dma_semaphore, #tpu.memory_space<semaphore_mem>>) src(%dma_wait3A_1088 : memref<8192x64xf32, #tpu.memory_space<vmem_shared>>) dst(%dma_wait3A_1082 : memref<128x64xf32, #tpu.memory_space<vmem>>)
    %dma_start3A_1089 = arith.constant 0 : i32
    %dma_start3A_1090 = arith.constant 12 : i32
    %dma_start3A_1091 = arith.constant 0 : i32
    %dma_start3A_1092 = arith.constant 0 : i32
    %dma_start3A_1093 = tpu.memref_slice %arg6[%dma_start3A_1089, %dma_start3A_1091, %dma_start3A_1092] : memref<4x256x64xf32, #tpu.memory_space<vmem>> -> memref<1x256x64xf32, #tpu.memory_space<vmem>>
    %dma_start3A_1094 = tpu.memref_squeeze %dma_start3A_1093 : memref<1x256x64xf32, #tpu.memory_space<vmem>> -> memref<256x64xf32, #tpu.memory_space<vmem>>
    %dma_start3A_1095 = arith.constant 0 : i32
    %dma_start3A_1096 = arith.constant 0 : i32
    %dma_start3A_1097 = tpu.memref_slice %arg4[%add3A, %dma_start3A_1090, %dma_start3A_1095, %dma_start3A_1096] : memref<32x32x256x64xf32, #tpu.memory_space<hbm>> -> memref<1x1x256x64xf32, #tpu.memory_space<hbm>>
    %dma_start3A_1098 = tpu.memref_squeeze %dma_start3A_1097 : memref<1x1x256x64xf32, #tpu.memory_space<hbm>> -> memref<256x64xf32, #tpu.memory_space<hbm>>
    %dma_start3A_1099 = arith.constant 0 : i32
    %dma_start3A_1100 = arith.constant 0 : i32
    %dma_start3A_1101 = tpu.memref_slice %arg4[%add3A, %dma_start3A_1090, %dma_start3A_1099, %dma_start3A_1100] : memref<32x32x256x64xf32, #tpu.memory_space<hbm>> -> memref<1x1x256x64xf32, #tpu.memory_space<hbm>>
    %dma_start3A_1102 = tpu.memref_squeeze %dma_start3A_1101 : memref<1x1x256x64xf32, #tpu.memory_space<hbm>> -> memref<256x64xf32, #tpu.memory_space<hbm>>
    %dma_start3A_1103 = arith.constant 0 : i32
    %dma_start3A_1104 = arith.constant 0 : i32
    %dma_start3A_1105 = tpu.memref_slice %arg6[%dma_start3A_1089, %dma_start3A_1103, %dma_start3A_1104] : memref<4x256x64xf32, #tpu.memory_space<vmem>> -> memref<1x256x64xf32, #tpu.memory_space<vmem>>
    %dma_start3A_1106 = tpu.memref_squeeze %dma_start3A_1105 : memref<1x256x64xf32, #tpu.memory_space<vmem>> -> memref<256x64xf32, #tpu.memory_space<vmem>>
    tpu.enqueue_dma source(%dma_start3A_1106 : memref<256x64xf32, #tpu.memory_space<vmem>>) target(%dma_start3A_1102 : memref<256x64xf32, #tpu.memory_space<hbm>>) target_semaphore(%arg12 : memref<!tpu.dma_semaphore, #tpu.memory_space<semaphore_mem>>)
    %dma_wait3A_1107 = arith.constant 3 : i32
    %dma_wait3A_1108 = arith.constant 11 : i32
    %dma_wait3A_1109 = arith.constant 0 : i32
    %dma_wait3A_1110 = arith.constant 0 : i32
    %dma_wait3A_1111 = tpu.memref_slice %arg6[%dma_wait3A_1107, %dma_wait3A_1109, %dma_wait3A_1110] : memref<4x256x64xf32, #tpu.memory_space<vmem>> -> memref<1x256x64xf32, #tpu.memory_space<vmem>>
    %dma_wait3A_1112 = tpu.memref_squeeze %dma_wait3A_1111 : memref<1x256x64xf32, #tpu.memory_space<vmem>> -> memref<256x64xf32, #tpu.memory_space<vmem>>
    %dma_wait3A_1113 = arith.constant 0 : i32
    %dma_wait3A_1114 = arith.constant 0 : i32
    %dma_wait3A_1115 = tpu.memref_slice %arg4[%add3A, %dma_wait3A_1108, %dma_wait3A_1113, %dma_wait3A_1114] : memref<32x32x256x64xf32, #tpu.memory_space<hbm>> -> memref<1x1x256x64xf32, #tpu.memory_space<hbm>>
    %dma_wait3A_1116 = tpu.memref_squeeze %dma_wait3A_1115 : memref<1x1x256x64xf32, #tpu.memory_space<hbm>> -> memref<256x64xf32, #tpu.memory_space<hbm>>
    %dma_wait3A_1117 = arith.constant 0 : i32
    %dma_wait3A_1118 = arith.constant 0 : i32
    %dma_wait3A_1119 = tpu.memref_slice %arg4[%add3A, %dma_wait3A_1108, %dma_wait3A_1117, %dma_wait3A_1118] : memref<32x32x256x64xf32, #tpu.memory_space<hbm>> -> memref<1x1x256x64xf32, #tpu.memory_space<hbm>>
    %dma_wait3A_1120 = tpu.memref_squeeze %dma_wait3A_1119 : memref<1x1x256x64xf32, #tpu.memory_space<hbm>> -> memref<256x64xf32, #tpu.memory_space<hbm>>
    %dma_wait3A_1121 = arith.constant 0 : i32
    %dma_wait3A_1122 = arith.constant 0 : i32
    %dma_wait3A_1123 = tpu.memref_slice %arg6[%dma_wait3A_1107, %dma_wait3A_1121, %dma_wait3A_1122] : memref<4x256x64xf32, #tpu.memory_space<vmem>> -> memref<1x256x64xf32, #tpu.memory_space<vmem>>
    %dma_wait3A_1124 = tpu.memref_squeeze %dma_wait3A_1123 : memref<1x256x64xf32, #tpu.memory_space<vmem>> -> memref<256x64xf32, #tpu.memory_space<vmem>>
    tpu.wait_dma2 semaphore(%arg15 : memref<!tpu.dma_semaphore, #tpu.memory_space<semaphore_mem>>) src(%dma_wait3A_1124 : memref<256x64xf32, #tpu.memory_space<vmem>>) dst(%dma_wait3A_1120 : memref<256x64xf32, #tpu.memory_space<hbm>>)
    %dma_start3A_1125 = arith.constant 30 : i32
    %dma_start3A_1126 = arith.constant 3 : i32
    %dma_start3A_1127 = arith.constant 0 : i32
    %dma_start3A_1128 = arith.constant 0 : i32
    %dma_start3A_1129 = tpu.memref_slice %arg6[%dma_start3A_1126, %dma_start3A_1127, %dma_start3A_1128] : memref<4x256x64xf32, #tpu.memory_space<vmem>> -> memref<1x128x64xf32, #tpu.memory_space<vmem>>
    %dma_start3A_1130 = tpu.memref_squeeze %dma_start3A_1129 : memref<1x128x64xf32, #tpu.memory_space<vmem>> -> memref<128x64xf32, #tpu.memory_space<vmem>>
    %dma_start3A_1131 = arith.constant 0 : i32
    %dma_start3A_1132 = tpu.memref_slice %arg5[%dma_start3A_1125, %dma_start3A_1131] : memref<64x128xi32, #tpu.memory_space<vmem>> -> memref<1x128xi32, #tpu.memory_space<vmem>>
    %dma_start3A_1133 = tpu.memref_squeeze %dma_start3A_1132 : memref<1x128xi32, #tpu.memory_space<vmem>> -> memref<128xi32, #tpu.memory_space<vmem>>
    %dma_start3A_1134 = arith.constant 0 : i32
    %dma_start3A_1135 = arith.constant 0 : i32
    %dma_start3A_1136 = tpu.memref_slice %arg7[%dma_start3A_1134, %dma_start3A_1135] : memref<8192x64xf32, #tpu.memory_space<vmem_shared>> -> memref<8192x64xf32, #tpu.memory_space<vmem_shared>>
    tpu.enqueue_indirect_dma source(%dma_start3A_1136 : memref<8192x64xf32, #tpu.memory_space<vmem_shared>>) target(%dma_start3A_1130 : memref<128x64xf32, #tpu.memory_space<vmem>>) offsets(%dma_start3A_1133 : memref<128xi32, #tpu.memory_space<vmem>>) semaphore(%arg11 : memref<!tpu.dma_semaphore, #tpu.memory_space<semaphore_mem>>)
    %dma_start3A_1137 = arith.constant 31 : i32
    %dma_start3A_1138 = arith.constant 3 : i32
    %dma_start3A_1139 = arith.constant 128 : i32
    %dma_start3A_1140 = arith.constant 0 : i32
    %dma_start3A_1141 = tpu.memref_slice %arg6[%dma_start3A_1138, %dma_start3A_1139, %dma_start3A_1140] : memref<4x256x64xf32, #tpu.memory_space<vmem>> -> memref<1x128x64xf32, #tpu.memory_space<vmem>>
    %dma_start3A_1142 = tpu.memref_squeeze %dma_start3A_1141 : memref<1x128x64xf32, #tpu.memory_space<vmem>> -> memref<128x64xf32, #tpu.memory_space<vmem>>
    %dma_start3A_1143 = arith.constant 0 : i32
    %dma_start3A_1144 = tpu.memref_slice %arg5[%dma_start3A_1137, %dma_start3A_1143] : memref<64x128xi32, #tpu.memory_space<vmem>> -> memref<1x128xi32, #tpu.memory_space<vmem>>
    %dma_start3A_1145 = tpu.memref_squeeze %dma_start3A_1144 : memref<1x128xi32, #tpu.memory_space<vmem>> -> memref<128xi32, #tpu.memory_space<vmem>>
    %dma_start3A_1146 = arith.constant 0 : i32
    %dma_start3A_1147 = arith.constant 0 : i32
    %dma_start3A_1148 = tpu.memref_slice %arg7[%dma_start3A_1146, %dma_start3A_1147] : memref<8192x64xf32, #tpu.memory_space<vmem_shared>> -> memref<8192x64xf32, #tpu.memory_space<vmem_shared>>
    tpu.enqueue_indirect_dma source(%dma_start3A_1148 : memref<8192x64xf32, #tpu.memory_space<vmem_shared>>) target(%dma_start3A_1142 : memref<128x64xf32, #tpu.memory_space<vmem>>) offsets(%dma_start3A_1145 : memref<128xi32, #tpu.memory_space<vmem>>) semaphore(%arg11 : memref<!tpu.dma_semaphore, #tpu.memory_space<semaphore_mem>>)
    %dma_wait3A_1149 = arith.constant 26 : i32
    %dma_wait3A_1150 = arith.constant 1 : i32
    %dma_wait3A_1151 = arith.constant 0 : i32
    %dma_wait3A_1152 = arith.constant 0 : i32
    %dma_wait3A_1153 = tpu.memref_slice %arg6[%dma_wait3A_1150, %dma_wait3A_1151, %dma_wait3A_1152] : memref<4x256x64xf32, #tpu.memory_space<vmem>> -> memref<1x128x64xf32, #tpu.memory_space<vmem>>
    %dma_wait3A_1154 = tpu.memref_squeeze %dma_wait3A_1153 : memref<1x128x64xf32, #tpu.memory_space<vmem>> -> memref<128x64xf32, #tpu.memory_space<vmem>>
    %dma_wait3A_1155 = arith.constant 0 : i32
    %dma_wait3A_1156 = tpu.memref_slice %arg5[%dma_wait3A_1149, %dma_wait3A_1155] : memref<64x128xi32, #tpu.memory_space<vmem>> -> memref<1x128xi32, #tpu.memory_space<vmem>>
    %dma_wait3A_1157 = tpu.memref_squeeze %dma_wait3A_1156 : memref<1x128xi32, #tpu.memory_space<vmem>> -> memref<128xi32, #tpu.memory_space<vmem>>
    %dma_wait3A_1158 = arith.constant 0 : i32
    %dma_wait3A_1159 = arith.constant 0 : i32
    %dma_wait3A_1160 = tpu.memref_slice %arg7[%dma_wait3A_1158, %dma_wait3A_1159] : memref<8192x64xf32, #tpu.memory_space<vmem_shared>> -> memref<8192x64xf32, #tpu.memory_space<vmem_shared>>
    tpu.wait_indirect_dma semaphore(%arg9 : memref<!tpu.dma_semaphore, #tpu.memory_space<semaphore_mem>>) src(%dma_wait3A_1160 : memref<8192x64xf32, #tpu.memory_space<vmem_shared>>) dst(%dma_wait3A_1154 : memref<128x64xf32, #tpu.memory_space<vmem>>)
    %dma_wait3A_1161 = arith.constant 27 : i32
    %dma_wait3A_1162 = arith.constant 1 : i32
    %dma_wait3A_1163 = arith.constant 128 : i32
    %dma_wait3A_1164 = arith.constant 0 : i32
    %dma_wait3A_1165 = tpu.memref_slice %arg6[%dma_wait3A_1162, %dma_wait3A_1163, %dma_wait3A_1164] : memref<4x256x64xf32, #tpu.memory_space<vmem>> -> memref<1x128x64xf32, #tpu.memory_space<vmem>>
    %dma_wait3A_1166 = tpu.memref_squeeze %dma_wait3A_1165 : memref<1x128x64xf32, #tpu.memory_space<vmem>> -> memref<128x64xf32, #tpu.memory_space<vmem>>
    %dma_wait3A_1167 = arith.constant 0 : i32
    %dma_wait3A_1168 = tpu.memref_slice %arg5[%dma_wait3A_1161, %dma_wait3A_1167] : memref<64x128xi32, #tpu.memory_space<vmem>> -> memref<1x128xi32, #tpu.memory_space<vmem>>
    %dma_wait3A_1169 = tpu.memref_squeeze %dma_wait3A_1168 : memref<1x128xi32, #tpu.memory_space<vmem>> -> memref<128xi32, #tpu.memory_space<vmem>>
    %dma_wait3A_1170 = arith.constant 0 : i32
    %dma_wait3A_1171 = arith.constant 0 : i32
    %dma_wait3A_1172 = tpu.memref_slice %arg7[%dma_wait3A_1170, %dma_wait3A_1171] : memref<8192x64xf32, #tpu.memory_space<vmem_shared>> -> memref<8192x64xf32, #tpu.memory_space<vmem_shared>>
    tpu.wait_indirect_dma semaphore(%arg9 : memref<!tpu.dma_semaphore, #tpu.memory_space<semaphore_mem>>) src(%dma_wait3A_1172 : memref<8192x64xf32, #tpu.memory_space<vmem_shared>>) dst(%dma_wait3A_1166 : memref<128x64xf32, #tpu.memory_space<vmem>>)
    %dma_start3A_1173 = arith.constant 1 : i32
    %dma_start3A_1174 = arith.constant 13 : i32
    %dma_start3A_1175 = arith.constant 0 : i32
    %dma_start3A_1176 = arith.constant 0 : i32
    %dma_start3A_1177 = tpu.memref_slice %arg6[%dma_start3A_1173, %dma_start3A_1175, %dma_start3A_1176] : memref<4x256x64xf32, #tpu.memory_space<vmem>> -> memref<1x256x64xf32, #tpu.memory_space<vmem>>
    %dma_start3A_1178 = tpu.memref_squeeze %dma_start3A_1177 : memref<1x256x64xf32, #tpu.memory_space<vmem>> -> memref<256x64xf32, #tpu.memory_space<vmem>>
    %dma_start3A_1179 = arith.constant 0 : i32
    %dma_start3A_1180 = arith.constant 0 : i32
    %dma_start3A_1181 = tpu.memref_slice %arg4[%add3A, %dma_start3A_1174, %dma_start3A_1179, %dma_start3A_1180] : memref<32x32x256x64xf32, #tpu.memory_space<hbm>> -> memref<1x1x256x64xf32, #tpu.memory_space<hbm>>
    %dma_start3A_1182 = tpu.memref_squeeze %dma_start3A_1181 : memref<1x1x256x64xf32, #tpu.memory_space<hbm>> -> memref<256x64xf32, #tpu.memory_space<hbm>>
    %dma_start3A_1183 = arith.constant 0 : i32
    %dma_start3A_1184 = arith.constant 0 : i32
    %dma_start3A_1185 = tpu.memref_slice %arg4[%add3A, %dma_start3A_1174, %dma_start3A_1183, %dma_start3A_1184] : memref<32x32x256x64xf32, #tpu.memory_space<hbm>> -> memref<1x1x256x64xf32, #tpu.memory_space<hbm>>
    %dma_start3A_1186 = tpu.memref_squeeze %dma_start3A_1185 : memref<1x1x256x64xf32, #tpu.memory_space<hbm>> -> memref<256x64xf32, #tpu.memory_space<hbm>>
    %dma_start3A_1187 = arith.constant 0 : i32
    %dma_start3A_1188 = arith.constant 0 : i32
    %dma_start3A_1189 = tpu.memref_slice %arg6[%dma_start3A_1173, %dma_start3A_1187, %dma_start3A_1188] : memref<4x256x64xf32, #tpu.memory_space<vmem>> -> memref<1x256x64xf32, #tpu.memory_space<vmem>>
    %dma_start3A_1190 = tpu.memref_squeeze %dma_start3A_1189 : memref<1x256x64xf32, #tpu.memory_space<vmem>> -> memref<256x64xf32, #tpu.memory_space<vmem>>
    tpu.enqueue_dma source(%dma_start3A_1190 : memref<256x64xf32, #tpu.memory_space<vmem>>) target(%dma_start3A_1186 : memref<256x64xf32, #tpu.memory_space<hbm>>) target_semaphore(%arg13 : memref<!tpu.dma_semaphore, #tpu.memory_space<semaphore_mem>>)
    %dma_wait3A_1191 = arith.constant 0 : i32
    %dma_wait3A_1192 = arith.constant 12 : i32
    %dma_wait3A_1193 = arith.constant 0 : i32
    %dma_wait3A_1194 = arith.constant 0 : i32
    %dma_wait3A_1195 = tpu.memref_slice %arg6[%dma_wait3A_1191, %dma_wait3A_1193, %dma_wait3A_1194] : memref<4x256x64xf32, #tpu.memory_space<vmem>> -> memref<1x256x64xf32, #tpu.memory_space<vmem>>
    %dma_wait3A_1196 = tpu.memref_squeeze %dma_wait3A_1195 : memref<1x256x64xf32, #tpu.memory_space<vmem>> -> memref<256x64xf32, #tpu.memory_space<vmem>>
    %dma_wait3A_1197 = arith.constant 0 : i32
    %dma_wait3A_1198 = arith.constant 0 : i32
    %dma_wait3A_1199 = tpu.memref_slice %arg4[%add3A, %dma_wait3A_1192, %dma_wait3A_1197, %dma_wait3A_1198] : memref<32x32x256x64xf32, #tpu.memory_space<hbm>> -> memref<1x1x256x64xf32, #tpu.memory_space<hbm>>
    %dma_wait3A_1200 = tpu.memref_squeeze %dma_wait3A_1199 : memref<1x1x256x64xf32, #tpu.memory_space<hbm>> -> memref<256x64xf32, #tpu.memory_space<hbm>>
    %dma_wait3A_1201 = arith.constant 0 : i32
    %dma_wait3A_1202 = arith.constant 0 : i32
    %dma_wait3A_1203 = tpu.memref_slice %arg4[%add3A, %dma_wait3A_1192, %dma_wait3A_1201, %dma_wait3A_1202] : memref<32x32x256x64xf32, #tpu.memory_space<hbm>> -> memref<1x1x256x64xf32, #tpu.memory_space<hbm>>
    %dma_wait3A_1204 = tpu.memref_squeeze %dma_wait3A_1203 : memref<1x1x256x64xf32, #tpu.memory_space<hbm>> -> memref<256x64xf32, #tpu.memory_space<hbm>>
    %dma_wait3A_1205 = arith.constant 0 : i32
    %dma_wait3A_1206 = arith.constant 0 : i32
    %dma_wait3A_1207 = tpu.memref_slice %arg6[%dma_wait3A_1191, %dma_wait3A_1205, %dma_wait3A_1206] : memref<4x256x64xf32, #tpu.memory_space<vmem>> -> memref<1x256x64xf32, #tpu.memory_space<vmem>>
    %dma_wait3A_1208 = tpu.memref_squeeze %dma_wait3A_1207 : memref<1x256x64xf32, #tpu.memory_space<vmem>> -> memref<256x64xf32, #tpu.memory_space<vmem>>
    tpu.wait_dma2 semaphore(%arg12 : memref<!tpu.dma_semaphore, #tpu.memory_space<semaphore_mem>>) src(%dma_wait3A_1208 : memref<256x64xf32, #tpu.memory_space<vmem>>) dst(%dma_wait3A_1204 : memref<256x64xf32, #tpu.memory_space<hbm>>)
    %dma_start3A_1209 = arith.constant 32 : i32
    %dma_start3A_1210 = arith.constant 0 : i32
    %dma_start3A_1211 = arith.constant 0 : i32
    %dma_start3A_1212 = arith.constant 0 : i32
    %dma_start3A_1213 = tpu.memref_slice %arg6[%dma_start3A_1210, %dma_start3A_1211, %dma_start3A_1212] : memref<4x256x64xf32, #tpu.memory_space<vmem>> -> memref<1x128x64xf32, #tpu.memory_space<vmem>>
    %dma_start3A_1214 = tpu.memref_squeeze %dma_start3A_1213 : memref<1x128x64xf32, #tpu.memory_space<vmem>> -> memref<128x64xf32, #tpu.memory_space<vmem>>
    %dma_start3A_1215 = arith.constant 0 : i32
    %dma_start3A_1216 = tpu.memref_slice %arg5[%dma_start3A_1209, %dma_start3A_1215] : memref<64x128xi32, #tpu.memory_space<vmem>> -> memref<1x128xi32, #tpu.memory_space<vmem>>
    %dma_start3A_1217 = tpu.memref_squeeze %dma_start3A_1216 : memref<1x128xi32, #tpu.memory_space<vmem>> -> memref<128xi32, #tpu.memory_space<vmem>>
    %dma_start3A_1218 = arith.constant 0 : i32
    %dma_start3A_1219 = arith.constant 0 : i32
    %dma_start3A_1220 = tpu.memref_slice %arg7[%dma_start3A_1218, %dma_start3A_1219] : memref<8192x64xf32, #tpu.memory_space<vmem_shared>> -> memref<8192x64xf32, #tpu.memory_space<vmem_shared>>
    tpu.enqueue_indirect_dma source(%dma_start3A_1220 : memref<8192x64xf32, #tpu.memory_space<vmem_shared>>) target(%dma_start3A_1214 : memref<128x64xf32, #tpu.memory_space<vmem>>) offsets(%dma_start3A_1217 : memref<128xi32, #tpu.memory_space<vmem>>) semaphore(%arg8 : memref<!tpu.dma_semaphore, #tpu.memory_space<semaphore_mem>>)
    %dma_start3A_1221 = arith.constant 33 : i32
    %dma_start3A_1222 = arith.constant 0 : i32
    %dma_start3A_1223 = arith.constant 128 : i32
    %dma_start3A_1224 = arith.constant 0 : i32
    %dma_start3A_1225 = tpu.memref_slice %arg6[%dma_start3A_1222, %dma_start3A_1223, %dma_start3A_1224] : memref<4x256x64xf32, #tpu.memory_space<vmem>> -> memref<1x128x64xf32, #tpu.memory_space<vmem>>
    %dma_start3A_1226 = tpu.memref_squeeze %dma_start3A_1225 : memref<1x128x64xf32, #tpu.memory_space<vmem>> -> memref<128x64xf32, #tpu.memory_space<vmem>>
    %dma_start3A_1227 = arith.constant 0 : i32
    %dma_start3A_1228 = tpu.memref_slice %arg5[%dma_start3A_1221, %dma_start3A_1227] : memref<64x128xi32, #tpu.memory_space<vmem>> -> memref<1x128xi32, #tpu.memory_space<vmem>>
    %dma_start3A_1229 = tpu.memref_squeeze %dma_start3A_1228 : memref<1x128xi32, #tpu.memory_space<vmem>> -> memref<128xi32, #tpu.memory_space<vmem>>
    %dma_start3A_1230 = arith.constant 0 : i32
    %dma_start3A_1231 = arith.constant 0 : i32
    %dma_start3A_1232 = tpu.memref_slice %arg7[%dma_start3A_1230, %dma_start3A_1231] : memref<8192x64xf32, #tpu.memory_space<vmem_shared>> -> memref<8192x64xf32, #tpu.memory_space<vmem_shared>>
    tpu.enqueue_indirect_dma source(%dma_start3A_1232 : memref<8192x64xf32, #tpu.memory_space<vmem_shared>>) target(%dma_start3A_1226 : memref<128x64xf32, #tpu.memory_space<vmem>>) offsets(%dma_start3A_1229 : memref<128xi32, #tpu.memory_space<vmem>>) semaphore(%arg8 : memref<!tpu.dma_semaphore, #tpu.memory_space<semaphore_mem>>)
    %dma_wait3A_1233 = arith.constant 28 : i32
    %dma_wait3A_1234 = arith.constant 2 : i32
    %dma_wait3A_1235 = arith.constant 0 : i32
    %dma_wait3A_1236 = arith.constant 0 : i32
    %dma_wait3A_1237 = tpu.memref_slice %arg6[%dma_wait3A_1234, %dma_wait3A_1235, %dma_wait3A_1236] : memref<4x256x64xf32, #tpu.memory_space<vmem>> -> memref<1x128x64xf32, #tpu.memory_space<vmem>>
    %dma_wait3A_1238 = tpu.memref_squeeze %dma_wait3A_1237 : memref<1x128x64xf32, #tpu.memory_space<vmem>> -> memref<128x64xf32, #tpu.memory_space<vmem>>
    %dma_wait3A_1239 = arith.constant 0 : i32
    %dma_wait3A_1240 = tpu.memref_slice %arg5[%dma_wait3A_1233, %dma_wait3A_1239] : memref<64x128xi32, #tpu.memory_space<vmem>> -> memref<1x128xi32, #tpu.memory_space<vmem>>
    %dma_wait3A_1241 = tpu.memref_squeeze %dma_wait3A_1240 : memref<1x128xi32, #tpu.memory_space<vmem>> -> memref<128xi32, #tpu.memory_space<vmem>>
    %dma_wait3A_1242 = arith.constant 0 : i32
    %dma_wait3A_1243 = arith.constant 0 : i32
    %dma_wait3A_1244 = tpu.memref_slice %arg7[%dma_wait3A_1242, %dma_wait3A_1243] : memref<8192x64xf32, #tpu.memory_space<vmem_shared>> -> memref<8192x64xf32, #tpu.memory_space<vmem_shared>>
    tpu.wait_indirect_dma semaphore(%arg10 : memref<!tpu.dma_semaphore, #tpu.memory_space<semaphore_mem>>) src(%dma_wait3A_1244 : memref<8192x64xf32, #tpu.memory_space<vmem_shared>>) dst(%dma_wait3A_1238 : memref<128x64xf32, #tpu.memory_space<vmem>>)
    %dma_wait3A_1245 = arith.constant 29 : i32
    %dma_wait3A_1246 = arith.constant 2 : i32
    %dma_wait3A_1247 = arith.constant 128 : i32
    %dma_wait3A_1248 = arith.constant 0 : i32
    %dma_wait3A_1249 = tpu.memref_slice %arg6[%dma_wait3A_1246, %dma_wait3A_1247, %dma_wait3A_1248] : memref<4x256x64xf32, #tpu.memory_space<vmem>> -> memref<1x128x64xf32, #tpu.memory_space<vmem>>
    %dma_wait3A_1250 = tpu.memref_squeeze %dma_wait3A_1249 : memref<1x128x64xf32, #tpu.memory_space<vmem>> -> memref<128x64xf32, #tpu.memory_space<vmem>>
    %dma_wait3A_1251 = arith.constant 0 : i32
    %dma_wait3A_1252 = tpu.memref_slice %arg5[%dma_wait3A_1245, %dma_wait3A_1251] : memref<64x128xi32, #tpu.memory_space<vmem>> -> memref<1x128xi32, #tpu.memory_space<vmem>>
    %dma_wait3A_1253 = tpu.memref_squeeze %dma_wait3A_1252 : memref<1x128xi32, #tpu.memory_space<vmem>> -> memref<128xi32, #tpu.memory_space<vmem>>
    %dma_wait3A_1254 = arith.constant 0 : i32
    %dma_wait3A_1255 = arith.constant 0 : i32
    %dma_wait3A_1256 = tpu.memref_slice %arg7[%dma_wait3A_1254, %dma_wait3A_1255] : memref<8192x64xf32, #tpu.memory_space<vmem_shared>> -> memref<8192x64xf32, #tpu.memory_space<vmem_shared>>
    tpu.wait_indirect_dma semaphore(%arg10 : memref<!tpu.dma_semaphore, #tpu.memory_space<semaphore_mem>>) src(%dma_wait3A_1256 : memref<8192x64xf32, #tpu.memory_space<vmem_shared>>) dst(%dma_wait3A_1250 : memref<128x64xf32, #tpu.memory_space<vmem>>)
    %dma_start3A_1257 = arith.constant 2 : i32
    %dma_start3A_1258 = arith.constant 14 : i32
    %dma_start3A_1259 = arith.constant 0 : i32
    %dma_start3A_1260 = arith.constant 0 : i32
    %dma_start3A_1261 = tpu.memref_slice %arg6[%dma_start3A_1257, %dma_start3A_1259, %dma_start3A_1260] : memref<4x256x64xf32, #tpu.memory_space<vmem>> -> memref<1x256x64xf32, #tpu.memory_space<vmem>>
    %dma_start3A_1262 = tpu.memref_squeeze %dma_start3A_1261 : memref<1x256x64xf32, #tpu.memory_space<vmem>> -> memref<256x64xf32, #tpu.memory_space<vmem>>
    %dma_start3A_1263 = arith.constant 0 : i32
    %dma_start3A_1264 = arith.constant 0 : i32
    %dma_start3A_1265 = tpu.memref_slice %arg4[%add3A, %dma_start3A_1258, %dma_start3A_1263, %dma_start3A_1264] : memref<32x32x256x64xf32, #tpu.memory_space<hbm>> -> memref<1x1x256x64xf32, #tpu.memory_space<hbm>>
    %dma_start3A_1266 = tpu.memref_squeeze %dma_start3A_1265 : memref<1x1x256x64xf32, #tpu.memory_space<hbm>> -> memref<256x64xf32, #tpu.memory_space<hbm>>
    %dma_start3A_1267 = arith.constant 0 : i32
    %dma_start3A_1268 = arith.constant 0 : i32
    %dma_start3A_1269 = tpu.memref_slice %arg4[%add3A, %dma_start3A_1258, %dma_start3A_1267, %dma_start3A_1268] : memref<32x32x256x64xf32, #tpu.memory_space<hbm>> -> memref<1x1x256x64xf32, #tpu.memory_space<hbm>>
    %dma_start3A_1270 = tpu.memref_squeeze %dma_start3A_1269 : memref<1x1x256x64xf32, #tpu.memory_space<hbm>> -> memref<256x64xf32, #tpu.memory_space<hbm>>
    %dma_start3A_1271 = arith.constant 0 : i32
    %dma_start3A_1272 = arith.constant 0 : i32
    %dma_start3A_1273 = tpu.memref_slice %arg6[%dma_start3A_1257, %dma_start3A_1271, %dma_start3A_1272] : memref<4x256x64xf32, #tpu.memory_space<vmem>> -> memref<1x256x64xf32, #tpu.memory_space<vmem>>
    %dma_start3A_1274 = tpu.memref_squeeze %dma_start3A_1273 : memref<1x256x64xf32, #tpu.memory_space<vmem>> -> memref<256x64xf32, #tpu.memory_space<vmem>>
    tpu.enqueue_dma source(%dma_start3A_1274 : memref<256x64xf32, #tpu.memory_space<vmem>>) target(%dma_start3A_1270 : memref<256x64xf32, #tpu.memory_space<hbm>>) target_semaphore(%arg14 : memref<!tpu.dma_semaphore, #tpu.memory_space<semaphore_mem>>)
    %dma_wait3A_1275 = arith.constant 1 : i32
    %dma_wait3A_1276 = arith.constant 13 : i32
    %dma_wait3A_1277 = arith.constant 0 : i32
    %dma_wait3A_1278 = arith.constant 0 : i32
    %dma_wait3A_1279 = tpu.memref_slice %arg6[%dma_wait3A_1275, %dma_wait3A_1277, %dma_wait3A_1278] : memref<4x256x64xf32, #tpu.memory_space<vmem>> -> memref<1x256x64xf32, #tpu.memory_space<vmem>>
    %dma_wait3A_1280 = tpu.memref_squeeze %dma_wait3A_1279 : memref<1x256x64xf32, #tpu.memory_space<vmem>> -> memref<256x64xf32, #tpu.memory_space<vmem>>
    %dma_wait3A_1281 = arith.constant 0 : i32
    %dma_wait3A_1282 = arith.constant 0 : i32
    %dma_wait3A_1283 = tpu.memref_slice %arg4[%add3A, %dma_wait3A_1276, %dma_wait3A_1281, %dma_wait3A_1282] : memref<32x32x256x64xf32, #tpu.memory_space<hbm>> -> memref<1x1x256x64xf32, #tpu.memory_space<hbm>>
    %dma_wait3A_1284 = tpu.memref_squeeze %dma_wait3A_1283 : memref<1x1x256x64xf32, #tpu.memory_space<hbm>> -> memref<256x64xf32, #tpu.memory_space<hbm>>
    %dma_wait3A_1285 = arith.constant 0 : i32
    %dma_wait3A_1286 = arith.constant 0 : i32
    %dma_wait3A_1287 = tpu.memref_slice %arg4[%add3A, %dma_wait3A_1276, %dma_wait3A_1285, %dma_wait3A_1286] : memref<32x32x256x64xf32, #tpu.memory_space<hbm>> -> memref<1x1x256x64xf32, #tpu.memory_space<hbm>>
    %dma_wait3A_1288 = tpu.memref_squeeze %dma_wait3A_1287 : memref<1x1x256x64xf32, #tpu.memory_space<hbm>> -> memref<256x64xf32, #tpu.memory_space<hbm>>
    %dma_wait3A_1289 = arith.constant 0 : i32
    %dma_wait3A_1290 = arith.constant 0 : i32
    %dma_wait3A_1291 = tpu.memref_slice %arg6[%dma_wait3A_1275, %dma_wait3A_1289, %dma_wait3A_1290] : memref<4x256x64xf32, #tpu.memory_space<vmem>> -> memref<1x256x64xf32, #tpu.memory_space<vmem>>
    %dma_wait3A_1292 = tpu.memref_squeeze %dma_wait3A_1291 : memref<1x256x64xf32, #tpu.memory_space<vmem>> -> memref<256x64xf32, #tpu.memory_space<vmem>>
    tpu.wait_dma2 semaphore(%arg13 : memref<!tpu.dma_semaphore, #tpu.memory_space<semaphore_mem>>) src(%dma_wait3A_1292 : memref<256x64xf32, #tpu.memory_space<vmem>>) dst(%dma_wait3A_1288 : memref<256x64xf32, #tpu.memory_space<hbm>>)
    %dma_start3A_1293 = arith.constant 34 : i32
    %dma_start3A_1294 = arith.constant 1 : i32
    %dma_start3A_1295 = arith.constant 0 : i32
    %dma_start3A_1296 = arith.constant 0 : i32
    %dma_start3A_1297 = tpu.memref_slice %arg6[%dma_start3A_1294, %dma_start3A_1295, %dma_start3A_1296] : memref<4x256x64xf32, #tpu.memory_space<vmem>> -> memref<1x128x64xf32, #tpu.memory_space<vmem>>
    %dma_start3A_1298 = tpu.memref_squeeze %dma_start3A_1297 : memref<1x128x64xf32, #tpu.memory_space<vmem>> -> memref<128x64xf32, #tpu.memory_space<vmem>>
    %dma_start3A_1299 = arith.constant 0 : i32
    %dma_start3A_1300 = tpu.memref_slice %arg5[%dma_start3A_1293, %dma_start3A_1299] : memref<64x128xi32, #tpu.memory_space<vmem>> -> memref<1x128xi32, #tpu.memory_space<vmem>>
    %dma_start3A_1301 = tpu.memref_squeeze %dma_start3A_1300 : memref<1x128xi32, #tpu.memory_space<vmem>> -> memref<128xi32, #tpu.memory_space<vmem>>
    %dma_start3A_1302 = arith.constant 0 : i32
    %dma_start3A_1303 = arith.constant 0 : i32
    %dma_start3A_1304 = tpu.memref_slice %arg7[%dma_start3A_1302, %dma_start3A_1303] : memref<8192x64xf32, #tpu.memory_space<vmem_shared>> -> memref<8192x64xf32, #tpu.memory_space<vmem_shared>>
    tpu.enqueue_indirect_dma source(%dma_start3A_1304 : memref<8192x64xf32, #tpu.memory_space<vmem_shared>>) target(%dma_start3A_1298 : memref<128x64xf32, #tpu.memory_space<vmem>>) offsets(%dma_start3A_1301 : memref<128xi32, #tpu.memory_space<vmem>>) semaphore(%arg9 : memref<!tpu.dma_semaphore, #tpu.memory_space<semaphore_mem>>)
    %dma_start3A_1305 = arith.constant 35 : i32
    %dma_start3A_1306 = arith.constant 1 : i32
    %dma_start3A_1307 = arith.constant 128 : i32
    %dma_start3A_1308 = arith.constant 0 : i32
    %dma_start3A_1309 = tpu.memref_slice %arg6[%dma_start3A_1306, %dma_start3A_1307, %dma_start3A_1308] : memref<4x256x64xf32, #tpu.memory_space<vmem>> -> memref<1x128x64xf32, #tpu.memory_space<vmem>>
    %dma_start3A_1310 = tpu.memref_squeeze %dma_start3A_1309 : memref<1x128x64xf32, #tpu.memory_space<vmem>> -> memref<128x64xf32, #tpu.memory_space<vmem>>
    %dma_start3A_1311 = arith.constant 0 : i32
    %dma_start3A_1312 = tpu.memref_slice %arg5[%dma_start3A_1305, %dma_start3A_1311] : memref<64x128xi32, #tpu.memory_space<vmem>> -> memref<1x128xi32, #tpu.memory_space<vmem>>
    %dma_start3A_1313 = tpu.memref_squeeze %dma_start3A_1312 : memref<1x128xi32, #tpu.memory_space<vmem>> -> memref<128xi32, #tpu.memory_space<vmem>>
    %dma_start3A_1314 = arith.constant 0 : i32
    %dma_start3A_1315 = arith.constant 0 : i32
    %dma_start3A_1316 = tpu.memref_slice %arg7[%dma_start3A_1314, %dma_start3A_1315] : memref<8192x64xf32, #tpu.memory_space<vmem_shared>> -> memref<8192x64xf32, #tpu.memory_space<vmem_shared>>
    tpu.enqueue_indirect_dma source(%dma_start3A_1316 : memref<8192x64xf32, #tpu.memory_space<vmem_shared>>) target(%dma_start3A_1310 : memref<128x64xf32, #tpu.memory_space<vmem>>) offsets(%dma_start3A_1313 : memref<128xi32, #tpu.memory_space<vmem>>) semaphore(%arg9 : memref<!tpu.dma_semaphore, #tpu.memory_space<semaphore_mem>>)
    %dma_wait3A_1317 = arith.constant 30 : i32
    %dma_wait3A_1318 = arith.constant 3 : i32
    %dma_wait3A_1319 = arith.constant 0 : i32
    %dma_wait3A_1320 = arith.constant 0 : i32
    %dma_wait3A_1321 = tpu.memref_slice %arg6[%dma_wait3A_1318, %dma_wait3A_1319, %dma_wait3A_1320] : memref<4x256x64xf32, #tpu.memory_space<vmem>> -> memref<1x128x64xf32, #tpu.memory_space<vmem>>
    %dma_wait3A_1322 = tpu.memref_squeeze %dma_wait3A_1321 : memref<1x128x64xf32, #tpu.memory_space<vmem>> -> memref<128x64xf32, #tpu.memory_space<vmem>>
    %dma_wait3A_1323 = arith.constant 0 : i32
    %dma_wait3A_1324 = tpu.memref_slice %arg5[%dma_wait3A_1317, %dma_wait3A_1323] : memref<64x128xi32, #tpu.memory_space<vmem>> -> memref<1x128xi32, #tpu.memory_space<vmem>>
    %dma_wait3A_1325 = tpu.memref_squeeze %dma_wait3A_1324 : memref<1x128xi32, #tpu.memory_space<vmem>> -> memref<128xi32, #tpu.memory_space<vmem>>
    %dma_wait3A_1326 = arith.constant 0 : i32
    %dma_wait3A_1327 = arith.constant 0 : i32
    %dma_wait3A_1328 = tpu.memref_slice %arg7[%dma_wait3A_1326, %dma_wait3A_1327] : memref<8192x64xf32, #tpu.memory_space<vmem_shared>> -> memref<8192x64xf32, #tpu.memory_space<vmem_shared>>
    tpu.wait_indirect_dma semaphore(%arg11 : memref<!tpu.dma_semaphore, #tpu.memory_space<semaphore_mem>>) src(%dma_wait3A_1328 : memref<8192x64xf32, #tpu.memory_space<vmem_shared>>) dst(%dma_wait3A_1322 : memref<128x64xf32, #tpu.memory_space<vmem>>)
    %dma_wait3A_1329 = arith.constant 31 : i32
    %dma_wait3A_1330 = arith.constant 3 : i32
    %dma_wait3A_1331 = arith.constant 128 : i32
    %dma_wait3A_1332 = arith.constant 0 : i32
    %dma_wait3A_1333 = tpu.memref_slice %arg6[%dma_wait3A_1330, %dma_wait3A_1331, %dma_wait3A_1332] : memref<4x256x64xf32, #tpu.memory_space<vmem>> -> memref<1x128x64xf32, #tpu.memory_space<vmem>>
    %dma_wait3A_1334 = tpu.memref_squeeze %dma_wait3A_1333 : memref<1x128x64xf32, #tpu.memory_space<vmem>> -> memref<128x64xf32, #tpu.memory_space<vmem>>
    %dma_wait3A_1335 = arith.constant 0 : i32
    %dma_wait3A_1336 = tpu.memref_slice %arg5[%dma_wait3A_1329, %dma_wait3A_1335] : memref<64x128xi32, #tpu.memory_space<vmem>> -> memref<1x128xi32, #tpu.memory_space<vmem>>
    %dma_wait3A_1337 = tpu.memref_squeeze %dma_wait3A_1336 : memref<1x128xi32, #tpu.memory_space<vmem>> -> memref<128xi32, #tpu.memory_space<vmem>>
    %dma_wait3A_1338 = arith.constant 0 : i32
    %dma_wait3A_1339 = arith.constant 0 : i32
    %dma_wait3A_1340 = tpu.memref_slice %arg7[%dma_wait3A_1338, %dma_wait3A_1339] : memref<8192x64xf32, #tpu.memory_space<vmem_shared>> -> memref<8192x64xf32, #tpu.memory_space<vmem_shared>>
    tpu.wait_indirect_dma semaphore(%arg11 : memref<!tpu.dma_semaphore, #tpu.memory_space<semaphore_mem>>) src(%dma_wait3A_1340 : memref<8192x64xf32, #tpu.memory_space<vmem_shared>>) dst(%dma_wait3A_1334 : memref<128x64xf32, #tpu.memory_space<vmem>>)
    %dma_start3A_1341 = arith.constant 3 : i32
    %dma_start3A_1342 = arith.constant 15 : i32
    %dma_start3A_1343 = arith.constant 0 : i32
    %dma_start3A_1344 = arith.constant 0 : i32
    %dma_start3A_1345 = tpu.memref_slice %arg6[%dma_start3A_1341, %dma_start3A_1343, %dma_start3A_1344] : memref<4x256x64xf32, #tpu.memory_space<vmem>> -> memref<1x256x64xf32, #tpu.memory_space<vmem>>
    %dma_start3A_1346 = tpu.memref_squeeze %dma_start3A_1345 : memref<1x256x64xf32, #tpu.memory_space<vmem>> -> memref<256x64xf32, #tpu.memory_space<vmem>>
    %dma_start3A_1347 = arith.constant 0 : i32
    %dma_start3A_1348 = arith.constant 0 : i32
    %dma_start3A_1349 = tpu.memref_slice %arg4[%add3A, %dma_start3A_1342, %dma_start3A_1347, %dma_start3A_1348] : memref<32x32x256x64xf32, #tpu.memory_space<hbm>> -> memref<1x1x256x64xf32, #tpu.memory_space<hbm>>
    %dma_start3A_1350 = tpu.memref_squeeze %dma_start3A_1349 : memref<1x1x256x64xf32, #tpu.memory_space<hbm>> -> memref<256x64xf32, #tpu.memory_space<hbm>>
    %dma_start3A_1351 = arith.constant 0 : i32
    %dma_start3A_1352 = arith.constant 0 : i32
    %dma_start3A_1353 = tpu.memref_slice %arg4[%add3A, %dma_start3A_1342, %dma_start3A_1351, %dma_start3A_1352] : memref<32x32x256x64xf32, #tpu.memory_space<hbm>> -> memref<1x1x256x64xf32, #tpu.memory_space<hbm>>
    %dma_start3A_1354 = tpu.memref_squeeze %dma_start3A_1353 : memref<1x1x256x64xf32, #tpu.memory_space<hbm>> -> memref<256x64xf32, #tpu.memory_space<hbm>>
    %dma_start3A_1355 = arith.constant 0 : i32
    %dma_start3A_1356 = arith.constant 0 : i32
    %dma_start3A_1357 = tpu.memref_slice %arg6[%dma_start3A_1341, %dma_start3A_1355, %dma_start3A_1356] : memref<4x256x64xf32, #tpu.memory_space<vmem>> -> memref<1x256x64xf32, #tpu.memory_space<vmem>>
    %dma_start3A_1358 = tpu.memref_squeeze %dma_start3A_1357 : memref<1x256x64xf32, #tpu.memory_space<vmem>> -> memref<256x64xf32, #tpu.memory_space<vmem>>
    tpu.enqueue_dma source(%dma_start3A_1358 : memref<256x64xf32, #tpu.memory_space<vmem>>) target(%dma_start3A_1354 : memref<256x64xf32, #tpu.memory_space<hbm>>) target_semaphore(%arg15 : memref<!tpu.dma_semaphore, #tpu.memory_space<semaphore_mem>>)
    %dma_wait3A_1359 = arith.constant 2 : i32
    %dma_wait3A_1360 = arith.constant 14 : i32
    %dma_wait3A_1361 = arith.constant 0 : i32
    %dma_wait3A_1362 = arith.constant 0 : i32
    %dma_wait3A_1363 = tpu.memref_slice %arg6[%dma_wait3A_1359, %dma_wait3A_1361, %dma_wait3A_1362] : memref<4x256x64xf32, #tpu.memory_space<vmem>> -> memref<1x256x64xf32, #tpu.memory_space<vmem>>
    %dma_wait3A_1364 = tpu.memref_squeeze %dma_wait3A_1363 : memref<1x256x64xf32, #tpu.memory_space<vmem>> -> memref<256x64xf32, #tpu.memory_space<vmem>>
    %dma_wait3A_1365 = arith.constant 0 : i32
    %dma_wait3A_1366 = arith.constant 0 : i32
    %dma_wait3A_1367 = tpu.memref_slice %arg4[%add3A, %dma_wait3A_1360, %dma_wait3A_1365, %dma_wait3A_1366] : memref<32x32x256x64xf32, #tpu.memory_space<hbm>> -> memref<1x1x256x64xf32, #tpu.memory_space<hbm>>
    %dma_wait3A_1368 = tpu.memref_squeeze %dma_wait3A_1367 : memref<1x1x256x64xf32, #tpu.memory_space<hbm>> -> memref<256x64xf32, #tpu.memory_space<hbm>>
    %dma_wait3A_1369 = arith.constant 0 : i32
    %dma_wait3A_1370 = arith.constant 0 : i32
    %dma_wait3A_1371 = tpu.memref_slice %arg4[%add3A, %dma_wait3A_1360, %dma_wait3A_1369, %dma_wait3A_1370] : memref<32x32x256x64xf32, #tpu.memory_space<hbm>> -> memref<1x1x256x64xf32, #tpu.memory_space<hbm>>
    %dma_wait3A_1372 = tpu.memref_squeeze %dma_wait3A_1371 : memref<1x1x256x64xf32, #tpu.memory_space<hbm>> -> memref<256x64xf32, #tpu.memory_space<hbm>>
    %dma_wait3A_1373 = arith.constant 0 : i32
    %dma_wait3A_1374 = arith.constant 0 : i32
    %dma_wait3A_1375 = tpu.memref_slice %arg6[%dma_wait3A_1359, %dma_wait3A_1373, %dma_wait3A_1374] : memref<4x256x64xf32, #tpu.memory_space<vmem>> -> memref<1x256x64xf32, #tpu.memory_space<vmem>>
    %dma_wait3A_1376 = tpu.memref_squeeze %dma_wait3A_1375 : memref<1x256x64xf32, #tpu.memory_space<vmem>> -> memref<256x64xf32, #tpu.memory_space<vmem>>
    tpu.wait_dma2 semaphore(%arg14 : memref<!tpu.dma_semaphore, #tpu.memory_space<semaphore_mem>>) src(%dma_wait3A_1376 : memref<256x64xf32, #tpu.memory_space<vmem>>) dst(%dma_wait3A_1372 : memref<256x64xf32, #tpu.memory_space<hbm>>)
    %dma_start3A_1377 = arith.constant 36 : i32
    %dma_start3A_1378 = arith.constant 2 : i32
    %dma_start3A_1379 = arith.constant 0 : i32
    %dma_start3A_1380 = arith.constant 0 : i32
    %dma_start3A_1381 = tpu.memref_slice %arg6[%dma_start3A_1378, %dma_start3A_1379, %dma_start3A_1380] : memref<4x256x64xf32, #tpu.memory_space<vmem>> -> memref<1x128x64xf32, #tpu.memory_space<vmem>>
    %dma_start3A_1382 = tpu.memref_squeeze %dma_start3A_1381 : memref<1x128x64xf32, #tpu.memory_space<vmem>> -> memref<128x64xf32, #tpu.memory_space<vmem>>
    %dma_start3A_1383 = arith.constant 0 : i32
    %dma_start3A_1384 = tpu.memref_slice %arg5[%dma_start3A_1377, %dma_start3A_1383] : memref<64x128xi32, #tpu.memory_space<vmem>> -> memref<1x128xi32, #tpu.memory_space<vmem>>
    %dma_start3A_1385 = tpu.memref_squeeze %dma_start3A_1384 : memref<1x128xi32, #tpu.memory_space<vmem>> -> memref<128xi32, #tpu.memory_space<vmem>>
    %dma_start3A_1386 = arith.constant 0 : i32
    %dma_start3A_1387 = arith.constant 0 : i32
    %dma_start3A_1388 = tpu.memref_slice %arg7[%dma_start3A_1386, %dma_start3A_1387] : memref<8192x64xf32, #tpu.memory_space<vmem_shared>> -> memref<8192x64xf32, #tpu.memory_space<vmem_shared>>
    tpu.enqueue_indirect_dma source(%dma_start3A_1388 : memref<8192x64xf32, #tpu.memory_space<vmem_shared>>) target(%dma_start3A_1382 : memref<128x64xf32, #tpu.memory_space<vmem>>) offsets(%dma_start3A_1385 : memref<128xi32, #tpu.memory_space<vmem>>) semaphore(%arg10 : memref<!tpu.dma_semaphore, #tpu.memory_space<semaphore_mem>>)
    %dma_start3A_1389 = arith.constant 37 : i32
    %dma_start3A_1390 = arith.constant 2 : i32
    %dma_start3A_1391 = arith.constant 128 : i32
    %dma_start3A_1392 = arith.constant 0 : i32
    %dma_start3A_1393 = tpu.memref_slice %arg6[%dma_start3A_1390, %dma_start3A_1391, %dma_start3A_1392] : memref<4x256x64xf32, #tpu.memory_space<vmem>> -> memref<1x128x64xf32, #tpu.memory_space<vmem>>
    %dma_start3A_1394 = tpu.memref_squeeze %dma_start3A_1393 : memref<1x128x64xf32, #tpu.memory_space<vmem>> -> memref<128x64xf32, #tpu.memory_space<vmem>>
    %dma_start3A_1395 = arith.constant 0 : i32
    %dma_start3A_1396 = tpu.memref_slice %arg5[%dma_start3A_1389, %dma_start3A_1395] : memref<64x128xi32, #tpu.memory_space<vmem>> -> memref<1x128xi32, #tpu.memory_space<vmem>>
    %dma_start3A_1397 = tpu.memref_squeeze %dma_start3A_1396 : memref<1x128xi32, #tpu.memory_space<vmem>> -> memref<128xi32, #tpu.memory_space<vmem>>
    %dma_start3A_1398 = arith.constant 0 : i32
    %dma_start3A_1399 = arith.constant 0 : i32
    %dma_start3A_1400 = tpu.memref_slice %arg7[%dma_start3A_1398, %dma_start3A_1399] : memref<8192x64xf32, #tpu.memory_space<vmem_shared>> -> memref<8192x64xf32, #tpu.memory_space<vmem_shared>>
    tpu.enqueue_indirect_dma source(%dma_start3A_1400 : memref<8192x64xf32, #tpu.memory_space<vmem_shared>>) target(%dma_start3A_1394 : memref<128x64xf32, #tpu.memory_space<vmem>>) offsets(%dma_start3A_1397 : memref<128xi32, #tpu.memory_space<vmem>>) semaphore(%arg10 : memref<!tpu.dma_semaphore, #tpu.memory_space<semaphore_mem>>)
    %dma_wait3A_1401 = arith.constant 32 : i32
    %dma_wait3A_1402 = arith.constant 0 : i32
    %dma_wait3A_1403 = arith.constant 0 : i32
    %dma_wait3A_1404 = arith.constant 0 : i32
    %dma_wait3A_1405 = tpu.memref_slice %arg6[%dma_wait3A_1402, %dma_wait3A_1403, %dma_wait3A_1404] : memref<4x256x64xf32, #tpu.memory_space<vmem>> -> memref<1x128x64xf32, #tpu.memory_space<vmem>>
    %dma_wait3A_1406 = tpu.memref_squeeze %dma_wait3A_1405 : memref<1x128x64xf32, #tpu.memory_space<vmem>> -> memref<128x64xf32, #tpu.memory_space<vmem>>
    %dma_wait3A_1407 = arith.constant 0 : i32
    %dma_wait3A_1408 = tpu.memref_slice %arg5[%dma_wait3A_1401, %dma_wait3A_1407] : memref<64x128xi32, #tpu.memory_space<vmem>> -> memref<1x128xi32, #tpu.memory_space<vmem>>
    %dma_wait3A_1409 = tpu.memref_squeeze %dma_wait3A_1408 : memref<1x128xi32, #tpu.memory_space<vmem>> -> memref<128xi32, #tpu.memory_space<vmem>>
    %dma_wait3A_1410 = arith.constant 0 : i32
    %dma_wait3A_1411 = arith.constant 0 : i32
    %dma_wait3A_1412 = tpu.memref_slice %arg7[%dma_wait3A_1410, %dma_wait3A_1411] : memref<8192x64xf32, #tpu.memory_space<vmem_shared>> -> memref<8192x64xf32, #tpu.memory_space<vmem_shared>>
    tpu.wait_indirect_dma semaphore(%arg8 : memref<!tpu.dma_semaphore, #tpu.memory_space<semaphore_mem>>) src(%dma_wait3A_1412 : memref<8192x64xf32, #tpu.memory_space<vmem_shared>>) dst(%dma_wait3A_1406 : memref<128x64xf32, #tpu.memory_space<vmem>>)
    %dma_wait3A_1413 = arith.constant 33 : i32
    %dma_wait3A_1414 = arith.constant 0 : i32
    %dma_wait3A_1415 = arith.constant 128 : i32
    %dma_wait3A_1416 = arith.constant 0 : i32
    %dma_wait3A_1417 = tpu.memref_slice %arg6[%dma_wait3A_1414, %dma_wait3A_1415, %dma_wait3A_1416] : memref<4x256x64xf32, #tpu.memory_space<vmem>> -> memref<1x128x64xf32, #tpu.memory_space<vmem>>
    %dma_wait3A_1418 = tpu.memref_squeeze %dma_wait3A_1417 : memref<1x128x64xf32, #tpu.memory_space<vmem>> -> memref<128x64xf32, #tpu.memory_space<vmem>>
    %dma_wait3A_1419 = arith.constant 0 : i32
    %dma_wait3A_1420 = tpu.memref_slice %arg5[%dma_wait3A_1413, %dma_wait3A_1419] : memref<64x128xi32, #tpu.memory_space<vmem>> -> memref<1x128xi32, #tpu.memory_space<vmem>>
    %dma_wait3A_1421 = tpu.memref_squeeze %dma_wait3A_1420 : memref<1x128xi32, #tpu.memory_space<vmem>> -> memref<128xi32, #tpu.memory_space<vmem>>
    %dma_wait3A_1422 = arith.constant 0 : i32
    %dma_wait3A_1423 = arith.constant 0 : i32
    %dma_wait3A_1424 = tpu.memref_slice %arg7[%dma_wait3A_1422, %dma_wait3A_1423] : memref<8192x64xf32, #tpu.memory_space<vmem_shared>> -> memref<8192x64xf32, #tpu.memory_space<vmem_shared>>
    tpu.wait_indirect_dma semaphore(%arg8 : memref<!tpu.dma_semaphore, #tpu.memory_space<semaphore_mem>>) src(%dma_wait3A_1424 : memref<8192x64xf32, #tpu.memory_space<vmem_shared>>) dst(%dma_wait3A_1418 : memref<128x64xf32, #tpu.memory_space<vmem>>)
    %dma_start3A_1425 = arith.constant 0 : i32
    %dma_start3A_1426 = arith.constant 16 : i32
    %dma_start3A_1427 = arith.constant 0 : i32
    %dma_start3A_1428 = arith.constant 0 : i32
    %dma_start3A_1429 = tpu.memref_slice %arg6[%dma_start3A_1425, %dma_start3A_1427, %dma_start3A_1428] : memref<4x256x64xf32, #tpu.memory_space<vmem>> -> memref<1x256x64xf32, #tpu.memory_space<vmem>>
    %dma_start3A_1430 = tpu.memref_squeeze %dma_start3A_1429 : memref<1x256x64xf32, #tpu.memory_space<vmem>> -> memref<256x64xf32, #tpu.memory_space<vmem>>
    %dma_start3A_1431 = arith.constant 0 : i32
    %dma_start3A_1432 = arith.constant 0 : i32
    %dma_start3A_1433 = tpu.memref_slice %arg4[%add3A, %dma_start3A_1426, %dma_start3A_1431, %dma_start3A_1432] : memref<32x32x256x64xf32, #tpu.memory_space<hbm>> -> memref<1x1x256x64xf32, #tpu.memory_space<hbm>>
    %dma_start3A_1434 = tpu.memref_squeeze %dma_start3A_1433 : memref<1x1x256x64xf32, #tpu.memory_space<hbm>> -> memref<256x64xf32, #tpu.memory_space<hbm>>
    %dma_start3A_1435 = arith.constant 0 : i32
    %dma_start3A_1436 = arith.constant 0 : i32
    %dma_start3A_1437 = tpu.memref_slice %arg4[%add3A, %dma_start3A_1426, %dma_start3A_1435, %dma_start3A_1436] : memref<32x32x256x64xf32, #tpu.memory_space<hbm>> -> memref<1x1x256x64xf32, #tpu.memory_space<hbm>>
    %dma_start3A_1438 = tpu.memref_squeeze %dma_start3A_1437 : memref<1x1x256x64xf32, #tpu.memory_space<hbm>> -> memref<256x64xf32, #tpu.memory_space<hbm>>
    %dma_start3A_1439 = arith.constant 0 : i32
    %dma_start3A_1440 = arith.constant 0 : i32
    %dma_start3A_1441 = tpu.memref_slice %arg6[%dma_start3A_1425, %dma_start3A_1439, %dma_start3A_1440] : memref<4x256x64xf32, #tpu.memory_space<vmem>> -> memref<1x256x64xf32, #tpu.memory_space<vmem>>
    %dma_start3A_1442 = tpu.memref_squeeze %dma_start3A_1441 : memref<1x256x64xf32, #tpu.memory_space<vmem>> -> memref<256x64xf32, #tpu.memory_space<vmem>>
    tpu.enqueue_dma source(%dma_start3A_1442 : memref<256x64xf32, #tpu.memory_space<vmem>>) target(%dma_start3A_1438 : memref<256x64xf32, #tpu.memory_space<hbm>>) target_semaphore(%arg12 : memref<!tpu.dma_semaphore, #tpu.memory_space<semaphore_mem>>)
    %dma_wait3A_1443 = arith.constant 3 : i32
    %dma_wait3A_1444 = arith.constant 15 : i32
    %dma_wait3A_1445 = arith.constant 0 : i32
    %dma_wait3A_1446 = arith.constant 0 : i32
    %dma_wait3A_1447 = tpu.memref_slice %arg6[%dma_wait3A_1443, %dma_wait3A_1445, %dma_wait3A_1446] : memref<4x256x64xf32, #tpu.memory_space<vmem>> -> memref<1x256x64xf32, #tpu.memory_space<vmem>>
    %dma_wait3A_1448 = tpu.memref_squeeze %dma_wait3A_1447 : memref<1x256x64xf32, #tpu.memory_space<vmem>> -> memref<256x64xf32, #tpu.memory_space<vmem>>
    %dma_wait3A_1449 = arith.constant 0 : i32
    %dma_wait3A_1450 = arith.constant 0 : i32
    %dma_wait3A_1451 = tpu.memref_slice %arg4[%add3A, %dma_wait3A_1444, %dma_wait3A_1449, %dma_wait3A_1450] : memref<32x32x256x64xf32, #tpu.memory_space<hbm>> -> memref<1x1x256x64xf32, #tpu.memory_space<hbm>>
    %dma_wait3A_1452 = tpu.memref_squeeze %dma_wait3A_1451 : memref<1x1x256x64xf32, #tpu.memory_space<hbm>> -> memref<256x64xf32, #tpu.memory_space<hbm>>
    %dma_wait3A_1453 = arith.constant 0 : i32
    %dma_wait3A_1454 = arith.constant 0 : i32
    %dma_wait3A_1455 = tpu.memref_slice %arg4[%add3A, %dma_wait3A_1444, %dma_wait3A_1453, %dma_wait3A_1454] : memref<32x32x256x64xf32, #tpu.memory_space<hbm>> -> memref<1x1x256x64xf32, #tpu.memory_space<hbm>>
    %dma_wait3A_1456 = tpu.memref_squeeze %dma_wait3A_1455 : memref<1x1x256x64xf32, #tpu.memory_space<hbm>> -> memref<256x64xf32, #tpu.memory_space<hbm>>
    %dma_wait3A_1457 = arith.constant 0 : i32
    %dma_wait3A_1458 = arith.constant 0 : i32
    %dma_wait3A_1459 = tpu.memref_slice %arg6[%dma_wait3A_1443, %dma_wait3A_1457, %dma_wait3A_1458] : memref<4x256x64xf32, #tpu.memory_space<vmem>> -> memref<1x256x64xf32, #tpu.memory_space<vmem>>
    %dma_wait3A_1460 = tpu.memref_squeeze %dma_wait3A_1459 : memref<1x256x64xf32, #tpu.memory_space<vmem>> -> memref<256x64xf32, #tpu.memory_space<vmem>>
    tpu.wait_dma2 semaphore(%arg15 : memref<!tpu.dma_semaphore, #tpu.memory_space<semaphore_mem>>) src(%dma_wait3A_1460 : memref<256x64xf32, #tpu.memory_space<vmem>>) dst(%dma_wait3A_1456 : memref<256x64xf32, #tpu.memory_space<hbm>>)
    %dma_start3A_1461 = arith.constant 38 : i32
    %dma_start3A_1462 = arith.constant 3 : i32
    %dma_start3A_1463 = arith.constant 0 : i32
    %dma_start3A_1464 = arith.constant 0 : i32
    %dma_start3A_1465 = tpu.memref_slice %arg6[%dma_start3A_1462, %dma_start3A_1463, %dma_start3A_1464] : memref<4x256x64xf32, #tpu.memory_space<vmem>> -> memref<1x128x64xf32, #tpu.memory_space<vmem>>
    %dma_start3A_1466 = tpu.memref_squeeze %dma_start3A_1465 : memref<1x128x64xf32, #tpu.memory_space<vmem>> -> memref<128x64xf32, #tpu.memory_space<vmem>>
    %dma_start3A_1467 = arith.constant 0 : i32
    %dma_start3A_1468 = tpu.memref_slice %arg5[%dma_start3A_1461, %dma_start3A_1467] : memref<64x128xi32, #tpu.memory_space<vmem>> -> memref<1x128xi32, #tpu.memory_space<vmem>>
    %dma_start3A_1469 = tpu.memref_squeeze %dma_start3A_1468 : memref<1x128xi32, #tpu.memory_space<vmem>> -> memref<128xi32, #tpu.memory_space<vmem>>
    %dma_start3A_1470 = arith.constant 0 : i32
    %dma_start3A_1471 = arith.constant 0 : i32
    %dma_start3A_1472 = tpu.memref_slice %arg7[%dma_start3A_1470, %dma_start3A_1471] : memref<8192x64xf32, #tpu.memory_space<vmem_shared>> -> memref<8192x64xf32, #tpu.memory_space<vmem_shared>>
    tpu.enqueue_indirect_dma source(%dma_start3A_1472 : memref<8192x64xf32, #tpu.memory_space<vmem_shared>>) target(%dma_start3A_1466 : memref<128x64xf32, #tpu.memory_space<vmem>>) offsets(%dma_start3A_1469 : memref<128xi32, #tpu.memory_space<vmem>>) semaphore(%arg11 : memref<!tpu.dma_semaphore, #tpu.memory_space<semaphore_mem>>)
    %dma_start3A_1473 = arith.constant 39 : i32
    %dma_start3A_1474 = arith.constant 3 : i32
    %dma_start3A_1475 = arith.constant 128 : i32
    %dma_start3A_1476 = arith.constant 0 : i32
    %dma_start3A_1477 = tpu.memref_slice %arg6[%dma_start3A_1474, %dma_start3A_1475, %dma_start3A_1476] : memref<4x256x64xf32, #tpu.memory_space<vmem>> -> memref<1x128x64xf32, #tpu.memory_space<vmem>>
    %dma_start3A_1478 = tpu.memref_squeeze %dma_start3A_1477 : memref<1x128x64xf32, #tpu.memory_space<vmem>> -> memref<128x64xf32, #tpu.memory_space<vmem>>
    %dma_start3A_1479 = arith.constant 0 : i32
    %dma_start3A_1480 = tpu.memref_slice %arg5[%dma_start3A_1473, %dma_start3A_1479] : memref<64x128xi32, #tpu.memory_space<vmem>> -> memref<1x128xi32, #tpu.memory_space<vmem>>
    %dma_start3A_1481 = tpu.memref_squeeze %dma_start3A_1480 : memref<1x128xi32, #tpu.memory_space<vmem>> -> memref<128xi32, #tpu.memory_space<vmem>>
    %dma_start3A_1482 = arith.constant 0 : i32
    %dma_start3A_1483 = arith.constant 0 : i32
    %dma_start3A_1484 = tpu.memref_slice %arg7[%dma_start3A_1482, %dma_start3A_1483] : memref<8192x64xf32, #tpu.memory_space<vmem_shared>> -> memref<8192x64xf32, #tpu.memory_space<vmem_shared>>
    tpu.enqueue_indirect_dma source(%dma_start3A_1484 : memref<8192x64xf32, #tpu.memory_space<vmem_shared>>) target(%dma_start3A_1478 : memref<128x64xf32, #tpu.memory_space<vmem>>) offsets(%dma_start3A_1481 : memref<128xi32, #tpu.memory_space<vmem>>) semaphore(%arg11 : memref<!tpu.dma_semaphore, #tpu.memory_space<semaphore_mem>>)
    %dma_wait3A_1485 = arith.constant 34 : i32
    %dma_wait3A_1486 = arith.constant 1 : i32
    %dma_wait3A_1487 = arith.constant 0 : i32
    %dma_wait3A_1488 = arith.constant 0 : i32
    %dma_wait3A_1489 = tpu.memref_slice %arg6[%dma_wait3A_1486, %dma_wait3A_1487, %dma_wait3A_1488] : memref<4x256x64xf32, #tpu.memory_space<vmem>> -> memref<1x128x64xf32, #tpu.memory_space<vmem>>
    %dma_wait3A_1490 = tpu.memref_squeeze %dma_wait3A_1489 : memref<1x128x64xf32, #tpu.memory_space<vmem>> -> memref<128x64xf32, #tpu.memory_space<vmem>>
    %dma_wait3A_1491 = arith.constant 0 : i32
    %dma_wait3A_1492 = tpu.memref_slice %arg5[%dma_wait3A_1485, %dma_wait3A_1491] : memref<64x128xi32, #tpu.memory_space<vmem>> -> memref<1x128xi32, #tpu.memory_space<vmem>>
    %dma_wait3A_1493 = tpu.memref_squeeze %dma_wait3A_1492 : memref<1x128xi32, #tpu.memory_space<vmem>> -> memref<128xi32, #tpu.memory_space<vmem>>
    %dma_wait3A_1494 = arith.constant 0 : i32
    %dma_wait3A_1495 = arith.constant 0 : i32
    %dma_wait3A_1496 = tpu.memref_slice %arg7[%dma_wait3A_1494, %dma_wait3A_1495] : memref<8192x64xf32, #tpu.memory_space<vmem_shared>> -> memref<8192x64xf32, #tpu.memory_space<vmem_shared>>
    tpu.wait_indirect_dma semaphore(%arg9 : memref<!tpu.dma_semaphore, #tpu.memory_space<semaphore_mem>>) src(%dma_wait3A_1496 : memref<8192x64xf32, #tpu.memory_space<vmem_shared>>) dst(%dma_wait3A_1490 : memref<128x64xf32, #tpu.memory_space<vmem>>)
    %dma_wait3A_1497 = arith.constant 35 : i32
    %dma_wait3A_1498 = arith.constant 1 : i32
    %dma_wait3A_1499 = arith.constant 128 : i32
    %dma_wait3A_1500 = arith.constant 0 : i32
    %dma_wait3A_1501 = tpu.memref_slice %arg6[%dma_wait3A_1498, %dma_wait3A_1499, %dma_wait3A_1500] : memref<4x256x64xf32, #tpu.memory_space<vmem>> -> memref<1x128x64xf32, #tpu.memory_space<vmem>>
    %dma_wait3A_1502 = tpu.memref_squeeze %dma_wait3A_1501 : memref<1x128x64xf32, #tpu.memory_space<vmem>> -> memref<128x64xf32, #tpu.memory_space<vmem>>
    %dma_wait3A_1503 = arith.constant 0 : i32
    %dma_wait3A_1504 = tpu.memref_slice %arg5[%dma_wait3A_1497, %dma_wait3A_1503] : memref<64x128xi32, #tpu.memory_space<vmem>> -> memref<1x128xi32, #tpu.memory_space<vmem>>
    %dma_wait3A_1505 = tpu.memref_squeeze %dma_wait3A_1504 : memref<1x128xi32, #tpu.memory_space<vmem>> -> memref<128xi32, #tpu.memory_space<vmem>>
    %dma_wait3A_1506 = arith.constant 0 : i32
    %dma_wait3A_1507 = arith.constant 0 : i32
    %dma_wait3A_1508 = tpu.memref_slice %arg7[%dma_wait3A_1506, %dma_wait3A_1507] : memref<8192x64xf32, #tpu.memory_space<vmem_shared>> -> memref<8192x64xf32, #tpu.memory_space<vmem_shared>>
    tpu.wait_indirect_dma semaphore(%arg9 : memref<!tpu.dma_semaphore, #tpu.memory_space<semaphore_mem>>) src(%dma_wait3A_1508 : memref<8192x64xf32, #tpu.memory_space<vmem_shared>>) dst(%dma_wait3A_1502 : memref<128x64xf32, #tpu.memory_space<vmem>>)
    %dma_start3A_1509 = arith.constant 1 : i32
    %dma_start3A_1510 = arith.constant 17 : i32
    %dma_start3A_1511 = arith.constant 0 : i32
    %dma_start3A_1512 = arith.constant 0 : i32
    %dma_start3A_1513 = tpu.memref_slice %arg6[%dma_start3A_1509, %dma_start3A_1511, %dma_start3A_1512] : memref<4x256x64xf32, #tpu.memory_space<vmem>> -> memref<1x256x64xf32, #tpu.memory_space<vmem>>
    %dma_start3A_1514 = tpu.memref_squeeze %dma_start3A_1513 : memref<1x256x64xf32, #tpu.memory_space<vmem>> -> memref<256x64xf32, #tpu.memory_space<vmem>>
    %dma_start3A_1515 = arith.constant 0 : i32
    %dma_start3A_1516 = arith.constant 0 : i32
    %dma_start3A_1517 = tpu.memref_slice %arg4[%add3A, %dma_start3A_1510, %dma_start3A_1515, %dma_start3A_1516] : memref<32x32x256x64xf32, #tpu.memory_space<hbm>> -> memref<1x1x256x64xf32, #tpu.memory_space<hbm>>
    %dma_start3A_1518 = tpu.memref_squeeze %dma_start3A_1517 : memref<1x1x256x64xf32, #tpu.memory_space<hbm>> -> memref<256x64xf32, #tpu.memory_space<hbm>>
    %dma_start3A_1519 = arith.constant 0 : i32
    %dma_start3A_1520 = arith.constant 0 : i32
    %dma_start3A_1521 = tpu.memref_slice %arg4[%add3A, %dma_start3A_1510, %dma_start3A_1519, %dma_start3A_1520] : memref<32x32x256x64xf32, #tpu.memory_space<hbm>> -> memref<1x1x256x64xf32, #tpu.memory_space<hbm>>
    %dma_start3A_1522 = tpu.memref_squeeze %dma_start3A_1521 : memref<1x1x256x64xf32, #tpu.memory_space<hbm>> -> memref<256x64xf32, #tpu.memory_space<hbm>>
    %dma_start3A_1523 = arith.constant 0 : i32
    %dma_start3A_1524 = arith.constant 0 : i32
    %dma_start3A_1525 = tpu.memref_slice %arg6[%dma_start3A_1509, %dma_start3A_1523, %dma_start3A_1524] : memref<4x256x64xf32, #tpu.memory_space<vmem>> -> memref<1x256x64xf32, #tpu.memory_space<vmem>>
    %dma_start3A_1526 = tpu.memref_squeeze %dma_start3A_1525 : memref<1x256x64xf32, #tpu.memory_space<vmem>> -> memref<256x64xf32, #tpu.memory_space<vmem>>
    tpu.enqueue_dma source(%dma_start3A_1526 : memref<256x64xf32, #tpu.memory_space<vmem>>) target(%dma_start3A_1522 : memref<256x64xf32, #tpu.memory_space<hbm>>) target_semaphore(%arg13 : memref<!tpu.dma_semaphore, #tpu.memory_space<semaphore_mem>>)
    %dma_wait3A_1527 = arith.constant 0 : i32
    %dma_wait3A_1528 = arith.constant 16 : i32
    %dma_wait3A_1529 = arith.constant 0 : i32
    %dma_wait3A_1530 = arith.constant 0 : i32
    %dma_wait3A_1531 = tpu.memref_slice %arg6[%dma_wait3A_1527, %dma_wait3A_1529, %dma_wait3A_1530] : memref<4x256x64xf32, #tpu.memory_space<vmem>> -> memref<1x256x64xf32, #tpu.memory_space<vmem>>
    %dma_wait3A_1532 = tpu.memref_squeeze %dma_wait3A_1531 : memref<1x256x64xf32, #tpu.memory_space<vmem>> -> memref<256x64xf32, #tpu.memory_space<vmem>>
    %dma_wait3A_1533 = arith.constant 0 : i32
    %dma_wait3A_1534 = arith.constant 0 : i32
    %dma_wait3A_1535 = tpu.memref_slice %arg4[%add3A, %dma_wait3A_1528, %dma_wait3A_1533, %dma_wait3A_1534] : memref<32x32x256x64xf32, #tpu.memory_space<hbm>> -> memref<1x1x256x64xf32, #tpu.memory_space<hbm>>
    %dma_wait3A_1536 = tpu.memref_squeeze %dma_wait3A_1535 : memref<1x1x256x64xf32, #tpu.memory_space<hbm>> -> memref<256x64xf32, #tpu.memory_space<hbm>>
    %dma_wait3A_1537 = arith.constant 0 : i32
    %dma_wait3A_1538 = arith.constant 0 : i32
    %dma_wait3A_1539 = tpu.memref_slice %arg4[%add3A, %dma_wait3A_1528, %dma_wait3A_1537, %dma_wait3A_1538] : memref<32x32x256x64xf32, #tpu.memory_space<hbm>> -> memref<1x1x256x64xf32, #tpu.memory_space<hbm>>
    %dma_wait3A_1540 = tpu.memref_squeeze %dma_wait3A_1539 : memref<1x1x256x64xf32, #tpu.memory_space<hbm>> -> memref<256x64xf32, #tpu.memory_space<hbm>>
    %dma_wait3A_1541 = arith.constant 0 : i32
    %dma_wait3A_1542 = arith.constant 0 : i32
    %dma_wait3A_1543 = tpu.memref_slice %arg6[%dma_wait3A_1527, %dma_wait3A_1541, %dma_wait3A_1542] : memref<4x256x64xf32, #tpu.memory_space<vmem>> -> memref<1x256x64xf32, #tpu.memory_space<vmem>>
    %dma_wait3A_1544 = tpu.memref_squeeze %dma_wait3A_1543 : memref<1x256x64xf32, #tpu.memory_space<vmem>> -> memref<256x64xf32, #tpu.memory_space<vmem>>
    tpu.wait_dma2 semaphore(%arg12 : memref<!tpu.dma_semaphore, #tpu.memory_space<semaphore_mem>>) src(%dma_wait3A_1544 : memref<256x64xf32, #tpu.memory_space<vmem>>) dst(%dma_wait3A_1540 : memref<256x64xf32, #tpu.memory_space<hbm>>)
    %dma_start3A_1545 = arith.constant 40 : i32
    %dma_start3A_1546 = arith.constant 0 : i32
    %dma_start3A_1547 = arith.constant 0 : i32
    %dma_start3A_1548 = arith.constant 0 : i32
    %dma_start3A_1549 = tpu.memref_slice %arg6[%dma_start3A_1546, %dma_start3A_1547, %dma_start3A_1548] : memref<4x256x64xf32, #tpu.memory_space<vmem>> -> memref<1x128x64xf32, #tpu.memory_space<vmem>>
    %dma_start3A_1550 = tpu.memref_squeeze %dma_start3A_1549 : memref<1x128x64xf32, #tpu.memory_space<vmem>> -> memref<128x64xf32, #tpu.memory_space<vmem>>
    %dma_start3A_1551 = arith.constant 0 : i32
    %dma_start3A_1552 = tpu.memref_slice %arg5[%dma_start3A_1545, %dma_start3A_1551] : memref<64x128xi32, #tpu.memory_space<vmem>> -> memref<1x128xi32, #tpu.memory_space<vmem>>
    %dma_start3A_1553 = tpu.memref_squeeze %dma_start3A_1552 : memref<1x128xi32, #tpu.memory_space<vmem>> -> memref<128xi32, #tpu.memory_space<vmem>>
    %dma_start3A_1554 = arith.constant 0 : i32
    %dma_start3A_1555 = arith.constant 0 : i32
    %dma_start3A_1556 = tpu.memref_slice %arg7[%dma_start3A_1554, %dma_start3A_1555] : memref<8192x64xf32, #tpu.memory_space<vmem_shared>> -> memref<8192x64xf32, #tpu.memory_space<vmem_shared>>
    tpu.enqueue_indirect_dma source(%dma_start3A_1556 : memref<8192x64xf32, #tpu.memory_space<vmem_shared>>) target(%dma_start3A_1550 : memref<128x64xf32, #tpu.memory_space<vmem>>) offsets(%dma_start3A_1553 : memref<128xi32, #tpu.memory_space<vmem>>) semaphore(%arg8 : memref<!tpu.dma_semaphore, #tpu.memory_space<semaphore_mem>>)
    %dma_start3A_1557 = arith.constant 41 : i32
    %dma_start3A_1558 = arith.constant 0 : i32
    %dma_start3A_1559 = arith.constant 128 : i32
    %dma_start3A_1560 = arith.constant 0 : i32
    %dma_start3A_1561 = tpu.memref_slice %arg6[%dma_start3A_1558, %dma_start3A_1559, %dma_start3A_1560] : memref<4x256x64xf32, #tpu.memory_space<vmem>> -> memref<1x128x64xf32, #tpu.memory_space<vmem>>
    %dma_start3A_1562 = tpu.memref_squeeze %dma_start3A_1561 : memref<1x128x64xf32, #tpu.memory_space<vmem>> -> memref<128x64xf32, #tpu.memory_space<vmem>>
    %dma_start3A_1563 = arith.constant 0 : i32
    %dma_start3A_1564 = tpu.memref_slice %arg5[%dma_start3A_1557, %dma_start3A_1563] : memref<64x128xi32, #tpu.memory_space<vmem>> -> memref<1x128xi32, #tpu.memory_space<vmem>>
    %dma_start3A_1565 = tpu.memref_squeeze %dma_start3A_1564 : memref<1x128xi32, #tpu.memory_space<vmem>> -> memref<128xi32, #tpu.memory_space<vmem>>
    %dma_start3A_1566 = arith.constant 0 : i32
    %dma_start3A_1567 = arith.constant 0 : i32
    %dma_start3A_1568 = tpu.memref_slice %arg7[%dma_start3A_1566, %dma_start3A_1567] : memref<8192x64xf32, #tpu.memory_space<vmem_shared>> -> memref<8192x64xf32, #tpu.memory_space<vmem_shared>>
    tpu.enqueue_indirect_dma source(%dma_start3A_1568 : memref<8192x64xf32, #tpu.memory_space<vmem_shared>>) target(%dma_start3A_1562 : memref<128x64xf32, #tpu.memory_space<vmem>>) offsets(%dma_start3A_1565 : memref<128xi32, #tpu.memory_space<vmem>>) semaphore(%arg8 : memref<!tpu.dma_semaphore, #tpu.memory_space<semaphore_mem>>)
    %dma_wait3A_1569 = arith.constant 36 : i32
    %dma_wait3A_1570 = arith.constant 2 : i32
    %dma_wait3A_1571 = arith.constant 0 : i32
    %dma_wait3A_1572 = arith.constant 0 : i32
    %dma_wait3A_1573 = tpu.memref_slice %arg6[%dma_wait3A_1570, %dma_wait3A_1571, %dma_wait3A_1572] : memref<4x256x64xf32, #tpu.memory_space<vmem>> -> memref<1x128x64xf32, #tpu.memory_space<vmem>>
    %dma_wait3A_1574 = tpu.memref_squeeze %dma_wait3A_1573 : memref<1x128x64xf32, #tpu.memory_space<vmem>> -> memref<128x64xf32, #tpu.memory_space<vmem>>
    %dma_wait3A_1575 = arith.constant 0 : i32
    %dma_wait3A_1576 = tpu.memref_slice %arg5[%dma_wait3A_1569, %dma_wait3A_1575] : memref<64x128xi32, #tpu.memory_space<vmem>> -> memref<1x128xi32, #tpu.memory_space<vmem>>
    %dma_wait3A_1577 = tpu.memref_squeeze %dma_wait3A_1576 : memref<1x128xi32, #tpu.memory_space<vmem>> -> memref<128xi32, #tpu.memory_space<vmem>>
    %dma_wait3A_1578 = arith.constant 0 : i32
    %dma_wait3A_1579 = arith.constant 0 : i32
    %dma_wait3A_1580 = tpu.memref_slice %arg7[%dma_wait3A_1578, %dma_wait3A_1579] : memref<8192x64xf32, #tpu.memory_space<vmem_shared>> -> memref<8192x64xf32, #tpu.memory_space<vmem_shared>>
    tpu.wait_indirect_dma semaphore(%arg10 : memref<!tpu.dma_semaphore, #tpu.memory_space<semaphore_mem>>) src(%dma_wait3A_1580 : memref<8192x64xf32, #tpu.memory_space<vmem_shared>>) dst(%dma_wait3A_1574 : memref<128x64xf32, #tpu.memory_space<vmem>>)
    %dma_wait3A_1581 = arith.constant 37 : i32
    %dma_wait3A_1582 = arith.constant 2 : i32
    %dma_wait3A_1583 = arith.constant 128 : i32
    %dma_wait3A_1584 = arith.constant 0 : i32
    %dma_wait3A_1585 = tpu.memref_slice %arg6[%dma_wait3A_1582, %dma_wait3A_1583, %dma_wait3A_1584] : memref<4x256x64xf32, #tpu.memory_space<vmem>> -> memref<1x128x64xf32, #tpu.memory_space<vmem>>
    %dma_wait3A_1586 = tpu.memref_squeeze %dma_wait3A_1585 : memref<1x128x64xf32, #tpu.memory_space<vmem>> -> memref<128x64xf32, #tpu.memory_space<vmem>>
    %dma_wait3A_1587 = arith.constant 0 : i32
    %dma_wait3A_1588 = tpu.memref_slice %arg5[%dma_wait3A_1581, %dma_wait3A_1587] : memref<64x128xi32, #tpu.memory_space<vmem>> -> memref<1x128xi32, #tpu.memory_space<vmem>>
    %dma_wait3A_1589 = tpu.memref_squeeze %dma_wait3A_1588 : memref<1x128xi32, #tpu.memory_space<vmem>> -> memref<128xi32, #tpu.memory_space<vmem>>
    %dma_wait3A_1590 = arith.constant 0 : i32
    %dma_wait3A_1591 = arith.constant 0 : i32
    %dma_wait3A_1592 = tpu.memref_slice %arg7[%dma_wait3A_1590, %dma_wait3A_1591] : memref<8192x64xf32, #tpu.memory_space<vmem_shared>> -> memref<8192x64xf32, #tpu.memory_space<vmem_shared>>
    tpu.wait_indirect_dma semaphore(%arg10 : memref<!tpu.dma_semaphore, #tpu.memory_space<semaphore_mem>>) src(%dma_wait3A_1592 : memref<8192x64xf32, #tpu.memory_space<vmem_shared>>) dst(%dma_wait3A_1586 : memref<128x64xf32, #tpu.memory_space<vmem>>)
    %dma_start3A_1593 = arith.constant 2 : i32
    %dma_start3A_1594 = arith.constant 18 : i32
    %dma_start3A_1595 = arith.constant 0 : i32
    %dma_start3A_1596 = arith.constant 0 : i32
    %dma_start3A_1597 = tpu.memref_slice %arg6[%dma_start3A_1593, %dma_start3A_1595, %dma_start3A_1596] : memref<4x256x64xf32, #tpu.memory_space<vmem>> -> memref<1x256x64xf32, #tpu.memory_space<vmem>>
    %dma_start3A_1598 = tpu.memref_squeeze %dma_start3A_1597 : memref<1x256x64xf32, #tpu.memory_space<vmem>> -> memref<256x64xf32, #tpu.memory_space<vmem>>
    %dma_start3A_1599 = arith.constant 0 : i32
    %dma_start3A_1600 = arith.constant 0 : i32
    %dma_start3A_1601 = tpu.memref_slice %arg4[%add3A, %dma_start3A_1594, %dma_start3A_1599, %dma_start3A_1600] : memref<32x32x256x64xf32, #tpu.memory_space<hbm>> -> memref<1x1x256x64xf32, #tpu.memory_space<hbm>>
    %dma_start3A_1602 = tpu.memref_squeeze %dma_start3A_1601 : memref<1x1x256x64xf32, #tpu.memory_space<hbm>> -> memref<256x64xf32, #tpu.memory_space<hbm>>
    %dma_start3A_1603 = arith.constant 0 : i32
    %dma_start3A_1604 = arith.constant 0 : i32
    %dma_start3A_1605 = tpu.memref_slice %arg4[%add3A, %dma_start3A_1594, %dma_start3A_1603, %dma_start3A_1604] : memref<32x32x256x64xf32, #tpu.memory_space<hbm>> -> memref<1x1x256x64xf32, #tpu.memory_space<hbm>>
    %dma_start3A_1606 = tpu.memref_squeeze %dma_start3A_1605 : memref<1x1x256x64xf32, #tpu.memory_space<hbm>> -> memref<256x64xf32, #tpu.memory_space<hbm>>
    %dma_start3A_1607 = arith.constant 0 : i32
    %dma_start3A_1608 = arith.constant 0 : i32
    %dma_start3A_1609 = tpu.memref_slice %arg6[%dma_start3A_1593, %dma_start3A_1607, %dma_start3A_1608] : memref<4x256x64xf32, #tpu.memory_space<vmem>> -> memref<1x256x64xf32, #tpu.memory_space<vmem>>
    %dma_start3A_1610 = tpu.memref_squeeze %dma_start3A_1609 : memref<1x256x64xf32, #tpu.memory_space<vmem>> -> memref<256x64xf32, #tpu.memory_space<vmem>>
    tpu.enqueue_dma source(%dma_start3A_1610 : memref<256x64xf32, #tpu.memory_space<vmem>>) target(%dma_start3A_1606 : memref<256x64xf32, #tpu.memory_space<hbm>>) target_semaphore(%arg14 : memref<!tpu.dma_semaphore, #tpu.memory_space<semaphore_mem>>)
    %dma_wait3A_1611 = arith.constant 1 : i32
    %dma_wait3A_1612 = arith.constant 17 : i32
    %dma_wait3A_1613 = arith.constant 0 : i32
    %dma_wait3A_1614 = arith.constant 0 : i32
    %dma_wait3A_1615 = tpu.memref_slice %arg6[%dma_wait3A_1611, %dma_wait3A_1613, %dma_wait3A_1614] : memref<4x256x64xf32, #tpu.memory_space<vmem>> -> memref<1x256x64xf32, #tpu.memory_space<vmem>>
    %dma_wait3A_1616 = tpu.memref_squeeze %dma_wait3A_1615 : memref<1x256x64xf32, #tpu.memory_space<vmem>> -> memref<256x64xf32, #tpu.memory_space<vmem>>
    %dma_wait3A_1617 = arith.constant 0 : i32
    %dma_wait3A_1618 = arith.constant 0 : i32
    %dma_wait3A_1619 = tpu.memref_slice %arg4[%add3A, %dma_wait3A_1612, %dma_wait3A_1617, %dma_wait3A_1618] : memref<32x32x256x64xf32, #tpu.memory_space<hbm>> -> memref<1x1x256x64xf32, #tpu.memory_space<hbm>>
    %dma_wait3A_1620 = tpu.memref_squeeze %dma_wait3A_1619 : memref<1x1x256x64xf32, #tpu.memory_space<hbm>> -> memref<256x64xf32, #tpu.memory_space<hbm>>
    %dma_wait3A_1621 = arith.constant 0 : i32
    %dma_wait3A_1622 = arith.constant 0 : i32
    %dma_wait3A_1623 = tpu.memref_slice %arg4[%add3A, %dma_wait3A_1612, %dma_wait3A_1621, %dma_wait3A_1622] : memref<32x32x256x64xf32, #tpu.memory_space<hbm>> -> memref<1x1x256x64xf32, #tpu.memory_space<hbm>>
    %dma_wait3A_1624 = tpu.memref_squeeze %dma_wait3A_1623 : memref<1x1x256x64xf32, #tpu.memory_space<hbm>> -> memref<256x64xf32, #tpu.memory_space<hbm>>
    %dma_wait3A_1625 = arith.constant 0 : i32
    %dma_wait3A_1626 = arith.constant 0 : i32
    %dma_wait3A_1627 = tpu.memref_slice %arg6[%dma_wait3A_1611, %dma_wait3A_1625, %dma_wait3A_1626] : memref<4x256x64xf32, #tpu.memory_space<vmem>> -> memref<1x256x64xf32, #tpu.memory_space<vmem>>
    %dma_wait3A_1628 = tpu.memref_squeeze %dma_wait3A_1627 : memref<1x256x64xf32, #tpu.memory_space<vmem>> -> memref<256x64xf32, #tpu.memory_space<vmem>>
    tpu.wait_dma2 semaphore(%arg13 : memref<!tpu.dma_semaphore, #tpu.memory_space<semaphore_mem>>) src(%dma_wait3A_1628 : memref<256x64xf32, #tpu.memory_space<vmem>>) dst(%dma_wait3A_1624 : memref<256x64xf32, #tpu.memory_space<hbm>>)
    %dma_start3A_1629 = arith.constant 42 : i32
    %dma_start3A_1630 = arith.constant 1 : i32
    %dma_start3A_1631 = arith.constant 0 : i32
    %dma_start3A_1632 = arith.constant 0 : i32
    %dma_start3A_1633 = tpu.memref_slice %arg6[%dma_start3A_1630, %dma_start3A_1631, %dma_start3A_1632] : memref<4x256x64xf32, #tpu.memory_space<vmem>> -> memref<1x128x64xf32, #tpu.memory_space<vmem>>
    %dma_start3A_1634 = tpu.memref_squeeze %dma_start3A_1633 : memref<1x128x64xf32, #tpu.memory_space<vmem>> -> memref<128x64xf32, #tpu.memory_space<vmem>>
    %dma_start3A_1635 = arith.constant 0 : i32
    %dma_start3A_1636 = tpu.memref_slice %arg5[%dma_start3A_1629, %dma_start3A_1635] : memref<64x128xi32, #tpu.memory_space<vmem>> -> memref<1x128xi32, #tpu.memory_space<vmem>>
    %dma_start3A_1637 = tpu.memref_squeeze %dma_start3A_1636 : memref<1x128xi32, #tpu.memory_space<vmem>> -> memref<128xi32, #tpu.memory_space<vmem>>
    %dma_start3A_1638 = arith.constant 0 : i32
    %dma_start3A_1639 = arith.constant 0 : i32
    %dma_start3A_1640 = tpu.memref_slice %arg7[%dma_start3A_1638, %dma_start3A_1639] : memref<8192x64xf32, #tpu.memory_space<vmem_shared>> -> memref<8192x64xf32, #tpu.memory_space<vmem_shared>>
    tpu.enqueue_indirect_dma source(%dma_start3A_1640 : memref<8192x64xf32, #tpu.memory_space<vmem_shared>>) target(%dma_start3A_1634 : memref<128x64xf32, #tpu.memory_space<vmem>>) offsets(%dma_start3A_1637 : memref<128xi32, #tpu.memory_space<vmem>>) semaphore(%arg9 : memref<!tpu.dma_semaphore, #tpu.memory_space<semaphore_mem>>)
    %dma_start3A_1641 = arith.constant 43 : i32
    %dma_start3A_1642 = arith.constant 1 : i32
    %dma_start3A_1643 = arith.constant 128 : i32
    %dma_start3A_1644 = arith.constant 0 : i32
    %dma_start3A_1645 = tpu.memref_slice %arg6[%dma_start3A_1642, %dma_start3A_1643, %dma_start3A_1644] : memref<4x256x64xf32, #tpu.memory_space<vmem>> -> memref<1x128x64xf32, #tpu.memory_space<vmem>>
    %dma_start3A_1646 = tpu.memref_squeeze %dma_start3A_1645 : memref<1x128x64xf32, #tpu.memory_space<vmem>> -> memref<128x64xf32, #tpu.memory_space<vmem>>
    %dma_start3A_1647 = arith.constant 0 : i32
    %dma_start3A_1648 = tpu.memref_slice %arg5[%dma_start3A_1641, %dma_start3A_1647] : memref<64x128xi32, #tpu.memory_space<vmem>> -> memref<1x128xi32, #tpu.memory_space<vmem>>
    %dma_start3A_1649 = tpu.memref_squeeze %dma_start3A_1648 : memref<1x128xi32, #tpu.memory_space<vmem>> -> memref<128xi32, #tpu.memory_space<vmem>>
    %dma_start3A_1650 = arith.constant 0 : i32
    %dma_start3A_1651 = arith.constant 0 : i32
    %dma_start3A_1652 = tpu.memref_slice %arg7[%dma_start3A_1650, %dma_start3A_1651] : memref<8192x64xf32, #tpu.memory_space<vmem_shared>> -> memref<8192x64xf32, #tpu.memory_space<vmem_shared>>
    tpu.enqueue_indirect_dma source(%dma_start3A_1652 : memref<8192x64xf32, #tpu.memory_space<vmem_shared>>) target(%dma_start3A_1646 : memref<128x64xf32, #tpu.memory_space<vmem>>) offsets(%dma_start3A_1649 : memref<128xi32, #tpu.memory_space<vmem>>) semaphore(%arg9 : memref<!tpu.dma_semaphore, #tpu.memory_space<semaphore_mem>>)
    %dma_wait3A_1653 = arith.constant 38 : i32
    %dma_wait3A_1654 = arith.constant 3 : i32
    %dma_wait3A_1655 = arith.constant 0 : i32
    %dma_wait3A_1656 = arith.constant 0 : i32
    %dma_wait3A_1657 = tpu.memref_slice %arg6[%dma_wait3A_1654, %dma_wait3A_1655, %dma_wait3A_1656] : memref<4x256x64xf32, #tpu.memory_space<vmem>> -> memref<1x128x64xf32, #tpu.memory_space<vmem>>
    %dma_wait3A_1658 = tpu.memref_squeeze %dma_wait3A_1657 : memref<1x128x64xf32, #tpu.memory_space<vmem>> -> memref<128x64xf32, #tpu.memory_space<vmem>>
    %dma_wait3A_1659 = arith.constant 0 : i32
    %dma_wait3A_1660 = tpu.memref_slice %arg5[%dma_wait3A_1653, %dma_wait3A_1659] : memref<64x128xi32, #tpu.memory_space<vmem>> -> memref<1x128xi32, #tpu.memory_space<vmem>>
    %dma_wait3A_1661 = tpu.memref_squeeze %dma_wait3A_1660 : memref<1x128xi32, #tpu.memory_space<vmem>> -> memref<128xi32, #tpu.memory_space<vmem>>
    %dma_wait3A_1662 = arith.constant 0 : i32
    %dma_wait3A_1663 = arith.constant 0 : i32
    %dma_wait3A_1664 = tpu.memref_slice %arg7[%dma_wait3A_1662, %dma_wait3A_1663] : memref<8192x64xf32, #tpu.memory_space<vmem_shared>> -> memref<8192x64xf32, #tpu.memory_space<vmem_shared>>
    tpu.wait_indirect_dma semaphore(%arg11 : memref<!tpu.dma_semaphore, #tpu.memory_space<semaphore_mem>>) src(%dma_wait3A_1664 : memref<8192x64xf32, #tpu.memory_space<vmem_shared>>) dst(%dma_wait3A_1658 : memref<128x64xf32, #tpu.memory_space<vmem>>)
    %dma_wait3A_1665 = arith.constant 39 : i32
    %dma_wait3A_1666 = arith.constant 3 : i32
    %dma_wait3A_1667 = arith.constant 128 : i32
    %dma_wait3A_1668 = arith.constant 0 : i32
    %dma_wait3A_1669 = tpu.memref_slice %arg6[%dma_wait3A_1666, %dma_wait3A_1667, %dma_wait3A_1668] : memref<4x256x64xf32, #tpu.memory_space<vmem>> -> memref<1x128x64xf32, #tpu.memory_space<vmem>>
    %dma_wait3A_1670 = tpu.memref_squeeze %dma_wait3A_1669 : memref<1x128x64xf32, #tpu.memory_space<vmem>> -> memref<128x64xf32, #tpu.memory_space<vmem>>
    %dma_wait3A_1671 = arith.constant 0 : i32
    %dma_wait3A_1672 = tpu.memref_slice %arg5[%dma_wait3A_1665, %dma_wait3A_1671] : memref<64x128xi32, #tpu.memory_space<vmem>> -> memref<1x128xi32, #tpu.memory_space<vmem>>
    %dma_wait3A_1673 = tpu.memref_squeeze %dma_wait3A_1672 : memref<1x128xi32, #tpu.memory_space<vmem>> -> memref<128xi32, #tpu.memory_space<vmem>>
    %dma_wait3A_1674 = arith.constant 0 : i32
    %dma_wait3A_1675 = arith.constant 0 : i32
    %dma_wait3A_1676 = tpu.memref_slice %arg7[%dma_wait3A_1674, %dma_wait3A_1675] : memref<8192x64xf32, #tpu.memory_space<vmem_shared>> -> memref<8192x64xf32, #tpu.memory_space<vmem_shared>>
    tpu.wait_indirect_dma semaphore(%arg11 : memref<!tpu.dma_semaphore, #tpu.memory_space<semaphore_mem>>) src(%dma_wait3A_1676 : memref<8192x64xf32, #tpu.memory_space<vmem_shared>>) dst(%dma_wait3A_1670 : memref<128x64xf32, #tpu.memory_space<vmem>>)
    %dma_start3A_1677 = arith.constant 3 : i32
    %dma_start3A_1678 = arith.constant 19 : i32
    %dma_start3A_1679 = arith.constant 0 : i32
    %dma_start3A_1680 = arith.constant 0 : i32
    %dma_start3A_1681 = tpu.memref_slice %arg6[%dma_start3A_1677, %dma_start3A_1679, %dma_start3A_1680] : memref<4x256x64xf32, #tpu.memory_space<vmem>> -> memref<1x256x64xf32, #tpu.memory_space<vmem>>
    %dma_start3A_1682 = tpu.memref_squeeze %dma_start3A_1681 : memref<1x256x64xf32, #tpu.memory_space<vmem>> -> memref<256x64xf32, #tpu.memory_space<vmem>>
    %dma_start3A_1683 = arith.constant 0 : i32
    %dma_start3A_1684 = arith.constant 0 : i32
    %dma_start3A_1685 = tpu.memref_slice %arg4[%add3A, %dma_start3A_1678, %dma_start3A_1683, %dma_start3A_1684] : memref<32x32x256x64xf32, #tpu.memory_space<hbm>> -> memref<1x1x256x64xf32, #tpu.memory_space<hbm>>
    %dma_start3A_1686 = tpu.memref_squeeze %dma_start3A_1685 : memref<1x1x256x64xf32, #tpu.memory_space<hbm>> -> memref<256x64xf32, #tpu.memory_space<hbm>>
    %dma_start3A_1687 = arith.constant 0 : i32
    %dma_start3A_1688 = arith.constant 0 : i32
    %dma_start3A_1689 = tpu.memref_slice %arg4[%add3A, %dma_start3A_1678, %dma_start3A_1687, %dma_start3A_1688] : memref<32x32x256x64xf32, #tpu.memory_space<hbm>> -> memref<1x1x256x64xf32, #tpu.memory_space<hbm>>
    %dma_start3A_1690 = tpu.memref_squeeze %dma_start3A_1689 : memref<1x1x256x64xf32, #tpu.memory_space<hbm>> -> memref<256x64xf32, #tpu.memory_space<hbm>>
    %dma_start3A_1691 = arith.constant 0 : i32
    %dma_start3A_1692 = arith.constant 0 : i32
    %dma_start3A_1693 = tpu.memref_slice %arg6[%dma_start3A_1677, %dma_start3A_1691, %dma_start3A_1692] : memref<4x256x64xf32, #tpu.memory_space<vmem>> -> memref<1x256x64xf32, #tpu.memory_space<vmem>>
    %dma_start3A_1694 = tpu.memref_squeeze %dma_start3A_1693 : memref<1x256x64xf32, #tpu.memory_space<vmem>> -> memref<256x64xf32, #tpu.memory_space<vmem>>
    tpu.enqueue_dma source(%dma_start3A_1694 : memref<256x64xf32, #tpu.memory_space<vmem>>) target(%dma_start3A_1690 : memref<256x64xf32, #tpu.memory_space<hbm>>) target_semaphore(%arg15 : memref<!tpu.dma_semaphore, #tpu.memory_space<semaphore_mem>>)
    %dma_wait3A_1695 = arith.constant 2 : i32
    %dma_wait3A_1696 = arith.constant 18 : i32
    %dma_wait3A_1697 = arith.constant 0 : i32
    %dma_wait3A_1698 = arith.constant 0 : i32
    %dma_wait3A_1699 = tpu.memref_slice %arg6[%dma_wait3A_1695, %dma_wait3A_1697, %dma_wait3A_1698] : memref<4x256x64xf32, #tpu.memory_space<vmem>> -> memref<1x256x64xf32, #tpu.memory_space<vmem>>
    %dma_wait3A_1700 = tpu.memref_squeeze %dma_wait3A_1699 : memref<1x256x64xf32, #tpu.memory_space<vmem>> -> memref<256x64xf32, #tpu.memory_space<vmem>>
    %dma_wait3A_1701 = arith.constant 0 : i32
    %dma_wait3A_1702 = arith.constant 0 : i32
    %dma_wait3A_1703 = tpu.memref_slice %arg4[%add3A, %dma_wait3A_1696, %dma_wait3A_1701, %dma_wait3A_1702] : memref<32x32x256x64xf32, #tpu.memory_space<hbm>> -> memref<1x1x256x64xf32, #tpu.memory_space<hbm>>
    %dma_wait3A_1704 = tpu.memref_squeeze %dma_wait3A_1703 : memref<1x1x256x64xf32, #tpu.memory_space<hbm>> -> memref<256x64xf32, #tpu.memory_space<hbm>>
    %dma_wait3A_1705 = arith.constant 0 : i32
    %dma_wait3A_1706 = arith.constant 0 : i32
    %dma_wait3A_1707 = tpu.memref_slice %arg4[%add3A, %dma_wait3A_1696, %dma_wait3A_1705, %dma_wait3A_1706] : memref<32x32x256x64xf32, #tpu.memory_space<hbm>> -> memref<1x1x256x64xf32, #tpu.memory_space<hbm>>
    %dma_wait3A_1708 = tpu.memref_squeeze %dma_wait3A_1707 : memref<1x1x256x64xf32, #tpu.memory_space<hbm>> -> memref<256x64xf32, #tpu.memory_space<hbm>>
    %dma_wait3A_1709 = arith.constant 0 : i32
    %dma_wait3A_1710 = arith.constant 0 : i32
    %dma_wait3A_1711 = tpu.memref_slice %arg6[%dma_wait3A_1695, %dma_wait3A_1709, %dma_wait3A_1710] : memref<4x256x64xf32, #tpu.memory_space<vmem>> -> memref<1x256x64xf32, #tpu.memory_space<vmem>>
    %dma_wait3A_1712 = tpu.memref_squeeze %dma_wait3A_1711 : memref<1x256x64xf32, #tpu.memory_space<vmem>> -> memref<256x64xf32, #tpu.memory_space<vmem>>
    tpu.wait_dma2 semaphore(%arg14 : memref<!tpu.dma_semaphore, #tpu.memory_space<semaphore_mem>>) src(%dma_wait3A_1712 : memref<256x64xf32, #tpu.memory_space<vmem>>) dst(%dma_wait3A_1708 : memref<256x64xf32, #tpu.memory_space<hbm>>)
    %dma_start3A_1713 = arith.constant 44 : i32
    %dma_start3A_1714 = arith.constant 2 : i32
    %dma_start3A_1715 = arith.constant 0 : i32
    %dma_start3A_1716 = arith.constant 0 : i32
    %dma_start3A_1717 = tpu.memref_slice %arg6[%dma_start3A_1714, %dma_start3A_1715, %dma_start3A_1716] : memref<4x256x64xf32, #tpu.memory_space<vmem>> -> memref<1x128x64xf32, #tpu.memory_space<vmem>>
    %dma_start3A_1718 = tpu.memref_squeeze %dma_start3A_1717 : memref<1x128x64xf32, #tpu.memory_space<vmem>> -> memref<128x64xf32, #tpu.memory_space<vmem>>
    %dma_start3A_1719 = arith.constant 0 : i32
    %dma_start3A_1720 = tpu.memref_slice %arg5[%dma_start3A_1713, %dma_start3A_1719] : memref<64x128xi32, #tpu.memory_space<vmem>> -> memref<1x128xi32, #tpu.memory_space<vmem>>
    %dma_start3A_1721 = tpu.memref_squeeze %dma_start3A_1720 : memref<1x128xi32, #tpu.memory_space<vmem>> -> memref<128xi32, #tpu.memory_space<vmem>>
    %dma_start3A_1722 = arith.constant 0 : i32
    %dma_start3A_1723 = arith.constant 0 : i32
    %dma_start3A_1724 = tpu.memref_slice %arg7[%dma_start3A_1722, %dma_start3A_1723] : memref<8192x64xf32, #tpu.memory_space<vmem_shared>> -> memref<8192x64xf32, #tpu.memory_space<vmem_shared>>
    tpu.enqueue_indirect_dma source(%dma_start3A_1724 : memref<8192x64xf32, #tpu.memory_space<vmem_shared>>) target(%dma_start3A_1718 : memref<128x64xf32, #tpu.memory_space<vmem>>) offsets(%dma_start3A_1721 : memref<128xi32, #tpu.memory_space<vmem>>) semaphore(%arg10 : memref<!tpu.dma_semaphore, #tpu.memory_space<semaphore_mem>>)
    %dma_start3A_1725 = arith.constant 45 : i32
    %dma_start3A_1726 = arith.constant 2 : i32
    %dma_start3A_1727 = arith.constant 128 : i32
    %dma_start3A_1728 = arith.constant 0 : i32
    %dma_start3A_1729 = tpu.memref_slice %arg6[%dma_start3A_1726, %dma_start3A_1727, %dma_start3A_1728] : memref<4x256x64xf32, #tpu.memory_space<vmem>> -> memref<1x128x64xf32, #tpu.memory_space<vmem>>
    %dma_start3A_1730 = tpu.memref_squeeze %dma_start3A_1729 : memref<1x128x64xf32, #tpu.memory_space<vmem>> -> memref<128x64xf32, #tpu.memory_space<vmem>>
    %dma_start3A_1731 = arith.constant 0 : i32
    %dma_start3A_1732 = tpu.memref_slice %arg5[%dma_start3A_1725, %dma_start3A_1731] : memref<64x128xi32, #tpu.memory_space<vmem>> -> memref<1x128xi32, #tpu.memory_space<vmem>>
    %dma_start3A_1733 = tpu.memref_squeeze %dma_start3A_1732 : memref<1x128xi32, #tpu.memory_space<vmem>> -> memref<128xi32, #tpu.memory_space<vmem>>
    %dma_start3A_1734 = arith.constant 0 : i32
    %dma_start3A_1735 = arith.constant 0 : i32
    %dma_start3A_1736 = tpu.memref_slice %arg7[%dma_start3A_1734, %dma_start3A_1735] : memref<8192x64xf32, #tpu.memory_space<vmem_shared>> -> memref<8192x64xf32, #tpu.memory_space<vmem_shared>>
    tpu.enqueue_indirect_dma source(%dma_start3A_1736 : memref<8192x64xf32, #tpu.memory_space<vmem_shared>>) target(%dma_start3A_1730 : memref<128x64xf32, #tpu.memory_space<vmem>>) offsets(%dma_start3A_1733 : memref<128xi32, #tpu.memory_space<vmem>>) semaphore(%arg10 : memref<!tpu.dma_semaphore, #tpu.memory_space<semaphore_mem>>)
    %dma_wait3A_1737 = arith.constant 40 : i32
    %dma_wait3A_1738 = arith.constant 0 : i32
    %dma_wait3A_1739 = arith.constant 0 : i32
    %dma_wait3A_1740 = arith.constant 0 : i32
    %dma_wait3A_1741 = tpu.memref_slice %arg6[%dma_wait3A_1738, %dma_wait3A_1739, %dma_wait3A_1740] : memref<4x256x64xf32, #tpu.memory_space<vmem>> -> memref<1x128x64xf32, #tpu.memory_space<vmem>>
    %dma_wait3A_1742 = tpu.memref_squeeze %dma_wait3A_1741 : memref<1x128x64xf32, #tpu.memory_space<vmem>> -> memref<128x64xf32, #tpu.memory_space<vmem>>
    %dma_wait3A_1743 = arith.constant 0 : i32
    %dma_wait3A_1744 = tpu.memref_slice %arg5[%dma_wait3A_1737, %dma_wait3A_1743] : memref<64x128xi32, #tpu.memory_space<vmem>> -> memref<1x128xi32, #tpu.memory_space<vmem>>
    %dma_wait3A_1745 = tpu.memref_squeeze %dma_wait3A_1744 : memref<1x128xi32, #tpu.memory_space<vmem>> -> memref<128xi32, #tpu.memory_space<vmem>>
    %dma_wait3A_1746 = arith.constant 0 : i32
    %dma_wait3A_1747 = arith.constant 0 : i32
    %dma_wait3A_1748 = tpu.memref_slice %arg7[%dma_wait3A_1746, %dma_wait3A_1747] : memref<8192x64xf32, #tpu.memory_space<vmem_shared>> -> memref<8192x64xf32, #tpu.memory_space<vmem_shared>>
    tpu.wait_indirect_dma semaphore(%arg8 : memref<!tpu.dma_semaphore, #tpu.memory_space<semaphore_mem>>) src(%dma_wait3A_1748 : memref<8192x64xf32, #tpu.memory_space<vmem_shared>>) dst(%dma_wait3A_1742 : memref<128x64xf32, #tpu.memory_space<vmem>>)
    %dma_wait3A_1749 = arith.constant 41 : i32
    %dma_wait3A_1750 = arith.constant 0 : i32
    %dma_wait3A_1751 = arith.constant 128 : i32
    %dma_wait3A_1752 = arith.constant 0 : i32
    %dma_wait3A_1753 = tpu.memref_slice %arg6[%dma_wait3A_1750, %dma_wait3A_1751, %dma_wait3A_1752] : memref<4x256x64xf32, #tpu.memory_space<vmem>> -> memref<1x128x64xf32, #tpu.memory_space<vmem>>
    %dma_wait3A_1754 = tpu.memref_squeeze %dma_wait3A_1753 : memref<1x128x64xf32, #tpu.memory_space<vmem>> -> memref<128x64xf32, #tpu.memory_space<vmem>>
    %dma_wait3A_1755 = arith.constant 0 : i32
    %dma_wait3A_1756 = tpu.memref_slice %arg5[%dma_wait3A_1749, %dma_wait3A_1755] : memref<64x128xi32, #tpu.memory_space<vmem>> -> memref<1x128xi32, #tpu.memory_space<vmem>>
    %dma_wait3A_1757 = tpu.memref_squeeze %dma_wait3A_1756 : memref<1x128xi32, #tpu.memory_space<vmem>> -> memref<128xi32, #tpu.memory_space<vmem>>
    %dma_wait3A_1758 = arith.constant 0 : i32
    %dma_wait3A_1759 = arith.constant 0 : i32
    %dma_wait3A_1760 = tpu.memref_slice %arg7[%dma_wait3A_1758, %dma_wait3A_1759] : memref<8192x64xf32, #tpu.memory_space<vmem_shared>> -> memref<8192x64xf32, #tpu.memory_space<vmem_shared>>
    tpu.wait_indirect_dma semaphore(%arg8 : memref<!tpu.dma_semaphore, #tpu.memory_space<semaphore_mem>>) src(%dma_wait3A_1760 : memref<8192x64xf32, #tpu.memory_space<vmem_shared>>) dst(%dma_wait3A_1754 : memref<128x64xf32, #tpu.memory_space<vmem>>)
    %dma_start3A_1761 = arith.constant 0 : i32
    %dma_start3A_1762 = arith.constant 20 : i32
    %dma_start3A_1763 = arith.constant 0 : i32
    %dma_start3A_1764 = arith.constant 0 : i32
    %dma_start3A_1765 = tpu.memref_slice %arg6[%dma_start3A_1761, %dma_start3A_1763, %dma_start3A_1764] : memref<4x256x64xf32, #tpu.memory_space<vmem>> -> memref<1x256x64xf32, #tpu.memory_space<vmem>>
    %dma_start3A_1766 = tpu.memref_squeeze %dma_start3A_1765 : memref<1x256x64xf32, #tpu.memory_space<vmem>> -> memref<256x64xf32, #tpu.memory_space<vmem>>
    %dma_start3A_1767 = arith.constant 0 : i32
    %dma_start3A_1768 = arith.constant 0 : i32
    %dma_start3A_1769 = tpu.memref_slice %arg4[%add3A, %dma_start3A_1762, %dma_start3A_1767, %dma_start3A_1768] : memref<32x32x256x64xf32, #tpu.memory_space<hbm>> -> memref<1x1x256x64xf32, #tpu.memory_space<hbm>>
    %dma_start3A_1770 = tpu.memref_squeeze %dma_start3A_1769 : memref<1x1x256x64xf32, #tpu.memory_space<hbm>> -> memref<256x64xf32, #tpu.memory_space<hbm>>
    %dma_start3A_1771 = arith.constant 0 : i32
    %dma_start3A_1772 = arith.constant 0 : i32
    %dma_start3A_1773 = tpu.memref_slice %arg4[%add3A, %dma_start3A_1762, %dma_start3A_1771, %dma_start3A_1772] : memref<32x32x256x64xf32, #tpu.memory_space<hbm>> -> memref<1x1x256x64xf32, #tpu.memory_space<hbm>>
    %dma_start3A_1774 = tpu.memref_squeeze %dma_start3A_1773 : memref<1x1x256x64xf32, #tpu.memory_space<hbm>> -> memref<256x64xf32, #tpu.memory_space<hbm>>
    %dma_start3A_1775 = arith.constant 0 : i32
    %dma_start3A_1776 = arith.constant 0 : i32
    %dma_start3A_1777 = tpu.memref_slice %arg6[%dma_start3A_1761, %dma_start3A_1775, %dma_start3A_1776] : memref<4x256x64xf32, #tpu.memory_space<vmem>> -> memref<1x256x64xf32, #tpu.memory_space<vmem>>
    %dma_start3A_1778 = tpu.memref_squeeze %dma_start3A_1777 : memref<1x256x64xf32, #tpu.memory_space<vmem>> -> memref<256x64xf32, #tpu.memory_space<vmem>>
    tpu.enqueue_dma source(%dma_start3A_1778 : memref<256x64xf32, #tpu.memory_space<vmem>>) target(%dma_start3A_1774 : memref<256x64xf32, #tpu.memory_space<hbm>>) target_semaphore(%arg12 : memref<!tpu.dma_semaphore, #tpu.memory_space<semaphore_mem>>)
    %dma_wait3A_1779 = arith.constant 3 : i32
    %dma_wait3A_1780 = arith.constant 19 : i32
    %dma_wait3A_1781 = arith.constant 0 : i32
    %dma_wait3A_1782 = arith.constant 0 : i32
    %dma_wait3A_1783 = tpu.memref_slice %arg6[%dma_wait3A_1779, %dma_wait3A_1781, %dma_wait3A_1782] : memref<4x256x64xf32, #tpu.memory_space<vmem>> -> memref<1x256x64xf32, #tpu.memory_space<vmem>>
    %dma_wait3A_1784 = tpu.memref_squeeze %dma_wait3A_1783 : memref<1x256x64xf32, #tpu.memory_space<vmem>> -> memref<256x64xf32, #tpu.memory_space<vmem>>
    %dma_wait3A_1785 = arith.constant 0 : i32
    %dma_wait3A_1786 = arith.constant 0 : i32
    %dma_wait3A_1787 = tpu.memref_slice %arg4[%add3A, %dma_wait3A_1780, %dma_wait3A_1785, %dma_wait3A_1786] : memref<32x32x256x64xf32, #tpu.memory_space<hbm>> -> memref<1x1x256x64xf32, #tpu.memory_space<hbm>>
    %dma_wait3A_1788 = tpu.memref_squeeze %dma_wait3A_1787 : memref<1x1x256x64xf32, #tpu.memory_space<hbm>> -> memref<256x64xf32, #tpu.memory_space<hbm>>
    %dma_wait3A_1789 = arith.constant 0 : i32
    %dma_wait3A_1790 = arith.constant 0 : i32
    %dma_wait3A_1791 = tpu.memref_slice %arg4[%add3A, %dma_wait3A_1780, %dma_wait3A_1789, %dma_wait3A_1790] : memref<32x32x256x64xf32, #tpu.memory_space<hbm>> -> memref<1x1x256x64xf32, #tpu.memory_space<hbm>>
    %dma_wait3A_1792 = tpu.memref_squeeze %dma_wait3A_1791 : memref<1x1x256x64xf32, #tpu.memory_space<hbm>> -> memref<256x64xf32, #tpu.memory_space<hbm>>
    %dma_wait3A_1793 = arith.constant 0 : i32
    %dma_wait3A_1794 = arith.constant 0 : i32
    %dma_wait3A_1795 = tpu.memref_slice %arg6[%dma_wait3A_1779, %dma_wait3A_1793, %dma_wait3A_1794] : memref<4x256x64xf32, #tpu.memory_space<vmem>> -> memref<1x256x64xf32, #tpu.memory_space<vmem>>
    %dma_wait3A_1796 = tpu.memref_squeeze %dma_wait3A_1795 : memref<1x256x64xf32, #tpu.memory_space<vmem>> -> memref<256x64xf32, #tpu.memory_space<vmem>>
    tpu.wait_dma2 semaphore(%arg15 : memref<!tpu.dma_semaphore, #tpu.memory_space<semaphore_mem>>) src(%dma_wait3A_1796 : memref<256x64xf32, #tpu.memory_space<vmem>>) dst(%dma_wait3A_1792 : memref<256x64xf32, #tpu.memory_space<hbm>>)
    %dma_start3A_1797 = arith.constant 46 : i32
    %dma_start3A_1798 = arith.constant 3 : i32
    %dma_start3A_1799 = arith.constant 0 : i32
    %dma_start3A_1800 = arith.constant 0 : i32
    %dma_start3A_1801 = tpu.memref_slice %arg6[%dma_start3A_1798, %dma_start3A_1799, %dma_start3A_1800] : memref<4x256x64xf32, #tpu.memory_space<vmem>> -> memref<1x128x64xf32, #tpu.memory_space<vmem>>
    %dma_start3A_1802 = tpu.memref_squeeze %dma_start3A_1801 : memref<1x128x64xf32, #tpu.memory_space<vmem>> -> memref<128x64xf32, #tpu.memory_space<vmem>>
    %dma_start3A_1803 = arith.constant 0 : i32
    %dma_start3A_1804 = tpu.memref_slice %arg5[%dma_start3A_1797, %dma_start3A_1803] : memref<64x128xi32, #tpu.memory_space<vmem>> -> memref<1x128xi32, #tpu.memory_space<vmem>>
    %dma_start3A_1805 = tpu.memref_squeeze %dma_start3A_1804 : memref<1x128xi32, #tpu.memory_space<vmem>> -> memref<128xi32, #tpu.memory_space<vmem>>
    %dma_start3A_1806 = arith.constant 0 : i32
    %dma_start3A_1807 = arith.constant 0 : i32
    %dma_start3A_1808 = tpu.memref_slice %arg7[%dma_start3A_1806, %dma_start3A_1807] : memref<8192x64xf32, #tpu.memory_space<vmem_shared>> -> memref<8192x64xf32, #tpu.memory_space<vmem_shared>>
    tpu.enqueue_indirect_dma source(%dma_start3A_1808 : memref<8192x64xf32, #tpu.memory_space<vmem_shared>>) target(%dma_start3A_1802 : memref<128x64xf32, #tpu.memory_space<vmem>>) offsets(%dma_start3A_1805 : memref<128xi32, #tpu.memory_space<vmem>>) semaphore(%arg11 : memref<!tpu.dma_semaphore, #tpu.memory_space<semaphore_mem>>)
    %dma_start3A_1809 = arith.constant 47 : i32
    %dma_start3A_1810 = arith.constant 3 : i32
    %dma_start3A_1811 = arith.constant 128 : i32
    %dma_start3A_1812 = arith.constant 0 : i32
    %dma_start3A_1813 = tpu.memref_slice %arg6[%dma_start3A_1810, %dma_start3A_1811, %dma_start3A_1812] : memref<4x256x64xf32, #tpu.memory_space<vmem>> -> memref<1x128x64xf32, #tpu.memory_space<vmem>>
    %dma_start3A_1814 = tpu.memref_squeeze %dma_start3A_1813 : memref<1x128x64xf32, #tpu.memory_space<vmem>> -> memref<128x64xf32, #tpu.memory_space<vmem>>
    %dma_start3A_1815 = arith.constant 0 : i32
    %dma_start3A_1816 = tpu.memref_slice %arg5[%dma_start3A_1809, %dma_start3A_1815] : memref<64x128xi32, #tpu.memory_space<vmem>> -> memref<1x128xi32, #tpu.memory_space<vmem>>
    %dma_start3A_1817 = tpu.memref_squeeze %dma_start3A_1816 : memref<1x128xi32, #tpu.memory_space<vmem>> -> memref<128xi32, #tpu.memory_space<vmem>>
    %dma_start3A_1818 = arith.constant 0 : i32
    %dma_start3A_1819 = arith.constant 0 : i32
    %dma_start3A_1820 = tpu.memref_slice %arg7[%dma_start3A_1818, %dma_start3A_1819] : memref<8192x64xf32, #tpu.memory_space<vmem_shared>> -> memref<8192x64xf32, #tpu.memory_space<vmem_shared>>
    tpu.enqueue_indirect_dma source(%dma_start3A_1820 : memref<8192x64xf32, #tpu.memory_space<vmem_shared>>) target(%dma_start3A_1814 : memref<128x64xf32, #tpu.memory_space<vmem>>) offsets(%dma_start3A_1817 : memref<128xi32, #tpu.memory_space<vmem>>) semaphore(%arg11 : memref<!tpu.dma_semaphore, #tpu.memory_space<semaphore_mem>>)
    %dma_wait3A_1821 = arith.constant 42 : i32
    %dma_wait3A_1822 = arith.constant 1 : i32
    %dma_wait3A_1823 = arith.constant 0 : i32
    %dma_wait3A_1824 = arith.constant 0 : i32
    %dma_wait3A_1825 = tpu.memref_slice %arg6[%dma_wait3A_1822, %dma_wait3A_1823, %dma_wait3A_1824] : memref<4x256x64xf32, #tpu.memory_space<vmem>> -> memref<1x128x64xf32, #tpu.memory_space<vmem>>
    %dma_wait3A_1826 = tpu.memref_squeeze %dma_wait3A_1825 : memref<1x128x64xf32, #tpu.memory_space<vmem>> -> memref<128x64xf32, #tpu.memory_space<vmem>>
    %dma_wait3A_1827 = arith.constant 0 : i32
    %dma_wait3A_1828 = tpu.memref_slice %arg5[%dma_wait3A_1821, %dma_wait3A_1827] : memref<64x128xi32, #tpu.memory_space<vmem>> -> memref<1x128xi32, #tpu.memory_space<vmem>>
    %dma_wait3A_1829 = tpu.memref_squeeze %dma_wait3A_1828 : memref<1x128xi32, #tpu.memory_space<vmem>> -> memref<128xi32, #tpu.memory_space<vmem>>
    %dma_wait3A_1830 = arith.constant 0 : i32
    %dma_wait3A_1831 = arith.constant 0 : i32
    %dma_wait3A_1832 = tpu.memref_slice %arg7[%dma_wait3A_1830, %dma_wait3A_1831] : memref<8192x64xf32, #tpu.memory_space<vmem_shared>> -> memref<8192x64xf32, #tpu.memory_space<vmem_shared>>
    tpu.wait_indirect_dma semaphore(%arg9 : memref<!tpu.dma_semaphore, #tpu.memory_space<semaphore_mem>>) src(%dma_wait3A_1832 : memref<8192x64xf32, #tpu.memory_space<vmem_shared>>) dst(%dma_wait3A_1826 : memref<128x64xf32, #tpu.memory_space<vmem>>)
    %dma_wait3A_1833 = arith.constant 43 : i32
    %dma_wait3A_1834 = arith.constant 1 : i32
    %dma_wait3A_1835 = arith.constant 128 : i32
    %dma_wait3A_1836 = arith.constant 0 : i32
    %dma_wait3A_1837 = tpu.memref_slice %arg6[%dma_wait3A_1834, %dma_wait3A_1835, %dma_wait3A_1836] : memref<4x256x64xf32, #tpu.memory_space<vmem>> -> memref<1x128x64xf32, #tpu.memory_space<vmem>>
    %dma_wait3A_1838 = tpu.memref_squeeze %dma_wait3A_1837 : memref<1x128x64xf32, #tpu.memory_space<vmem>> -> memref<128x64xf32, #tpu.memory_space<vmem>>
    %dma_wait3A_1839 = arith.constant 0 : i32
    %dma_wait3A_1840 = tpu.memref_slice %arg5[%dma_wait3A_1833, %dma_wait3A_1839] : memref<64x128xi32, #tpu.memory_space<vmem>> -> memref<1x128xi32, #tpu.memory_space<vmem>>
    %dma_wait3A_1841 = tpu.memref_squeeze %dma_wait3A_1840 : memref<1x128xi32, #tpu.memory_space<vmem>> -> memref<128xi32, #tpu.memory_space<vmem>>
    %dma_wait3A_1842 = arith.constant 0 : i32
    %dma_wait3A_1843 = arith.constant 0 : i32
    %dma_wait3A_1844 = tpu.memref_slice %arg7[%dma_wait3A_1842, %dma_wait3A_1843] : memref<8192x64xf32, #tpu.memory_space<vmem_shared>> -> memref<8192x64xf32, #tpu.memory_space<vmem_shared>>
    tpu.wait_indirect_dma semaphore(%arg9 : memref<!tpu.dma_semaphore, #tpu.memory_space<semaphore_mem>>) src(%dma_wait3A_1844 : memref<8192x64xf32, #tpu.memory_space<vmem_shared>>) dst(%dma_wait3A_1838 : memref<128x64xf32, #tpu.memory_space<vmem>>)
    %dma_start3A_1845 = arith.constant 1 : i32
    %dma_start3A_1846 = arith.constant 21 : i32
    %dma_start3A_1847 = arith.constant 0 : i32
    %dma_start3A_1848 = arith.constant 0 : i32
    %dma_start3A_1849 = tpu.memref_slice %arg6[%dma_start3A_1845, %dma_start3A_1847, %dma_start3A_1848] : memref<4x256x64xf32, #tpu.memory_space<vmem>> -> memref<1x256x64xf32, #tpu.memory_space<vmem>>
    %dma_start3A_1850 = tpu.memref_squeeze %dma_start3A_1849 : memref<1x256x64xf32, #tpu.memory_space<vmem>> -> memref<256x64xf32, #tpu.memory_space<vmem>>
    %dma_start3A_1851 = arith.constant 0 : i32
    %dma_start3A_1852 = arith.constant 0 : i32
    %dma_start3A_1853 = tpu.memref_slice %arg4[%add3A, %dma_start3A_1846, %dma_start3A_1851, %dma_start3A_1852] : memref<32x32x256x64xf32, #tpu.memory_space<hbm>> -> memref<1x1x256x64xf32, #tpu.memory_space<hbm>>
    %dma_start3A_1854 = tpu.memref_squeeze %dma_start3A_1853 : memref<1x1x256x64xf32, #tpu.memory_space<hbm>> -> memref<256x64xf32, #tpu.memory_space<hbm>>
    %dma_start3A_1855 = arith.constant 0 : i32
    %dma_start3A_1856 = arith.constant 0 : i32
    %dma_start3A_1857 = tpu.memref_slice %arg4[%add3A, %dma_start3A_1846, %dma_start3A_1855, %dma_start3A_1856] : memref<32x32x256x64xf32, #tpu.memory_space<hbm>> -> memref<1x1x256x64xf32, #tpu.memory_space<hbm>>
    %dma_start3A_1858 = tpu.memref_squeeze %dma_start3A_1857 : memref<1x1x256x64xf32, #tpu.memory_space<hbm>> -> memref<256x64xf32, #tpu.memory_space<hbm>>
    %dma_start3A_1859 = arith.constant 0 : i32
    %dma_start3A_1860 = arith.constant 0 : i32
    %dma_start3A_1861 = tpu.memref_slice %arg6[%dma_start3A_1845, %dma_start3A_1859, %dma_start3A_1860] : memref<4x256x64xf32, #tpu.memory_space<vmem>> -> memref<1x256x64xf32, #tpu.memory_space<vmem>>
    %dma_start3A_1862 = tpu.memref_squeeze %dma_start3A_1861 : memref<1x256x64xf32, #tpu.memory_space<vmem>> -> memref<256x64xf32, #tpu.memory_space<vmem>>
    tpu.enqueue_dma source(%dma_start3A_1862 : memref<256x64xf32, #tpu.memory_space<vmem>>) target(%dma_start3A_1858 : memref<256x64xf32, #tpu.memory_space<hbm>>) target_semaphore(%arg13 : memref<!tpu.dma_semaphore, #tpu.memory_space<semaphore_mem>>)
    %dma_wait3A_1863 = arith.constant 0 : i32
    %dma_wait3A_1864 = arith.constant 20 : i32
    %dma_wait3A_1865 = arith.constant 0 : i32
    %dma_wait3A_1866 = arith.constant 0 : i32
    %dma_wait3A_1867 = tpu.memref_slice %arg6[%dma_wait3A_1863, %dma_wait3A_1865, %dma_wait3A_1866] : memref<4x256x64xf32, #tpu.memory_space<vmem>> -> memref<1x256x64xf32, #tpu.memory_space<vmem>>
    %dma_wait3A_1868 = tpu.memref_squeeze %dma_wait3A_1867 : memref<1x256x64xf32, #tpu.memory_space<vmem>> -> memref<256x64xf32, #tpu.memory_space<vmem>>
    %dma_wait3A_1869 = arith.constant 0 : i32
    %dma_wait3A_1870 = arith.constant 0 : i32
    %dma_wait3A_1871 = tpu.memref_slice %arg4[%add3A, %dma_wait3A_1864, %dma_wait3A_1869, %dma_wait3A_1870] : memref<32x32x256x64xf32, #tpu.memory_space<hbm>> -> memref<1x1x256x64xf32, #tpu.memory_space<hbm>>
    %dma_wait3A_1872 = tpu.memref_squeeze %dma_wait3A_1871 : memref<1x1x256x64xf32, #tpu.memory_space<hbm>> -> memref<256x64xf32, #tpu.memory_space<hbm>>
    %dma_wait3A_1873 = arith.constant 0 : i32
    %dma_wait3A_1874 = arith.constant 0 : i32
    %dma_wait3A_1875 = tpu.memref_slice %arg4[%add3A, %dma_wait3A_1864, %dma_wait3A_1873, %dma_wait3A_1874] : memref<32x32x256x64xf32, #tpu.memory_space<hbm>> -> memref<1x1x256x64xf32, #tpu.memory_space<hbm>>
    %dma_wait3A_1876 = tpu.memref_squeeze %dma_wait3A_1875 : memref<1x1x256x64xf32, #tpu.memory_space<hbm>> -> memref<256x64xf32, #tpu.memory_space<hbm>>
    %dma_wait3A_1877 = arith.constant 0 : i32
    %dma_wait3A_1878 = arith.constant 0 : i32
    %dma_wait3A_1879 = tpu.memref_slice %arg6[%dma_wait3A_1863, %dma_wait3A_1877, %dma_wait3A_1878] : memref<4x256x64xf32, #tpu.memory_space<vmem>> -> memref<1x256x64xf32, #tpu.memory_space<vmem>>
    %dma_wait3A_1880 = tpu.memref_squeeze %dma_wait3A_1879 : memref<1x256x64xf32, #tpu.memory_space<vmem>> -> memref<256x64xf32, #tpu.memory_space<vmem>>
    tpu.wait_dma2 semaphore(%arg12 : memref<!tpu.dma_semaphore, #tpu.memory_space<semaphore_mem>>) src(%dma_wait3A_1880 : memref<256x64xf32, #tpu.memory_space<vmem>>) dst(%dma_wait3A_1876 : memref<256x64xf32, #tpu.memory_space<hbm>>)
    %dma_start3A_1881 = arith.constant 48 : i32
    %dma_start3A_1882 = arith.constant 0 : i32
    %dma_start3A_1883 = arith.constant 0 : i32
    %dma_start3A_1884 = arith.constant 0 : i32
    %dma_start3A_1885 = tpu.memref_slice %arg6[%dma_start3A_1882, %dma_start3A_1883, %dma_start3A_1884] : memref<4x256x64xf32, #tpu.memory_space<vmem>> -> memref<1x128x64xf32, #tpu.memory_space<vmem>>
    %dma_start3A_1886 = tpu.memref_squeeze %dma_start3A_1885 : memref<1x128x64xf32, #tpu.memory_space<vmem>> -> memref<128x64xf32, #tpu.memory_space<vmem>>
    %dma_start3A_1887 = arith.constant 0 : i32
    %dma_start3A_1888 = tpu.memref_slice %arg5[%dma_start3A_1881, %dma_start3A_1887] : memref<64x128xi32, #tpu.memory_space<vmem>> -> memref<1x128xi32, #tpu.memory_space<vmem>>
    %dma_start3A_1889 = tpu.memref_squeeze %dma_start3A_1888 : memref<1x128xi32, #tpu.memory_space<vmem>> -> memref<128xi32, #tpu.memory_space<vmem>>
    %dma_start3A_1890 = arith.constant 0 : i32
    %dma_start3A_1891 = arith.constant 0 : i32
    %dma_start3A_1892 = tpu.memref_slice %arg7[%dma_start3A_1890, %dma_start3A_1891] : memref<8192x64xf32, #tpu.memory_space<vmem_shared>> -> memref<8192x64xf32, #tpu.memory_space<vmem_shared>>
    tpu.enqueue_indirect_dma source(%dma_start3A_1892 : memref<8192x64xf32, #tpu.memory_space<vmem_shared>>) target(%dma_start3A_1886 : memref<128x64xf32, #tpu.memory_space<vmem>>) offsets(%dma_start3A_1889 : memref<128xi32, #tpu.memory_space<vmem>>) semaphore(%arg8 : memref<!tpu.dma_semaphore, #tpu.memory_space<semaphore_mem>>)
    %dma_start3A_1893 = arith.constant 49 : i32
    %dma_start3A_1894 = arith.constant 0 : i32
    %dma_start3A_1895 = arith.constant 128 : i32
    %dma_start3A_1896 = arith.constant 0 : i32
    %dma_start3A_1897 = tpu.memref_slice %arg6[%dma_start3A_1894, %dma_start3A_1895, %dma_start3A_1896] : memref<4x256x64xf32, #tpu.memory_space<vmem>> -> memref<1x128x64xf32, #tpu.memory_space<vmem>>
    %dma_start3A_1898 = tpu.memref_squeeze %dma_start3A_1897 : memref<1x128x64xf32, #tpu.memory_space<vmem>> -> memref<128x64xf32, #tpu.memory_space<vmem>>
    %dma_start3A_1899 = arith.constant 0 : i32
    %dma_start3A_1900 = tpu.memref_slice %arg5[%dma_start3A_1893, %dma_start3A_1899] : memref<64x128xi32, #tpu.memory_space<vmem>> -> memref<1x128xi32, #tpu.memory_space<vmem>>
    %dma_start3A_1901 = tpu.memref_squeeze %dma_start3A_1900 : memref<1x128xi32, #tpu.memory_space<vmem>> -> memref<128xi32, #tpu.memory_space<vmem>>
    %dma_start3A_1902 = arith.constant 0 : i32
    %dma_start3A_1903 = arith.constant 0 : i32
    %dma_start3A_1904 = tpu.memref_slice %arg7[%dma_start3A_1902, %dma_start3A_1903] : memref<8192x64xf32, #tpu.memory_space<vmem_shared>> -> memref<8192x64xf32, #tpu.memory_space<vmem_shared>>
    tpu.enqueue_indirect_dma source(%dma_start3A_1904 : memref<8192x64xf32, #tpu.memory_space<vmem_shared>>) target(%dma_start3A_1898 : memref<128x64xf32, #tpu.memory_space<vmem>>) offsets(%dma_start3A_1901 : memref<128xi32, #tpu.memory_space<vmem>>) semaphore(%arg8 : memref<!tpu.dma_semaphore, #tpu.memory_space<semaphore_mem>>)
    %dma_wait3A_1905 = arith.constant 44 : i32
    %dma_wait3A_1906 = arith.constant 2 : i32
    %dma_wait3A_1907 = arith.constant 0 : i32
    %dma_wait3A_1908 = arith.constant 0 : i32
    %dma_wait3A_1909 = tpu.memref_slice %arg6[%dma_wait3A_1906, %dma_wait3A_1907, %dma_wait3A_1908] : memref<4x256x64xf32, #tpu.memory_space<vmem>> -> memref<1x128x64xf32, #tpu.memory_space<vmem>>
    %dma_wait3A_1910 = tpu.memref_squeeze %dma_wait3A_1909 : memref<1x128x64xf32, #tpu.memory_space<vmem>> -> memref<128x64xf32, #tpu.memory_space<vmem>>
    %dma_wait3A_1911 = arith.constant 0 : i32
    %dma_wait3A_1912 = tpu.memref_slice %arg5[%dma_wait3A_1905, %dma_wait3A_1911] : memref<64x128xi32, #tpu.memory_space<vmem>> -> memref<1x128xi32, #tpu.memory_space<vmem>>
    %dma_wait3A_1913 = tpu.memref_squeeze %dma_wait3A_1912 : memref<1x128xi32, #tpu.memory_space<vmem>> -> memref<128xi32, #tpu.memory_space<vmem>>
    %dma_wait3A_1914 = arith.constant 0 : i32
    %dma_wait3A_1915 = arith.constant 0 : i32
    %dma_wait3A_1916 = tpu.memref_slice %arg7[%dma_wait3A_1914, %dma_wait3A_1915] : memref<8192x64xf32, #tpu.memory_space<vmem_shared>> -> memref<8192x64xf32, #tpu.memory_space<vmem_shared>>
    tpu.wait_indirect_dma semaphore(%arg10 : memref<!tpu.dma_semaphore, #tpu.memory_space<semaphore_mem>>) src(%dma_wait3A_1916 : memref<8192x64xf32, #tpu.memory_space<vmem_shared>>) dst(%dma_wait3A_1910 : memref<128x64xf32, #tpu.memory_space<vmem>>)
    %dma_wait3A_1917 = arith.constant 45 : i32
    %dma_wait3A_1918 = arith.constant 2 : i32
    %dma_wait3A_1919 = arith.constant 128 : i32
    %dma_wait3A_1920 = arith.constant 0 : i32
    %dma_wait3A_1921 = tpu.memref_slice %arg6[%dma_wait3A_1918, %dma_wait3A_1919, %dma_wait3A_1920] : memref<4x256x64xf32, #tpu.memory_space<vmem>> -> memref<1x128x64xf32, #tpu.memory_space<vmem>>
    %dma_wait3A_1922 = tpu.memref_squeeze %dma_wait3A_1921 : memref<1x128x64xf32, #tpu.memory_space<vmem>> -> memref<128x64xf32, #tpu.memory_space<vmem>>
    %dma_wait3A_1923 = arith.constant 0 : i32
    %dma_wait3A_1924 = tpu.memref_slice %arg5[%dma_wait3A_1917, %dma_wait3A_1923] : memref<64x128xi32, #tpu.memory_space<vmem>> -> memref<1x128xi32, #tpu.memory_space<vmem>>
    %dma_wait3A_1925 = tpu.memref_squeeze %dma_wait3A_1924 : memref<1x128xi32, #tpu.memory_space<vmem>> -> memref<128xi32, #tpu.memory_space<vmem>>
    %dma_wait3A_1926 = arith.constant 0 : i32
    %dma_wait3A_1927 = arith.constant 0 : i32
    %dma_wait3A_1928 = tpu.memref_slice %arg7[%dma_wait3A_1926, %dma_wait3A_1927] : memref<8192x64xf32, #tpu.memory_space<vmem_shared>> -> memref<8192x64xf32, #tpu.memory_space<vmem_shared>>
    tpu.wait_indirect_dma semaphore(%arg10 : memref<!tpu.dma_semaphore, #tpu.memory_space<semaphore_mem>>) src(%dma_wait3A_1928 : memref<8192x64xf32, #tpu.memory_space<vmem_shared>>) dst(%dma_wait3A_1922 : memref<128x64xf32, #tpu.memory_space<vmem>>)
    %dma_start3A_1929 = arith.constant 2 : i32
    %dma_start3A_1930 = arith.constant 22 : i32
    %dma_start3A_1931 = arith.constant 0 : i32
    %dma_start3A_1932 = arith.constant 0 : i32
    %dma_start3A_1933 = tpu.memref_slice %arg6[%dma_start3A_1929, %dma_start3A_1931, %dma_start3A_1932] : memref<4x256x64xf32, #tpu.memory_space<vmem>> -> memref<1x256x64xf32, #tpu.memory_space<vmem>>
    %dma_start3A_1934 = tpu.memref_squeeze %dma_start3A_1933 : memref<1x256x64xf32, #tpu.memory_space<vmem>> -> memref<256x64xf32, #tpu.memory_space<vmem>>
    %dma_start3A_1935 = arith.constant 0 : i32
    %dma_start3A_1936 = arith.constant 0 : i32
    %dma_start3A_1937 = tpu.memref_slice %arg4[%add3A, %dma_start3A_1930, %dma_start3A_1935, %dma_start3A_1936] : memref<32x32x256x64xf32, #tpu.memory_space<hbm>> -> memref<1x1x256x64xf32, #tpu.memory_space<hbm>>
    %dma_start3A_1938 = tpu.memref_squeeze %dma_start3A_1937 : memref<1x1x256x64xf32, #tpu.memory_space<hbm>> -> memref<256x64xf32, #tpu.memory_space<hbm>>
    %dma_start3A_1939 = arith.constant 0 : i32
    %dma_start3A_1940 = arith.constant 0 : i32
    %dma_start3A_1941 = tpu.memref_slice %arg4[%add3A, %dma_start3A_1930, %dma_start3A_1939, %dma_start3A_1940] : memref<32x32x256x64xf32, #tpu.memory_space<hbm>> -> memref<1x1x256x64xf32, #tpu.memory_space<hbm>>
    %dma_start3A_1942 = tpu.memref_squeeze %dma_start3A_1941 : memref<1x1x256x64xf32, #tpu.memory_space<hbm>> -> memref<256x64xf32, #tpu.memory_space<hbm>>
    %dma_start3A_1943 = arith.constant 0 : i32
    %dma_start3A_1944 = arith.constant 0 : i32
    %dma_start3A_1945 = tpu.memref_slice %arg6[%dma_start3A_1929, %dma_start3A_1943, %dma_start3A_1944] : memref<4x256x64xf32, #tpu.memory_space<vmem>> -> memref<1x256x64xf32, #tpu.memory_space<vmem>>
    %dma_start3A_1946 = tpu.memref_squeeze %dma_start3A_1945 : memref<1x256x64xf32, #tpu.memory_space<vmem>> -> memref<256x64xf32, #tpu.memory_space<vmem>>
    tpu.enqueue_dma source(%dma_start3A_1946 : memref<256x64xf32, #tpu.memory_space<vmem>>) target(%dma_start3A_1942 : memref<256x64xf32, #tpu.memory_space<hbm>>) target_semaphore(%arg14 : memref<!tpu.dma_semaphore, #tpu.memory_space<semaphore_mem>>)
    %dma_wait3A_1947 = arith.constant 1 : i32
    %dma_wait3A_1948 = arith.constant 21 : i32
    %dma_wait3A_1949 = arith.constant 0 : i32
    %dma_wait3A_1950 = arith.constant 0 : i32
    %dma_wait3A_1951 = tpu.memref_slice %arg6[%dma_wait3A_1947, %dma_wait3A_1949, %dma_wait3A_1950] : memref<4x256x64xf32, #tpu.memory_space<vmem>> -> memref<1x256x64xf32, #tpu.memory_space<vmem>>
    %dma_wait3A_1952 = tpu.memref_squeeze %dma_wait3A_1951 : memref<1x256x64xf32, #tpu.memory_space<vmem>> -> memref<256x64xf32, #tpu.memory_space<vmem>>
    %dma_wait3A_1953 = arith.constant 0 : i32
    %dma_wait3A_1954 = arith.constant 0 : i32
    %dma_wait3A_1955 = tpu.memref_slice %arg4[%add3A, %dma_wait3A_1948, %dma_wait3A_1953, %dma_wait3A_1954] : memref<32x32x256x64xf32, #tpu.memory_space<hbm>> -> memref<1x1x256x64xf32, #tpu.memory_space<hbm>>
    %dma_wait3A_1956 = tpu.memref_squeeze %dma_wait3A_1955 : memref<1x1x256x64xf32, #tpu.memory_space<hbm>> -> memref<256x64xf32, #tpu.memory_space<hbm>>
    %dma_wait3A_1957 = arith.constant 0 : i32
    %dma_wait3A_1958 = arith.constant 0 : i32
    %dma_wait3A_1959 = tpu.memref_slice %arg4[%add3A, %dma_wait3A_1948, %dma_wait3A_1957, %dma_wait3A_1958] : memref<32x32x256x64xf32, #tpu.memory_space<hbm>> -> memref<1x1x256x64xf32, #tpu.memory_space<hbm>>
    %dma_wait3A_1960 = tpu.memref_squeeze %dma_wait3A_1959 : memref<1x1x256x64xf32, #tpu.memory_space<hbm>> -> memref<256x64xf32, #tpu.memory_space<hbm>>
    %dma_wait3A_1961 = arith.constant 0 : i32
    %dma_wait3A_1962 = arith.constant 0 : i32
    %dma_wait3A_1963 = tpu.memref_slice %arg6[%dma_wait3A_1947, %dma_wait3A_1961, %dma_wait3A_1962] : memref<4x256x64xf32, #tpu.memory_space<vmem>> -> memref<1x256x64xf32, #tpu.memory_space<vmem>>
    %dma_wait3A_1964 = tpu.memref_squeeze %dma_wait3A_1963 : memref<1x256x64xf32, #tpu.memory_space<vmem>> -> memref<256x64xf32, #tpu.memory_space<vmem>>
    tpu.wait_dma2 semaphore(%arg13 : memref<!tpu.dma_semaphore, #tpu.memory_space<semaphore_mem>>) src(%dma_wait3A_1964 : memref<256x64xf32, #tpu.memory_space<vmem>>) dst(%dma_wait3A_1960 : memref<256x64xf32, #tpu.memory_space<hbm>>)
    %dma_start3A_1965 = arith.constant 50 : i32
    %dma_start3A_1966 = arith.constant 1 : i32
    %dma_start3A_1967 = arith.constant 0 : i32
    %dma_start3A_1968 = arith.constant 0 : i32
    %dma_start3A_1969 = tpu.memref_slice %arg6[%dma_start3A_1966, %dma_start3A_1967, %dma_start3A_1968] : memref<4x256x64xf32, #tpu.memory_space<vmem>> -> memref<1x128x64xf32, #tpu.memory_space<vmem>>
    %dma_start3A_1970 = tpu.memref_squeeze %dma_start3A_1969 : memref<1x128x64xf32, #tpu.memory_space<vmem>> -> memref<128x64xf32, #tpu.memory_space<vmem>>
    %dma_start3A_1971 = arith.constant 0 : i32
    %dma_start3A_1972 = tpu.memref_slice %arg5[%dma_start3A_1965, %dma_start3A_1971] : memref<64x128xi32, #tpu.memory_space<vmem>> -> memref<1x128xi32, #tpu.memory_space<vmem>>
    %dma_start3A_1973 = tpu.memref_squeeze %dma_start3A_1972 : memref<1x128xi32, #tpu.memory_space<vmem>> -> memref<128xi32, #tpu.memory_space<vmem>>
    %dma_start3A_1974 = arith.constant 0 : i32
    %dma_start3A_1975 = arith.constant 0 : i32
    %dma_start3A_1976 = tpu.memref_slice %arg7[%dma_start3A_1974, %dma_start3A_1975] : memref<8192x64xf32, #tpu.memory_space<vmem_shared>> -> memref<8192x64xf32, #tpu.memory_space<vmem_shared>>
    tpu.enqueue_indirect_dma source(%dma_start3A_1976 : memref<8192x64xf32, #tpu.memory_space<vmem_shared>>) target(%dma_start3A_1970 : memref<128x64xf32, #tpu.memory_space<vmem>>) offsets(%dma_start3A_1973 : memref<128xi32, #tpu.memory_space<vmem>>) semaphore(%arg9 : memref<!tpu.dma_semaphore, #tpu.memory_space<semaphore_mem>>)
    %dma_start3A_1977 = arith.constant 51 : i32
    %dma_start3A_1978 = arith.constant 1 : i32
    %dma_start3A_1979 = arith.constant 128 : i32
    %dma_start3A_1980 = arith.constant 0 : i32
    %dma_start3A_1981 = tpu.memref_slice %arg6[%dma_start3A_1978, %dma_start3A_1979, %dma_start3A_1980] : memref<4x256x64xf32, #tpu.memory_space<vmem>> -> memref<1x128x64xf32, #tpu.memory_space<vmem>>
    %dma_start3A_1982 = tpu.memref_squeeze %dma_start3A_1981 : memref<1x128x64xf32, #tpu.memory_space<vmem>> -> memref<128x64xf32, #tpu.memory_space<vmem>>
    %dma_start3A_1983 = arith.constant 0 : i32
    %dma_start3A_1984 = tpu.memref_slice %arg5[%dma_start3A_1977, %dma_start3A_1983] : memref<64x128xi32, #tpu.memory_space<vmem>> -> memref<1x128xi32, #tpu.memory_space<vmem>>
    %dma_start3A_1985 = tpu.memref_squeeze %dma_start3A_1984 : memref<1x128xi32, #tpu.memory_space<vmem>> -> memref<128xi32, #tpu.memory_space<vmem>>
    %dma_start3A_1986 = arith.constant 0 : i32
    %dma_start3A_1987 = arith.constant 0 : i32
    %dma_start3A_1988 = tpu.memref_slice %arg7[%dma_start3A_1986, %dma_start3A_1987] : memref<8192x64xf32, #tpu.memory_space<vmem_shared>> -> memref<8192x64xf32, #tpu.memory_space<vmem_shared>>
    tpu.enqueue_indirect_dma source(%dma_start3A_1988 : memref<8192x64xf32, #tpu.memory_space<vmem_shared>>) target(%dma_start3A_1982 : memref<128x64xf32, #tpu.memory_space<vmem>>) offsets(%dma_start3A_1985 : memref<128xi32, #tpu.memory_space<vmem>>) semaphore(%arg9 : memref<!tpu.dma_semaphore, #tpu.memory_space<semaphore_mem>>)
    %dma_wait3A_1989 = arith.constant 46 : i32
    %dma_wait3A_1990 = arith.constant 3 : i32
    %dma_wait3A_1991 = arith.constant 0 : i32
    %dma_wait3A_1992 = arith.constant 0 : i32
    %dma_wait3A_1993 = tpu.memref_slice %arg6[%dma_wait3A_1990, %dma_wait3A_1991, %dma_wait3A_1992] : memref<4x256x64xf32, #tpu.memory_space<vmem>> -> memref<1x128x64xf32, #tpu.memory_space<vmem>>
    %dma_wait3A_1994 = tpu.memref_squeeze %dma_wait3A_1993 : memref<1x128x64xf32, #tpu.memory_space<vmem>> -> memref<128x64xf32, #tpu.memory_space<vmem>>
    %dma_wait3A_1995 = arith.constant 0 : i32
    %dma_wait3A_1996 = tpu.memref_slice %arg5[%dma_wait3A_1989, %dma_wait3A_1995] : memref<64x128xi32, #tpu.memory_space<vmem>> -> memref<1x128xi32, #tpu.memory_space<vmem>>
    %dma_wait3A_1997 = tpu.memref_squeeze %dma_wait3A_1996 : memref<1x128xi32, #tpu.memory_space<vmem>> -> memref<128xi32, #tpu.memory_space<vmem>>
    %dma_wait3A_1998 = arith.constant 0 : i32
    %dma_wait3A_1999 = arith.constant 0 : i32
    %dma_wait3A_2000 = tpu.memref_slice %arg7[%dma_wait3A_1998, %dma_wait3A_1999] : memref<8192x64xf32, #tpu.memory_space<vmem_shared>> -> memref<8192x64xf32, #tpu.memory_space<vmem_shared>>
    tpu.wait_indirect_dma semaphore(%arg11 : memref<!tpu.dma_semaphore, #tpu.memory_space<semaphore_mem>>) src(%dma_wait3A_2000 : memref<8192x64xf32, #tpu.memory_space<vmem_shared>>) dst(%dma_wait3A_1994 : memref<128x64xf32, #tpu.memory_space<vmem>>)
    %dma_wait3A_2001 = arith.constant 47 : i32
    %dma_wait3A_2002 = arith.constant 3 : i32
    %dma_wait3A_2003 = arith.constant 128 : i32
    %dma_wait3A_2004 = arith.constant 0 : i32
    %dma_wait3A_2005 = tpu.memref_slice %arg6[%dma_wait3A_2002, %dma_wait3A_2003, %dma_wait3A_2004] : memref<4x256x64xf32, #tpu.memory_space<vmem>> -> memref<1x128x64xf32, #tpu.memory_space<vmem>>
    %dma_wait3A_2006 = tpu.memref_squeeze %dma_wait3A_2005 : memref<1x128x64xf32, #tpu.memory_space<vmem>> -> memref<128x64xf32, #tpu.memory_space<vmem>>
    %dma_wait3A_2007 = arith.constant 0 : i32
    %dma_wait3A_2008 = tpu.memref_slice %arg5[%dma_wait3A_2001, %dma_wait3A_2007] : memref<64x128xi32, #tpu.memory_space<vmem>> -> memref<1x128xi32, #tpu.memory_space<vmem>>
    %dma_wait3A_2009 = tpu.memref_squeeze %dma_wait3A_2008 : memref<1x128xi32, #tpu.memory_space<vmem>> -> memref<128xi32, #tpu.memory_space<vmem>>
    %dma_wait3A_2010 = arith.constant 0 : i32
    %dma_wait3A_2011 = arith.constant 0 : i32
    %dma_wait3A_2012 = tpu.memref_slice %arg7[%dma_wait3A_2010, %dma_wait3A_2011] : memref<8192x64xf32, #tpu.memory_space<vmem_shared>> -> memref<8192x64xf32, #tpu.memory_space<vmem_shared>>
    tpu.wait_indirect_dma semaphore(%arg11 : memref<!tpu.dma_semaphore, #tpu.memory_space<semaphore_mem>>) src(%dma_wait3A_2012 : memref<8192x64xf32, #tpu.memory_space<vmem_shared>>) dst(%dma_wait3A_2006 : memref<128x64xf32, #tpu.memory_space<vmem>>)
    %dma_start3A_2013 = arith.constant 3 : i32
    %dma_start3A_2014 = arith.constant 23 : i32
    %dma_start3A_2015 = arith.constant 0 : i32
    %dma_start3A_2016 = arith.constant 0 : i32
    %dma_start3A_2017 = tpu.memref_slice %arg6[%dma_start3A_2013, %dma_start3A_2015, %dma_start3A_2016] : memref<4x256x64xf32, #tpu.memory_space<vmem>> -> memref<1x256x64xf32, #tpu.memory_space<vmem>>
    %dma_start3A_2018 = tpu.memref_squeeze %dma_start3A_2017 : memref<1x256x64xf32, #tpu.memory_space<vmem>> -> memref<256x64xf32, #tpu.memory_space<vmem>>
    %dma_start3A_2019 = arith.constant 0 : i32
    %dma_start3A_2020 = arith.constant 0 : i32
    %dma_start3A_2021 = tpu.memref_slice %arg4[%add3A, %dma_start3A_2014, %dma_start3A_2019, %dma_start3A_2020] : memref<32x32x256x64xf32, #tpu.memory_space<hbm>> -> memref<1x1x256x64xf32, #tpu.memory_space<hbm>>
    %dma_start3A_2022 = tpu.memref_squeeze %dma_start3A_2021 : memref<1x1x256x64xf32, #tpu.memory_space<hbm>> -> memref<256x64xf32, #tpu.memory_space<hbm>>
    %dma_start3A_2023 = arith.constant 0 : i32
    %dma_start3A_2024 = arith.constant 0 : i32
    %dma_start3A_2025 = tpu.memref_slice %arg4[%add3A, %dma_start3A_2014, %dma_start3A_2023, %dma_start3A_2024] : memref<32x32x256x64xf32, #tpu.memory_space<hbm>> -> memref<1x1x256x64xf32, #tpu.memory_space<hbm>>
    %dma_start3A_2026 = tpu.memref_squeeze %dma_start3A_2025 : memref<1x1x256x64xf32, #tpu.memory_space<hbm>> -> memref<256x64xf32, #tpu.memory_space<hbm>>
    %dma_start3A_2027 = arith.constant 0 : i32
    %dma_start3A_2028 = arith.constant 0 : i32
    %dma_start3A_2029 = tpu.memref_slice %arg6[%dma_start3A_2013, %dma_start3A_2027, %dma_start3A_2028] : memref<4x256x64xf32, #tpu.memory_space<vmem>> -> memref<1x256x64xf32, #tpu.memory_space<vmem>>
    %dma_start3A_2030 = tpu.memref_squeeze %dma_start3A_2029 : memref<1x256x64xf32, #tpu.memory_space<vmem>> -> memref<256x64xf32, #tpu.memory_space<vmem>>
    tpu.enqueue_dma source(%dma_start3A_2030 : memref<256x64xf32, #tpu.memory_space<vmem>>) target(%dma_start3A_2026 : memref<256x64xf32, #tpu.memory_space<hbm>>) target_semaphore(%arg15 : memref<!tpu.dma_semaphore, #tpu.memory_space<semaphore_mem>>)
    %dma_wait3A_2031 = arith.constant 2 : i32
    %dma_wait3A_2032 = arith.constant 22 : i32
    %dma_wait3A_2033 = arith.constant 0 : i32
    %dma_wait3A_2034 = arith.constant 0 : i32
    %dma_wait3A_2035 = tpu.memref_slice %arg6[%dma_wait3A_2031, %dma_wait3A_2033, %dma_wait3A_2034] : memref<4x256x64xf32, #tpu.memory_space<vmem>> -> memref<1x256x64xf32, #tpu.memory_space<vmem>>
    %dma_wait3A_2036 = tpu.memref_squeeze %dma_wait3A_2035 : memref<1x256x64xf32, #tpu.memory_space<vmem>> -> memref<256x64xf32, #tpu.memory_space<vmem>>
    %dma_wait3A_2037 = arith.constant 0 : i32
    %dma_wait3A_2038 = arith.constant 0 : i32
    %dma_wait3A_2039 = tpu.memref_slice %arg4[%add3A, %dma_wait3A_2032, %dma_wait3A_2037, %dma_wait3A_2038] : memref<32x32x256x64xf32, #tpu.memory_space<hbm>> -> memref<1x1x256x64xf32, #tpu.memory_space<hbm>>
    %dma_wait3A_2040 = tpu.memref_squeeze %dma_wait3A_2039 : memref<1x1x256x64xf32, #tpu.memory_space<hbm>> -> memref<256x64xf32, #tpu.memory_space<hbm>>
    %dma_wait3A_2041 = arith.constant 0 : i32
    %dma_wait3A_2042 = arith.constant 0 : i32
    %dma_wait3A_2043 = tpu.memref_slice %arg4[%add3A, %dma_wait3A_2032, %dma_wait3A_2041, %dma_wait3A_2042] : memref<32x32x256x64xf32, #tpu.memory_space<hbm>> -> memref<1x1x256x64xf32, #tpu.memory_space<hbm>>
    %dma_wait3A_2044 = tpu.memref_squeeze %dma_wait3A_2043 : memref<1x1x256x64xf32, #tpu.memory_space<hbm>> -> memref<256x64xf32, #tpu.memory_space<hbm>>
    %dma_wait3A_2045 = arith.constant 0 : i32
    %dma_wait3A_2046 = arith.constant 0 : i32
    %dma_wait3A_2047 = tpu.memref_slice %arg6[%dma_wait3A_2031, %dma_wait3A_2045, %dma_wait3A_2046] : memref<4x256x64xf32, #tpu.memory_space<vmem>> -> memref<1x256x64xf32, #tpu.memory_space<vmem>>
    %dma_wait3A_2048 = tpu.memref_squeeze %dma_wait3A_2047 : memref<1x256x64xf32, #tpu.memory_space<vmem>> -> memref<256x64xf32, #tpu.memory_space<vmem>>
    tpu.wait_dma2 semaphore(%arg14 : memref<!tpu.dma_semaphore, #tpu.memory_space<semaphore_mem>>) src(%dma_wait3A_2048 : memref<256x64xf32, #tpu.memory_space<vmem>>) dst(%dma_wait3A_2044 : memref<256x64xf32, #tpu.memory_space<hbm>>)
    %dma_start3A_2049 = arith.constant 52 : i32
    %dma_start3A_2050 = arith.constant 2 : i32
    %dma_start3A_2051 = arith.constant 0 : i32
    %dma_start3A_2052 = arith.constant 0 : i32
    %dma_start3A_2053 = tpu.memref_slice %arg6[%dma_start3A_2050, %dma_start3A_2051, %dma_start3A_2052] : memref<4x256x64xf32, #tpu.memory_space<vmem>> -> memref<1x128x64xf32, #tpu.memory_space<vmem>>
    %dma_start3A_2054 = tpu.memref_squeeze %dma_start3A_2053 : memref<1x128x64xf32, #tpu.memory_space<vmem>> -> memref<128x64xf32, #tpu.memory_space<vmem>>
    %dma_start3A_2055 = arith.constant 0 : i32
    %dma_start3A_2056 = tpu.memref_slice %arg5[%dma_start3A_2049, %dma_start3A_2055] : memref<64x128xi32, #tpu.memory_space<vmem>> -> memref<1x128xi32, #tpu.memory_space<vmem>>
    %dma_start3A_2057 = tpu.memref_squeeze %dma_start3A_2056 : memref<1x128xi32, #tpu.memory_space<vmem>> -> memref<128xi32, #tpu.memory_space<vmem>>
    %dma_start3A_2058 = arith.constant 0 : i32
    %dma_start3A_2059 = arith.constant 0 : i32
    %dma_start3A_2060 = tpu.memref_slice %arg7[%dma_start3A_2058, %dma_start3A_2059] : memref<8192x64xf32, #tpu.memory_space<vmem_shared>> -> memref<8192x64xf32, #tpu.memory_space<vmem_shared>>
    tpu.enqueue_indirect_dma source(%dma_start3A_2060 : memref<8192x64xf32, #tpu.memory_space<vmem_shared>>) target(%dma_start3A_2054 : memref<128x64xf32, #tpu.memory_space<vmem>>) offsets(%dma_start3A_2057 : memref<128xi32, #tpu.memory_space<vmem>>) semaphore(%arg10 : memref<!tpu.dma_semaphore, #tpu.memory_space<semaphore_mem>>)
    %dma_start3A_2061 = arith.constant 53 : i32
    %dma_start3A_2062 = arith.constant 2 : i32
    %dma_start3A_2063 = arith.constant 128 : i32
    %dma_start3A_2064 = arith.constant 0 : i32
    %dma_start3A_2065 = tpu.memref_slice %arg6[%dma_start3A_2062, %dma_start3A_2063, %dma_start3A_2064] : memref<4x256x64xf32, #tpu.memory_space<vmem>> -> memref<1x128x64xf32, #tpu.memory_space<vmem>>
    %dma_start3A_2066 = tpu.memref_squeeze %dma_start3A_2065 : memref<1x128x64xf32, #tpu.memory_space<vmem>> -> memref<128x64xf32, #tpu.memory_space<vmem>>
    %dma_start3A_2067 = arith.constant 0 : i32
    %dma_start3A_2068 = tpu.memref_slice %arg5[%dma_start3A_2061, %dma_start3A_2067] : memref<64x128xi32, #tpu.memory_space<vmem>> -> memref<1x128xi32, #tpu.memory_space<vmem>>
    %dma_start3A_2069 = tpu.memref_squeeze %dma_start3A_2068 : memref<1x128xi32, #tpu.memory_space<vmem>> -> memref<128xi32, #tpu.memory_space<vmem>>
    %dma_start3A_2070 = arith.constant 0 : i32
    %dma_start3A_2071 = arith.constant 0 : i32
    %dma_start3A_2072 = tpu.memref_slice %arg7[%dma_start3A_2070, %dma_start3A_2071] : memref<8192x64xf32, #tpu.memory_space<vmem_shared>> -> memref<8192x64xf32, #tpu.memory_space<vmem_shared>>
    tpu.enqueue_indirect_dma source(%dma_start3A_2072 : memref<8192x64xf32, #tpu.memory_space<vmem_shared>>) target(%dma_start3A_2066 : memref<128x64xf32, #tpu.memory_space<vmem>>) offsets(%dma_start3A_2069 : memref<128xi32, #tpu.memory_space<vmem>>) semaphore(%arg10 : memref<!tpu.dma_semaphore, #tpu.memory_space<semaphore_mem>>)
    %dma_wait3A_2073 = arith.constant 48 : i32
    %dma_wait3A_2074 = arith.constant 0 : i32
    %dma_wait3A_2075 = arith.constant 0 : i32
    %dma_wait3A_2076 = arith.constant 0 : i32
    %dma_wait3A_2077 = tpu.memref_slice %arg6[%dma_wait3A_2074, %dma_wait3A_2075, %dma_wait3A_2076] : memref<4x256x64xf32, #tpu.memory_space<vmem>> -> memref<1x128x64xf32, #tpu.memory_space<vmem>>
    %dma_wait3A_2078 = tpu.memref_squeeze %dma_wait3A_2077 : memref<1x128x64xf32, #tpu.memory_space<vmem>> -> memref<128x64xf32, #tpu.memory_space<vmem>>
    %dma_wait3A_2079 = arith.constant 0 : i32
    %dma_wait3A_2080 = tpu.memref_slice %arg5[%dma_wait3A_2073, %dma_wait3A_2079] : memref<64x128xi32, #tpu.memory_space<vmem>> -> memref<1x128xi32, #tpu.memory_space<vmem>>
    %dma_wait3A_2081 = tpu.memref_squeeze %dma_wait3A_2080 : memref<1x128xi32, #tpu.memory_space<vmem>> -> memref<128xi32, #tpu.memory_space<vmem>>
    %dma_wait3A_2082 = arith.constant 0 : i32
    %dma_wait3A_2083 = arith.constant 0 : i32
    %dma_wait3A_2084 = tpu.memref_slice %arg7[%dma_wait3A_2082, %dma_wait3A_2083] : memref<8192x64xf32, #tpu.memory_space<vmem_shared>> -> memref<8192x64xf32, #tpu.memory_space<vmem_shared>>
    tpu.wait_indirect_dma semaphore(%arg8 : memref<!tpu.dma_semaphore, #tpu.memory_space<semaphore_mem>>) src(%dma_wait3A_2084 : memref<8192x64xf32, #tpu.memory_space<vmem_shared>>) dst(%dma_wait3A_2078 : memref<128x64xf32, #tpu.memory_space<vmem>>)
    %dma_wait3A_2085 = arith.constant 49 : i32
    %dma_wait3A_2086 = arith.constant 0 : i32
    %dma_wait3A_2087 = arith.constant 128 : i32
    %dma_wait3A_2088 = arith.constant 0 : i32
    %dma_wait3A_2089 = tpu.memref_slice %arg6[%dma_wait3A_2086, %dma_wait3A_2087, %dma_wait3A_2088] : memref<4x256x64xf32, #tpu.memory_space<vmem>> -> memref<1x128x64xf32, #tpu.memory_space<vmem>>
    %dma_wait3A_2090 = tpu.memref_squeeze %dma_wait3A_2089 : memref<1x128x64xf32, #tpu.memory_space<vmem>> -> memref<128x64xf32, #tpu.memory_space<vmem>>
    %dma_wait3A_2091 = arith.constant 0 : i32
    %dma_wait3A_2092 = tpu.memref_slice %arg5[%dma_wait3A_2085, %dma_wait3A_2091] : memref<64x128xi32, #tpu.memory_space<vmem>> -> memref<1x128xi32, #tpu.memory_space<vmem>>
    %dma_wait3A_2093 = tpu.memref_squeeze %dma_wait3A_2092 : memref<1x128xi32, #tpu.memory_space<vmem>> -> memref<128xi32, #tpu.memory_space<vmem>>
    %dma_wait3A_2094 = arith.constant 0 : i32
    %dma_wait3A_2095 = arith.constant 0 : i32
    %dma_wait3A_2096 = tpu.memref_slice %arg7[%dma_wait3A_2094, %dma_wait3A_2095] : memref<8192x64xf32, #tpu.memory_space<vmem_shared>> -> memref<8192x64xf32, #tpu.memory_space<vmem_shared>>
    tpu.wait_indirect_dma semaphore(%arg8 : memref<!tpu.dma_semaphore, #tpu.memory_space<semaphore_mem>>) src(%dma_wait3A_2096 : memref<8192x64xf32, #tpu.memory_space<vmem_shared>>) dst(%dma_wait3A_2090 : memref<128x64xf32, #tpu.memory_space<vmem>>)
    %dma_start3A_2097 = arith.constant 0 : i32
    %dma_start3A_2098 = arith.constant 24 : i32
    %dma_start3A_2099 = arith.constant 0 : i32
    %dma_start3A_2100 = arith.constant 0 : i32
    %dma_start3A_2101 = tpu.memref_slice %arg6[%dma_start3A_2097, %dma_start3A_2099, %dma_start3A_2100] : memref<4x256x64xf32, #tpu.memory_space<vmem>> -> memref<1x256x64xf32, #tpu.memory_space<vmem>>
    %dma_start3A_2102 = tpu.memref_squeeze %dma_start3A_2101 : memref<1x256x64xf32, #tpu.memory_space<vmem>> -> memref<256x64xf32, #tpu.memory_space<vmem>>
    %dma_start3A_2103 = arith.constant 0 : i32
    %dma_start3A_2104 = arith.constant 0 : i32
    %dma_start3A_2105 = tpu.memref_slice %arg4[%add3A, %dma_start3A_2098, %dma_start3A_2103, %dma_start3A_2104] : memref<32x32x256x64xf32, #tpu.memory_space<hbm>> -> memref<1x1x256x64xf32, #tpu.memory_space<hbm>>
    %dma_start3A_2106 = tpu.memref_squeeze %dma_start3A_2105 : memref<1x1x256x64xf32, #tpu.memory_space<hbm>> -> memref<256x64xf32, #tpu.memory_space<hbm>>
    %dma_start3A_2107 = arith.constant 0 : i32
    %dma_start3A_2108 = arith.constant 0 : i32
    %dma_start3A_2109 = tpu.memref_slice %arg4[%add3A, %dma_start3A_2098, %dma_start3A_2107, %dma_start3A_2108] : memref<32x32x256x64xf32, #tpu.memory_space<hbm>> -> memref<1x1x256x64xf32, #tpu.memory_space<hbm>>
    %dma_start3A_2110 = tpu.memref_squeeze %dma_start3A_2109 : memref<1x1x256x64xf32, #tpu.memory_space<hbm>> -> memref<256x64xf32, #tpu.memory_space<hbm>>
    %dma_start3A_2111 = arith.constant 0 : i32
    %dma_start3A_2112 = arith.constant 0 : i32
    %dma_start3A_2113 = tpu.memref_slice %arg6[%dma_start3A_2097, %dma_start3A_2111, %dma_start3A_2112] : memref<4x256x64xf32, #tpu.memory_space<vmem>> -> memref<1x256x64xf32, #tpu.memory_space<vmem>>
    %dma_start3A_2114 = tpu.memref_squeeze %dma_start3A_2113 : memref<1x256x64xf32, #tpu.memory_space<vmem>> -> memref<256x64xf32, #tpu.memory_space<vmem>>
    tpu.enqueue_dma source(%dma_start3A_2114 : memref<256x64xf32, #tpu.memory_space<vmem>>) target(%dma_start3A_2110 : memref<256x64xf32, #tpu.memory_space<hbm>>) target_semaphore(%arg12 : memref<!tpu.dma_semaphore, #tpu.memory_space<semaphore_mem>>)
    %dma_wait3A_2115 = arith.constant 3 : i32
    %dma_wait3A_2116 = arith.constant 23 : i32
    %dma_wait3A_2117 = arith.constant 0 : i32
    %dma_wait3A_2118 = arith.constant 0 : i32
    %dma_wait3A_2119 = tpu.memref_slice %arg6[%dma_wait3A_2115, %dma_wait3A_2117, %dma_wait3A_2118] : memref<4x256x64xf32, #tpu.memory_space<vmem>> -> memref<1x256x64xf32, #tpu.memory_space<vmem>>
    %dma_wait3A_2120 = tpu.memref_squeeze %dma_wait3A_2119 : memref<1x256x64xf32, #tpu.memory_space<vmem>> -> memref<256x64xf32, #tpu.memory_space<vmem>>
    %dma_wait3A_2121 = arith.constant 0 : i32
    %dma_wait3A_2122 = arith.constant 0 : i32
    %dma_wait3A_2123 = tpu.memref_slice %arg4[%add3A, %dma_wait3A_2116, %dma_wait3A_2121, %dma_wait3A_2122] : memref<32x32x256x64xf32, #tpu.memory_space<hbm>> -> memref<1x1x256x64xf32, #tpu.memory_space<hbm>>
    %dma_wait3A_2124 = tpu.memref_squeeze %dma_wait3A_2123 : memref<1x1x256x64xf32, #tpu.memory_space<hbm>> -> memref<256x64xf32, #tpu.memory_space<hbm>>
    %dma_wait3A_2125 = arith.constant 0 : i32
    %dma_wait3A_2126 = arith.constant 0 : i32
    %dma_wait3A_2127 = tpu.memref_slice %arg4[%add3A, %dma_wait3A_2116, %dma_wait3A_2125, %dma_wait3A_2126] : memref<32x32x256x64xf32, #tpu.memory_space<hbm>> -> memref<1x1x256x64xf32, #tpu.memory_space<hbm>>
    %dma_wait3A_2128 = tpu.memref_squeeze %dma_wait3A_2127 : memref<1x1x256x64xf32, #tpu.memory_space<hbm>> -> memref<256x64xf32, #tpu.memory_space<hbm>>
    %dma_wait3A_2129 = arith.constant 0 : i32
    %dma_wait3A_2130 = arith.constant 0 : i32
    %dma_wait3A_2131 = tpu.memref_slice %arg6[%dma_wait3A_2115, %dma_wait3A_2129, %dma_wait3A_2130] : memref<4x256x64xf32, #tpu.memory_space<vmem>> -> memref<1x256x64xf32, #tpu.memory_space<vmem>>
    %dma_wait3A_2132 = tpu.memref_squeeze %dma_wait3A_2131 : memref<1x256x64xf32, #tpu.memory_space<vmem>> -> memref<256x64xf32, #tpu.memory_space<vmem>>
    tpu.wait_dma2 semaphore(%arg15 : memref<!tpu.dma_semaphore, #tpu.memory_space<semaphore_mem>>) src(%dma_wait3A_2132 : memref<256x64xf32, #tpu.memory_space<vmem>>) dst(%dma_wait3A_2128 : memref<256x64xf32, #tpu.memory_space<hbm>>)
    %dma_start3A_2133 = arith.constant 54 : i32
    %dma_start3A_2134 = arith.constant 3 : i32
    %dma_start3A_2135 = arith.constant 0 : i32
    %dma_start3A_2136 = arith.constant 0 : i32
    %dma_start3A_2137 = tpu.memref_slice %arg6[%dma_start3A_2134, %dma_start3A_2135, %dma_start3A_2136] : memref<4x256x64xf32, #tpu.memory_space<vmem>> -> memref<1x128x64xf32, #tpu.memory_space<vmem>>
    %dma_start3A_2138 = tpu.memref_squeeze %dma_start3A_2137 : memref<1x128x64xf32, #tpu.memory_space<vmem>> -> memref<128x64xf32, #tpu.memory_space<vmem>>
    %dma_start3A_2139 = arith.constant 0 : i32
    %dma_start3A_2140 = tpu.memref_slice %arg5[%dma_start3A_2133, %dma_start3A_2139] : memref<64x128xi32, #tpu.memory_space<vmem>> -> memref<1x128xi32, #tpu.memory_space<vmem>>
    %dma_start3A_2141 = tpu.memref_squeeze %dma_start3A_2140 : memref<1x128xi32, #tpu.memory_space<vmem>> -> memref<128xi32, #tpu.memory_space<vmem>>
    %dma_start3A_2142 = arith.constant 0 : i32
    %dma_start3A_2143 = arith.constant 0 : i32
    %dma_start3A_2144 = tpu.memref_slice %arg7[%dma_start3A_2142, %dma_start3A_2143] : memref<8192x64xf32, #tpu.memory_space<vmem_shared>> -> memref<8192x64xf32, #tpu.memory_space<vmem_shared>>
    tpu.enqueue_indirect_dma source(%dma_start3A_2144 : memref<8192x64xf32, #tpu.memory_space<vmem_shared>>) target(%dma_start3A_2138 : memref<128x64xf32, #tpu.memory_space<vmem>>) offsets(%dma_start3A_2141 : memref<128xi32, #tpu.memory_space<vmem>>) semaphore(%arg11 : memref<!tpu.dma_semaphore, #tpu.memory_space<semaphore_mem>>)
    %dma_start3A_2145 = arith.constant 55 : i32
    %dma_start3A_2146 = arith.constant 3 : i32
    %dma_start3A_2147 = arith.constant 128 : i32
    %dma_start3A_2148 = arith.constant 0 : i32
    %dma_start3A_2149 = tpu.memref_slice %arg6[%dma_start3A_2146, %dma_start3A_2147, %dma_start3A_2148] : memref<4x256x64xf32, #tpu.memory_space<vmem>> -> memref<1x128x64xf32, #tpu.memory_space<vmem>>
    %dma_start3A_2150 = tpu.memref_squeeze %dma_start3A_2149 : memref<1x128x64xf32, #tpu.memory_space<vmem>> -> memref<128x64xf32, #tpu.memory_space<vmem>>
    %dma_start3A_2151 = arith.constant 0 : i32
    %dma_start3A_2152 = tpu.memref_slice %arg5[%dma_start3A_2145, %dma_start3A_2151] : memref<64x128xi32, #tpu.memory_space<vmem>> -> memref<1x128xi32, #tpu.memory_space<vmem>>
    %dma_start3A_2153 = tpu.memref_squeeze %dma_start3A_2152 : memref<1x128xi32, #tpu.memory_space<vmem>> -> memref<128xi32, #tpu.memory_space<vmem>>
    %dma_start3A_2154 = arith.constant 0 : i32
    %dma_start3A_2155 = arith.constant 0 : i32
    %dma_start3A_2156 = tpu.memref_slice %arg7[%dma_start3A_2154, %dma_start3A_2155] : memref<8192x64xf32, #tpu.memory_space<vmem_shared>> -> memref<8192x64xf32, #tpu.memory_space<vmem_shared>>
    tpu.enqueue_indirect_dma source(%dma_start3A_2156 : memref<8192x64xf32, #tpu.memory_space<vmem_shared>>) target(%dma_start3A_2150 : memref<128x64xf32, #tpu.memory_space<vmem>>) offsets(%dma_start3A_2153 : memref<128xi32, #tpu.memory_space<vmem>>) semaphore(%arg11 : memref<!tpu.dma_semaphore, #tpu.memory_space<semaphore_mem>>)
    %dma_wait3A_2157 = arith.constant 50 : i32
    %dma_wait3A_2158 = arith.constant 1 : i32
    %dma_wait3A_2159 = arith.constant 0 : i32
    %dma_wait3A_2160 = arith.constant 0 : i32
    %dma_wait3A_2161 = tpu.memref_slice %arg6[%dma_wait3A_2158, %dma_wait3A_2159, %dma_wait3A_2160] : memref<4x256x64xf32, #tpu.memory_space<vmem>> -> memref<1x128x64xf32, #tpu.memory_space<vmem>>
    %dma_wait3A_2162 = tpu.memref_squeeze %dma_wait3A_2161 : memref<1x128x64xf32, #tpu.memory_space<vmem>> -> memref<128x64xf32, #tpu.memory_space<vmem>>
    %dma_wait3A_2163 = arith.constant 0 : i32
    %dma_wait3A_2164 = tpu.memref_slice %arg5[%dma_wait3A_2157, %dma_wait3A_2163] : memref<64x128xi32, #tpu.memory_space<vmem>> -> memref<1x128xi32, #tpu.memory_space<vmem>>
    %dma_wait3A_2165 = tpu.memref_squeeze %dma_wait3A_2164 : memref<1x128xi32, #tpu.memory_space<vmem>> -> memref<128xi32, #tpu.memory_space<vmem>>
    %dma_wait3A_2166 = arith.constant 0 : i32
    %dma_wait3A_2167 = arith.constant 0 : i32
    %dma_wait3A_2168 = tpu.memref_slice %arg7[%dma_wait3A_2166, %dma_wait3A_2167] : memref<8192x64xf32, #tpu.memory_space<vmem_shared>> -> memref<8192x64xf32, #tpu.memory_space<vmem_shared>>
    tpu.wait_indirect_dma semaphore(%arg9 : memref<!tpu.dma_semaphore, #tpu.memory_space<semaphore_mem>>) src(%dma_wait3A_2168 : memref<8192x64xf32, #tpu.memory_space<vmem_shared>>) dst(%dma_wait3A_2162 : memref<128x64xf32, #tpu.memory_space<vmem>>)
    %dma_wait3A_2169 = arith.constant 51 : i32
    %dma_wait3A_2170 = arith.constant 1 : i32
    %dma_wait3A_2171 = arith.constant 128 : i32
    %dma_wait3A_2172 = arith.constant 0 : i32
    %dma_wait3A_2173 = tpu.memref_slice %arg6[%dma_wait3A_2170, %dma_wait3A_2171, %dma_wait3A_2172] : memref<4x256x64xf32, #tpu.memory_space<vmem>> -> memref<1x128x64xf32, #tpu.memory_space<vmem>>
    %dma_wait3A_2174 = tpu.memref_squeeze %dma_wait3A_2173 : memref<1x128x64xf32, #tpu.memory_space<vmem>> -> memref<128x64xf32, #tpu.memory_space<vmem>>
    %dma_wait3A_2175 = arith.constant 0 : i32
    %dma_wait3A_2176 = tpu.memref_slice %arg5[%dma_wait3A_2169, %dma_wait3A_2175] : memref<64x128xi32, #tpu.memory_space<vmem>> -> memref<1x128xi32, #tpu.memory_space<vmem>>
    %dma_wait3A_2177 = tpu.memref_squeeze %dma_wait3A_2176 : memref<1x128xi32, #tpu.memory_space<vmem>> -> memref<128xi32, #tpu.memory_space<vmem>>
    %dma_wait3A_2178 = arith.constant 0 : i32
    %dma_wait3A_2179 = arith.constant 0 : i32
    %dma_wait3A_2180 = tpu.memref_slice %arg7[%dma_wait3A_2178, %dma_wait3A_2179] : memref<8192x64xf32, #tpu.memory_space<vmem_shared>> -> memref<8192x64xf32, #tpu.memory_space<vmem_shared>>
    tpu.wait_indirect_dma semaphore(%arg9 : memref<!tpu.dma_semaphore, #tpu.memory_space<semaphore_mem>>) src(%dma_wait3A_2180 : memref<8192x64xf32, #tpu.memory_space<vmem_shared>>) dst(%dma_wait3A_2174 : memref<128x64xf32, #tpu.memory_space<vmem>>)
    %dma_start3A_2181 = arith.constant 1 : i32
    %dma_start3A_2182 = arith.constant 25 : i32
    %dma_start3A_2183 = arith.constant 0 : i32
    %dma_start3A_2184 = arith.constant 0 : i32
    %dma_start3A_2185 = tpu.memref_slice %arg6[%dma_start3A_2181, %dma_start3A_2183, %dma_start3A_2184] : memref<4x256x64xf32, #tpu.memory_space<vmem>> -> memref<1x256x64xf32, #tpu.memory_space<vmem>>
    %dma_start3A_2186 = tpu.memref_squeeze %dma_start3A_2185 : memref<1x256x64xf32, #tpu.memory_space<vmem>> -> memref<256x64xf32, #tpu.memory_space<vmem>>
    %dma_start3A_2187 = arith.constant 0 : i32
    %dma_start3A_2188 = arith.constant 0 : i32
    %dma_start3A_2189 = tpu.memref_slice %arg4[%add3A, %dma_start3A_2182, %dma_start3A_2187, %dma_start3A_2188] : memref<32x32x256x64xf32, #tpu.memory_space<hbm>> -> memref<1x1x256x64xf32, #tpu.memory_space<hbm>>
    %dma_start3A_2190 = tpu.memref_squeeze %dma_start3A_2189 : memref<1x1x256x64xf32, #tpu.memory_space<hbm>> -> memref<256x64xf32, #tpu.memory_space<hbm>>
    %dma_start3A_2191 = arith.constant 0 : i32
    %dma_start3A_2192 = arith.constant 0 : i32
    %dma_start3A_2193 = tpu.memref_slice %arg4[%add3A, %dma_start3A_2182, %dma_start3A_2191, %dma_start3A_2192] : memref<32x32x256x64xf32, #tpu.memory_space<hbm>> -> memref<1x1x256x64xf32, #tpu.memory_space<hbm>>
    %dma_start3A_2194 = tpu.memref_squeeze %dma_start3A_2193 : memref<1x1x256x64xf32, #tpu.memory_space<hbm>> -> memref<256x64xf32, #tpu.memory_space<hbm>>
    %dma_start3A_2195 = arith.constant 0 : i32
    %dma_start3A_2196 = arith.constant 0 : i32
    %dma_start3A_2197 = tpu.memref_slice %arg6[%dma_start3A_2181, %dma_start3A_2195, %dma_start3A_2196] : memref<4x256x64xf32, #tpu.memory_space<vmem>> -> memref<1x256x64xf32, #tpu.memory_space<vmem>>
    %dma_start3A_2198 = tpu.memref_squeeze %dma_start3A_2197 : memref<1x256x64xf32, #tpu.memory_space<vmem>> -> memref<256x64xf32, #tpu.memory_space<vmem>>
    tpu.enqueue_dma source(%dma_start3A_2198 : memref<256x64xf32, #tpu.memory_space<vmem>>) target(%dma_start3A_2194 : memref<256x64xf32, #tpu.memory_space<hbm>>) target_semaphore(%arg13 : memref<!tpu.dma_semaphore, #tpu.memory_space<semaphore_mem>>)
    %dma_wait3A_2199 = arith.constant 0 : i32
    %dma_wait3A_2200 = arith.constant 24 : i32
    %dma_wait3A_2201 = arith.constant 0 : i32
    %dma_wait3A_2202 = arith.constant 0 : i32
    %dma_wait3A_2203 = tpu.memref_slice %arg6[%dma_wait3A_2199, %dma_wait3A_2201, %dma_wait3A_2202] : memref<4x256x64xf32, #tpu.memory_space<vmem>> -> memref<1x256x64xf32, #tpu.memory_space<vmem>>
    %dma_wait3A_2204 = tpu.memref_squeeze %dma_wait3A_2203 : memref<1x256x64xf32, #tpu.memory_space<vmem>> -> memref<256x64xf32, #tpu.memory_space<vmem>>
    %dma_wait3A_2205 = arith.constant 0 : i32
    %dma_wait3A_2206 = arith.constant 0 : i32
    %dma_wait3A_2207 = tpu.memref_slice %arg4[%add3A, %dma_wait3A_2200, %dma_wait3A_2205, %dma_wait3A_2206] : memref<32x32x256x64xf32, #tpu.memory_space<hbm>> -> memref<1x1x256x64xf32, #tpu.memory_space<hbm>>
    %dma_wait3A_2208 = tpu.memref_squeeze %dma_wait3A_2207 : memref<1x1x256x64xf32, #tpu.memory_space<hbm>> -> memref<256x64xf32, #tpu.memory_space<hbm>>
    %dma_wait3A_2209 = arith.constant 0 : i32
    %dma_wait3A_2210 = arith.constant 0 : i32
    %dma_wait3A_2211 = tpu.memref_slice %arg4[%add3A, %dma_wait3A_2200, %dma_wait3A_2209, %dma_wait3A_2210] : memref<32x32x256x64xf32, #tpu.memory_space<hbm>> -> memref<1x1x256x64xf32, #tpu.memory_space<hbm>>
    %dma_wait3A_2212 = tpu.memref_squeeze %dma_wait3A_2211 : memref<1x1x256x64xf32, #tpu.memory_space<hbm>> -> memref<256x64xf32, #tpu.memory_space<hbm>>
    %dma_wait3A_2213 = arith.constant 0 : i32
    %dma_wait3A_2214 = arith.constant 0 : i32
    %dma_wait3A_2215 = tpu.memref_slice %arg6[%dma_wait3A_2199, %dma_wait3A_2213, %dma_wait3A_2214] : memref<4x256x64xf32, #tpu.memory_space<vmem>> -> memref<1x256x64xf32, #tpu.memory_space<vmem>>
    %dma_wait3A_2216 = tpu.memref_squeeze %dma_wait3A_2215 : memref<1x256x64xf32, #tpu.memory_space<vmem>> -> memref<256x64xf32, #tpu.memory_space<vmem>>
    tpu.wait_dma2 semaphore(%arg12 : memref<!tpu.dma_semaphore, #tpu.memory_space<semaphore_mem>>) src(%dma_wait3A_2216 : memref<256x64xf32, #tpu.memory_space<vmem>>) dst(%dma_wait3A_2212 : memref<256x64xf32, #tpu.memory_space<hbm>>)
    %dma_start3A_2217 = arith.constant 56 : i32
    %dma_start3A_2218 = arith.constant 0 : i32
    %dma_start3A_2219 = arith.constant 0 : i32
    %dma_start3A_2220 = arith.constant 0 : i32
    %dma_start3A_2221 = tpu.memref_slice %arg6[%dma_start3A_2218, %dma_start3A_2219, %dma_start3A_2220] : memref<4x256x64xf32, #tpu.memory_space<vmem>> -> memref<1x128x64xf32, #tpu.memory_space<vmem>>
    %dma_start3A_2222 = tpu.memref_squeeze %dma_start3A_2221 : memref<1x128x64xf32, #tpu.memory_space<vmem>> -> memref<128x64xf32, #tpu.memory_space<vmem>>
    %dma_start3A_2223 = arith.constant 0 : i32
    %dma_start3A_2224 = tpu.memref_slice %arg5[%dma_start3A_2217, %dma_start3A_2223] : memref<64x128xi32, #tpu.memory_space<vmem>> -> memref<1x128xi32, #tpu.memory_space<vmem>>
    %dma_start3A_2225 = tpu.memref_squeeze %dma_start3A_2224 : memref<1x128xi32, #tpu.memory_space<vmem>> -> memref<128xi32, #tpu.memory_space<vmem>>
    %dma_start3A_2226 = arith.constant 0 : i32
    %dma_start3A_2227 = arith.constant 0 : i32
    %dma_start3A_2228 = tpu.memref_slice %arg7[%dma_start3A_2226, %dma_start3A_2227] : memref<8192x64xf32, #tpu.memory_space<vmem_shared>> -> memref<8192x64xf32, #tpu.memory_space<vmem_shared>>
    tpu.enqueue_indirect_dma source(%dma_start3A_2228 : memref<8192x64xf32, #tpu.memory_space<vmem_shared>>) target(%dma_start3A_2222 : memref<128x64xf32, #tpu.memory_space<vmem>>) offsets(%dma_start3A_2225 : memref<128xi32, #tpu.memory_space<vmem>>) semaphore(%arg8 : memref<!tpu.dma_semaphore, #tpu.memory_space<semaphore_mem>>)
    %dma_start3A_2229 = arith.constant 57 : i32
    %dma_start3A_2230 = arith.constant 0 : i32
    %dma_start3A_2231 = arith.constant 128 : i32
    %dma_start3A_2232 = arith.constant 0 : i32
    %dma_start3A_2233 = tpu.memref_slice %arg6[%dma_start3A_2230, %dma_start3A_2231, %dma_start3A_2232] : memref<4x256x64xf32, #tpu.memory_space<vmem>> -> memref<1x128x64xf32, #tpu.memory_space<vmem>>
    %dma_start3A_2234 = tpu.memref_squeeze %dma_start3A_2233 : memref<1x128x64xf32, #tpu.memory_space<vmem>> -> memref<128x64xf32, #tpu.memory_space<vmem>>
    %dma_start3A_2235 = arith.constant 0 : i32
    %dma_start3A_2236 = tpu.memref_slice %arg5[%dma_start3A_2229, %dma_start3A_2235] : memref<64x128xi32, #tpu.memory_space<vmem>> -> memref<1x128xi32, #tpu.memory_space<vmem>>
    %dma_start3A_2237 = tpu.memref_squeeze %dma_start3A_2236 : memref<1x128xi32, #tpu.memory_space<vmem>> -> memref<128xi32, #tpu.memory_space<vmem>>
    %dma_start3A_2238 = arith.constant 0 : i32
    %dma_start3A_2239 = arith.constant 0 : i32
    %dma_start3A_2240 = tpu.memref_slice %arg7[%dma_start3A_2238, %dma_start3A_2239] : memref<8192x64xf32, #tpu.memory_space<vmem_shared>> -> memref<8192x64xf32, #tpu.memory_space<vmem_shared>>
    tpu.enqueue_indirect_dma source(%dma_start3A_2240 : memref<8192x64xf32, #tpu.memory_space<vmem_shared>>) target(%dma_start3A_2234 : memref<128x64xf32, #tpu.memory_space<vmem>>) offsets(%dma_start3A_2237 : memref<128xi32, #tpu.memory_space<vmem>>) semaphore(%arg8 : memref<!tpu.dma_semaphore, #tpu.memory_space<semaphore_mem>>)
    %dma_wait3A_2241 = arith.constant 52 : i32
    %dma_wait3A_2242 = arith.constant 2 : i32
    %dma_wait3A_2243 = arith.constant 0 : i32
    %dma_wait3A_2244 = arith.constant 0 : i32
    %dma_wait3A_2245 = tpu.memref_slice %arg6[%dma_wait3A_2242, %dma_wait3A_2243, %dma_wait3A_2244] : memref<4x256x64xf32, #tpu.memory_space<vmem>> -> memref<1x128x64xf32, #tpu.memory_space<vmem>>
    %dma_wait3A_2246 = tpu.memref_squeeze %dma_wait3A_2245 : memref<1x128x64xf32, #tpu.memory_space<vmem>> -> memref<128x64xf32, #tpu.memory_space<vmem>>
    %dma_wait3A_2247 = arith.constant 0 : i32
    %dma_wait3A_2248 = tpu.memref_slice %arg5[%dma_wait3A_2241, %dma_wait3A_2247] : memref<64x128xi32, #tpu.memory_space<vmem>> -> memref<1x128xi32, #tpu.memory_space<vmem>>
    %dma_wait3A_2249 = tpu.memref_squeeze %dma_wait3A_2248 : memref<1x128xi32, #tpu.memory_space<vmem>> -> memref<128xi32, #tpu.memory_space<vmem>>
    %dma_wait3A_2250 = arith.constant 0 : i32
    %dma_wait3A_2251 = arith.constant 0 : i32
    %dma_wait3A_2252 = tpu.memref_slice %arg7[%dma_wait3A_2250, %dma_wait3A_2251] : memref<8192x64xf32, #tpu.memory_space<vmem_shared>> -> memref<8192x64xf32, #tpu.memory_space<vmem_shared>>
    tpu.wait_indirect_dma semaphore(%arg10 : memref<!tpu.dma_semaphore, #tpu.memory_space<semaphore_mem>>) src(%dma_wait3A_2252 : memref<8192x64xf32, #tpu.memory_space<vmem_shared>>) dst(%dma_wait3A_2246 : memref<128x64xf32, #tpu.memory_space<vmem>>)
    %dma_wait3A_2253 = arith.constant 53 : i32
    %dma_wait3A_2254 = arith.constant 2 : i32
    %dma_wait3A_2255 = arith.constant 128 : i32
    %dma_wait3A_2256 = arith.constant 0 : i32
    %dma_wait3A_2257 = tpu.memref_slice %arg6[%dma_wait3A_2254, %dma_wait3A_2255, %dma_wait3A_2256] : memref<4x256x64xf32, #tpu.memory_space<vmem>> -> memref<1x128x64xf32, #tpu.memory_space<vmem>>
    %dma_wait3A_2258 = tpu.memref_squeeze %dma_wait3A_2257 : memref<1x128x64xf32, #tpu.memory_space<vmem>> -> memref<128x64xf32, #tpu.memory_space<vmem>>
    %dma_wait3A_2259 = arith.constant 0 : i32
    %dma_wait3A_2260 = tpu.memref_slice %arg5[%dma_wait3A_2253, %dma_wait3A_2259] : memref<64x128xi32, #tpu.memory_space<vmem>> -> memref<1x128xi32, #tpu.memory_space<vmem>>
    %dma_wait3A_2261 = tpu.memref_squeeze %dma_wait3A_2260 : memref<1x128xi32, #tpu.memory_space<vmem>> -> memref<128xi32, #tpu.memory_space<vmem>>
    %dma_wait3A_2262 = arith.constant 0 : i32
    %dma_wait3A_2263 = arith.constant 0 : i32
    %dma_wait3A_2264 = tpu.memref_slice %arg7[%dma_wait3A_2262, %dma_wait3A_2263] : memref<8192x64xf32, #tpu.memory_space<vmem_shared>> -> memref<8192x64xf32, #tpu.memory_space<vmem_shared>>
    tpu.wait_indirect_dma semaphore(%arg10 : memref<!tpu.dma_semaphore, #tpu.memory_space<semaphore_mem>>) src(%dma_wait3A_2264 : memref<8192x64xf32, #tpu.memory_space<vmem_shared>>) dst(%dma_wait3A_2258 : memref<128x64xf32, #tpu.memory_space<vmem>>)
    %dma_start3A_2265 = arith.constant 2 : i32
    %dma_start3A_2266 = arith.constant 26 : i32
    %dma_start3A_2267 = arith.constant 0 : i32
    %dma_start3A_2268 = arith.constant 0 : i32
    %dma_start3A_2269 = tpu.memref_slice %arg6[%dma_start3A_2265, %dma_start3A_2267, %dma_start3A_2268] : memref<4x256x64xf32, #tpu.memory_space<vmem>> -> memref<1x256x64xf32, #tpu.memory_space<vmem>>
    %dma_start3A_2270 = tpu.memref_squeeze %dma_start3A_2269 : memref<1x256x64xf32, #tpu.memory_space<vmem>> -> memref<256x64xf32, #tpu.memory_space<vmem>>
    %dma_start3A_2271 = arith.constant 0 : i32
    %dma_start3A_2272 = arith.constant 0 : i32
    %dma_start3A_2273 = tpu.memref_slice %arg4[%add3A, %dma_start3A_2266, %dma_start3A_2271, %dma_start3A_2272] : memref<32x32x256x64xf32, #tpu.memory_space<hbm>> -> memref<1x1x256x64xf32, #tpu.memory_space<hbm>>
    %dma_start3A_2274 = tpu.memref_squeeze %dma_start3A_2273 : memref<1x1x256x64xf32, #tpu.memory_space<hbm>> -> memref<256x64xf32, #tpu.memory_space<hbm>>
    %dma_start3A_2275 = arith.constant 0 : i32
    %dma_start3A_2276 = arith.constant 0 : i32
    %dma_start3A_2277 = tpu.memref_slice %arg4[%add3A, %dma_start3A_2266, %dma_start3A_2275, %dma_start3A_2276] : memref<32x32x256x64xf32, #tpu.memory_space<hbm>> -> memref<1x1x256x64xf32, #tpu.memory_space<hbm>>
    %dma_start3A_2278 = tpu.memref_squeeze %dma_start3A_2277 : memref<1x1x256x64xf32, #tpu.memory_space<hbm>> -> memref<256x64xf32, #tpu.memory_space<hbm>>
    %dma_start3A_2279 = arith.constant 0 : i32
    %dma_start3A_2280 = arith.constant 0 : i32
    %dma_start3A_2281 = tpu.memref_slice %arg6[%dma_start3A_2265, %dma_start3A_2279, %dma_start3A_2280] : memref<4x256x64xf32, #tpu.memory_space<vmem>> -> memref<1x256x64xf32, #tpu.memory_space<vmem>>
    %dma_start3A_2282 = tpu.memref_squeeze %dma_start3A_2281 : memref<1x256x64xf32, #tpu.memory_space<vmem>> -> memref<256x64xf32, #tpu.memory_space<vmem>>
    tpu.enqueue_dma source(%dma_start3A_2282 : memref<256x64xf32, #tpu.memory_space<vmem>>) target(%dma_start3A_2278 : memref<256x64xf32, #tpu.memory_space<hbm>>) target_semaphore(%arg14 : memref<!tpu.dma_semaphore, #tpu.memory_space<semaphore_mem>>)
    %dma_wait3A_2283 = arith.constant 1 : i32
    %dma_wait3A_2284 = arith.constant 25 : i32
    %dma_wait3A_2285 = arith.constant 0 : i32
    %dma_wait3A_2286 = arith.constant 0 : i32
    %dma_wait3A_2287 = tpu.memref_slice %arg6[%dma_wait3A_2283, %dma_wait3A_2285, %dma_wait3A_2286] : memref<4x256x64xf32, #tpu.memory_space<vmem>> -> memref<1x256x64xf32, #tpu.memory_space<vmem>>
    %dma_wait3A_2288 = tpu.memref_squeeze %dma_wait3A_2287 : memref<1x256x64xf32, #tpu.memory_space<vmem>> -> memref<256x64xf32, #tpu.memory_space<vmem>>
    %dma_wait3A_2289 = arith.constant 0 : i32
    %dma_wait3A_2290 = arith.constant 0 : i32
    %dma_wait3A_2291 = tpu.memref_slice %arg4[%add3A, %dma_wait3A_2284, %dma_wait3A_2289, %dma_wait3A_2290] : memref<32x32x256x64xf32, #tpu.memory_space<hbm>> -> memref<1x1x256x64xf32, #tpu.memory_space<hbm>>
    %dma_wait3A_2292 = tpu.memref_squeeze %dma_wait3A_2291 : memref<1x1x256x64xf32, #tpu.memory_space<hbm>> -> memref<256x64xf32, #tpu.memory_space<hbm>>
    %dma_wait3A_2293 = arith.constant 0 : i32
    %dma_wait3A_2294 = arith.constant 0 : i32
    %dma_wait3A_2295 = tpu.memref_slice %arg4[%add3A, %dma_wait3A_2284, %dma_wait3A_2293, %dma_wait3A_2294] : memref<32x32x256x64xf32, #tpu.memory_space<hbm>> -> memref<1x1x256x64xf32, #tpu.memory_space<hbm>>
    %dma_wait3A_2296 = tpu.memref_squeeze %dma_wait3A_2295 : memref<1x1x256x64xf32, #tpu.memory_space<hbm>> -> memref<256x64xf32, #tpu.memory_space<hbm>>
    %dma_wait3A_2297 = arith.constant 0 : i32
    %dma_wait3A_2298 = arith.constant 0 : i32
    %dma_wait3A_2299 = tpu.memref_slice %arg6[%dma_wait3A_2283, %dma_wait3A_2297, %dma_wait3A_2298] : memref<4x256x64xf32, #tpu.memory_space<vmem>> -> memref<1x256x64xf32, #tpu.memory_space<vmem>>
    %dma_wait3A_2300 = tpu.memref_squeeze %dma_wait3A_2299 : memref<1x256x64xf32, #tpu.memory_space<vmem>> -> memref<256x64xf32, #tpu.memory_space<vmem>>
    tpu.wait_dma2 semaphore(%arg13 : memref<!tpu.dma_semaphore, #tpu.memory_space<semaphore_mem>>) src(%dma_wait3A_2300 : memref<256x64xf32, #tpu.memory_space<vmem>>) dst(%dma_wait3A_2296 : memref<256x64xf32, #tpu.memory_space<hbm>>)
    %dma_start3A_2301 = arith.constant 58 : i32
    %dma_start3A_2302 = arith.constant 1 : i32
    %dma_start3A_2303 = arith.constant 0 : i32
    %dma_start3A_2304 = arith.constant 0 : i32
    %dma_start3A_2305 = tpu.memref_slice %arg6[%dma_start3A_2302, %dma_start3A_2303, %dma_start3A_2304] : memref<4x256x64xf32, #tpu.memory_space<vmem>> -> memref<1x128x64xf32, #tpu.memory_space<vmem>>
    %dma_start3A_2306 = tpu.memref_squeeze %dma_start3A_2305 : memref<1x128x64xf32, #tpu.memory_space<vmem>> -> memref<128x64xf32, #tpu.memory_space<vmem>>
    %dma_start3A_2307 = arith.constant 0 : i32
    %dma_start3A_2308 = tpu.memref_slice %arg5[%dma_start3A_2301, %dma_start3A_2307] : memref<64x128xi32, #tpu.memory_space<vmem>> -> memref<1x128xi32, #tpu.memory_space<vmem>>
    %dma_start3A_2309 = tpu.memref_squeeze %dma_start3A_2308 : memref<1x128xi32, #tpu.memory_space<vmem>> -> memref<128xi32, #tpu.memory_space<vmem>>
    %dma_start3A_2310 = arith.constant 0 : i32
    %dma_start3A_2311 = arith.constant 0 : i32
    %dma_start3A_2312 = tpu.memref_slice %arg7[%dma_start3A_2310, %dma_start3A_2311] : memref<8192x64xf32, #tpu.memory_space<vmem_shared>> -> memref<8192x64xf32, #tpu.memory_space<vmem_shared>>
    tpu.enqueue_indirect_dma source(%dma_start3A_2312 : memref<8192x64xf32, #tpu.memory_space<vmem_shared>>) target(%dma_start3A_2306 : memref<128x64xf32, #tpu.memory_space<vmem>>) offsets(%dma_start3A_2309 : memref<128xi32, #tpu.memory_space<vmem>>) semaphore(%arg9 : memref<!tpu.dma_semaphore, #tpu.memory_space<semaphore_mem>>)
    %dma_start3A_2313 = arith.constant 59 : i32
    %dma_start3A_2314 = arith.constant 1 : i32
    %dma_start3A_2315 = arith.constant 128 : i32
    %dma_start3A_2316 = arith.constant 0 : i32
    %dma_start3A_2317 = tpu.memref_slice %arg6[%dma_start3A_2314, %dma_start3A_2315, %dma_start3A_2316] : memref<4x256x64xf32, #tpu.memory_space<vmem>> -> memref<1x128x64xf32, #tpu.memory_space<vmem>>
    %dma_start3A_2318 = tpu.memref_squeeze %dma_start3A_2317 : memref<1x128x64xf32, #tpu.memory_space<vmem>> -> memref<128x64xf32, #tpu.memory_space<vmem>>
    %dma_start3A_2319 = arith.constant 0 : i32
    %dma_start3A_2320 = tpu.memref_slice %arg5[%dma_start3A_2313, %dma_start3A_2319] : memref<64x128xi32, #tpu.memory_space<vmem>> -> memref<1x128xi32, #tpu.memory_space<vmem>>
    %dma_start3A_2321 = tpu.memref_squeeze %dma_start3A_2320 : memref<1x128xi32, #tpu.memory_space<vmem>> -> memref<128xi32, #tpu.memory_space<vmem>>
    %dma_start3A_2322 = arith.constant 0 : i32
    %dma_start3A_2323 = arith.constant 0 : i32
    %dma_start3A_2324 = tpu.memref_slice %arg7[%dma_start3A_2322, %dma_start3A_2323] : memref<8192x64xf32, #tpu.memory_space<vmem_shared>> -> memref<8192x64xf32, #tpu.memory_space<vmem_shared>>
    tpu.enqueue_indirect_dma source(%dma_start3A_2324 : memref<8192x64xf32, #tpu.memory_space<vmem_shared>>) target(%dma_start3A_2318 : memref<128x64xf32, #tpu.memory_space<vmem>>) offsets(%dma_start3A_2321 : memref<128xi32, #tpu.memory_space<vmem>>) semaphore(%arg9 : memref<!tpu.dma_semaphore, #tpu.memory_space<semaphore_mem>>)
    %dma_wait3A_2325 = arith.constant 54 : i32
    %dma_wait3A_2326 = arith.constant 3 : i32
    %dma_wait3A_2327 = arith.constant 0 : i32
    %dma_wait3A_2328 = arith.constant 0 : i32
    %dma_wait3A_2329 = tpu.memref_slice %arg6[%dma_wait3A_2326, %dma_wait3A_2327, %dma_wait3A_2328] : memref<4x256x64xf32, #tpu.memory_space<vmem>> -> memref<1x128x64xf32, #tpu.memory_space<vmem>>
    %dma_wait3A_2330 = tpu.memref_squeeze %dma_wait3A_2329 : memref<1x128x64xf32, #tpu.memory_space<vmem>> -> memref<128x64xf32, #tpu.memory_space<vmem>>
    %dma_wait3A_2331 = arith.constant 0 : i32
    %dma_wait3A_2332 = tpu.memref_slice %arg5[%dma_wait3A_2325, %dma_wait3A_2331] : memref<64x128xi32, #tpu.memory_space<vmem>> -> memref<1x128xi32, #tpu.memory_space<vmem>>
    %dma_wait3A_2333 = tpu.memref_squeeze %dma_wait3A_2332 : memref<1x128xi32, #tpu.memory_space<vmem>> -> memref<128xi32, #tpu.memory_space<vmem>>
    %dma_wait3A_2334 = arith.constant 0 : i32
    %dma_wait3A_2335 = arith.constant 0 : i32
    %dma_wait3A_2336 = tpu.memref_slice %arg7[%dma_wait3A_2334, %dma_wait3A_2335] : memref<8192x64xf32, #tpu.memory_space<vmem_shared>> -> memref<8192x64xf32, #tpu.memory_space<vmem_shared>>
    tpu.wait_indirect_dma semaphore(%arg11 : memref<!tpu.dma_semaphore, #tpu.memory_space<semaphore_mem>>) src(%dma_wait3A_2336 : memref<8192x64xf32, #tpu.memory_space<vmem_shared>>) dst(%dma_wait3A_2330 : memref<128x64xf32, #tpu.memory_space<vmem>>)
    %dma_wait3A_2337 = arith.constant 55 : i32
    %dma_wait3A_2338 = arith.constant 3 : i32
    %dma_wait3A_2339 = arith.constant 128 : i32
    %dma_wait3A_2340 = arith.constant 0 : i32
    %dma_wait3A_2341 = tpu.memref_slice %arg6[%dma_wait3A_2338, %dma_wait3A_2339, %dma_wait3A_2340] : memref<4x256x64xf32, #tpu.memory_space<vmem>> -> memref<1x128x64xf32, #tpu.memory_space<vmem>>
    %dma_wait3A_2342 = tpu.memref_squeeze %dma_wait3A_2341 : memref<1x128x64xf32, #tpu.memory_space<vmem>> -> memref<128x64xf32, #tpu.memory_space<vmem>>
    %dma_wait3A_2343 = arith.constant 0 : i32
    %dma_wait3A_2344 = tpu.memref_slice %arg5[%dma_wait3A_2337, %dma_wait3A_2343] : memref<64x128xi32, #tpu.memory_space<vmem>> -> memref<1x128xi32, #tpu.memory_space<vmem>>
    %dma_wait3A_2345 = tpu.memref_squeeze %dma_wait3A_2344 : memref<1x128xi32, #tpu.memory_space<vmem>> -> memref<128xi32, #tpu.memory_space<vmem>>
    %dma_wait3A_2346 = arith.constant 0 : i32
    %dma_wait3A_2347 = arith.constant 0 : i32
    %dma_wait3A_2348 = tpu.memref_slice %arg7[%dma_wait3A_2346, %dma_wait3A_2347] : memref<8192x64xf32, #tpu.memory_space<vmem_shared>> -> memref<8192x64xf32, #tpu.memory_space<vmem_shared>>
    tpu.wait_indirect_dma semaphore(%arg11 : memref<!tpu.dma_semaphore, #tpu.memory_space<semaphore_mem>>) src(%dma_wait3A_2348 : memref<8192x64xf32, #tpu.memory_space<vmem_shared>>) dst(%dma_wait3A_2342 : memref<128x64xf32, #tpu.memory_space<vmem>>)
    %dma_start3A_2349 = arith.constant 3 : i32
    %dma_start3A_2350 = arith.constant 27 : i32
    %dma_start3A_2351 = arith.constant 0 : i32
    %dma_start3A_2352 = arith.constant 0 : i32
    %dma_start3A_2353 = tpu.memref_slice %arg6[%dma_start3A_2349, %dma_start3A_2351, %dma_start3A_2352] : memref<4x256x64xf32, #tpu.memory_space<vmem>> -> memref<1x256x64xf32, #tpu.memory_space<vmem>>
    %dma_start3A_2354 = tpu.memref_squeeze %dma_start3A_2353 : memref<1x256x64xf32, #tpu.memory_space<vmem>> -> memref<256x64xf32, #tpu.memory_space<vmem>>
    %dma_start3A_2355 = arith.constant 0 : i32
    %dma_start3A_2356 = arith.constant 0 : i32
    %dma_start3A_2357 = tpu.memref_slice %arg4[%add3A, %dma_start3A_2350, %dma_start3A_2355, %dma_start3A_2356] : memref<32x32x256x64xf32, #tpu.memory_space<hbm>> -> memref<1x1x256x64xf32, #tpu.memory_space<hbm>>
    %dma_start3A_2358 = tpu.memref_squeeze %dma_start3A_2357 : memref<1x1x256x64xf32, #tpu.memory_space<hbm>> -> memref<256x64xf32, #tpu.memory_space<hbm>>
    %dma_start3A_2359 = arith.constant 0 : i32
    %dma_start3A_2360 = arith.constant 0 : i32
    %dma_start3A_2361 = tpu.memref_slice %arg4[%add3A, %dma_start3A_2350, %dma_start3A_2359, %dma_start3A_2360] : memref<32x32x256x64xf32, #tpu.memory_space<hbm>> -> memref<1x1x256x64xf32, #tpu.memory_space<hbm>>
    %dma_start3A_2362 = tpu.memref_squeeze %dma_start3A_2361 : memref<1x1x256x64xf32, #tpu.memory_space<hbm>> -> memref<256x64xf32, #tpu.memory_space<hbm>>
    %dma_start3A_2363 = arith.constant 0 : i32
    %dma_start3A_2364 = arith.constant 0 : i32
    %dma_start3A_2365 = tpu.memref_slice %arg6[%dma_start3A_2349, %dma_start3A_2363, %dma_start3A_2364] : memref<4x256x64xf32, #tpu.memory_space<vmem>> -> memref<1x256x64xf32, #tpu.memory_space<vmem>>
    %dma_start3A_2366 = tpu.memref_squeeze %dma_start3A_2365 : memref<1x256x64xf32, #tpu.memory_space<vmem>> -> memref<256x64xf32, #tpu.memory_space<vmem>>
    tpu.enqueue_dma source(%dma_start3A_2366 : memref<256x64xf32, #tpu.memory_space<vmem>>) target(%dma_start3A_2362 : memref<256x64xf32, #tpu.memory_space<hbm>>) target_semaphore(%arg15 : memref<!tpu.dma_semaphore, #tpu.memory_space<semaphore_mem>>)
    %dma_wait3A_2367 = arith.constant 2 : i32
    %dma_wait3A_2368 = arith.constant 26 : i32
    %dma_wait3A_2369 = arith.constant 0 : i32
    %dma_wait3A_2370 = arith.constant 0 : i32
    %dma_wait3A_2371 = tpu.memref_slice %arg6[%dma_wait3A_2367, %dma_wait3A_2369, %dma_wait3A_2370] : memref<4x256x64xf32, #tpu.memory_space<vmem>> -> memref<1x256x64xf32, #tpu.memory_space<vmem>>
    %dma_wait3A_2372 = tpu.memref_squeeze %dma_wait3A_2371 : memref<1x256x64xf32, #tpu.memory_space<vmem>> -> memref<256x64xf32, #tpu.memory_space<vmem>>
    %dma_wait3A_2373 = arith.constant 0 : i32
    %dma_wait3A_2374 = arith.constant 0 : i32
    %dma_wait3A_2375 = tpu.memref_slice %arg4[%add3A, %dma_wait3A_2368, %dma_wait3A_2373, %dma_wait3A_2374] : memref<32x32x256x64xf32, #tpu.memory_space<hbm>> -> memref<1x1x256x64xf32, #tpu.memory_space<hbm>>
    %dma_wait3A_2376 = tpu.memref_squeeze %dma_wait3A_2375 : memref<1x1x256x64xf32, #tpu.memory_space<hbm>> -> memref<256x64xf32, #tpu.memory_space<hbm>>
    %dma_wait3A_2377 = arith.constant 0 : i32
    %dma_wait3A_2378 = arith.constant 0 : i32
    %dma_wait3A_2379 = tpu.memref_slice %arg4[%add3A, %dma_wait3A_2368, %dma_wait3A_2377, %dma_wait3A_2378] : memref<32x32x256x64xf32, #tpu.memory_space<hbm>> -> memref<1x1x256x64xf32, #tpu.memory_space<hbm>>
    %dma_wait3A_2380 = tpu.memref_squeeze %dma_wait3A_2379 : memref<1x1x256x64xf32, #tpu.memory_space<hbm>> -> memref<256x64xf32, #tpu.memory_space<hbm>>
    %dma_wait3A_2381 = arith.constant 0 : i32
    %dma_wait3A_2382 = arith.constant 0 : i32
    %dma_wait3A_2383 = tpu.memref_slice %arg6[%dma_wait3A_2367, %dma_wait3A_2381, %dma_wait3A_2382] : memref<4x256x64xf32, #tpu.memory_space<vmem>> -> memref<1x256x64xf32, #tpu.memory_space<vmem>>
    %dma_wait3A_2384 = tpu.memref_squeeze %dma_wait3A_2383 : memref<1x256x64xf32, #tpu.memory_space<vmem>> -> memref<256x64xf32, #tpu.memory_space<vmem>>
    tpu.wait_dma2 semaphore(%arg14 : memref<!tpu.dma_semaphore, #tpu.memory_space<semaphore_mem>>) src(%dma_wait3A_2384 : memref<256x64xf32, #tpu.memory_space<vmem>>) dst(%dma_wait3A_2380 : memref<256x64xf32, #tpu.memory_space<hbm>>)
    %dma_start3A_2385 = arith.constant 60 : i32
    %dma_start3A_2386 = arith.constant 2 : i32
    %dma_start3A_2387 = arith.constant 0 : i32
    %dma_start3A_2388 = arith.constant 0 : i32
    %dma_start3A_2389 = tpu.memref_slice %arg6[%dma_start3A_2386, %dma_start3A_2387, %dma_start3A_2388] : memref<4x256x64xf32, #tpu.memory_space<vmem>> -> memref<1x128x64xf32, #tpu.memory_space<vmem>>
    %dma_start3A_2390 = tpu.memref_squeeze %dma_start3A_2389 : memref<1x128x64xf32, #tpu.memory_space<vmem>> -> memref<128x64xf32, #tpu.memory_space<vmem>>
    %dma_start3A_2391 = arith.constant 0 : i32
    %dma_start3A_2392 = tpu.memref_slice %arg5[%dma_start3A_2385, %dma_start3A_2391] : memref<64x128xi32, #tpu.memory_space<vmem>> -> memref<1x128xi32, #tpu.memory_space<vmem>>
    %dma_start3A_2393 = tpu.memref_squeeze %dma_start3A_2392 : memref<1x128xi32, #tpu.memory_space<vmem>> -> memref<128xi32, #tpu.memory_space<vmem>>
    %dma_start3A_2394 = arith.constant 0 : i32
    %dma_start3A_2395 = arith.constant 0 : i32
    %dma_start3A_2396 = tpu.memref_slice %arg7[%dma_start3A_2394, %dma_start3A_2395] : memref<8192x64xf32, #tpu.memory_space<vmem_shared>> -> memref<8192x64xf32, #tpu.memory_space<vmem_shared>>
    tpu.enqueue_indirect_dma source(%dma_start3A_2396 : memref<8192x64xf32, #tpu.memory_space<vmem_shared>>) target(%dma_start3A_2390 : memref<128x64xf32, #tpu.memory_space<vmem>>) offsets(%dma_start3A_2393 : memref<128xi32, #tpu.memory_space<vmem>>) semaphore(%arg10 : memref<!tpu.dma_semaphore, #tpu.memory_space<semaphore_mem>>)
    %dma_start3A_2397 = arith.constant 61 : i32
    %dma_start3A_2398 = arith.constant 2 : i32
    %dma_start3A_2399 = arith.constant 128 : i32
    %dma_start3A_2400 = arith.constant 0 : i32
    %dma_start3A_2401 = tpu.memref_slice %arg6[%dma_start3A_2398, %dma_start3A_2399, %dma_start3A_2400] : memref<4x256x64xf32, #tpu.memory_space<vmem>> -> memref<1x128x64xf32, #tpu.memory_space<vmem>>
    %dma_start3A_2402 = tpu.memref_squeeze %dma_start3A_2401 : memref<1x128x64xf32, #tpu.memory_space<vmem>> -> memref<128x64xf32, #tpu.memory_space<vmem>>
    %dma_start3A_2403 = arith.constant 0 : i32
    %dma_start3A_2404 = tpu.memref_slice %arg5[%dma_start3A_2397, %dma_start3A_2403] : memref<64x128xi32, #tpu.memory_space<vmem>> -> memref<1x128xi32, #tpu.memory_space<vmem>>
    %dma_start3A_2405 = tpu.memref_squeeze %dma_start3A_2404 : memref<1x128xi32, #tpu.memory_space<vmem>> -> memref<128xi32, #tpu.memory_space<vmem>>
    %dma_start3A_2406 = arith.constant 0 : i32
    %dma_start3A_2407 = arith.constant 0 : i32
    %dma_start3A_2408 = tpu.memref_slice %arg7[%dma_start3A_2406, %dma_start3A_2407] : memref<8192x64xf32, #tpu.memory_space<vmem_shared>> -> memref<8192x64xf32, #tpu.memory_space<vmem_shared>>
    tpu.enqueue_indirect_dma source(%dma_start3A_2408 : memref<8192x64xf32, #tpu.memory_space<vmem_shared>>) target(%dma_start3A_2402 : memref<128x64xf32, #tpu.memory_space<vmem>>) offsets(%dma_start3A_2405 : memref<128xi32, #tpu.memory_space<vmem>>) semaphore(%arg10 : memref<!tpu.dma_semaphore, #tpu.memory_space<semaphore_mem>>)
    %dma_wait3A_2409 = arith.constant 56 : i32
    %dma_wait3A_2410 = arith.constant 0 : i32
    %dma_wait3A_2411 = arith.constant 0 : i32
    %dma_wait3A_2412 = arith.constant 0 : i32
    %dma_wait3A_2413 = tpu.memref_slice %arg6[%dma_wait3A_2410, %dma_wait3A_2411, %dma_wait3A_2412] : memref<4x256x64xf32, #tpu.memory_space<vmem>> -> memref<1x128x64xf32, #tpu.memory_space<vmem>>
    %dma_wait3A_2414 = tpu.memref_squeeze %dma_wait3A_2413 : memref<1x128x64xf32, #tpu.memory_space<vmem>> -> memref<128x64xf32, #tpu.memory_space<vmem>>
    %dma_wait3A_2415 = arith.constant 0 : i32
    %dma_wait3A_2416 = tpu.memref_slice %arg5[%dma_wait3A_2409, %dma_wait3A_2415] : memref<64x128xi32, #tpu.memory_space<vmem>> -> memref<1x128xi32, #tpu.memory_space<vmem>>
    %dma_wait3A_2417 = tpu.memref_squeeze %dma_wait3A_2416 : memref<1x128xi32, #tpu.memory_space<vmem>> -> memref<128xi32, #tpu.memory_space<vmem>>
    %dma_wait3A_2418 = arith.constant 0 : i32
    %dma_wait3A_2419 = arith.constant 0 : i32
    %dma_wait3A_2420 = tpu.memref_slice %arg7[%dma_wait3A_2418, %dma_wait3A_2419] : memref<8192x64xf32, #tpu.memory_space<vmem_shared>> -> memref<8192x64xf32, #tpu.memory_space<vmem_shared>>
    tpu.wait_indirect_dma semaphore(%arg8 : memref<!tpu.dma_semaphore, #tpu.memory_space<semaphore_mem>>) src(%dma_wait3A_2420 : memref<8192x64xf32, #tpu.memory_space<vmem_shared>>) dst(%dma_wait3A_2414 : memref<128x64xf32, #tpu.memory_space<vmem>>)
    %dma_wait3A_2421 = arith.constant 57 : i32
    %dma_wait3A_2422 = arith.constant 0 : i32
    %dma_wait3A_2423 = arith.constant 128 : i32
    %dma_wait3A_2424 = arith.constant 0 : i32
    %dma_wait3A_2425 = tpu.memref_slice %arg6[%dma_wait3A_2422, %dma_wait3A_2423, %dma_wait3A_2424] : memref<4x256x64xf32, #tpu.memory_space<vmem>> -> memref<1x128x64xf32, #tpu.memory_space<vmem>>
    %dma_wait3A_2426 = tpu.memref_squeeze %dma_wait3A_2425 : memref<1x128x64xf32, #tpu.memory_space<vmem>> -> memref<128x64xf32, #tpu.memory_space<vmem>>
    %dma_wait3A_2427 = arith.constant 0 : i32
    %dma_wait3A_2428 = tpu.memref_slice %arg5[%dma_wait3A_2421, %dma_wait3A_2427] : memref<64x128xi32, #tpu.memory_space<vmem>> -> memref<1x128xi32, #tpu.memory_space<vmem>>
    %dma_wait3A_2429 = tpu.memref_squeeze %dma_wait3A_2428 : memref<1x128xi32, #tpu.memory_space<vmem>> -> memref<128xi32, #tpu.memory_space<vmem>>
    %dma_wait3A_2430 = arith.constant 0 : i32
    %dma_wait3A_2431 = arith.constant 0 : i32
    %dma_wait3A_2432 = tpu.memref_slice %arg7[%dma_wait3A_2430, %dma_wait3A_2431] : memref<8192x64xf32, #tpu.memory_space<vmem_shared>> -> memref<8192x64xf32, #tpu.memory_space<vmem_shared>>
    tpu.wait_indirect_dma semaphore(%arg8 : memref<!tpu.dma_semaphore, #tpu.memory_space<semaphore_mem>>) src(%dma_wait3A_2432 : memref<8192x64xf32, #tpu.memory_space<vmem_shared>>) dst(%dma_wait3A_2426 : memref<128x64xf32, #tpu.memory_space<vmem>>)
    %dma_start3A_2433 = arith.constant 0 : i32
    %dma_start3A_2434 = arith.constant 28 : i32
    %dma_start3A_2435 = arith.constant 0 : i32
    %dma_start3A_2436 = arith.constant 0 : i32
    %dma_start3A_2437 = tpu.memref_slice %arg6[%dma_start3A_2433, %dma_start3A_2435, %dma_start3A_2436] : memref<4x256x64xf32, #tpu.memory_space<vmem>> -> memref<1x256x64xf32, #tpu.memory_space<vmem>>
    %dma_start3A_2438 = tpu.memref_squeeze %dma_start3A_2437 : memref<1x256x64xf32, #tpu.memory_space<vmem>> -> memref<256x64xf32, #tpu.memory_space<vmem>>
    %dma_start3A_2439 = arith.constant 0 : i32
    %dma_start3A_2440 = arith.constant 0 : i32
    %dma_start3A_2441 = tpu.memref_slice %arg4[%add3A, %dma_start3A_2434, %dma_start3A_2439, %dma_start3A_2440] : memref<32x32x256x64xf32, #tpu.memory_space<hbm>> -> memref<1x1x256x64xf32, #tpu.memory_space<hbm>>
    %dma_start3A_2442 = tpu.memref_squeeze %dma_start3A_2441 : memref<1x1x256x64xf32, #tpu.memory_space<hbm>> -> memref<256x64xf32, #tpu.memory_space<hbm>>
    %dma_start3A_2443 = arith.constant 0 : i32
    %dma_start3A_2444 = arith.constant 0 : i32
    %dma_start3A_2445 = tpu.memref_slice %arg4[%add3A, %dma_start3A_2434, %dma_start3A_2443, %dma_start3A_2444] : memref<32x32x256x64xf32, #tpu.memory_space<hbm>> -> memref<1x1x256x64xf32, #tpu.memory_space<hbm>>
    %dma_start3A_2446 = tpu.memref_squeeze %dma_start3A_2445 : memref<1x1x256x64xf32, #tpu.memory_space<hbm>> -> memref<256x64xf32, #tpu.memory_space<hbm>>
    %dma_start3A_2447 = arith.constant 0 : i32
    %dma_start3A_2448 = arith.constant 0 : i32
    %dma_start3A_2449 = tpu.memref_slice %arg6[%dma_start3A_2433, %dma_start3A_2447, %dma_start3A_2448] : memref<4x256x64xf32, #tpu.memory_space<vmem>> -> memref<1x256x64xf32, #tpu.memory_space<vmem>>
    %dma_start3A_2450 = tpu.memref_squeeze %dma_start3A_2449 : memref<1x256x64xf32, #tpu.memory_space<vmem>> -> memref<256x64xf32, #tpu.memory_space<vmem>>
    tpu.enqueue_dma source(%dma_start3A_2450 : memref<256x64xf32, #tpu.memory_space<vmem>>) target(%dma_start3A_2446 : memref<256x64xf32, #tpu.memory_space<hbm>>) target_semaphore(%arg12 : memref<!tpu.dma_semaphore, #tpu.memory_space<semaphore_mem>>)
    %dma_wait3A_2451 = arith.constant 3 : i32
    %dma_wait3A_2452 = arith.constant 27 : i32
    %dma_wait3A_2453 = arith.constant 0 : i32
    %dma_wait3A_2454 = arith.constant 0 : i32
    %dma_wait3A_2455 = tpu.memref_slice %arg6[%dma_wait3A_2451, %dma_wait3A_2453, %dma_wait3A_2454] : memref<4x256x64xf32, #tpu.memory_space<vmem>> -> memref<1x256x64xf32, #tpu.memory_space<vmem>>
    %dma_wait3A_2456 = tpu.memref_squeeze %dma_wait3A_2455 : memref<1x256x64xf32, #tpu.memory_space<vmem>> -> memref<256x64xf32, #tpu.memory_space<vmem>>
    %dma_wait3A_2457 = arith.constant 0 : i32
    %dma_wait3A_2458 = arith.constant 0 : i32
    %dma_wait3A_2459 = tpu.memref_slice %arg4[%add3A, %dma_wait3A_2452, %dma_wait3A_2457, %dma_wait3A_2458] : memref<32x32x256x64xf32, #tpu.memory_space<hbm>> -> memref<1x1x256x64xf32, #tpu.memory_space<hbm>>
    %dma_wait3A_2460 = tpu.memref_squeeze %dma_wait3A_2459 : memref<1x1x256x64xf32, #tpu.memory_space<hbm>> -> memref<256x64xf32, #tpu.memory_space<hbm>>
    %dma_wait3A_2461 = arith.constant 0 : i32
    %dma_wait3A_2462 = arith.constant 0 : i32
    %dma_wait3A_2463 = tpu.memref_slice %arg4[%add3A, %dma_wait3A_2452, %dma_wait3A_2461, %dma_wait3A_2462] : memref<32x32x256x64xf32, #tpu.memory_space<hbm>> -> memref<1x1x256x64xf32, #tpu.memory_space<hbm>>
    %dma_wait3A_2464 = tpu.memref_squeeze %dma_wait3A_2463 : memref<1x1x256x64xf32, #tpu.memory_space<hbm>> -> memref<256x64xf32, #tpu.memory_space<hbm>>
    %dma_wait3A_2465 = arith.constant 0 : i32
    %dma_wait3A_2466 = arith.constant 0 : i32
    %dma_wait3A_2467 = tpu.memref_slice %arg6[%dma_wait3A_2451, %dma_wait3A_2465, %dma_wait3A_2466] : memref<4x256x64xf32, #tpu.memory_space<vmem>> -> memref<1x256x64xf32, #tpu.memory_space<vmem>>
    %dma_wait3A_2468 = tpu.memref_squeeze %dma_wait3A_2467 : memref<1x256x64xf32, #tpu.memory_space<vmem>> -> memref<256x64xf32, #tpu.memory_space<vmem>>
    tpu.wait_dma2 semaphore(%arg15 : memref<!tpu.dma_semaphore, #tpu.memory_space<semaphore_mem>>) src(%dma_wait3A_2468 : memref<256x64xf32, #tpu.memory_space<vmem>>) dst(%dma_wait3A_2464 : memref<256x64xf32, #tpu.memory_space<hbm>>)
    %dma_start3A_2469 = arith.constant 62 : i32
    %dma_start3A_2470 = arith.constant 3 : i32
    %dma_start3A_2471 = arith.constant 0 : i32
    %dma_start3A_2472 = arith.constant 0 : i32
    %dma_start3A_2473 = tpu.memref_slice %arg6[%dma_start3A_2470, %dma_start3A_2471, %dma_start3A_2472] : memref<4x256x64xf32, #tpu.memory_space<vmem>> -> memref<1x128x64xf32, #tpu.memory_space<vmem>>
    %dma_start3A_2474 = tpu.memref_squeeze %dma_start3A_2473 : memref<1x128x64xf32, #tpu.memory_space<vmem>> -> memref<128x64xf32, #tpu.memory_space<vmem>>
    %dma_start3A_2475 = arith.constant 0 : i32
    %dma_start3A_2476 = tpu.memref_slice %arg5[%dma_start3A_2469, %dma_start3A_2475] : memref<64x128xi32, #tpu.memory_space<vmem>> -> memref<1x128xi32, #tpu.memory_space<vmem>>
    %dma_start3A_2477 = tpu.memref_squeeze %dma_start3A_2476 : memref<1x128xi32, #tpu.memory_space<vmem>> -> memref<128xi32, #tpu.memory_space<vmem>>
    %dma_start3A_2478 = arith.constant 0 : i32
    %dma_start3A_2479 = arith.constant 0 : i32
    %dma_start3A_2480 = tpu.memref_slice %arg7[%dma_start3A_2478, %dma_start3A_2479] : memref<8192x64xf32, #tpu.memory_space<vmem_shared>> -> memref<8192x64xf32, #tpu.memory_space<vmem_shared>>
    tpu.enqueue_indirect_dma source(%dma_start3A_2480 : memref<8192x64xf32, #tpu.memory_space<vmem_shared>>) target(%dma_start3A_2474 : memref<128x64xf32, #tpu.memory_space<vmem>>) offsets(%dma_start3A_2477 : memref<128xi32, #tpu.memory_space<vmem>>) semaphore(%arg11 : memref<!tpu.dma_semaphore, #tpu.memory_space<semaphore_mem>>)
    %dma_start3A_2481 = arith.constant 63 : i32
    %dma_start3A_2482 = arith.constant 3 : i32
    %dma_start3A_2483 = arith.constant 128 : i32
    %dma_start3A_2484 = arith.constant 0 : i32
    %dma_start3A_2485 = tpu.memref_slice %arg6[%dma_start3A_2482, %dma_start3A_2483, %dma_start3A_2484] : memref<4x256x64xf32, #tpu.memory_space<vmem>> -> memref<1x128x64xf32, #tpu.memory_space<vmem>>
    %dma_start3A_2486 = tpu.memref_squeeze %dma_start3A_2485 : memref<1x128x64xf32, #tpu.memory_space<vmem>> -> memref<128x64xf32, #tpu.memory_space<vmem>>
    %dma_start3A_2487 = arith.constant 0 : i32
    %dma_start3A_2488 = tpu.memref_slice %arg5[%dma_start3A_2481, %dma_start3A_2487] : memref<64x128xi32, #tpu.memory_space<vmem>> -> memref<1x128xi32, #tpu.memory_space<vmem>>
    %dma_start3A_2489 = tpu.memref_squeeze %dma_start3A_2488 : memref<1x128xi32, #tpu.memory_space<vmem>> -> memref<128xi32, #tpu.memory_space<vmem>>
    %dma_start3A_2490 = arith.constant 0 : i32
    %dma_start3A_2491 = arith.constant 0 : i32
    %dma_start3A_2492 = tpu.memref_slice %arg7[%dma_start3A_2490, %dma_start3A_2491] : memref<8192x64xf32, #tpu.memory_space<vmem_shared>> -> memref<8192x64xf32, #tpu.memory_space<vmem_shared>>
    tpu.enqueue_indirect_dma source(%dma_start3A_2492 : memref<8192x64xf32, #tpu.memory_space<vmem_shared>>) target(%dma_start3A_2486 : memref<128x64xf32, #tpu.memory_space<vmem>>) offsets(%dma_start3A_2489 : memref<128xi32, #tpu.memory_space<vmem>>) semaphore(%arg11 : memref<!tpu.dma_semaphore, #tpu.memory_space<semaphore_mem>>)
    %dma_wait3A_2493 = arith.constant 58 : i32
    %dma_wait3A_2494 = arith.constant 1 : i32
    %dma_wait3A_2495 = arith.constant 0 : i32
    %dma_wait3A_2496 = arith.constant 0 : i32
    %dma_wait3A_2497 = tpu.memref_slice %arg6[%dma_wait3A_2494, %dma_wait3A_2495, %dma_wait3A_2496] : memref<4x256x64xf32, #tpu.memory_space<vmem>> -> memref<1x128x64xf32, #tpu.memory_space<vmem>>
    %dma_wait3A_2498 = tpu.memref_squeeze %dma_wait3A_2497 : memref<1x128x64xf32, #tpu.memory_space<vmem>> -> memref<128x64xf32, #tpu.memory_space<vmem>>
    %dma_wait3A_2499 = arith.constant 0 : i32
    %dma_wait3A_2500 = tpu.memref_slice %arg5[%dma_wait3A_2493, %dma_wait3A_2499] : memref<64x128xi32, #tpu.memory_space<vmem>> -> memref<1x128xi32, #tpu.memory_space<vmem>>
    %dma_wait3A_2501 = tpu.memref_squeeze %dma_wait3A_2500 : memref<1x128xi32, #tpu.memory_space<vmem>> -> memref<128xi32, #tpu.memory_space<vmem>>
    %dma_wait3A_2502 = arith.constant 0 : i32
    %dma_wait3A_2503 = arith.constant 0 : i32
    %dma_wait3A_2504 = tpu.memref_slice %arg7[%dma_wait3A_2502, %dma_wait3A_2503] : memref<8192x64xf32, #tpu.memory_space<vmem_shared>> -> memref<8192x64xf32, #tpu.memory_space<vmem_shared>>
    tpu.wait_indirect_dma semaphore(%arg9 : memref<!tpu.dma_semaphore, #tpu.memory_space<semaphore_mem>>) src(%dma_wait3A_2504 : memref<8192x64xf32, #tpu.memory_space<vmem_shared>>) dst(%dma_wait3A_2498 : memref<128x64xf32, #tpu.memory_space<vmem>>)
    %dma_wait3A_2505 = arith.constant 59 : i32
    %dma_wait3A_2506 = arith.constant 1 : i32
    %dma_wait3A_2507 = arith.constant 128 : i32
    %dma_wait3A_2508 = arith.constant 0 : i32
    %dma_wait3A_2509 = tpu.memref_slice %arg6[%dma_wait3A_2506, %dma_wait3A_2507, %dma_wait3A_2508] : memref<4x256x64xf32, #tpu.memory_space<vmem>> -> memref<1x128x64xf32, #tpu.memory_space<vmem>>
    %dma_wait3A_2510 = tpu.memref_squeeze %dma_wait3A_2509 : memref<1x128x64xf32, #tpu.memory_space<vmem>> -> memref<128x64xf32, #tpu.memory_space<vmem>>
    %dma_wait3A_2511 = arith.constant 0 : i32
    %dma_wait3A_2512 = tpu.memref_slice %arg5[%dma_wait3A_2505, %dma_wait3A_2511] : memref<64x128xi32, #tpu.memory_space<vmem>> -> memref<1x128xi32, #tpu.memory_space<vmem>>
    %dma_wait3A_2513 = tpu.memref_squeeze %dma_wait3A_2512 : memref<1x128xi32, #tpu.memory_space<vmem>> -> memref<128xi32, #tpu.memory_space<vmem>>
    %dma_wait3A_2514 = arith.constant 0 : i32
    %dma_wait3A_2515 = arith.constant 0 : i32
    %dma_wait3A_2516 = tpu.memref_slice %arg7[%dma_wait3A_2514, %dma_wait3A_2515] : memref<8192x64xf32, #tpu.memory_space<vmem_shared>> -> memref<8192x64xf32, #tpu.memory_space<vmem_shared>>
    tpu.wait_indirect_dma semaphore(%arg9 : memref<!tpu.dma_semaphore, #tpu.memory_space<semaphore_mem>>) src(%dma_wait3A_2516 : memref<8192x64xf32, #tpu.memory_space<vmem_shared>>) dst(%dma_wait3A_2510 : memref<128x64xf32, #tpu.memory_space<vmem>>)
    %dma_start3A_2517 = arith.constant 1 : i32
    %dma_start3A_2518 = arith.constant 29 : i32
    %dma_start3A_2519 = arith.constant 0 : i32
    %dma_start3A_2520 = arith.constant 0 : i32
    %dma_start3A_2521 = tpu.memref_slice %arg6[%dma_start3A_2517, %dma_start3A_2519, %dma_start3A_2520] : memref<4x256x64xf32, #tpu.memory_space<vmem>> -> memref<1x256x64xf32, #tpu.memory_space<vmem>>
    %dma_start3A_2522 = tpu.memref_squeeze %dma_start3A_2521 : memref<1x256x64xf32, #tpu.memory_space<vmem>> -> memref<256x64xf32, #tpu.memory_space<vmem>>
    %dma_start3A_2523 = arith.constant 0 : i32
    %dma_start3A_2524 = arith.constant 0 : i32
    %dma_start3A_2525 = tpu.memref_slice %arg4[%add3A, %dma_start3A_2518, %dma_start3A_2523, %dma_start3A_2524] : memref<32x32x256x64xf32, #tpu.memory_space<hbm>> -> memref<1x1x256x64xf32, #tpu.memory_space<hbm>>
    %dma_start3A_2526 = tpu.memref_squeeze %dma_start3A_2525 : memref<1x1x256x64xf32, #tpu.memory_space<hbm>> -> memref<256x64xf32, #tpu.memory_space<hbm>>
    %dma_start3A_2527 = arith.constant 0 : i32
    %dma_start3A_2528 = arith.constant 0 : i32
    %dma_start3A_2529 = tpu.memref_slice %arg4[%add3A, %dma_start3A_2518, %dma_start3A_2527, %dma_start3A_2528] : memref<32x32x256x64xf32, #tpu.memory_space<hbm>> -> memref<1x1x256x64xf32, #tpu.memory_space<hbm>>
    %dma_start3A_2530 = tpu.memref_squeeze %dma_start3A_2529 : memref<1x1x256x64xf32, #tpu.memory_space<hbm>> -> memref<256x64xf32, #tpu.memory_space<hbm>>
    %dma_start3A_2531 = arith.constant 0 : i32
    %dma_start3A_2532 = arith.constant 0 : i32
    %dma_start3A_2533 = tpu.memref_slice %arg6[%dma_start3A_2517, %dma_start3A_2531, %dma_start3A_2532] : memref<4x256x64xf32, #tpu.memory_space<vmem>> -> memref<1x256x64xf32, #tpu.memory_space<vmem>>
    %dma_start3A_2534 = tpu.memref_squeeze %dma_start3A_2533 : memref<1x256x64xf32, #tpu.memory_space<vmem>> -> memref<256x64xf32, #tpu.memory_space<vmem>>
    tpu.enqueue_dma source(%dma_start3A_2534 : memref<256x64xf32, #tpu.memory_space<vmem>>) target(%dma_start3A_2530 : memref<256x64xf32, #tpu.memory_space<hbm>>) target_semaphore(%arg13 : memref<!tpu.dma_semaphore, #tpu.memory_space<semaphore_mem>>)
    %dma_wait3A_2535 = arith.constant 60 : i32
    %dma_wait3A_2536 = arith.constant 2 : i32
    %dma_wait3A_2537 = arith.constant 0 : i32
    %dma_wait3A_2538 = arith.constant 0 : i32
    %dma_wait3A_2539 = tpu.memref_slice %arg6[%dma_wait3A_2536, %dma_wait3A_2537, %dma_wait3A_2538] : memref<4x256x64xf32, #tpu.memory_space<vmem>> -> memref<1x128x64xf32, #tpu.memory_space<vmem>>
    %dma_wait3A_2540 = tpu.memref_squeeze %dma_wait3A_2539 : memref<1x128x64xf32, #tpu.memory_space<vmem>> -> memref<128x64xf32, #tpu.memory_space<vmem>>
    %dma_wait3A_2541 = arith.constant 0 : i32
    %dma_wait3A_2542 = tpu.memref_slice %arg5[%dma_wait3A_2535, %dma_wait3A_2541] : memref<64x128xi32, #tpu.memory_space<vmem>> -> memref<1x128xi32, #tpu.memory_space<vmem>>
    %dma_wait3A_2543 = tpu.memref_squeeze %dma_wait3A_2542 : memref<1x128xi32, #tpu.memory_space<vmem>> -> memref<128xi32, #tpu.memory_space<vmem>>
    %dma_wait3A_2544 = arith.constant 0 : i32
    %dma_wait3A_2545 = arith.constant 0 : i32
    %dma_wait3A_2546 = tpu.memref_slice %arg7[%dma_wait3A_2544, %dma_wait3A_2545] : memref<8192x64xf32, #tpu.memory_space<vmem_shared>> -> memref<8192x64xf32, #tpu.memory_space<vmem_shared>>
    tpu.wait_indirect_dma semaphore(%arg10 : memref<!tpu.dma_semaphore, #tpu.memory_space<semaphore_mem>>) src(%dma_wait3A_2546 : memref<8192x64xf32, #tpu.memory_space<vmem_shared>>) dst(%dma_wait3A_2540 : memref<128x64xf32, #tpu.memory_space<vmem>>)
    %dma_wait3A_2547 = arith.constant 61 : i32
    %dma_wait3A_2548 = arith.constant 2 : i32
    %dma_wait3A_2549 = arith.constant 128 : i32
    %dma_wait3A_2550 = arith.constant 0 : i32
    %dma_wait3A_2551 = tpu.memref_slice %arg6[%dma_wait3A_2548, %dma_wait3A_2549, %dma_wait3A_2550] : memref<4x256x64xf32, #tpu.memory_space<vmem>> -> memref<1x128x64xf32, #tpu.memory_space<vmem>>
    %dma_wait3A_2552 = tpu.memref_squeeze %dma_wait3A_2551 : memref<1x128x64xf32, #tpu.memory_space<vmem>> -> memref<128x64xf32, #tpu.memory_space<vmem>>
    %dma_wait3A_2553 = arith.constant 0 : i32
    %dma_wait3A_2554 = tpu.memref_slice %arg5[%dma_wait3A_2547, %dma_wait3A_2553] : memref<64x128xi32, #tpu.memory_space<vmem>> -> memref<1x128xi32, #tpu.memory_space<vmem>>
    %dma_wait3A_2555 = tpu.memref_squeeze %dma_wait3A_2554 : memref<1x128xi32, #tpu.memory_space<vmem>> -> memref<128xi32, #tpu.memory_space<vmem>>
    %dma_wait3A_2556 = arith.constant 0 : i32
    %dma_wait3A_2557 = arith.constant 0 : i32
    %dma_wait3A_2558 = tpu.memref_slice %arg7[%dma_wait3A_2556, %dma_wait3A_2557] : memref<8192x64xf32, #tpu.memory_space<vmem_shared>> -> memref<8192x64xf32, #tpu.memory_space<vmem_shared>>
    tpu.wait_indirect_dma semaphore(%arg10 : memref<!tpu.dma_semaphore, #tpu.memory_space<semaphore_mem>>) src(%dma_wait3A_2558 : memref<8192x64xf32, #tpu.memory_space<vmem_shared>>) dst(%dma_wait3A_2552 : memref<128x64xf32, #tpu.memory_space<vmem>>)
    %dma_start3A_2559 = arith.constant 2 : i32
    %dma_start3A_2560 = arith.constant 30 : i32
    %dma_start3A_2561 = arith.constant 0 : i32
    %dma_start3A_2562 = arith.constant 0 : i32
    %dma_start3A_2563 = tpu.memref_slice %arg6[%dma_start3A_2559, %dma_start3A_2561, %dma_start3A_2562] : memref<4x256x64xf32, #tpu.memory_space<vmem>> -> memref<1x256x64xf32, #tpu.memory_space<vmem>>
    %dma_start3A_2564 = tpu.memref_squeeze %dma_start3A_2563 : memref<1x256x64xf32, #tpu.memory_space<vmem>> -> memref<256x64xf32, #tpu.memory_space<vmem>>
    %dma_start3A_2565 = arith.constant 0 : i32
    %dma_start3A_2566 = arith.constant 0 : i32
    %dma_start3A_2567 = tpu.memref_slice %arg4[%add3A, %dma_start3A_2560, %dma_start3A_2565, %dma_start3A_2566] : memref<32x32x256x64xf32, #tpu.memory_space<hbm>> -> memref<1x1x256x64xf32, #tpu.memory_space<hbm>>
    %dma_start3A_2568 = tpu.memref_squeeze %dma_start3A_2567 : memref<1x1x256x64xf32, #tpu.memory_space<hbm>> -> memref<256x64xf32, #tpu.memory_space<hbm>>
    %dma_start3A_2569 = arith.constant 0 : i32
    %dma_start3A_2570 = arith.constant 0 : i32
    %dma_start3A_2571 = tpu.memref_slice %arg4[%add3A, %dma_start3A_2560, %dma_start3A_2569, %dma_start3A_2570] : memref<32x32x256x64xf32, #tpu.memory_space<hbm>> -> memref<1x1x256x64xf32, #tpu.memory_space<hbm>>
    %dma_start3A_2572 = tpu.memref_squeeze %dma_start3A_2571 : memref<1x1x256x64xf32, #tpu.memory_space<hbm>> -> memref<256x64xf32, #tpu.memory_space<hbm>>
    %dma_start3A_2573 = arith.constant 0 : i32
    %dma_start3A_2574 = arith.constant 0 : i32
    %dma_start3A_2575 = tpu.memref_slice %arg6[%dma_start3A_2559, %dma_start3A_2573, %dma_start3A_2574] : memref<4x256x64xf32, #tpu.memory_space<vmem>> -> memref<1x256x64xf32, #tpu.memory_space<vmem>>
    %dma_start3A_2576 = tpu.memref_squeeze %dma_start3A_2575 : memref<1x256x64xf32, #tpu.memory_space<vmem>> -> memref<256x64xf32, #tpu.memory_space<vmem>>
    tpu.enqueue_dma source(%dma_start3A_2576 : memref<256x64xf32, #tpu.memory_space<vmem>>) target(%dma_start3A_2572 : memref<256x64xf32, #tpu.memory_space<hbm>>) target_semaphore(%arg14 : memref<!tpu.dma_semaphore, #tpu.memory_space<semaphore_mem>>)
    %dma_wait3A_2577 = arith.constant 62 : i32
    %dma_wait3A_2578 = arith.constant 3 : i32
    %dma_wait3A_2579 = arith.constant 0 : i32
    %dma_wait3A_2580 = arith.constant 0 : i32
    %dma_wait3A_2581 = tpu.memref_slice %arg6[%dma_wait3A_2578, %dma_wait3A_2579, %dma_wait3A_2580] : memref<4x256x64xf32, #tpu.memory_space<vmem>> -> memref<1x128x64xf32, #tpu.memory_space<vmem>>
    %dma_wait3A_2582 = tpu.memref_squeeze %dma_wait3A_2581 : memref<1x128x64xf32, #tpu.memory_space<vmem>> -> memref<128x64xf32, #tpu.memory_space<vmem>>
    %dma_wait3A_2583 = arith.constant 0 : i32
    %dma_wait3A_2584 = tpu.memref_slice %arg5[%dma_wait3A_2577, %dma_wait3A_2583] : memref<64x128xi32, #tpu.memory_space<vmem>> -> memref<1x128xi32, #tpu.memory_space<vmem>>
    %dma_wait3A_2585 = tpu.memref_squeeze %dma_wait3A_2584 : memref<1x128xi32, #tpu.memory_space<vmem>> -> memref<128xi32, #tpu.memory_space<vmem>>
    %dma_wait3A_2586 = arith.constant 0 : i32
    %dma_wait3A_2587 = arith.constant 0 : i32
    %dma_wait3A_2588 = tpu.memref_slice %arg7[%dma_wait3A_2586, %dma_wait3A_2587] : memref<8192x64xf32, #tpu.memory_space<vmem_shared>> -> memref<8192x64xf32, #tpu.memory_space<vmem_shared>>
    tpu.wait_indirect_dma semaphore(%arg11 : memref<!tpu.dma_semaphore, #tpu.memory_space<semaphore_mem>>) src(%dma_wait3A_2588 : memref<8192x64xf32, #tpu.memory_space<vmem_shared>>) dst(%dma_wait3A_2582 : memref<128x64xf32, #tpu.memory_space<vmem>>)
    %dma_wait3A_2589 = arith.constant 63 : i32
    %dma_wait3A_2590 = arith.constant 3 : i32
    %dma_wait3A_2591 = arith.constant 128 : i32
    %dma_wait3A_2592 = arith.constant 0 : i32
    %dma_wait3A_2593 = tpu.memref_slice %arg6[%dma_wait3A_2590, %dma_wait3A_2591, %dma_wait3A_2592] : memref<4x256x64xf32, #tpu.memory_space<vmem>> -> memref<1x128x64xf32, #tpu.memory_space<vmem>>
    %dma_wait3A_2594 = tpu.memref_squeeze %dma_wait3A_2593 : memref<1x128x64xf32, #tpu.memory_space<vmem>> -> memref<128x64xf32, #tpu.memory_space<vmem>>
    %dma_wait3A_2595 = arith.constant 0 : i32
    %dma_wait3A_2596 = tpu.memref_slice %arg5[%dma_wait3A_2589, %dma_wait3A_2595] : memref<64x128xi32, #tpu.memory_space<vmem>> -> memref<1x128xi32, #tpu.memory_space<vmem>>
    %dma_wait3A_2597 = tpu.memref_squeeze %dma_wait3A_2596 : memref<1x128xi32, #tpu.memory_space<vmem>> -> memref<128xi32, #tpu.memory_space<vmem>>
    %dma_wait3A_2598 = arith.constant 0 : i32
    %dma_wait3A_2599 = arith.constant 0 : i32
    %dma_wait3A_2600 = tpu.memref_slice %arg7[%dma_wait3A_2598, %dma_wait3A_2599] : memref<8192x64xf32, #tpu.memory_space<vmem_shared>> -> memref<8192x64xf32, #tpu.memory_space<vmem_shared>>
    tpu.wait_indirect_dma semaphore(%arg11 : memref<!tpu.dma_semaphore, #tpu.memory_space<semaphore_mem>>) src(%dma_wait3A_2600 : memref<8192x64xf32, #tpu.memory_space<vmem_shared>>) dst(%dma_wait3A_2594 : memref<128x64xf32, #tpu.memory_space<vmem>>)
    %dma_start3A_2601 = arith.constant 3 : i32
    %dma_start3A_2602 = arith.constant 31 : i32
    %dma_start3A_2603 = arith.constant 0 : i32
    %dma_start3A_2604 = arith.constant 0 : i32
    %dma_start3A_2605 = tpu.memref_slice %arg6[%dma_start3A_2601, %dma_start3A_2603, %dma_start3A_2604] : memref<4x256x64xf32, #tpu.memory_space<vmem>> -> memref<1x256x64xf32, #tpu.memory_space<vmem>>
    %dma_start3A_2606 = tpu.memref_squeeze %dma_start3A_2605 : memref<1x256x64xf32, #tpu.memory_space<vmem>> -> memref<256x64xf32, #tpu.memory_space<vmem>>
    %dma_start3A_2607 = arith.constant 0 : i32
    %dma_start3A_2608 = arith.constant 0 : i32
    %dma_start3A_2609 = tpu.memref_slice %arg4[%add3A, %dma_start3A_2602, %dma_start3A_2607, %dma_start3A_2608] : memref<32x32x256x64xf32, #tpu.memory_space<hbm>> -> memref<1x1x256x64xf32, #tpu.memory_space<hbm>>
    %dma_start3A_2610 = tpu.memref_squeeze %dma_start3A_2609 : memref<1x1x256x64xf32, #tpu.memory_space<hbm>> -> memref<256x64xf32, #tpu.memory_space<hbm>>
    %dma_start3A_2611 = arith.constant 0 : i32
    %dma_start3A_2612 = arith.constant 0 : i32
    %dma_start3A_2613 = tpu.memref_slice %arg4[%add3A, %dma_start3A_2602, %dma_start3A_2611, %dma_start3A_2612] : memref<32x32x256x64xf32, #tpu.memory_space<hbm>> -> memref<1x1x256x64xf32, #tpu.memory_space<hbm>>
    %dma_start3A_2614 = tpu.memref_squeeze %dma_start3A_2613 : memref<1x1x256x64xf32, #tpu.memory_space<hbm>> -> memref<256x64xf32, #tpu.memory_space<hbm>>
    %dma_start3A_2615 = arith.constant 0 : i32
    %dma_start3A_2616 = arith.constant 0 : i32
    %dma_start3A_2617 = tpu.memref_slice %arg6[%dma_start3A_2601, %dma_start3A_2615, %dma_start3A_2616] : memref<4x256x64xf32, #tpu.memory_space<vmem>> -> memref<1x256x64xf32, #tpu.memory_space<vmem>>
    %dma_start3A_2618 = tpu.memref_squeeze %dma_start3A_2617 : memref<1x256x64xf32, #tpu.memory_space<vmem>> -> memref<256x64xf32, #tpu.memory_space<vmem>>
    tpu.enqueue_dma source(%dma_start3A_2618 : memref<256x64xf32, #tpu.memory_space<vmem>>) target(%dma_start3A_2614 : memref<256x64xf32, #tpu.memory_space<hbm>>) target_semaphore(%arg15 : memref<!tpu.dma_semaphore, #tpu.memory_space<semaphore_mem>>)
    %dma_wait3A_2619 = arith.constant 0 : i32
    %dma_wait3A_2620 = arith.constant 28 : i32
    %dma_wait3A_2621 = arith.constant 0 : i32
    %dma_wait3A_2622 = arith.constant 0 : i32
    %dma_wait3A_2623 = tpu.memref_slice %arg6[%dma_wait3A_2619, %dma_wait3A_2621, %dma_wait3A_2622] : memref<4x256x64xf32, #tpu.memory_space<vmem>> -> memref<1x256x64xf32, #tpu.memory_space<vmem>>
    %dma_wait3A_2624 = tpu.memref_squeeze %dma_wait3A_2623 : memref<1x256x64xf32, #tpu.memory_space<vmem>> -> memref<256x64xf32, #tpu.memory_space<vmem>>
    %dma_wait3A_2625 = arith.constant 0 : i32
    %dma_wait3A_2626 = arith.constant 0 : i32
    %dma_wait3A_2627 = tpu.memref_slice %arg4[%add3A, %dma_wait3A_2620, %dma_wait3A_2625, %dma_wait3A_2626] : memref<32x32x256x64xf32, #tpu.memory_space<hbm>> -> memref<1x1x256x64xf32, #tpu.memory_space<hbm>>
    %dma_wait3A_2628 = tpu.memref_squeeze %dma_wait3A_2627 : memref<1x1x256x64xf32, #tpu.memory_space<hbm>> -> memref<256x64xf32, #tpu.memory_space<hbm>>
    %dma_wait3A_2629 = arith.constant 0 : i32
    %dma_wait3A_2630 = arith.constant 0 : i32
    %dma_wait3A_2631 = tpu.memref_slice %arg4[%add3A, %dma_wait3A_2620, %dma_wait3A_2629, %dma_wait3A_2630] : memref<32x32x256x64xf32, #tpu.memory_space<hbm>> -> memref<1x1x256x64xf32, #tpu.memory_space<hbm>>
    %dma_wait3A_2632 = tpu.memref_squeeze %dma_wait3A_2631 : memref<1x1x256x64xf32, #tpu.memory_space<hbm>> -> memref<256x64xf32, #tpu.memory_space<hbm>>
    %dma_wait3A_2633 = arith.constant 0 : i32
    %dma_wait3A_2634 = arith.constant 0 : i32
    %dma_wait3A_2635 = tpu.memref_slice %arg6[%dma_wait3A_2619, %dma_wait3A_2633, %dma_wait3A_2634] : memref<4x256x64xf32, #tpu.memory_space<vmem>> -> memref<1x256x64xf32, #tpu.memory_space<vmem>>
    %dma_wait3A_2636 = tpu.memref_squeeze %dma_wait3A_2635 : memref<1x256x64xf32, #tpu.memory_space<vmem>> -> memref<256x64xf32, #tpu.memory_space<vmem>>
    tpu.wait_dma2 semaphore(%arg12 : memref<!tpu.dma_semaphore, #tpu.memory_space<semaphore_mem>>) src(%dma_wait3A_2636 : memref<256x64xf32, #tpu.memory_space<vmem>>) dst(%dma_wait3A_2632 : memref<256x64xf32, #tpu.memory_space<hbm>>)
    %dma_wait3A_2637 = arith.constant 1 : i32
    %dma_wait3A_2638 = arith.constant 29 : i32
    %dma_wait3A_2639 = arith.constant 0 : i32
    %dma_wait3A_2640 = arith.constant 0 : i32
    %dma_wait3A_2641 = tpu.memref_slice %arg6[%dma_wait3A_2637, %dma_wait3A_2639, %dma_wait3A_2640] : memref<4x256x64xf32, #tpu.memory_space<vmem>> -> memref<1x256x64xf32, #tpu.memory_space<vmem>>
    %dma_wait3A_2642 = tpu.memref_squeeze %dma_wait3A_2641 : memref<1x256x64xf32, #tpu.memory_space<vmem>> -> memref<256x64xf32, #tpu.memory_space<vmem>>
    %dma_wait3A_2643 = arith.constant 0 : i32
    %dma_wait3A_2644 = arith.constant 0 : i32
    %dma_wait3A_2645 = tpu.memref_slice %arg4[%add3A, %dma_wait3A_2638, %dma_wait3A_2643, %dma_wait3A_2644] : memref<32x32x256x64xf32, #tpu.memory_space<hbm>> -> memref<1x1x256x64xf32, #tpu.memory_space<hbm>>
    %dma_wait3A_2646 = tpu.memref_squeeze %dma_wait3A_2645 : memref<1x1x256x64xf32, #tpu.memory_space<hbm>> -> memref<256x64xf32, #tpu.memory_space<hbm>>
    %dma_wait3A_2647 = arith.constant 0 : i32
    %dma_wait3A_2648 = arith.constant 0 : i32
    %dma_wait3A_2649 = tpu.memref_slice %arg4[%add3A, %dma_wait3A_2638, %dma_wait3A_2647, %dma_wait3A_2648] : memref<32x32x256x64xf32, #tpu.memory_space<hbm>> -> memref<1x1x256x64xf32, #tpu.memory_space<hbm>>
    %dma_wait3A_2650 = tpu.memref_squeeze %dma_wait3A_2649 : memref<1x1x256x64xf32, #tpu.memory_space<hbm>> -> memref<256x64xf32, #tpu.memory_space<hbm>>
    %dma_wait3A_2651 = arith.constant 0 : i32
    %dma_wait3A_2652 = arith.constant 0 : i32
    %dma_wait3A_2653 = tpu.memref_slice %arg6[%dma_wait3A_2637, %dma_wait3A_2651, %dma_wait3A_2652] : memref<4x256x64xf32, #tpu.memory_space<vmem>> -> memref<1x256x64xf32, #tpu.memory_space<vmem>>
    %dma_wait3A_2654 = tpu.memref_squeeze %dma_wait3A_2653 : memref<1x256x64xf32, #tpu.memory_space<vmem>> -> memref<256x64xf32, #tpu.memory_space<vmem>>
    tpu.wait_dma2 semaphore(%arg13 : memref<!tpu.dma_semaphore, #tpu.memory_space<semaphore_mem>>) src(%dma_wait3A_2654 : memref<256x64xf32, #tpu.memory_space<vmem>>) dst(%dma_wait3A_2650 : memref<256x64xf32, #tpu.memory_space<hbm>>)
    %dma_wait3A_2655 = arith.constant 2 : i32
    %dma_wait3A_2656 = arith.constant 30 : i32
    %dma_wait3A_2657 = arith.constant 0 : i32
    %dma_wait3A_2658 = arith.constant 0 : i32
    %dma_wait3A_2659 = tpu.memref_slice %arg6[%dma_wait3A_2655, %dma_wait3A_2657, %dma_wait3A_2658] : memref<4x256x64xf32, #tpu.memory_space<vmem>> -> memref<1x256x64xf32, #tpu.memory_space<vmem>>
    %dma_wait3A_2660 = tpu.memref_squeeze %dma_wait3A_2659 : memref<1x256x64xf32, #tpu.memory_space<vmem>> -> memref<256x64xf32, #tpu.memory_space<vmem>>
    %dma_wait3A_2661 = arith.constant 0 : i32
    %dma_wait3A_2662 = arith.constant 0 : i32
    %dma_wait3A_2663 = tpu.memref_slice %arg4[%add3A, %dma_wait3A_2656, %dma_wait3A_2661, %dma_wait3A_2662] : memref<32x32x256x64xf32, #tpu.memory_space<hbm>> -> memref<1x1x256x64xf32, #tpu.memory_space<hbm>>
    %dma_wait3A_2664 = tpu.memref_squeeze %dma_wait3A_2663 : memref<1x1x256x64xf32, #tpu.memory_space<hbm>> -> memref<256x64xf32, #tpu.memory_space<hbm>>
    %dma_wait3A_2665 = arith.constant 0 : i32
    %dma_wait3A_2666 = arith.constant 0 : i32
    %dma_wait3A_2667 = tpu.memref_slice %arg4[%add3A, %dma_wait3A_2656, %dma_wait3A_2665, %dma_wait3A_2666] : memref<32x32x256x64xf32, #tpu.memory_space<hbm>> -> memref<1x1x256x64xf32, #tpu.memory_space<hbm>>
    %dma_wait3A_2668 = tpu.memref_squeeze %dma_wait3A_2667 : memref<1x1x256x64xf32, #tpu.memory_space<hbm>> -> memref<256x64xf32, #tpu.memory_space<hbm>>
    %dma_wait3A_2669 = arith.constant 0 : i32
    %dma_wait3A_2670 = arith.constant 0 : i32
    %dma_wait3A_2671 = tpu.memref_slice %arg6[%dma_wait3A_2655, %dma_wait3A_2669, %dma_wait3A_2670] : memref<4x256x64xf32, #tpu.memory_space<vmem>> -> memref<1x256x64xf32, #tpu.memory_space<vmem>>
    %dma_wait3A_2672 = tpu.memref_squeeze %dma_wait3A_2671 : memref<1x256x64xf32, #tpu.memory_space<vmem>> -> memref<256x64xf32, #tpu.memory_space<vmem>>
    tpu.wait_dma2 semaphore(%arg14 : memref<!tpu.dma_semaphore, #tpu.memory_space<semaphore_mem>>) src(%dma_wait3A_2672 : memref<256x64xf32, #tpu.memory_space<vmem>>) dst(%dma_wait3A_2668 : memref<256x64xf32, #tpu.memory_space<hbm>>)
    %dma_wait3A_2673 = arith.constant 3 : i32
    %dma_wait3A_2674 = arith.constant 31 : i32
    %dma_wait3A_2675 = arith.constant 0 : i32
    %dma_wait3A_2676 = arith.constant 0 : i32
    %dma_wait3A_2677 = tpu.memref_slice %arg6[%dma_wait3A_2673, %dma_wait3A_2675, %dma_wait3A_2676] : memref<4x256x64xf32, #tpu.memory_space<vmem>> -> memref<1x256x64xf32, #tpu.memory_space<vmem>>
    %dma_wait3A_2678 = tpu.memref_squeeze %dma_wait3A_2677 : memref<1x256x64xf32, #tpu.memory_space<vmem>> -> memref<256x64xf32, #tpu.memory_space<vmem>>
    %dma_wait3A_2679 = arith.constant 0 : i32
    %dma_wait3A_2680 = arith.constant 0 : i32
    %dma_wait3A_2681 = tpu.memref_slice %arg4[%add3A, %dma_wait3A_2674, %dma_wait3A_2679, %dma_wait3A_2680] : memref<32x32x256x64xf32, #tpu.memory_space<hbm>> -> memref<1x1x256x64xf32, #tpu.memory_space<hbm>>
    %dma_wait3A_2682 = tpu.memref_squeeze %dma_wait3A_2681 : memref<1x1x256x64xf32, #tpu.memory_space<hbm>> -> memref<256x64xf32, #tpu.memory_space<hbm>>
    %dma_wait3A_2683 = arith.constant 0 : i32
    %dma_wait3A_2684 = arith.constant 0 : i32
    %dma_wait3A_2685 = tpu.memref_slice %arg4[%add3A, %dma_wait3A_2674, %dma_wait3A_2683, %dma_wait3A_2684] : memref<32x32x256x64xf32, #tpu.memory_space<hbm>> -> memref<1x1x256x64xf32, #tpu.memory_space<hbm>>
    %dma_wait3A_2686 = tpu.memref_squeeze %dma_wait3A_2685 : memref<1x1x256x64xf32, #tpu.memory_space<hbm>> -> memref<256x64xf32, #tpu.memory_space<hbm>>
    %dma_wait3A_2687 = arith.constant 0 : i32
    %dma_wait3A_2688 = arith.constant 0 : i32
    %dma_wait3A_2689 = tpu.memref_slice %arg6[%dma_wait3A_2673, %dma_wait3A_2687, %dma_wait3A_2688] : memref<4x256x64xf32, #tpu.memory_space<vmem>> -> memref<1x256x64xf32, #tpu.memory_space<vmem>>
    %dma_wait3A_2690 = tpu.memref_squeeze %dma_wait3A_2689 : memref<1x256x64xf32, #tpu.memory_space<vmem>> -> memref<256x64xf32, #tpu.memory_space<vmem>>
    tpu.wait_dma2 semaphore(%arg15 : memref<!tpu.dma_semaphore, #tpu.memory_space<semaphore_mem>>) src(%dma_wait3A_2690 : memref<256x64xf32, #tpu.memory_space<vmem>>) dst(%dma_wait3A_2686 : memref<256x64xf32, #tpu.memory_space<hbm>>)
    return
  }
}

</mosaic_0001>

<sc_bundles>
// kernel: kernel.3.cloned.1.call-start
scs
__scs_entry_jumppad:
0x0: {  	(pc) =	sbr.rel $0x88, $3  }
0x1: {  	(tag) =	ssettag $0x0;
	lr =	simm.s32 $0x1  }
0x2: {  	[smem:$0x3F9F] =	sst lr;
	_ =	strace $0xD0000000  }
0x3: {  	_ = 	snop  }
0x4: {  	_ = 	snop  }
0x5: {  	_ = 	snop  }
0x6: {  	_ = 	snop  }
0x7: {  	_ = 	snop  }
__scs_overlays_trampoline_lowered:
0x8: {  	[smem:$0x3FAE] =	sst s0  }
0x9: {  	[smem:$0x3FAF] =	sst s1  }
0xa: {  	[smem:$0x3FB0] =	sst s2  }
0xb: {  	[smem:$0x3FB1] =	sst s3  }
0xc: {  	[smem:$0x3FB2] =	sst s4  }
0xd: {  	[smem:$0x3FB3] =	sst s5  }
0xe: {  	[smem:$0x3FB4] =	sst s6  }
0xf: {  	[smem:$0x3FB5] =	sst s7  }
0x10: {  	[smem:$0x3FB6] =	sst s8  }
0x11: {  	[smem:$0x3FB7] =	sst s9;
	s0 =	simm.s32 @!p0 $0x0  }
0x12: {  	s1 =	sld [smem:$0x3F9D];
	s0 =	simm.s32 @p0 $0x1  }
0x13: {  	[smem:$0x3FB8] =	sst s0;
	s0 =	simm.s32 @!p1 $0x0  }
0x14: {  	s2 =	sld [smem:$0x3F9C];
	s0 =	simm.s32 @p1 $0x1  }
0x15: {  	[smem:$0x3FB9] =	sst s0;
	s0 =	simm.s32 @!p2 $0x0  }
0x16: {  	s3 =	sld [smem:$0x3FDB];
	s0 =	simm.s32 @p2 $0x1  }
0x17: {  	s4 =	simm.s32 $0x1BF5;
	[smem:$0x3FBB] =	sst s0  }
0x18: {  	s0 =	sld [smem:$0x3F9E];
	_ =	swait.ge [sflag:s4], $0x0  }
0x19: {  	s7 =	sld [smem:$0x3F9F]  }
0x1a: {  	s8 =	sadd.s32 $0xFFFFE003, lr  }
0x1b: {  	s9 =	sadd.s32 $0xFFFFFEF7, lr;
	s5 =	simm.s32 $0xFFFFFFFF;
	p2 =	slt.u32 s8, $0xFFFFF086  }
0x1c: {  	p1 =	slt.u32 s9, $0xF7A;
	s5 =	simm.s32 @!p2 $0x0  }
0x1d: {  	s5 =	simm.s32 @p1 $0x1;
	p0 =	seq.s32 s7, s2  }
0x1e: {  	s7 =	smul.u32 @!p0 $0xF7A, s2;
	p2 =	seq.s32 @!p0 s5, $0x0  }
0x1f: {  	s9 =	smul.u32 $0xF7A, s1;
	s8 =	simm.s32 @!p0 $0x1BF5;
	p2 =	por !p2, p0  }
0x20: {  	[sflag:s8] =	ssyncset.s32 @!p0 $0xFFFFF086;
	s6 =	sadd.s32 @!p0 s3, s7;
	s7 =	simm.s32 @!p0 $0x108  }
0x21: {  	s3 =	sadd.s32 s3, s9;
	s6 =	sadd.s32 @!p0 $0x88, s6;
	s7 =	simm.s32 @p2 $0x1082  }
0x22: {  	[simem:s7], [sflag:s8] =	dma.local @!p0 [hbm:s6], $0xF7A  }
0x23: {  	s9 =	sor.u32 $0xD0000000, s2;
	s6 =	simm.s32 $0x108;
	_ =	swait.ge @!p0 [sflag:s8], $0x0  }
0x24: {  	s3 =	sadd.s32 $0x88, s3;
	s6 =	simm.s32 @!p1 $0x1082;
	[sflag:s4] =	ssyncset.s32 $0xFFFFF086  }
0x25: {  	[simem:s6], [sflag:s4] =	dma.local [hbm:s3], $0xF7A  }
0x26: {  	[smem:$0x3F9F] =	sst s1;
	(tag) =	ssettag s2;
	_ =	strace s9  }
0x27: {  	s1 =	sld [smem:$0x3FAF]  }
0x28: {  	s2 =	sld [smem:$0x3FB0]  }
0x29: {  	s4 =	sld [smem:$0x3FB2]  }
0x2a: {  	p0 =	seq.s32 s5, $0x0;
	s5 =	sld [smem:$0x3FB3]  }
0x2b: {  	s6 =	sld [smem:$0x3FB4]  }
0x2c: {  	s7 =	sld [smem:$0x3FB5]  }
0x2d: {  	s3 =	simm.s32 $0x108;
	s8 =	sld [smem:$0x3FB6]  }
0x2e: {  	s3 =	simm.s32 @!p0 $0x1082;
	s9 =	sld [smem:$0x3FB7]  }
0x2f: {  	lr =	sadd.s32 s0, s3;
	s0 =	sld [smem:$0x3FAE]  }
0x30: {  	s3 =	sld [smem:$0x3FB1]  }
0x31: {  	[smem:$0x3FBA] =	sst s10  }
0x32: {  	s10 =	sld [smem:$0x3FB8];
	_ =	sdelay $0x3  }
0x33: {  	p0 =	seq.s32 s10, $0x1;
	s10 =	sld [smem:$0x3FBA];
	_ =	sdelay $0x3  }
0x34: {  	[smem:$0x3FBA] =	sst s10  }
0x35: {  	s10 =	sld [smem:$0x3FB9];
	_ =	sdelay $0x3  }
0x36: {  	p1 =	seq.s32 s10, $0x1;
	s10 =	sld [smem:$0x3FBA];
	_ =	sdelay $0x3  }
0x37: {  	[smem:$0x3FBA] =	sst s10  }
0x38: {  	s10 =	sld [smem:$0x3FBB]  }
0x39: {  	_ = 	snop;
	(pc) =	sbr.ind lr, $3  }
0x3a: {  	_ = 	snop  }
0x3b: {  	_ = 	snop  }
0x3c: {  	p2 =	seq.s32 s10, $0x1;
	s10 =	sld [smem:$0x3FBA]  }
0x3d: {  	_ =	shalt  }
0x3e: {  	_ =	shalt  }
0x3f: {  	_ =	shalt  }
0x40: {  	_ =	shalt  }
0x41: {  	_ =	shalt  }
0x42: {  	_ =	shalt  }
0x43: {  	_ =	shalt  }
0x44: {  	_ =	shalt  }
0x45: {  	_ =	shalt  }
0x46: {  	_ =	shalt  }
0x47: {  	_ =	shalt  }
0x48: {  	_ =	shalt  }
0x49: {  	_ =	shalt  }
0x4a: {  	_ =	shalt  }
0x4b: {  	_ =	shalt  }
0x4c: {  	_ =	shalt  }
0x4d: {  	_ =	shalt  }
0x4e: {  	_ =	shalt  }
0x4f: {  	_ =	shalt  }
0x50: {  	_ =	shalt  }
0x51: {  	_ =	shalt  }
0x52: {  	_ =	shalt  }
0x53: {  	_ =	shalt  }
0x54: {  	_ =	shalt  }
0x55: {  	_ =	shalt  }
0x56: {  	_ =	shalt  }
0x57: {  	_ =	shalt  }
0x58: {  	_ =	shalt  }
0x59: {  	_ =	shalt  }
0x5a: {  	_ =	shalt  }
0x5b: {  	_ =	shalt  }
0x5c: {  	_ =	shalt  }
0x5d: {  	_ =	shalt  }
0x5e: {  	_ =	shalt  }
0x5f: {  	_ =	shalt  }
0x60: {  	_ =	shalt  }
0x61: {  	_ =	shalt  }
0x62: {  	_ =	shalt  }
0x63: {  	_ =	shalt  }
0x64: {  	_ =	shalt  }
0x65: {  	_ =	shalt  }
0x66: {  	_ =	shalt  }
0x67: {  	_ =	shalt  }
0x68: {  	_ =	shalt  }
0x69: {  	_ =	shalt  }
0x6a: {  	_ =	shalt  }
0x6b: {  	_ =	shalt  }
0x6c: {  	_ =	shalt  }
0x6d: {  	_ =	shalt  }
0x6e: {  	_ =	shalt  }
0x6f: {  	_ =	shalt  }
0x70: {  	_ =	shalt  }
0x71: {  	_ =	shalt  }
0x72: {  	_ =	shalt  }
0x73: {  	_ =	shalt  }
0x74: {  	_ =	shalt  }
0x75: {  	_ =	shalt  }
0x76: {  	_ =	shalt  }
0x77: {  	_ =	shalt  }
0x78: {  	_ =	shalt  }
0x79: {  	_ =	shalt  }
0x7a: {  	_ =	shalt  }
0x7b: {  	_ =	shalt  }
0x7c: {  	_ =	shalt  }
0x7d: {  	_ =	shalt  }
0x7e: {  	_ =	shalt  }
0x7f: {  	_ =	shalt  }
0x80: {  	_ =	shalt  }
0x81: {  	_ =	shalt  }
0x82: {  	_ =	shalt  }
0x83: {  	_ =	shalt  }
0x84: {  	_ =	shalt  }
0x85: {  	_ =	shalt  }
0x86: {  	_ =	shalt  }
0x87: {  	_ =	shalt  }
.Lfunc_end0:
.L_simem_size_0:
called_computation.1_lowered:
.L_overlay_start_0:
0x88: {  	s2 =	sld [smem:$0x3FD9]  }
0x89: {  	s3 =	sld [smem:$0x3FFE];
	_ =	sdelay $0x1  }
0x8a: {  	s1 =	srdreg.scid  }
0x8b: {  	s0 =	sand.u32 $0x1, s1  }
0x8c: {  	s17 =	sshll.u32 s0, $0xA;
	s2 =	sadd.s32 s3, s2  }
0x8d: {  	s2 =	sadd.s32 s2, s17  }
0x8e: {  	[smem:$0x3FC6] =	sst s2  }
0x8f: {  	_ = 	snop  }
0x90: {  	s2 =	sld [smem:$0x3FD0];
	(tm) =	ssettm $0x1  }
0x91: {  	s18 =	sld [smem:$0x3FFB];
	_ =	sdelay $0x3  }
0x92: {  	_ =	strace s18  }
0x93: {  	s3 =	sld [smem:$0x3FFC];
	_ =	sdelay $0x3  }
0x94: {  	_ =	strace s3  }
0x95: {  	s3 =	sld [smem:$0x3FFD];
	_ =	sdelay $0x3  }
0x96: {  	_ =	strace s3  }
0x97: {  	_ =	strace $0x8FFFFFFF  }
0x98: {  	s19 =	sld [smem:$0x3FDB];
	_ =	sdelay $0x1  }
0x99: {  	s4 =	simm.s32 $_scs_section_size  }
0x9a: {  	s5 =	simm.s32 $_size__tile_overlayer_lowered;
	s6 =	simm.s32 $_tile_overlayer_lowered  }
0x9b: {  	s22 =	simm.s32 $0x1BFF;
	s21 =	sshll.u32 s6, $0x1;
	s3 =	sadd.s32 s4, s19  }
0x9c: {  	s7 =	simm.s32 $0x0;
	s20 =	sshll.u32 s5, $0x1;
	s5 =	sadd.s32 s21, s3  }
0x9d: {  	[timem:s7], [sflag:s22] =	dma.local [hbm:s5], s20  }
0x9e: {  	_ =	swait.ge [sflag:s22], s20  }
0x9f: {  	s4 =	ssub.s32 $0x0, s20;
	[sflag:s22] =	ssyncset.done $0x0  }
0xa0: {  	[sflag:s22] =	ssyncadd.s32 s4;
	_ =	sdelay $0x1  }
0xa1: {  	s23 =	simm.s32 $0x1B8B  }
0xa2: {  	_ =	swait.ge [sflag:s23], $0x1  }
0xa3: {  	[sflag:s23] =	ssyncset.done $0x0  }
0xa4: {  	s25 =	simm.s32 $0x1B8E;
	s24 =	sld [smem:$0x3FFE];
	[sflag:s23] =	ssyncadd.s32 $0xFFFFFFFF  }
0xa5: {  	s26 =	simm.s32 $execute0_lowered;
	[smem:$0x3FD2] =	sst s25  }
0xa6: {  	s5 =	sshll.u32 s26, $0x1;
	_ =	strace $0x80000046;
	[dreg:$0x1] =	wrdreg $0xFFFFFFFF  }
0xa7: {  	s28 =	simm.s32 $_size_execute0_lowered;
	s3 =	sadd.s32 s3, s5;
	[dreg:$0x0] =	wrdreg $0x0  }
0xa8: {  	s5 =	sshll.u32 s28, $0x1;
	[dreg:$0x2] =	wrdreg s3  }
0xa9: {  	[dreg:$0x3] =	wrdreg s5  }
0xaa: {  	[dreg:$0x4] =	wrdreg $0xC0  }
0xab: {  	_ =	task [dreg:s7], $0x5FFFF  }
0xac: {  	[dreg:$0x1] =	wrdreg $0xFFFFFFFF  }
0xad: {  	[dreg:$0x0] =	wrdreg $0x60  }
0xae: {  	[dreg:$0x2] =	wrdreg s24  }
0xaf: {  	[dreg:$0x3] =	wrdreg s2  }
0xb0: {  	[dreg:$0x4] =	wrdreg $0x120000  }
0xb1: {  	[dreg:$0x5] =	wrdreg $0x9  }
0xb2: {  	_ =	task.clear_ibuf [dreg:s7], $0x6FFFF;
	_ =	strace $0x90000046  }
0xb3: {  	s29 =	simm.s32 $0x9;
	_ =	strace $0x80000048  }
0xb4: {  	_ =	swait.ge [sflag:s29], $0x1  }
0xb5: {  	[sflag:s29] =	ssyncadd.s32 $0xFFFFFFFF  }
0xb6: {  	_ =	strace $0x90000048  }
0xb7: {  	_ =	sfence  }
0xb8: {  	s30 =	sld [smem:$0x0];
	_ =	sdelay $0x2  }
0xb9: {  	s31 =	sshll.u32 s1, $0xD;
	s1 =	sshrl.u32 s1, $0x2  }
0xba: {  	s3 =	sand.u32 $0x4000, s31;
	s1 =	sadd.s32 s1, s30  }
0xbb: {  	s0 =	sor.u32 s3, s0;
	s1 =	sshll.u32 s1, $0x11  }
0xbc: {  	s0 =	sor.u32 s1, s0  }
0xbd: {  	s0 =	sadd.s32 $0x8F2B, s0  }
0xbe: {  	[sflag:s0] =	ssyncadd.remote.s32 $0x1  }
0xbf: {  	_ =	sfence.sel $0xFFFF  }
0xc0: {  	[dreg:$0x0] =	wrdreg $0xFFFFFFFF;
	(pc) =	sbr.abs _section_cstart, $3  }
0xc1: {  	[dreg:$0x1] =	wrdreg $0xFFFFFFFF  }
0xc2: {  	_ =	task.clear_ibuf [dreg:s7], $0x2FFFF;
	_ =	strace $0x9FFFFFFF  }
0xc3: {  	(tm) =	ssettm $0x7FFFFFFF  }
tec
execute0_lowered:
.L_overlay_start_1:
0x0: {  	(tag) =	ssettag $0x1  }
0x1: {  	s5 =	rddreg [dreg:$0x0]  }
0x2: {  	s6 =	rddreg [dreg:$0x1]  }
0x3: {  	s1 =	srdreg.scid;
	s3 =	rddreg [dreg:$0x2]  }
0x4: {  	s29 =	stileid.u32;
	s31 =	rddreg [dreg:$0x3]  }
0x5: {  	s2 =	simm.s32 $0x0;
	s4 =	sand.u32 $0x1, s1;
	s7 =	sshll.u32 s29, $0x1  }
0x6: {  	[smem:$0x7FF] =	sst s2;
	s26 =	sadd.s32 $0xA00, s5;
	s7 =	sor.u32 s4, s7  }
0x7: {  	s12 =	sshll.u32 s29, $0xC;
	_ =	strace $0x80000047;
	s8 =	sshll.u32 s7, $0xA  }
0x8: {  	s13 =	sadd.s32 s26, s12;
	s7 =	sshll.u32 s7, $0x10;
	s8 =	sadd.s32 s8, s5  }
0x9: {  	[dreg:$0x5] =	wrdreg s13;
	s25 =	sadd.s32 s6, s7;
	s11 =	sadd.s32 $0x10A00, s8  }
0xa: {  	s14 =	sadd.s32 $0x800, s25;
	[dreg:$0x4] =	wrdreg s11  }
0xb: {  	s15 =	sadd.s32 $0x1000, s25;
	[dreg:$0x6] =	wrdreg s14  }
0xc: {  	s16 =	sadd.s32 $0x1800, s25;
	[dreg:$0x7] =	wrdreg s15  }
0xd: {  	s17 =	sadd.s32 $0x2000, s25;
	[dreg:$0x8] =	wrdreg s16  }
0xe: {  	s18 =	sadd.s32 $0x2800, s25;
	[dreg:$0x9] =	wrdreg s17  }
0xf: {  	s19 =	sadd.s32 $0x3000, s25;
	[dreg:$0xa] =	wrdreg s18  }
0x10: {  	s20 =	sadd.s32 $0x3800, s25;
	[dreg:$0xb] =	wrdreg s19  }
0x11: {  	s21 =	sadd.s32 $0x4000, s25;
	[dreg:$0xc] =	wrdreg s20  }
0x12: {  	s22 =	sadd.s32 $0x4800, s25;
	[dreg:$0xd] =	wrdreg s21  }
0x13: {  	s23 =	sadd.s32 $0x5000, s25;
	[dreg:$0xe] =	wrdreg s22  }
0x14: {  	s24 =	sadd.s32 $0x5800, s25;
	[dreg:$0xf] =	wrdreg s23  }
0x15: {  	s0 =	sadd.s32 $0x6000, s25;
	[dreg:$0x10] =	wrdreg s24  }
0x16: {  	s1 =	sadd.s32 $0x6800, s25;
	[dreg:$0x11] =	wrdreg s0  }
0x17: {  	s6 =	sadd.s32 $0x7000, s25;
	[dreg:$0x12] =	wrdreg s1  }
0x18: {  	s7 =	sadd.s32 $0x7800, s25;
	[dreg:$0x13] =	wrdreg s6  }
0x19: {  	s8 =	sadd.s32 $0x8000, s25;
	[dreg:$0x14] =	wrdreg s7  }
0x1a: {  	s9 =	sadd.s32 $0x8800, s25;
	[dreg:$0x15] =	wrdreg s8  }
0x1b: {  	s10 =	sadd.s32 $0x9000, s25;
	[dreg:$0x16] =	wrdreg s9  }
0x1c: {  	s12 =	sadd.s32 $0xA000, s25;
	[dreg:$0x17] =	wrdreg s10  }
0x1d: {  	s13 =	sadd.s32 $0xA800, s25;
	[dreg:$0x19] =	wrdreg s12  }
0x1e: {  	s11 =	sadd.s32 $0x9800, s25;
	[dreg:$0x1a] =	wrdreg s13  }
0x1f: {  	s14 =	sadd.s32 $0xB000, s25;
	[dreg:$0x18] =	wrdreg s11  }
0x20: {  	s15 =	sadd.s32 $0xB800, s25;
	[dreg:$0x1b] =	wrdreg s14  }
0x21: {  	s16 =	sadd.s32 $0xC000, s25;
	[dreg:$0x1c] =	wrdreg s15  }
0x22: {  	s17 =	sadd.s32 $0xC800, s25;
	[dreg:$0x1d] =	wrdreg s16  }
0x23: {  	s18 =	sadd.s32 $0xD000, s25;
	[dreg:$0x1e] =	wrdreg s17  }
0x24: {  	s19 =	sadd.s32 $0xD800, s25;
	[dreg:$0x1f] =	wrdreg s18  }
0x25: {  	s20 =	sadd.s32 $0xE000, s25;
	[smem:$0x7BE] =	sst s19  }
0x26: {  	s21 =	sadd.s32 $0xE800, s25;
	[smem:$0x7BF] =	sst s20  }
0x27: {  	s22 =	sadd.s32 $0xF000, s25;
	[smem:$0x7C0] =	sst s21  }
0x28: {  	s23 =	sadd.s32 $0xF800, s25;
	[smem:$0x7C1] =	sst s22  }
0x29: {  	s0 =	simm.s32 $0x100;
	[smem:$0x7C2] =	sst s23  }
0x2a: {  	s1 =	simm.s32 $0x180;
	[smem:$0x7C3] =	sst s0  }
0x2b: {  	s7 =	simm.s32 $0x200;
	[smem:$0x7C4] =	sst s1  }
0x2c: {  	s8 =	simm.s32 $0x280;
	[smem:$0x7C6] =	sst s7  }
0x2d: {  	s9 =	simm.s32 $0x300;
	[smem:$0x7C7] =	sst s8  }
0x2e: {  	s10 =	simm.s32 $0x380;
	[smem:$0x7C8] =	sst s9  }
0x2f: {  	s12 =	simm.s32 $0x480;
	[smem:$0x7C9] =	sst s10  }
0x30: {  	s13 =	simm.s32 $0x500;
	[smem:$0x7CB] =	sst s12  }
0x31: {  	s11 =	simm.s32 $0x400;
	[smem:$0x7CC] =	sst s13  }
0x32: {  	s14 =	simm.s32 $0x580;
	[smem:$0x7CA] =	sst s11  }
0x33: {  	s15 =	simm.s32 $0x600;
	[smem:$0x7CD] =	sst s14  }
0x34: {  	s16 =	simm.s32 $0x680;
	[smem:$0x7CE] =	sst s15  }
0x35: {  	s17 =	simm.s32 $0x700;
	[smem:$0x7CF] =	sst s16  }
0x36: {  	s18 =	simm.s32 $0x780;
	[smem:$0x7D0] =	sst s17  }
0x37: {  	s19 =	simm.s32 $0x800;
	[smem:$0x7D1] =	sst s18  }
0x38: {  	s20 =	simm.s32 $0x880;
	[smem:$0x7D2] =	sst s19  }
0x39: {  	s21 =	simm.s32 $0x900;
	[smem:$0x7D3] =	sst s20  }
0x3a: {  	s22 =	simm.s32 $0x980;
	[smem:$0x7D4] =	sst s21  }
0x3b: {  	s24 =	sshll.u32 s29, $0xF;
	s23 =	simm.s32 $0xA00;
	[smem:$0x7D5] =	sst s22  }
0x3c: {  	s6 =	sadd.s32 s24, s3;
	s24 =	simm.s32 $0xA80;
	[smem:$0x7D6] =	sst s23  }
0x3d: {  	s0 =	simm.s32 $0xB00;
	[smem:$0x7D7] =	sst s24  }
0x3e: {  	s1 =	simm.s32 $0xB80;
	[smem:$0x7D8] =	sst s0  }
0x3f: {  	s7 =	simm.s32 $0xC80;
	[smem:$0x7D9] =	sst s1  }
0x40: {  	s8 =	simm.s32 $0xD00;
	[smem:$0x7DB] =	sst s7  }
0x41: {  	s9 =	simm.s32 $0xD80;
	[smem:$0x7DC] =	sst s8  }
0x42: {  	s10 =	simm.s32 $0xE00;
	[smem:$0x7DD] =	sst s9  }
0x43: {  	s12 =	simm.s32 $0xF00;
	[smem:$0x7DE] =	sst s10  }
0x44: {  	s13 =	simm.s32 $0xF80;
	[smem:$0x7E0] =	sst s12  }
0x45: {  	s6 =	sshrl.u32 s6, $0x3;
	[smem:$0x7E1] =	sst s13  }
0x46: {  	s11 =	simm.s32 $0xE80;
	[smem:$0x7C5] =	sst s6  }
0x47: {  	s14 =	simm.s32 $0x1000;
	[smem:$0x7DF] =	sst s11  }
0x48: {  	s15 =	simm.s32 $0x1080;
	[smem:$0x7E2] =	sst s14  }
0x49: {  	s16 =	simm.s32 $0x1100;
	[smem:$0x7E3] =	sst s15  }
0x4a: {  	s17 =	simm.s32 $0x1180;
	[smem:$0x7E4] =	sst s16  }
0x4b: {  	s18 =	simm.s32 $0x1200;
	[smem:$0x7E5] =	sst s17  }
0x4c: {  	s28 =	simm.s32 $0x9;
	s19 =	simm.s32 $0x1280;
	[smem:$0x7E6] =	sst s18  }
0x4d: {  	p0 =	por $0x0, $0x0;
	s20 =	simm.s32 $0x1300;
	[smem:$0x7E7] =	sst s19  }
0x4e: {  	s4 =	ssub.s32 $0x2, s4;
	s21 =	simm.s32 $0x1380;
	[smem:$0x7E8] =	sst s20  }
0x4f: {  	s5 =	simm.s32 $0x80;
	s23 =	simm.s32 $0x1400;
	[smem:$0x7E9] =	sst s21  }
0x50: {  	s22 =	sshrl.u32 s4, $0x1;
	s24 =	simm.s32 $0x1480;
	[smem:$0x7EA] =	sst s23  }
0x51: {  	s0 =	simm.s32 $0x1500;
	s1 =	simm.s32 $0x1580;
	[smem:$0x7EB] =	sst s24  }
0x52: {  	s9 =	simm.s32 $0x2000;
	s7 =	simm.s32 $0x1680;
	[smem:$0x7EC] =	sst s0  }
0x53: {  	s8 =	simm.s32 $0x1700;
	s10 =	simm.s32 $0x1780;
	[smem:$0x7ED] =	sst s1  }
0x54: {  	s12 =	simm.s32 $0x1880;
	s13 =	simm.s32 $0x1900;
	[smem:$0x7EF] =	sst s7  }
0x55: {  	s6 =	simm.s32 $0xC00;
	s4 =	ssub.s32 s4, s22;
	[smem:$0x7F0] =	sst s8  }
0x56: {  	s20 =	simm.s32 $0x4000;
	s7 =	simm.s32 $0x6000;
	[smem:$0x7F1] =	sst s10  }
0x57: {  	s19 =	simm.s32 $0x8000;
	s11 =	simm.s32 $0x1800;
	[smem:$0x7F3] =	sst s12  }
0x58: {  	s18 =	simm.s32 $0xC000;
	s16 =	simm.s32 $0x1;
	[smem:$0x7F4] =	sst s13  }
0x59: {  	s14 =	simm.s32 $0x1980;
	s15 =	simm.s32 $0x1A00;
	s17 =	simm.s32 $0x10000  }
0x5a: {  	s22 =	simm.s32 $0x1A80;
	s10 =	simm.s32 $0x1B00;
	[smem:$0x7DA] =	sst s6  }
0x5b: {  	s8 =	simm.s32 $0x5;
	s23 =	simm.s32 $0x1B80;
	[smem:$0x7F2] =	sst s11  }
0x5c: {  	s24 =	simm.s32 $0x1C80;
	s13 =	simm.s32 $0x4;
	[smem:$0x7F5] =	sst s14  }
0x5d: {  	s12 =	simm.s32 $0x1D00;
	s21 =	smax.u32 s4, $0x1;
	[smem:$0x7F6] =	sst s15  }
0x5e: {  	s6 =	simm.s32 $0x1600;
	s4 =	simm.s32 $0xA000;
	[smem:$0x7F7] =	sst s22  }
0x5f: {  	s15 =	simm.s32 $0x2;
	[smem:$0x7F8] =	sst s10;
	s14 =	simm.s32 $0x3  }
0x60: {  	[smem:$0x7F9] =	sst s23;
	s11 =	simm.s32 $0x1C00;
	p1 =	sne.s32 s21, $0x1  }
.Ltmp0:
0x61: {  	s10 =	simm.s32 $0x6;
	[smem:$0x7FB] =	sst s24;
	(pc) =	sbr.rel @!p1 .LBB2_5-.Ltmp0, $4  }
0x62: {  	[smem:$0x7FC] =	sst s12;
	s22 =	simm.s32 $0x1D80;
	s12 =	simm.s32 $0x8  }
0x63: {  	s23 =	simm.s32 $0x1E00;
	s24 =	simm.s32 $0x1E80;
	[smem:$0x7EE] =	sst s6  }
0x64: {  	s6 =	simm.s32 $0xE000;
	[smem:$0x7FA] =	sst s11;
	s11 =	simm.s32 $0x7  }
0x65: {  	[smem:$0x7FD] =	sst s22;
	s30 =	sadd.s32 $0xFFFFFFFF, s21;
	s22 =	simm.s32 $0x1F80  }
0x66: {  	s29 =	rddreg [dreg:$0x4]  }
0x67: {  	[tilespmem:s2], [sflag:$0x9] =	stream.linear.gather [hbm4b:s29+s2], $0x2000, $0x38;
	[tilespmem:$0x1A000] =	vst v63  }
0x68: {  	_ =	swait.ge [sflag:s28], $0x2000  }
0x69: {  	[sflag:s28] =	ssyncset.done $0x0  }
0x6a: {  	s31 =	sld [smem:$0x7C5];
	[sflag:s28] =	ssyncadd.s32 $0xFFFFE000  }
0x6b: {  	[tilespmem:s9], [sflag:$0x1] =	stream.indirect.gather [hbm4b:s26+s5], $0x40, s2, s5, $0xb8;
	[tilespmem:$0x1A000] =	vst v63  }
0x6c: {  	s21 =	stileid.u32;
	s29 =	sld [smem:$0x7C3]  }
0x6d: {  	[tilespmem:s20], [sflag:$0x1] =	stream.indirect.gather [hbm4b:s26+s5], $0x40, s5, s5, $0xb8;
	[tilespmem:$0x1A000] =	vst v63  }
0x6e: {  	s21 =	sshll.u32 s21, $0x6;
	s1 =	sld [smem:$0x7C4]  }
0x6f: {  	[tilespmem:s7], [sflag:$0x2] =	stream.indirect.gather [hbm4b:s26+s5], $0x40, s29, s5, $0xb8;
	[tilespmem:$0x1A000] =	vst v63  }
0x70: {  	s0 =	rddreg [dreg:$0x5];
	s29 =	sor.u32 $0x1C09, s21  }
0x71: {  	[tilespmem:s19], [sflag:$0x2] =	stream.indirect.gather [hbm4b:s26+s5], $0x40, s1, s5, $0xb8;
	[tilespmem:$0x1A000] =	vst v63  }
0x72: {  	[spmem:s31], [sflag:s29] =	dma.local [hbm:s0], $0x1000  }
0x73: {  	_ =	swait.ge [sflag:s28], $0x1000  }
0x74: {  	[sflag:s28] =	ssyncset.done $0x0  }
0x75: {  	[sflag:s28] =	ssyncadd.s32 $0xFFFFF000  }
0x76: {  	[bflag:$0x0] =	sbarrier.arrive $0xFFFF  }
0x77: {  	s21 =	sld [smem:$0x7C6];
	_ =	sdelay $0x1  }
0x78: {  	s31 =	sld [smem:$0x7C7]  }
0x79: {  	[tilespmem:s4], [sflag:$0x3] =	stream.indirect.gather [spmem:s3], $0x40, s21, s5, $0xb8;
	[tilespmem:$0x1A000] =	vst v63  }
0x7a: {  	_ = 	snop  }
0x7b: {  	[tilespmem:s18], [sflag:$0x3] =	stream.indirect.gather [spmem:s3], $0x40, s31, s5, $0xb8;
	[tilespmem:$0x1A000] =	vst v63  }
0x7c: {  	_ =	swait.ge [sflag:s16], $0x2000  }
0x7d: {  	[sflag:s16] =	ssyncset.done $0x0  }
0x7e: {  	[sflag:s16] =	ssyncadd.s32 $0xFFFFE000  }
0x7f: {  	_ =	swait.ge [sflag:s16], $0x2000  }
0x80: {  	[sflag:s16] =	ssyncset.done $0x0  }
0x81: {  	s21 =	sld [smem:$0x7C8];
	[sflag:s16] =	ssyncadd.s32 $0xFFFFE000  }
0x82: {  	[hbm4b:s25+s2] =	stream.linear.scatter [tilespmem:s9], [sflag:$0x5], $0x4000, $0x38;
	[tilespmem:$0x1A000] =	vst v63  }
0x83: {  	s31 =	sld [smem:$0x7C9]  }
0x84: {  	[tilespmem:s6], [sflag:$0x4] =	stream.indirect.gather [spmem:s3], $0x40, s21, s5, $0xb8;
	[tilespmem:$0x1A000] =	vst v63  }
0x85: {  	_ = 	snop  }
0x86: {  	[tilespmem:s17], [sflag:$0x4] =	stream.indirect.gather [spmem:s3], $0x40, s31, s5, $0xb8;
	[tilespmem:$0x1A000] =	vst v63  }
0x87: {  	_ =	swait.ge [sflag:s15], $0x2000  }
0x88: {  	[sflag:s15] =	ssyncset.done $0x0  }
0x89: {  	[sflag:s15] =	ssyncadd.s32 $0xFFFFE000  }
0x8a: {  	_ =	swait.ge [sflag:s15], $0x2000  }
0x8b: {  	[sflag:s15] =	ssyncset.done $0x0  }
0x8c: {  	s1 =	rddreg [dreg:$0x6];
	[sflag:s15] =	ssyncadd.s32 $0xFFFFE000  }
0x8d: {  	[hbm4b:s1+s2] =	stream.linear.scatter [tilespmem:s7], [sflag:$0x6], $0x4000, $0x38;
	[tilespmem:$0x1A000] =	vst v63  }
0x8e: {  	_ =	swait.ge [sflag:s8], $0x4000  }
0x8f: {  	s21 =	sld [smem:$0x7CA]  }
0x90: {  	[sflag:s8] =	ssyncset.done $0x0  }
0x91: {  	s31 =	sld [smem:$0x7CB];
	[sflag:s8] =	ssyncadd.s32 $0xFFFFC000  }
0x92: {  	[tilespmem:s9], [sflag:$0x1] =	stream.indirect.gather [spmem:s3], $0x40, s21, s5, $0xb8;
	[tilespmem:$0x1A000] =	vst v63  }
0x93: {  	_ = 	snop  }
0x94: {  	[tilespmem:s20], [sflag:$0x1] =	stream.indirect.gather [spmem:s3], $0x40, s31, s5, $0xb8;
	[tilespmem:$0x1A000] =	vst v63  }
0x95: {  	_ =	swait.ge [sflag:s14], $0x2000  }
0x96: {  	[sflag:s14] =	ssyncset.done $0x0  }
0x97: {  	[sflag:s14] =	ssyncadd.s32 $0xFFFFE000  }
0x98: {  	_ =	swait.ge [sflag:s14], $0x2000  }
0x99: {  	[sflag:s14] =	ssyncset.done $0x0  }
0x9a: {  	s1 =	rddreg [dreg:$0x7];
	[sflag:s14] =	ssyncadd.s32 $0xFFFFE000  }
0x9b: {  	[hbm4b:s1+s2] =	stream.linear.scatter [tilespmem:s4], [sflag:$0x7], $0x4000, $0x38;
	[tilespmem:$0x1A000] =	vst v63  }
0x9c: {  	_ =	swait.ge [sflag:s10], $0x4000  }
0x9d: {  	s21 =	sld [smem:$0x7CC]  }
0x9e: {  	[sflag:s10] =	ssyncset.done $0x0  }
0x9f: {  	s31 =	sld [smem:$0x7CD];
	[sflag:s10] =	ssyncadd.s32 $0xFFFFC000  }
0xa0: {  	[tilespmem:s7], [sflag:$0x2] =	stream.indirect.gather [spmem:s3], $0x40, s21, s5, $0xb8;
	[tilespmem:$0x1A000] =	vst v63  }
0xa1: {  	_ = 	snop  }
0xa2: {  	[tilespmem:s19], [sflag:$0x2] =	stream.indirect.gather [spmem:s3], $0x40, s31, s5, $0xb8;
	[tilespmem:$0x1A000] =	vst v63  }
0xa3: {  	_ =	swait.ge [sflag:s13], $0x2000  }
0xa4: {  	[sflag:s13] =	ssyncset.done $0x0  }
0xa5: {  	[sflag:s13] =	ssyncadd.s32 $0xFFFFE000  }
0xa6: {  	_ =	swait.ge [sflag:s13], $0x2000  }
0xa7: {  	[sflag:s13] =	ssyncset.done $0x0  }
0xa8: {  	s1 =	rddreg [dreg:$0x8];
	[sflag:s13] =	ssyncadd.s32 $0xFFFFE000  }
0xa9: {  	[hbm4b:s1+s2] =	stream.linear.scatter [tilespmem:s6], [sflag:$0x8], $0x4000, $0x38;
	[tilespmem:$0x1A000] =	vst v63  }
0xaa: {  	_ =	swait.ge [sflag:s11], $0x4000  }
0xab: {  	s21 =	sld [smem:$0x7CE]  }
0xac: {  	[sflag:s11] =	ssyncset.done $0x0  }
0xad: {  	s31 =	sld [smem:$0x7CF];
	[sflag:s11] =	ssyncadd.s32 $0xFFFFC000  }
0xae: {  	[tilespmem:s4], [sflag:$0x3] =	stream.indirect.gather [spmem:s3], $0x40, s21, s5, $0xb8;
	[tilespmem:$0x1A000] =	vst v63  }
0xaf: {  	_ = 	snop  }
0xb0: {  	[tilespmem:s18], [sflag:$0x3] =	stream.indirect.gather [spmem:s3], $0x40, s31, s5, $0xb8;
	[tilespmem:$0x1A000] =	vst v63  }
0xb1: {  	_ =	swait.ge [sflag:s16], $0x2000  }
0xb2: {  	[sflag:s16] =	ssyncset.done $0x0  }
0xb3: {  	[sflag:s16] =	ssyncadd.s32 $0xFFFFE000  }
0xb4: {  	_ =	swait.ge [sflag:s16], $0x2000  }
0xb5: {  	[sflag:s16] =	ssyncset.done $0x0  }
0xb6: {  	s1 =	rddreg [dreg:$0x9];
	[sflag:s16] =	ssyncadd.s32 $0xFFFFE000  }
0xb7: {  	[hbm4b:s1+s2] =	stream.linear.scatter [tilespmem:s9], [sflag:$0x5], $0x4000, $0x38;
	[tilespmem:$0x1A000] =	vst v63  }
0xb8: {  	_ =	swait.ge [sflag:s12], $0x4000  }
0xb9: {  	s21 =	sld [smem:$0x7D0]  }
0xba: {  	[sflag:s12] =	ssyncset.done $0x0  }
0xbb: {  	s31 =	sld [smem:$0x7D1];
	[sflag:s12] =	ssyncadd.s32 $0xFFFFC000  }
0xbc: {  	[tilespmem:s6], [sflag:$0x4] =	stream.indirect.gather [spmem:s3], $0x40, s21, s5, $0xb8;
	[tilespmem:$0x1A000] =	vst v63  }
0xbd: {  	_ = 	snop  }
0xbe: {  	[tilespmem:s17], [sflag:$0x4] =	stream.indirect.gather [spmem:s3], $0x40, s31, s5, $0xb8;
	[tilespmem:$0x1A000] =	vst v63  }
0xbf: {  	_ =	swait.ge [sflag:s15], $0x2000  }
0xc0: {  	[sflag:s15] =	ssyncset.done $0x0  }
0xc1: {  	[sflag:s15] =	ssyncadd.s32 $0xFFFFE000  }
0xc2: {  	_ =	swait.ge [sflag:s15], $0x2000  }
0xc3: {  	[sflag:s15] =	ssyncset.done $0x0  }
0xc4: {  	s1 =	rddreg [dreg:$0xa];
	[sflag:s15] =	ssyncadd.s32 $0xFFFFE000  }
0xc5: {  	[hbm4b:s1+s2] =	stream.linear.scatter [tilespmem:s7], [sflag:$0x6], $0x4000, $0x38;
	[tilespmem:$0x1A000] =	vst v63  }
0xc6: {  	_ =	swait.ge [sflag:s8], $0x4000  }
0xc7: {  	s21 =	sld [smem:$0x7D2]  }
0xc8: {  	[sflag:s8] =	ssyncset.done $0x0  }
0xc9: {  	s31 =	sld [smem:$0x7D3];
	[sflag:s8] =	ssyncadd.s32 $0xFFFFC000  }
0xca: {  	[tilespmem:s9], [sflag:$0x1] =	stream.indirect.gather [spmem:s3], $0x40, s21, s5, $0xb8;
	[tilespmem:$0x1A000] =	vst v63  }
0xcb: {  	_ = 	snop  }
0xcc: {  	[tilespmem:s20], [sflag:$0x1] =	stream.indirect.gather [spmem:s3], $0x40, s31, s5, $0xb8;
	[tilespmem:$0x1A000] =	vst v63  }
0xcd: {  	_ =	swait.ge [sflag:s14], $0x2000  }
0xce: {  	[sflag:s14] =	ssyncset.done $0x0  }
0xcf: {  	[sflag:s14] =	ssyncadd.s32 $0xFFFFE000  }
0xd0: {  	_ =	swait.ge [sflag:s14], $0x2000  }
0xd1: {  	[sflag:s14] =	ssyncset.done $0x0  }
0xd2: {  	s1 =	rddreg [dreg:$0xb];
	[sflag:s14] =	ssyncadd.s32 $0xFFFFE000  }
0xd3: {  	[hbm4b:s1+s2] =	stream.linear.scatter [tilespmem:s4], [sflag:$0x7], $0x4000, $0x38;
	[tilespmem:$0x1A000] =	vst v63  }
0xd4: {  	_ =	swait.ge [sflag:s10], $0x4000  }
0xd5: {  	s21 =	sld [smem:$0x7D4]  }
0xd6: {  	[sflag:s10] =	ssyncset.done $0x0  }
0xd7: {  	s31 =	sld [smem:$0x7D5];
	[sflag:s10] =	ssyncadd.s32 $0xFFFFC000  }
0xd8: {  	[tilespmem:s7], [sflag:$0x2] =	stream.indirect.gather [spmem:s3], $0x40, s21, s5, $0xb8;
	[tilespmem:$0x1A000] =	vst v63  }
0xd9: {  	_ = 	snop  }
0xda: {  	[tilespmem:s19], [sflag:$0x2] =	stream.indirect.gather [spmem:s3], $0x40, s31, s5, $0xb8;
	[tilespmem:$0x1A000] =	vst v63  }
0xdb: {  	_ =	swait.ge [sflag:s13], $0x2000  }
0xdc: {  	[sflag:s13] =	ssyncset.done $0x0  }
0xdd: {  	[sflag:s13] =	ssyncadd.s32 $0xFFFFE000  }
0xde: {  	_ =	swait.ge [sflag:s13], $0x2000  }
0xdf: {  	[sflag:s13] =	ssyncset.done $0x0  }
0xe0: {  	s1 =	rddreg [dreg:$0xc];
	[sflag:s13] =	ssyncadd.s32 $0xFFFFE000  }
0xe1: {  	[hbm4b:s1+s2] =	stream.linear.scatter [tilespmem:s6], [sflag:$0x8], $0x4000, $0x38;
	[tilespmem:$0x1A000] =	vst v63  }
0xe2: {  	_ =	swait.ge [sflag:s11], $0x4000  }
0xe3: {  	s21 =	sld [smem:$0x7D6]  }
0xe4: {  	[sflag:s11] =	ssyncset.done $0x0  }
0xe5: {  	s31 =	sld [smem:$0x7D7];
	[sflag:s11] =	ssyncadd.s32 $0xFFFFC000  }
0xe6: {  	[tilespmem:s4], [sflag:$0x3] =	stream.indirect.gather [spmem:s3], $0x40, s21, s5, $0xb8;
	[tilespmem:$0x1A000] =	vst v63  }
0xe7: {  	_ = 	snop  }
0xe8: {  	[tilespmem:s18], [sflag:$0x3] =	stream.indirect.gather [spmem:s3], $0x40, s31, s5, $0xb8;
	[tilespmem:$0x1A000] =	vst v63  }
0xe9: {  	_ =	swait.ge [sflag:s16], $0x2000  }
0xea: {  	[sflag:s16] =	ssyncset.done $0x0  }
0xeb: {  	[sflag:s16] =	ssyncadd.s32 $0xFFFFE000  }
0xec: {  	_ =	swait.ge [sflag:s16], $0x2000  }
0xed: {  	[sflag:s16] =	ssyncset.done $0x0  }
0xee: {  	s1 =	rddreg [dreg:$0xd];
	[sflag:s16] =	ssyncadd.s32 $0xFFFFE000  }
0xef: {  	[hbm4b:s1+s2] =	stream.linear.scatter [tilespmem:s9], [sflag:$0x5], $0x4000, $0x38;
	[tilespmem:$0x1A000] =	vst v63  }
0xf0: {  	_ =	swait.ge [sflag:s12], $0x4000  }
0xf1: {  	s21 =	sld [smem:$0x7D8]  }
0xf2: {  	[sflag:s12] =	ssyncset.done $0x0  }
0xf3: {  	s31 =	sld [smem:$0x7D9];
	[sflag:s12] =	ssyncadd.s32 $0xFFFFC000  }
0xf4: {  	[tilespmem:s6], [sflag:$0x4] =	stream.indirect.gather [spmem:s3], $0x40, s21, s5, $0xb8;
	[tilespmem:$0x1A000] =	vst v63  }
0xf5: {  	_ = 	snop  }
0xf6: {  	[tilespmem:s17], [sflag:$0x4] =	stream.indirect.gather [spmem:s3], $0x40, s31, s5, $0xb8;
	[tilespmem:$0x1A000] =	vst v63  }
0xf7: {  	_ =	swait.ge [sflag:s15], $0x2000  }
0xf8: {  	[sflag:s15] =	ssyncset.done $0x0  }
0xf9: {  	[sflag:s15] =	ssyncadd.s32 $0xFFFFE000  }
0xfa: {  	_ =	swait.ge [sflag:s15], $0x2000  }
0xfb: {  	[sflag:s15] =	ssyncset.done $0x0  }
0xfc: {  	s1 =	rddreg [dreg:$0xe];
	[sflag:s15] =	ssyncadd.s32 $0xFFFFE000  }
0xfd: {  	[hbm4b:s1+s2] =	stream.linear.scatter [tilespmem:s7], [sflag:$0x6], $0x4000, $0x38;
	[tilespmem:$0x1A000] =	vst v63  }
0xfe: {  	_ =	swait.ge [sflag:s8], $0x4000  }
0xff: {  	s21 =	sld [smem:$0x7DA]  }
0x100: {  	[sflag:s8] =	ssyncset.done $0x0  }
0x101: {  	s31 =	sld [smem:$0x7DB];
	[sflag:s8] =	ssyncadd.s32 $0xFFFFC000  }
0x102: {  	[tilespmem:s9], [sflag:$0x1] =	stream.indirect.gather [spmem:s3], $0x40, s21, s5, $0xb8;
	[tilespmem:$0x1A000] =	vst v63  }
0x103: {  	_ = 	snop  }
0x104: {  	[tilespmem:s20], [sflag:$0x1] =	stream.indirect.gather [spmem:s3], $0x40, s31, s5, $0xb8;
	[tilespmem:$0x1A000] =	vst v63  }
0x105: {  	_ =	swait.ge [sflag:s14], $0x2000  }
0x106: {  	[sflag:s14] =	ssyncset.done $0x0  }
0x107: {  	[sflag:s14] =	ssyncadd.s32 $0xFFFFE000  }
0x108: {  	_ =	swait.ge [sflag:s14], $0x2000  }
0x109: {  	[sflag:s14] =	ssyncset.done $0x0  }
0x10a: {  	s1 =	rddreg [dreg:$0xf];
	[sflag:s14] =	ssyncadd.s32 $0xFFFFE000  }
0x10b: {  	[hbm4b:s1+s2] =	stream.linear.scatter [tilespmem:s4], [sflag:$0x7], $0x4000, $0x38;
	[tilespmem:$0x1A000] =	vst v63  }
0x10c: {  	_ =	swait.ge [sflag:s10], $0x4000  }
0x10d: {  	s21 =	sld [smem:$0x7DC]  }
0x10e: {  	[sflag:s10] =	ssyncset.done $0x0  }
0x10f: {  	s31 =	sld [smem:$0x7DD];
	[sflag:s10] =	ssyncadd.s32 $0xFFFFC000  }
0x110: {  	[tilespmem:s7], [sflag:$0x2] =	stream.indirect.gather [spmem:s3], $0x40, s21, s5, $0xb8;
	[tilespmem:$0x1A000] =	vst v63  }
0x111: {  	_ = 	snop  }
0x112: {  	[tilespmem:s19], [sflag:$0x2] =	stream.indirect.gather [spmem:s3], $0x40, s31, s5, $0xb8;
	[tilespmem:$0x1A000] =	vst v63  }
0x113: {  	_ =	swait.ge [sflag:s13], $0x2000  }
0x114: {  	[sflag:s13] =	ssyncset.done $0x0  }
0x115: {  	[sflag:s13] =	ssyncadd.s32 $0xFFFFE000  }
0x116: {  	_ =	swait.ge [sflag:s13], $0x2000  }
0x117: {  	[sflag:s13] =	ssyncset.done $0x0  }
0x118: {  	s1 =	rddreg [dreg:$0x10];
	[sflag:s13] =	ssyncadd.s32 $0xFFFFE000  }
0x119: {  	[hbm4b:s1+s2] =	stream.linear.scatter [tilespmem:s6], [sflag:$0x8], $0x4000, $0x38;
	[tilespmem:$0x1A000] =	vst v63  }
0x11a: {  	_ =	swait.ge [sflag:s11], $0x4000  }
0x11b: {  	s21 =	sld [smem:$0x7DE]  }
0x11c: {  	[sflag:s11] =	ssyncset.done $0x0  }
0x11d: {  	s31 =	sld [smem:$0x7DF];
	[sflag:s11] =	ssyncadd.s32 $0xFFFFC000  }
0x11e: {  	[tilespmem:s4], [sflag:$0x3] =	stream.indirect.gather [spmem:s3], $0x40, s21, s5, $0xb8;
	[tilespmem:$0x1A000] =	vst v63  }
0x11f: {  	_ = 	snop  }
0x120: {  	[tilespmem:s18], [sflag:$0x3] =	stream.indirect.gather [spmem:s3], $0x40, s31, s5, $0xb8;
	[tilespmem:$0x1A000] =	vst v63  }
0x121: {  	_ =	swait.ge [sflag:s16], $0x2000  }
0x122: {  	[sflag:s16] =	ssyncset.done $0x0  }
0x123: {  	[sflag:s16] =	ssyncadd.s32 $0xFFFFE000  }
0x124: {  	_ =	swait.ge [sflag:s16], $0x2000  }
0x125: {  	[sflag:s16] =	ssyncset.done $0x0  }
0x126: {  	s1 =	rddreg [dreg:$0x11];
	[sflag:s16] =	ssyncadd.s32 $0xFFFFE000  }
0x127: {  	[hbm4b:s1+s2] =	stream.linear.scatter [tilespmem:s9], [sflag:$0x5], $0x4000, $0x38;
	[tilespmem:$0x1A000] =	vst v63  }
0x128: {  	_ =	swait.ge [sflag:s12], $0x4000  }
0x129: {  	s21 =	sld [smem:$0x7E0]  }
0x12a: {  	[sflag:s12] =	ssyncset.done $0x0  }
0x12b: {  	s31 =	sld [smem:$0x7E1];
	[sflag:s12] =	ssyncadd.s32 $0xFFFFC000  }
0x12c: {  	[tilespmem:s6], [sflag:$0x4] =	stream.indirect.gather [spmem:s3], $0x40, s21, s5, $0xb8;
	[tilespmem:$0x1A000] =	vst v63  }
0x12d: {  	_ = 	snop  }
0x12e: {  	[tilespmem:s17], [sflag:$0x4] =	stream.indirect.gather [spmem:s3], $0x40, s31, s5, $0xb8;
	[tilespmem:$0x1A000] =	vst v63  }
0x12f: {  	_ =	swait.ge [sflag:s15], $0x2000  }
0x130: {  	[sflag:s15] =	ssyncset.done $0x0  }
0x131: {  	[sflag:s15] =	ssyncadd.s32 $0xFFFFE000  }
0x132: {  	_ =	swait.ge [sflag:s15], $0x2000  }
0x133: {  	[sflag:s15] =	ssyncset.done $0x0  }
0x134: {  	s1 =	rddreg [dreg:$0x12];
	[sflag:s15] =	ssyncadd.s32 $0xFFFFE000  }
0x135: {  	[hbm4b:s1+s2] =	stream.linear.scatter [tilespmem:s7], [sflag:$0x6], $0x4000, $0x38;
	[tilespmem:$0x1A000] =	vst v63  }
0x136: {  	_ =	swait.ge [sflag:s8], $0x4000  }
0x137: {  	s21 =	sld [smem:$0x7E2]  }
0x138: {  	[sflag:s8] =	ssyncset.done $0x0  }
0x139: {  	s31 =	sld [smem:$0x7E3];
	[sflag:s8] =	ssyncadd.s32 $0xFFFFC000  }
0x13a: {  	[tilespmem:s9], [sflag:$0x1] =	stream.indirect.gather [spmem:s3], $0x40, s21, s5, $0xb8;
	[tilespmem:$0x1A000] =	vst v63  }
0x13b: {  	_ = 	snop  }
0x13c: {  	[tilespmem:s20], [sflag:$0x1] =	stream.indirect.gather [spmem:s3], $0x40, s31, s5, $0xb8;
	[tilespmem:$0x1A000] =	vst v63  }
0x13d: {  	_ =	swait.ge [sflag:s14], $0x2000  }
0x13e: {  	[sflag:s14] =	ssyncset.done $0x0  }
0x13f: {  	[sflag:s14] =	ssyncadd.s32 $0xFFFFE000  }
0x140: {  	_ =	swait.ge [sflag:s14], $0x2000  }
0x141: {  	[sflag:s14] =	ssyncset.done $0x0  }
0x142: {  	s1 =	rddreg [dreg:$0x13];
	[sflag:s14] =	ssyncadd.s32 $0xFFFFE000  }
0x143: {  	[hbm4b:s1+s2] =	stream.linear.scatter [tilespmem:s4], [sflag:$0x7], $0x4000, $0x38;
	[tilespmem:$0x1A000] =	vst v63  }
0x144: {  	_ =	swait.ge [sflag:s10], $0x4000  }
0x145: {  	s21 =	sld [smem:$0x7E4]  }
0x146: {  	[sflag:s10] =	ssyncset.done $0x0  }
0x147: {  	s31 =	sld [smem:$0x7E5];
	[sflag:s10] =	ssyncadd.s32 $0xFFFFC000  }
0x148: {  	[tilespmem:s7], [sflag:$0x2] =	stream.indirect.gather [spmem:s3], $0x40, s21, s5, $0xb8;
	[tilespmem:$0x1A000] =	vst v63  }
0x149: {  	_ = 	snop  }
0x14a: {  	[tilespmem:s19], [sflag:$0x2] =	stream.indirect.gather [spmem:s3], $0x40, s31, s5, $0xb8;
	[tilespmem:$0x1A000] =	vst v63  }
0x14b: {  	_ =	swait.ge [sflag:s13], $0x2000  }
0x14c: {  	[sflag:s13] =	ssyncset.done $0x0  }
0x14d: {  	[sflag:s13] =	ssyncadd.s32 $0xFFFFE000  }
0x14e: {  	_ =	swait.ge [sflag:s13], $0x2000  }
0x14f: {  	[sflag:s13] =	ssyncset.done $0x0  }
0x150: {  	s1 =	rddreg [dreg:$0x14];
	[sflag:s13] =	ssyncadd.s32 $0xFFFFE000  }
0x151: {  	[hbm4b:s1+s2] =	stream.linear.scatter [tilespmem:s6], [sflag:$0x8], $0x4000, $0x38;
	[tilespmem:$0x1A000] =	vst v63  }
0x152: {  	_ =	swait.ge [sflag:s11], $0x4000  }
0x153: {  	s21 =	sld [smem:$0x7E6]  }
0x154: {  	[sflag:s11] =	ssyncset.done $0x0  }
0x155: {  	s31 =	sld [smem:$0x7E7];
	[sflag:s11] =	ssyncadd.s32 $0xFFFFC000  }
0x156: {  	[tilespmem:s4], [sflag:$0x3] =	stream.indirect.gather [spmem:s3], $0x40, s21, s5, $0xb8;
	[tilespmem:$0x1A000] =	vst v63  }
0x157: {  	_ = 	snop  }
0x158: {  	[tilespmem:s18], [sflag:$0x3] =	stream.indirect.gather [spmem:s3], $0x40, s31, s5, $0xb8;
	[tilespmem:$0x1A000] =	vst v63  }
0x159: {  	_ =	swait.ge [sflag:s16], $0x2000  }
0x15a: {  	[sflag:s16] =	ssyncset.done $0x0  }
0x15b: {  	[sflag:s16] =	ssyncadd.s32 $0xFFFFE000  }
0x15c: {  	_ =	swait.ge [sflag:s16], $0x2000  }
0x15d: {  	[sflag:s16] =	ssyncset.done $0x0  }
0x15e: {  	s1 =	rddreg [dreg:$0x15];
	[sflag:s16] =	ssyncadd.s32 $0xFFFFE000  }
0x15f: {  	[hbm4b:s1+s2] =	stream.linear.scatter [tilespmem:s9], [sflag:$0x5], $0x4000, $0x38;
	[tilespmem:$0x1A000] =	vst v63  }
0x160: {  	_ =	swait.ge [sflag:s12], $0x4000  }
0x161: {  	s21 =	sld [smem:$0x7E8]  }
0x162: {  	[sflag:s12] =	ssyncset.done $0x0  }
0x163: {  	s31 =	sld [smem:$0x7E9];
	[sflag:s12] =	ssyncadd.s32 $0xFFFFC000  }
0x164: {  	[tilespmem:s6], [sflag:$0x4] =	stream.indirect.gather [spmem:s3], $0x40, s21, s5, $0xb8;
	[tilespmem:$0x1A000] =	vst v63  }
0x165: {  	_ = 	snop  }
0x166: {  	[tilespmem:s17], [sflag:$0x4] =	stream.indirect.gather [spmem:s3], $0x40, s31, s5, $0xb8;
	[tilespmem:$0x1A000] =	vst v63  }
0x167: {  	_ =	swait.ge [sflag:s15], $0x2000  }
0x168: {  	[sflag:s15] =	ssyncset.done $0x0  }
0x169: {  	[sflag:s15] =	ssyncadd.s32 $0xFFFFE000  }
0x16a: {  	_ =	swait.ge [sflag:s15], $0x2000  }
0x16b: {  	[sflag:s15] =	ssyncset.done $0x0  }
0x16c: {  	s1 =	rddreg [dreg:$0x16];
	[sflag:s15] =	ssyncadd.s32 $0xFFFFE000  }
0x16d: {  	[hbm4b:s1+s2] =	stream.linear.scatter [tilespmem:s7], [sflag:$0x6], $0x4000, $0x38;
	[tilespmem:$0x1A000] =	vst v63  }
0x16e: {  	_ =	swait.ge [sflag:s8], $0x4000  }
0x16f: {  	s21 =	sld [smem:$0x7EA]  }
0x170: {  	[sflag:s8] =	ssyncset.done $0x0  }
0x171: {  	s31 =	sld [smem:$0x7EB];
	[sflag:s8] =	ssyncadd.s32 $0xFFFFC000  }
0x172: {  	[tilespmem:s9], [sflag:$0x1] =	stream.indirect.gather [spmem:s3], $0x40, s21, s5, $0xb8;
	[tilespmem:$0x1A000] =	vst v63  }
0x173: {  	_ = 	snop  }
0x174: {  	[tilespmem:s20], [sflag:$0x1] =	stream.indirect.gather [spmem:s3], $0x40, s31, s5, $0xb8;
	[tilespmem:$0x1A000] =	vst v63  }
0x175: {  	_ =	swait.ge [sflag:s14], $0x2000  }
0x176: {  	[sflag:s14] =	ssyncset.done $0x0  }
0x177: {  	[sflag:s14] =	ssyncadd.s32 $0xFFFFE000  }
0x178: {  	_ =	swait.ge [sflag:s14], $0x2000  }
0x179: {  	[sflag:s14] =	ssyncset.done $0x0  }
0x17a: {  	s1 =	rddreg [dreg:$0x17];
	[sflag:s14] =	ssyncadd.s32 $0xFFFFE000  }
0x17b: {  	[hbm4b:s1+s2] =	stream.linear.scatter [tilespmem:s4], [sflag:$0x7], $0x4000, $0x38;
	[tilespmem:$0x1A000] =	vst v63  }
0x17c: {  	_ =	swait.ge [sflag:s10], $0x4000  }
0x17d: {  	s21 =	sld [smem:$0x7EC]  }
0x17e: {  	[sflag:s10] =	ssyncset.done $0x0  }
0x17f: {  	s31 =	sld [smem:$0x7ED];
	[sflag:s10] =	ssyncadd.s32 $0xFFFFC000  }
0x180: {  	[tilespmem:s7], [sflag:$0x2] =	stream.indirect.gather [spmem:s3], $0x40, s21, s5, $0xb8;
	[tilespmem:$0x1A000] =	vst v63  }
0x181: {  	_ = 	snop  }
0x182: {  	[tilespmem:s19], [sflag:$0x2] =	stream.indirect.gather [spmem:s3], $0x40, s31, s5, $0xb8;
	[tilespmem:$0x1A000] =	vst v63  }
0x183: {  	_ =	swait.ge [sflag:s13], $0x2000  }
0x184: {  	[sflag:s13] =	ssyncset.done $0x0  }
0x185: {  	[sflag:s13] =	ssyncadd.s32 $0xFFFFE000  }
0x186: {  	_ =	swait.ge [sflag:s13], $0x2000  }
0x187: {  	[sflag:s13] =	ssyncset.done $0x0  }
0x188: {  	s1 =	rddreg [dreg:$0x18];
	[sflag:s13] =	ssyncadd.s32 $0xFFFFE000  }
0x189: {  	[hbm4b:s1+s2] =	stream.linear.scatter [tilespmem:s6], [sflag:$0x8], $0x4000, $0x38;
	[tilespmem:$0x1A000] =	vst v63  }
0x18a: {  	_ =	swait.ge [sflag:s11], $0x4000  }
0x18b: {  	s21 =	sld [smem:$0x7EE]  }
0x18c: {  	[sflag:s11] =	ssyncset.done $0x0  }
0x18d: {  	s31 =	sld [smem:$0x7EF];
	[sflag:s11] =	ssyncadd.s32 $0xFFFFC000  }
0x18e: {  	[tilespmem:s4], [sflag:$0x3] =	stream.indirect.gather [spmem:s3], $0x40, s21, s5, $0xb8;
	[tilespmem:$0x1A000] =	vst v63  }
0x18f: {  	_ = 	snop  }
0x190: {  	[tilespmem:s18], [sflag:$0x3] =	stream.indirect.gather [spmem:s3], $0x40, s31, s5, $0xb8;
	[tilespmem:$0x1A000] =	vst v63  }
0x191: {  	_ =	swait.ge [sflag:s16], $0x2000  }
0x192: {  	[sflag:s16] =	ssyncset.done $0x0  }
0x193: {  	[sflag:s16] =	ssyncadd.s32 $0xFFFFE000  }
0x194: {  	_ =	swait.ge [sflag:s16], $0x2000  }
0x195: {  	[sflag:s16] =	ssyncset.done $0x0  }
0x196: {  	s1 =	rddreg [dreg:$0x19];
	[sflag:s16] =	ssyncadd.s32 $0xFFFFE000  }
0x197: {  	[hbm4b:s1+s2] =	stream.linear.scatter [tilespmem:s9], [sflag:$0x5], $0x4000, $0x38;
	[tilespmem:$0x1A000] =	vst v63  }
0x198: {  	_ =	swait.ge [sflag:s12], $0x4000  }
0x199: {  	s21 =	sld [smem:$0x7F0]  }
0x19a: {  	[sflag:s12] =	ssyncset.done $0x0  }
0x19b: {  	s31 =	sld [smem:$0x7F1];
	[sflag:s12] =	ssyncadd.s32 $0xFFFFC000  }
0x19c: {  	[tilespmem:s6], [sflag:$0x4] =	stream.indirect.gather [spmem:s3], $0x40, s21, s5, $0xb8;
	[tilespmem:$0x1A000] =	vst v63  }
0x19d: {  	_ = 	snop  }
0x19e: {  	[tilespmem:s17], [sflag:$0x4] =	stream.indirect.gather [spmem:s3], $0x40, s31, s5, $0xb8;
	[tilespmem:$0x1A000] =	vst v63  }
0x19f: {  	_ =	swait.ge [sflag:s15], $0x2000  }
0x1a0: {  	[sflag:s15] =	ssyncset.done $0x0  }
0x1a1: {  	[sflag:s15] =	ssyncadd.s32 $0xFFFFE000  }
0x1a2: {  	_ =	swait.ge [sflag:s15], $0x2000  }
0x1a3: {  	[sflag:s15] =	ssyncset.done $0x0  }
0x1a4: {  	s1 =	rddreg [dreg:$0x1a];
	[sflag:s15] =	ssyncadd.s32 $0xFFFFE000  }
0x1a5: {  	[hbm4b:s1+s2] =	stream.linear.scatter [tilespmem:s7], [sflag:$0x6], $0x4000, $0x38;
	[tilespmem:$0x1A000] =	vst v63  }
0x1a6: {  	_ =	swait.ge [sflag:s8], $0x4000  }
0x1a7: {  	s21 =	sld [smem:$0x7F2]  }
0x1a8: {  	[sflag:s8] =	ssyncset.done $0x0  }
0x1a9: {  	s31 =	sld [smem:$0x7F3];
	[sflag:s8] =	ssyncadd.s32 $0xFFFFC000  }
0x1aa: {  	[tilespmem:s9], [sflag:$0x1] =	stream.indirect.gather [spmem:s3], $0x40, s21, s5, $0xb8;
	[tilespmem:$0x1A000] =	vst v63  }
0x1ab: {  	_ = 	snop  }
0x1ac: {  	[tilespmem:s20], [sflag:$0x1] =	stream.indirect.gather [spmem:s3], $0x40, s31, s5, $0xb8;
	[tilespmem:$0x1A000] =	vst v63  }
0x1ad: {  	_ =	swait.ge [sflag:s14], $0x2000  }
0x1ae: {  	[sflag:s14] =	ssyncset.done $0x0  }
0x1af: {  	[sflag:s14] =	ssyncadd.s32 $0xFFFFE000  }
0x1b0: {  	_ =	swait.ge [sflag:s14], $0x2000  }
0x1b1: {  	[sflag:s14] =	ssyncset.done $0x0  }
0x1b2: {  	s1 =	rddreg [dreg:$0x1b];
	[sflag:s14] =	ssyncadd.s32 $0xFFFFE000  }
0x1b3: {  	[hbm4b:s1+s2] =	stream.linear.scatter [tilespmem:s4], [sflag:$0x7], $0x4000, $0x38;
	[tilespmem:$0x1A000] =	vst v63  }
0x1b4: {  	_ =	swait.ge [sflag:s10], $0x4000  }
0x1b5: {  	s21 =	sld [smem:$0x7F4]  }
0x1b6: {  	[sflag:s10] =	ssyncset.done $0x0  }
0x1b7: {  	s31 =	sld [smem:$0x7F5];
	[sflag:s10] =	ssyncadd.s32 $0xFFFFC000  }
0x1b8: {  	[tilespmem:s7], [sflag:$0x2] =	stream.indirect.gather [spmem:s3], $0x40, s21, s5, $0xb8;
	[tilespmem:$0x1A000] =	vst v63  }
0x1b9: {  	_ = 	snop  }
0x1ba: {  	[tilespmem:s19], [sflag:$0x2] =	stream.indirect.gather [spmem:s3], $0x40, s31, s5, $0xb8;
	[tilespmem:$0x1A000] =	vst v63  }
0x1bb: {  	_ =	swait.ge [sflag:s13], $0x2000  }
0x1bc: {  	[sflag:s13] =	ssyncset.done $0x0  }
0x1bd: {  	[sflag:s13] =	ssyncadd.s32 $0xFFFFE000  }
0x1be: {  	_ =	swait.ge [sflag:s13], $0x2000  }
0x1bf: {  	[sflag:s13] =	ssyncset.done $0x0  }
0x1c0: {  	s1 =	rddreg [dreg:$0x1c];
	[sflag:s13] =	ssyncadd.s32 $0xFFFFE000  }
0x1c1: {  	[hbm4b:s1+s2] =	stream.linear.scatter [tilespmem:s6], [sflag:$0x8], $0x4000, $0x38;
	[tilespmem:$0x1A000] =	vst v63  }
0x1c2: {  	_ =	swait.ge [sflag:s11], $0x4000  }
0x1c3: {  	s21 =	sld [smem:$0x7F6]  }
0x1c4: {  	[sflag:s11] =	ssyncset.done $0x0  }
0x1c5: {  	s31 =	sld [smem:$0x7F7];
	[sflag:s11] =	ssyncadd.s32 $0xFFFFC000  }
0x1c6: {  	[tilespmem:s4], [sflag:$0x3] =	stream.indirect.gather [spmem:s3], $0x40, s21, s5, $0xb8;
	[tilespmem:$0x1A000] =	vst v63  }
0x1c7: {  	_ = 	snop  }
0x1c8: {  	[tilespmem:s18], [sflag:$0x3] =	stream.indirect.gather [spmem:s3], $0x40, s31, s5, $0xb8;
	[tilespmem:$0x1A000] =	vst v63  }
0x1c9: {  	_ =	swait.ge [sflag:s16], $0x2000  }
0x1ca: {  	[sflag:s16] =	ssyncset.done $0x0  }
0x1cb: {  	[sflag:s16] =	ssyncadd.s32 $0xFFFFE000  }
0x1cc: {  	_ =	swait.ge [sflag:s16], $0x2000  }
0x1cd: {  	[sflag:s16] =	ssyncset.done $0x0  }
0x1ce: {  	s1 =	rddreg [dreg:$0x1d];
	[sflag:s16] =	ssyncadd.s32 $0xFFFFE000  }
0x1cf: {  	[hbm4b:s1+s2] =	stream.linear.scatter [tilespmem:s9], [sflag:$0x5], $0x4000, $0x38;
	[tilespmem:$0x1A000] =	vst v63  }
0x1d0: {  	_ =	swait.ge [sflag:s12], $0x4000  }
0x1d1: {  	s21 =	sld [smem:$0x7F8]  }
0x1d2: {  	[sflag:s12] =	ssyncset.done $0x0  }
0x1d3: {  	s31 =	sld [smem:$0x7F9];
	[sflag:s12] =	ssyncadd.s32 $0xFFFFC000  }
0x1d4: {  	[tilespmem:s6], [sflag:$0x4] =	stream.indirect.gather [spmem:s3], $0x40, s21, s5, $0xb8;
	[tilespmem:$0x1A000] =	vst v63  }
0x1d5: {  	_ = 	snop  }
0x1d6: {  	[tilespmem:s17], [sflag:$0x4] =	stream.indirect.gather [spmem:s3], $0x40, s31, s5, $0xb8;
	[tilespmem:$0x1A000] =	vst v63  }
0x1d7: {  	_ =	swait.ge [sflag:s15], $0x2000  }
0x1d8: {  	[sflag:s15] =	ssyncset.done $0x0  }
0x1d9: {  	[sflag:s15] =	ssyncadd.s32 $0xFFFFE000  }
0x1da: {  	_ =	swait.ge [sflag:s15], $0x2000  }
0x1db: {  	[sflag:s15] =	ssyncset.done $0x0  }
0x1dc: {  	s1 =	rddreg [dreg:$0x1e];
	[sflag:s15] =	ssyncadd.s32 $0xFFFFE000  }
0x1dd: {  	[hbm4b:s1+s2] =	stream.linear.scatter [tilespmem:s7], [sflag:$0x6], $0x4000, $0x38;
	[tilespmem:$0x1A000] =	vst v63  }
0x1de: {  	_ =	swait.ge [sflag:s8], $0x4000  }
0x1df: {  	s21 =	sld [smem:$0x7FA]  }
0x1e0: {  	[sflag:s8] =	ssyncset.done $0x0  }
0x1e1: {  	s31 =	sld [smem:$0x7FB];
	[sflag:s8] =	ssyncadd.s32 $0xFFFFC000  }
0x1e2: {  	[tilespmem:s9], [sflag:$0x1] =	stream.indirect.gather [spmem:s3], $0x40, s21, s5, $0xb8;
	[tilespmem:$0x1A000] =	vst v63  }
0x1e3: {  	_ = 	snop  }
0x1e4: {  	[tilespmem:s20], [sflag:$0x1] =	stream.indirect.gather [spmem:s3], $0x40, s31, s5, $0xb8;
	[tilespmem:$0x1A000] =	vst v63  }
0x1e5: {  	_ =	swait.ge [sflag:s14], $0x2000  }
0x1e6: {  	[sflag:s14] =	ssyncset.done $0x0  }
0x1e7: {  	[sflag:s14] =	ssyncadd.s32 $0xFFFFE000  }
0x1e8: {  	_ =	swait.ge [sflag:s14], $0x2000  }
0x1e9: {  	[sflag:s14] =	ssyncset.done $0x0  }
0x1ea: {  	s1 =	rddreg [dreg:$0x1f];
	[sflag:s14] =	ssyncadd.s32 $0xFFFFE000  }
0x1eb: {  	[hbm4b:s1+s2] =	stream.linear.scatter [tilespmem:s4], [sflag:$0x7], $0x4000, $0x38;
	[tilespmem:$0x1A000] =	vst v63  }
0x1ec: {  	_ =	swait.ge [sflag:s10], $0x4000  }
0x1ed: {  	s21 =	sld [smem:$0x7FC]  }
0x1ee: {  	[sflag:s10] =	ssyncset.done $0x0  }
0x1ef: {  	s31 =	sld [smem:$0x7FD];
	[sflag:s10] =	ssyncadd.s32 $0xFFFFC000  }
0x1f0: {  	[tilespmem:s7], [sflag:$0x2] =	stream.indirect.gather [spmem:s3], $0x40, s21, s5, $0xb8;
	[tilespmem:$0x1A000] =	vst v63  }
0x1f1: {  	_ = 	snop  }
0x1f2: {  	[tilespmem:s19], [sflag:$0x2] =	stream.indirect.gather [spmem:s3], $0x40, s31, s5, $0xb8;
	[tilespmem:$0x1A000] =	vst v63  }
0x1f3: {  	_ =	swait.ge [sflag:s13], $0x2000  }
0x1f4: {  	[sflag:s13] =	ssyncset.done $0x0  }
0x1f5: {  	[sflag:s13] =	ssyncadd.s32 $0xFFFFE000  }
0x1f6: {  	_ =	swait.ge [sflag:s13], $0x2000  }
0x1f7: {  	s1 =	sld [smem:$0x7BE]  }
0x1f8: {  	[sflag:s13] =	ssyncset.done $0x0  }
0x1f9: {  	[sflag:s13] =	ssyncadd.s32 $0xFFFFE000  }
0x1fa: {  	[hbm4b:s1+s2] =	stream.linear.scatter [tilespmem:s6], [sflag:$0x8], $0x4000, $0x38;
	[tilespmem:$0x1A000] =	vst v63  }
0x1fb: {  	_ =	swait.ge [sflag:s11], $0x4000  }
0x1fc: {  	[sflag:s11] =	ssyncset.done $0x0  }
0x1fd: {  	[sflag:s11] =	ssyncadd.s32 $0xFFFFC000  }
0x1fe: {  	[tilespmem:s4], [sflag:$0x3] =	stream.indirect.gather [spmem:s3], $0x40, s23, s5, $0xb8;
	[tilespmem:$0x1A000] =	vst v63  }
0x1ff: {  	_ = 	snop  }
0x200: {  	[tilespmem:s18], [sflag:$0x3] =	stream.indirect.gather [spmem:s3], $0x40, s24, s5, $0xb8;
	[tilespmem:$0x1A000] =	vst v63  }
0x201: {  	_ =	swait.ge [sflag:s16], $0x2000  }
0x202: {  	[sflag:s16] =	ssyncset.done $0x0  }
0x203: {  	[sflag:s16] =	ssyncadd.s32 $0xFFFFE000  }
0x204: {  	_ =	swait.ge [sflag:s16], $0x2000  }
0x205: {  	s21 =	sld [smem:$0x7BF]  }
0x206: {  	[sflag:s16] =	ssyncset.done $0x0  }
0x207: {  	[sflag:s16] =	ssyncadd.s32 $0xFFFFE000  }
0x208: {  	[hbm4b:s21+s2] =	stream.linear.scatter [tilespmem:s9], [sflag:$0x5], $0x4000, $0x38;
	[tilespmem:$0x1A000] =	vst v63  }
0x209: {  	_ =	swait.ge [sflag:s12], $0x4000  }
0x20a: {  	[sflag:s12] =	ssyncset.done $0x0  }
0x20b: {  	s31 =	simm.s32 $0x1F00;
	[sflag:s12] =	ssyncadd.s32 $0xFFFFC000  }
0x20c: {  	[tilespmem:s6], [sflag:$0x4] =	stream.indirect.gather [spmem:s3], $0x40, s31, s5, $0xb8;
	[tilespmem:$0x1A000] =	vst v63  }
0x20d: {  	_ = 	snop  }
0x20e: {  	[tilespmem:s17], [sflag:$0x4] =	stream.indirect.gather [spmem:s3], $0x40, s22, s5, $0xb8;
	[tilespmem:$0x1A000] =	vst v63  }
0x20f: {  	_ =	swait.ge [sflag:s15], $0x2000  }
0x210: {  	[sflag:s15] =	ssyncset.done $0x0  }
0x211: {  	[sflag:s15] =	ssyncadd.s32 $0xFFFFE000  }
0x212: {  	_ =	swait.ge [sflag:s15], $0x2000  }
0x213: {  	s1 =	sld [smem:$0x7C0]  }
0x214: {  	[sflag:s15] =	ssyncset.done $0x0  }
0x215: {  	[sflag:s15] =	ssyncadd.s32 $0xFFFFE000  }
0x216: {  	[hbm4b:s1+s2] =	stream.linear.scatter [tilespmem:s7], [sflag:$0x6], $0x4000, $0x38;
	[tilespmem:$0x1A000] =	vst v63  }
0x217: {  	_ =	swait.ge [sflag:s14], $0x2000  }
0x218: {  	[sflag:s14] =	ssyncset.done $0x0  }
0x219: {  	[sflag:s14] =	ssyncadd.s32 $0xFFFFE000  }
0x21a: {  	_ =	swait.ge [sflag:s14], $0x2000  }
0x21b: {  	s21 =	sld [smem:$0x7C1]  }
0x21c: {  	[sflag:s14] =	ssyncset.done $0x0  }
0x21d: {  	[sflag:s14] =	ssyncadd.s32 $0xFFFFE000  }
0x21e: {  	[hbm4b:s21+s2] =	stream.linear.scatter [tilespmem:s4], [sflag:$0x7], $0x4000, $0x38;
	[tilespmem:$0x1A000] =	vst v63  }
0x21f: {  	_ =	swait.ge [sflag:s13], $0x2000  }
0x220: {  	[sflag:s13] =	ssyncset.done $0x0  }
0x221: {  	[sflag:s13] =	ssyncadd.s32 $0xFFFFE000  }
0x222: {  	_ =	swait.ge [sflag:s13], $0x2000  }
0x223: {  	s31 =	sld [smem:$0x7C2]  }
0x224: {  	[sflag:s13] =	ssyncset.done $0x0  }
0x225: {  	[sflag:s13] =	ssyncadd.s32 $0xFFFFE000  }
0x226: {  	[hbm4b:s31+s2] =	stream.linear.scatter [tilespmem:s6], [sflag:$0x8], $0x4000, $0x38;
	[tilespmem:$0x1A000] =	vst v63  }
0x227: {  	_ =	swait.ge [sflag:s8], $0x4000  }
0x228: {  	[sflag:s8] =	ssyncset.done $0x0  }
0x229: {  	[sflag:s8] =	ssyncadd.s32 $0xFFFFC000  }
0x22a: {  	_ =	swait.ge [sflag:s10], $0x4000  }
0x22b: {  	p1 =	sne.s32 s30, $0x1;
	[sflag:s10] =	ssyncset.done $0x0  }
.Ltmp1:
0x22c: {  	[sflag:s10] =	ssyncadd.s32 $0xFFFFC000;
	(pc) =	sbr.rel @!p1 .LBB2_2-.Ltmp1, $4  }
0x22d: {  	_ =	swait.ge [sflag:s11], $0x4000  }
0x22e: {  	[sflag:s11] =	ssyncset.done $0x0  }
0x22f: {  	[sflag:s11] =	ssyncadd.s32 $0xFFFFC000  }
0x230: {  	s30 =	sadd.s32 $0xFFFFFFFF, s30;
	p0 =	por $0x1, $0x1;
	_ =	swait.ge [sflag:s12], $0x4000  }
.LBB2_3:
0x231: {  	[sflag:s12] =	ssyncset.done $0x0  }
0x232: {  	s0 =	rddreg [dreg:$0x4];
	[sflag:s12] =	ssyncadd.s32 $0xFFFFC000  }
0x233: {  	[tilespmem:s2], [sflag:$0x9] =	stream.linear.gather [hbm4b:s0+s2], $0x2000, $0x38;
	[tilespmem:$0x1A000] =	vst v63  }
0x234: {  	_ =	swait.ge [sflag:s28], $0x2000  }
0x235: {  	[sflag:s28] =	ssyncset.done $0x0  }
0x236: {  	s0 =	sld [smem:$0x7C5];
	[sflag:s28] =	ssyncadd.s32 $0xFFFFE000  }
0x237: {  	[tilespmem:s9], [sflag:$0x1] =	stream.indirect.gather [hbm4b:s26+s5], $0x40, s2, s5, $0xb8;
	[tilespmem:$0x1A000] =	vst v63  }
0x238: {  	s31 =	sld [smem:$0x7C3]  }
0x239: {  	[tilespmem:s20], [sflag:$0x1] =	stream.indirect.gather [hbm4b:s26+s5], $0x40, s5, s5, $0xb8;
	[tilespmem:$0x1A000] =	vst v63  }
0x23a: {  	s21 =	sld [smem:$0x7C4]  }
0x23b: {  	[tilespmem:s7], [sflag:$0x2] =	stream.indirect.gather [hbm4b:s26+s5], $0x40, s31, s5, $0xb8;
	[tilespmem:$0x1A000] =	vst v63  }
0x23c: {  	s1 =	rddreg [dreg:$0x5]  }
0x23d: {  	[tilespmem:s19], [sflag:$0x2] =	stream.indirect.gather [hbm4b:s26+s5], $0x40, s21, s5, $0xb8;
	[tilespmem:$0x1A000] =	vst v63  }
0x23e: {  	[spmem:s0], [sflag:s29] =	dma.local [hbm:s1], $0x1000  }
0x23f: {  	_ =	swait.ge [sflag:s28], $0x1000  }
0x240: {  	[sflag:s28] =	ssyncset.done $0x0  }
0x241: {  	[sflag:s28] =	ssyncadd.s32 $0xFFFFF000  }
0x242: {  	[bflag:$0x0] =	sbarrier.arrive $0xFFFF  }
0x243: {  	s21 =	sld [smem:$0x7C6];
	_ =	sdelay $0x1  }
0x244: {  	s31 =	sld [smem:$0x7C7]  }
0x245: {  	[tilespmem:s4], [sflag:$0x3] =	stream.indirect.gather [spmem:s3], $0x40, s21, s5, $0xb8;
	[tilespmem:$0x1A000] =	vst v63  }
0x246: {  	_ = 	snop  }
0x247: {  	[tilespmem:s18], [sflag:$0x3] =	stream.indirect.gather [spmem:s3], $0x40, s31, s5, $0xb8;
	[tilespmem:$0x1A000] =	vst v63  }
0x248: {  	_ =	swait.ge [sflag:s16], $0x2000  }
0x249: {  	[sflag:s16] =	ssyncset.done $0x0  }
0x24a: {  	[sflag:s16] =	ssyncadd.s32 $0xFFFFE000  }
0x24b: {  	_ =	swait.ge [sflag:s16], $0x2000  }
0x24c: {  	[sflag:s16] =	ssyncset.done $0x0  }
0x24d: {  	s21 =	sld [smem:$0x7C8];
	[sflag:s16] =	ssyncadd.s32 $0xFFFFE000  }
0x24e: {  	[hbm4b:s25+s2] =	stream.linear.scatter [tilespmem:s9], [sflag:$0x5], $0x4000, $0x38;
	[tilespmem:$0x1A000] =	vst v63  }
0x24f: {  	s31 =	sld [smem:$0x7C9]  }
0x250: {  	[tilespmem:s6], [sflag:$0x4] =	stream.indirect.gather [spmem:s3], $0x40, s21, s5, $0xb8;
	[tilespmem:$0x1A000] =	vst v63  }
0x251: {  	_ = 	snop  }
0x252: {  	[tilespmem:s17], [sflag:$0x4] =	stream.indirect.gather [spmem:s3], $0x40, s31, s5, $0xb8;
	[tilespmem:$0x1A000] =	vst v63  }
0x253: {  	_ =	swait.ge [sflag:s15], $0x2000  }
0x254: {  	[sflag:s15] =	ssyncset.done $0x0  }
0x255: {  	[sflag:s15] =	ssyncadd.s32 $0xFFFFE000  }
0x256: {  	_ =	swait.ge [sflag:s15], $0x2000  }
0x257: {  	[sflag:s15] =	ssyncset.done $0x0  }
0x258: {  	s1 =	rddreg [dreg:$0x6];
	[sflag:s15] =	ssyncadd.s32 $0xFFFFE000  }
0x259: {  	[hbm4b:s1+s2] =	stream.linear.scatter [tilespmem:s7], [sflag:$0x6], $0x4000, $0x38;
	[tilespmem:$0x1A000] =	vst v63  }
0x25a: {  	_ =	swait.ge [sflag:s8], $0x4000  }
0x25b: {  	s21 =	sld [smem:$0x7CA]  }
0x25c: {  	[sflag:s8] =	ssyncset.done $0x0  }
0x25d: {  	s31 =	sld [smem:$0x7CB];
	[sflag:s8] =	ssyncadd.s32 $0xFFFFC000  }
0x25e: {  	[tilespmem:s9], [sflag:$0x1] =	stream.indirect.gather [spmem:s3], $0x40, s21, s5, $0xb8;
	[tilespmem:$0x1A000] =	vst v63  }
0x25f: {  	_ = 	snop  }
0x260: {  	[tilespmem:s20], [sflag:$0x1] =	stream.indirect.gather [spmem:s3], $0x40, s31, s5, $0xb8;
	[tilespmem:$0x1A000] =	vst v63  }
0x261: {  	_ =	swait.ge [sflag:s14], $0x2000  }
0x262: {  	[sflag:s14] =	ssyncset.done $0x0  }
0x263: {  	[sflag:s14] =	ssyncadd.s32 $0xFFFFE000  }
0x264: {  	_ =	swait.ge [sflag:s14], $0x2000  }
0x265: {  	[sflag:s14] =	ssyncset.done $0x0  }
0x266: {  	s1 =	rddreg [dreg:$0x7];
	[sflag:s14] =	ssyncadd.s32 $0xFFFFE000  }
0x267: {  	[hbm4b:s1+s2] =	stream.linear.scatter [tilespmem:s4], [sflag:$0x7], $0x4000, $0x38;
	[tilespmem:$0x1A000] =	vst v63  }
0x268: {  	_ =	swait.ge [sflag:s10], $0x4000  }
0x269: {  	s21 =	sld [smem:$0x7CC]  }
0x26a: {  	[sflag:s10] =	ssyncset.done $0x0  }
0x26b: {  	s31 =	sld [smem:$0x7CD];
	[sflag:s10] =	ssyncadd.s32 $0xFFFFC000  }
0x26c: {  	[tilespmem:s7], [sflag:$0x2] =	stream.indirect.gather [spmem:s3], $0x40, s21, s5, $0xb8;
	[tilespmem:$0x1A000] =	vst v63  }
0x26d: {  	_ = 	snop  }
0x26e: {  	[tilespmem:s19], [sflag:$0x2] =	stream.indirect.gather [spmem:s3], $0x40, s31, s5, $0xb8;
	[tilespmem:$0x1A000] =	vst v63  }
0x26f: {  	_ =	swait.ge [sflag:s13], $0x2000  }
0x270: {  	[sflag:s13] =	ssyncset.done $0x0  }
0x271: {  	[sflag:s13] =	ssyncadd.s32 $0xFFFFE000  }
0x272: {  	_ =	swait.ge [sflag:s13], $0x2000  }
0x273: {  	[sflag:s13] =	ssyncset.done $0x0  }
0x274: {  	s1 =	rddreg [dreg:$0x8];
	[sflag:s13] =	ssyncadd.s32 $0xFFFFE000  }
0x275: {  	[hbm4b:s1+s2] =	stream.linear.scatter [tilespmem:s6], [sflag:$0x8], $0x4000, $0x38;
	[tilespmem:$0x1A000] =	vst v63  }
0x276: {  	_ =	swait.ge [sflag:s11], $0x4000  }
0x277: {  	s21 =	sld [smem:$0x7CE]  }
0x278: {  	[sflag:s11] =	ssyncset.done $0x0  }
0x279: {  	s31 =	sld [smem:$0x7CF];
	[sflag:s11] =	ssyncadd.s32 $0xFFFFC000  }
0x27a: {  	[tilespmem:s4], [sflag:$0x3] =	stream.indirect.gather [spmem:s3], $0x40, s21, s5, $0xb8;
	[tilespmem:$0x1A000] =	vst v63  }
0x27b: {  	_ = 	snop  }
0x27c: {  	[tilespmem:s18], [sflag:$0x3] =	stream.indirect.gather [spmem:s3], $0x40, s31, s5, $0xb8;
	[tilespmem:$0x1A000] =	vst v63  }
0x27d: {  	_ =	swait.ge [sflag:s16], $0x2000  }
0x27e: {  	[sflag:s16] =	ssyncset.done $0x0  }
0x27f: {  	[sflag:s16] =	ssyncadd.s32 $0xFFFFE000  }
0x280: {  	_ =	swait.ge [sflag:s16], $0x2000  }
0x281: {  	[sflag:s16] =	ssyncset.done $0x0  }
0x282: {  	s1 =	rddreg [dreg:$0x9];
	[sflag:s16] =	ssyncadd.s32 $0xFFFFE000  }
0x283: {  	[hbm4b:s1+s2] =	stream.linear.scatter [tilespmem:s9], [sflag:$0x5], $0x4000, $0x38;
	[tilespmem:$0x1A000] =	vst v63  }
0x284: {  	_ =	swait.ge [sflag:s12], $0x4000  }
0x285: {  	s21 =	sld [smem:$0x7D0]  }
0x286: {  	[sflag:s12] =	ssyncset.done $0x0  }
0x287: {  	s31 =	sld [smem:$0x7D1];
	[sflag:s12] =	ssyncadd.s32 $0xFFFFC000  }
0x288: {  	[tilespmem:s6], [sflag:$0x4] =	stream.indirect.gather [spmem:s3], $0x40, s21, s5, $0xb8;
	[tilespmem:$0x1A000] =	vst v63  }
0x289: {  	_ = 	snop  }
0x28a: {  	[tilespmem:s17], [sflag:$0x4] =	stream.indirect.gather [spmem:s3], $0x40, s31, s5, $0xb8;
	[tilespmem:$0x1A000] =	vst v63  }
0x28b: {  	_ =	swait.ge [sflag:s15], $0x2000  }
0x28c: {  	[sflag:s15] =	ssyncset.done $0x0  }
0x28d: {  	[sflag:s15] =	ssyncadd.s32 $0xFFFFE000  }
0x28e: {  	_ =	swait.ge [sflag:s15], $0x2000  }
0x28f: {  	[sflag:s15] =	ssyncset.done $0x0  }
0x290: {  	s1 =	rddreg [dreg:$0xa];
	[sflag:s15] =	ssyncadd.s32 $0xFFFFE000  }
0x291: {  	[hbm4b:s1+s2] =	stream.linear.scatter [tilespmem:s7], [sflag:$0x6], $0x4000, $0x38;
	[tilespmem:$0x1A000] =	vst v63  }
0x292: {  	_ =	swait.ge [sflag:s8], $0x4000  }
0x293: {  	s21 =	sld [smem:$0x7D2]  }
0x294: {  	[sflag:s8] =	ssyncset.done $0x0  }
0x295: {  	s31 =	sld [smem:$0x7D3];
	[sflag:s8] =	ssyncadd.s32 $0xFFFFC000  }
0x296: {  	[tilespmem:s9], [sflag:$0x1] =	stream.indirect.gather [spmem:s3], $0x40, s21, s5, $0xb8;
	[tilespmem:$0x1A000] =	vst v63  }
0x297: {  	_ = 	snop  }
0x298: {  	[tilespmem:s20], [sflag:$0x1] =	stream.indirect.gather [spmem:s3], $0x40, s31, s5, $0xb8;
	[tilespmem:$0x1A000] =	vst v63  }
0x299: {  	_ =	swait.ge [sflag:s14], $0x2000  }
0x29a: {  	[sflag:s14] =	ssyncset.done $0x0  }
0x29b: {  	[sflag:s14] =	ssyncadd.s32 $0xFFFFE000  }
0x29c: {  	_ =	swait.ge [sflag:s14], $0x2000  }
0x29d: {  	[sflag:s14] =	ssyncset.done $0x0  }
0x29e: {  	s1 =	rddreg [dreg:$0xb];
	[sflag:s14] =	ssyncadd.s32 $0xFFFFE000  }
0x29f: {  	[hbm4b:s1+s2] =	stream.linear.scatter [tilespmem:s4], [sflag:$0x7], $0x4000, $0x38;
	[tilespmem:$0x1A000] =	vst v63  }
0x2a0: {  	_ =	swait.ge [sflag:s10], $0x4000  }
0x2a1: {  	s21 =	sld [smem:$0x7D4]  }
0x2a2: {  	[sflag:s10] =	ssyncset.done $0x0  }
0x2a3: {  	s31 =	sld [smem:$0x7D5];
	[sflag:s10] =	ssyncadd.s32 $0xFFFFC000  }
0x2a4: {  	[tilespmem:s7], [sflag:$0x2] =	stream.indirect.gather [spmem:s3], $0x40, s21, s5, $0xb8;
	[tilespmem:$0x1A000] =	vst v63  }
0x2a5: {  	_ = 	snop  }
0x2a6: {  	[tilespmem:s19], [sflag:$0x2] =	stream.indirect.gather [spmem:s3], $0x40, s31, s5, $0xb8;
	[tilespmem:$0x1A000] =	vst v63  }
0x2a7: {  	_ =	swait.ge [sflag:s13], $0x2000  }
0x2a8: {  	[sflag:s13] =	ssyncset.done $0x0  }
0x2a9: {  	[sflag:s13] =	ssyncadd.s32 $0xFFFFE000  }
0x2aa: {  	_ =	swait.ge [sflag:s13], $0x2000  }
0x2ab: {  	[sflag:s13] =	ssyncset.done $0x0  }
0x2ac: {  	s1 =	rddreg [dreg:$0xc];
	[sflag:s13] =	ssyncadd.s32 $0xFFFFE000  }
0x2ad: {  	[hbm4b:s1+s2] =	stream.linear.scatter [tilespmem:s6], [sflag:$0x8], $0x4000, $0x38;
	[tilespmem:$0x1A000] =	vst v63  }
0x2ae: {  	_ =	swait.ge [sflag:s11], $0x4000  }
0x2af: {  	s21 =	sld [smem:$0x7D6]  }
0x2b0: {  	[sflag:s11] =	ssyncset.done $0x0  }
0x2b1: {  	s31 =	sld [smem:$0x7D7];
	[sflag:s11] =	ssyncadd.s32 $0xFFFFC000  }
0x2b2: {  	[tilespmem:s4], [sflag:$0x3] =	stream.indirect.gather [spmem:s3], $0x40, s21, s5, $0xb8;
	[tilespmem:$0x1A000] =	vst v63  }
0x2b3: {  	_ = 	snop  }
0x2b4: {  	[tilespmem:s18], [sflag:$0x3] =	stream.indirect.gather [spmem:s3], $0x40, s31, s5, $0xb8;
	[tilespmem:$0x1A000] =	vst v63  }
0x2b5: {  	_ =	swait.ge [sflag:s16], $0x2000  }
0x2b6: {  	[sflag:s16] =	ssyncset.done $0x0  }
0x2b7: {  	[sflag:s16] =	ssyncadd.s32 $0xFFFFE000  }
0x2b8: {  	_ =	swait.ge [sflag:s16], $0x2000  }
0x2b9: {  	[sflag:s16] =	ssyncset.done $0x0  }
0x2ba: {  	s1 =	rddreg [dreg:$0xd];
	[sflag:s16] =	ssyncadd.s32 $0xFFFFE000  }
0x2bb: {  	[hbm4b:s1+s2] =	stream.linear.scatter [tilespmem:s9], [sflag:$0x5], $0x4000, $0x38;
	[tilespmem:$0x1A000] =	vst v63  }
0x2bc: {  	_ =	swait.ge [sflag:s12], $0x4000  }
0x2bd: {  	s21 =	sld [smem:$0x7D8]  }
0x2be: {  	[sflag:s12] =	ssyncset.done $0x0  }
0x2bf: {  	s31 =	sld [smem:$0x7D9];
	[sflag:s12] =	ssyncadd.s32 $0xFFFFC000  }
0x2c0: {  	[tilespmem:s6], [sflag:$0x4] =	stream.indirect.gather [spmem:s3], $0x40, s21, s5, $0xb8;
	[tilespmem:$0x1A000] =	vst v63  }
0x2c1: {  	_ = 	snop  }
0x2c2: {  	[tilespmem:s17], [sflag:$0x4] =	stream.indirect.gather [spmem:s3], $0x40, s31, s5, $0xb8;
	[tilespmem:$0x1A000] =	vst v63  }
0x2c3: {  	_ =	swait.ge [sflag:s15], $0x2000  }
0x2c4: {  	[sflag:s15] =	ssyncset.done $0x0  }
0x2c5: {  	[sflag:s15] =	ssyncadd.s32 $0xFFFFE000  }
0x2c6: {  	_ =	swait.ge [sflag:s15], $0x2000  }
0x2c7: {  	[sflag:s15] =	ssyncset.done $0x0  }
0x2c8: {  	s1 =	rddreg [dreg:$0xe];
	[sflag:s15] =	ssyncadd.s32 $0xFFFFE000  }
0x2c9: {  	[hbm4b:s1+s2] =	stream.linear.scatter [tilespmem:s7], [sflag:$0x6], $0x4000, $0x38;
	[tilespmem:$0x1A000] =	vst v63  }
0x2ca: {  	_ =	swait.ge [sflag:s8], $0x4000  }
0x2cb: {  	s21 =	sld [smem:$0x7DA]  }
0x2cc: {  	[sflag:s8] =	ssyncset.done $0x0  }
0x2cd: {  	s31 =	sld [smem:$0x7DB];
	[sflag:s8] =	ssyncadd.s32 $0xFFFFC000  }
0x2ce: {  	[tilespmem:s9], [sflag:$0x1] =	stream.indirect.gather [spmem:s3], $0x40, s21, s5, $0xb8;
	[tilespmem:$0x1A000] =	vst v63  }
0x2cf: {  	_ = 	snop  }
0x2d0: {  	[tilespmem:s20], [sflag:$0x1] =	stream.indirect.gather [spmem:s3], $0x40, s31, s5, $0xb8;
	[tilespmem:$0x1A000] =	vst v63  }
0x2d1: {  	_ =	swait.ge [sflag:s14], $0x2000  }
0x2d2: {  	[sflag:s14] =	ssyncset.done $0x0  }
0x2d3: {  	[sflag:s14] =	ssyncadd.s32 $0xFFFFE000  }
0x2d4: {  	_ =	swait.ge [sflag:s14], $0x2000  }
0x2d5: {  	[sflag:s14] =	ssyncset.done $0x0  }
0x2d6: {  	s1 =	rddreg [dreg:$0xf];
	[sflag:s14] =	ssyncadd.s32 $0xFFFFE000  }
0x2d7: {  	[hbm4b:s1+s2] =	stream.linear.scatter [tilespmem:s4], [sflag:$0x7], $0x4000, $0x38;
	[tilespmem:$0x1A000] =	vst v63  }
0x2d8: {  	_ =	swait.ge [sflag:s10], $0x4000  }
0x2d9: {  	s21 =	sld [smem:$0x7DC]  }
0x2da: {  	[sflag:s10] =	ssyncset.done $0x0  }
0x2db: {  	s31 =	sld [smem:$0x7DD];
	[sflag:s10] =	ssyncadd.s32 $0xFFFFC000  }
0x2dc: {  	[tilespmem:s7], [sflag:$0x2] =	stream.indirect.gather [spmem:s3], $0x40, s21, s5, $0xb8;
	[tilespmem:$0x1A000] =	vst v63  }
0x2dd: {  	_ = 	snop  }
0x2de: {  	[tilespmem:s19], [sflag:$0x2] =	stream.indirect.gather [spmem:s3], $0x40, s31, s5, $0xb8;
	[tilespmem:$0x1A000] =	vst v63  }
0x2df: {  	_ =	swait.ge [sflag:s13], $0x2000  }
0x2e0: {  	[sflag:s13] =	ssyncset.done $0x0  }
0x2e1: {  	[sflag:s13] =	ssyncadd.s32 $0xFFFFE000  }
0x2e2: {  	_ =	swait.ge [sflag:s13], $0x2000  }
0x2e3: {  	[sflag:s13] =	ssyncset.done $0x0  }
0x2e4: {  	s1 =	rddreg [dreg:$0x10];
	[sflag:s13] =	ssyncadd.s32 $0xFFFFE000  }
0x2e5: {  	[hbm4b:s1+s2] =	stream.linear.scatter [tilespmem:s6], [sflag:$0x8], $0x4000, $0x38;
	[tilespmem:$0x1A000] =	vst v63  }
0x2e6: {  	_ =	swait.ge [sflag:s11], $0x4000  }
0x2e7: {  	s21 =	sld [smem:$0x7DE]  }
0x2e8: {  	[sflag:s11] =	ssyncset.done $0x0  }
0x2e9: {  	s31 =	sld [smem:$0x7DF];
	[sflag:s11] =	ssyncadd.s32 $0xFFFFC000  }
0x2ea: {  	[tilespmem:s4], [sflag:$0x3] =	stream.indirect.gather [spmem:s3], $0x40, s21, s5, $0xb8;
	[tilespmem:$0x1A000] =	vst v63  }
0x2eb: {  	_ = 	snop  }
0x2ec: {  	[tilespmem:s18], [sflag:$0x3] =	stream.indirect.gather [spmem:s3], $0x40, s31, s5, $0xb8;
	[tilespmem:$0x1A000] =	vst v63  }
0x2ed: {  	_ =	swait.ge [sflag:s16], $0x2000  }
0x2ee: {  	[sflag:s16] =	ssyncset.done $0x0  }
0x2ef: {  	[sflag:s16] =	ssyncadd.s32 $0xFFFFE000  }
0x2f0: {  	_ =	swait.ge [sflag:s16], $0x2000  }
0x2f1: {  	[sflag:s16] =	ssyncset.done $0x0  }
0x2f2: {  	s1 =	rddreg [dreg:$0x11];
	[sflag:s16] =	ssyncadd.s32 $0xFFFFE000  }
0x2f3: {  	[hbm4b:s1+s2] =	stream.linear.scatter [tilespmem:s9], [sflag:$0x5], $0x4000, $0x38;
	[tilespmem:$0x1A000] =	vst v63  }
0x2f4: {  	_ =	swait.ge [sflag:s12], $0x4000  }
0x2f5: {  	s21 =	sld [smem:$0x7E0]  }
0x2f6: {  	[sflag:s12] =	ssyncset.done $0x0  }
0x2f7: {  	s31 =	sld [smem:$0x7E1];
	[sflag:s12] =	ssyncadd.s32 $0xFFFFC000  }
0x2f8: {  	[tilespmem:s6], [sflag:$0x4] =	stream.indirect.gather [spmem:s3], $0x40, s21, s5, $0xb8;
	[tilespmem:$0x1A000] =	vst v63  }
0x2f9: {  	_ = 	snop  }
0x2fa: {  	[tilespmem:s17], [sflag:$0x4] =	stream.indirect.gather [spmem:s3], $0x40, s31, s5, $0xb8;
	[tilespmem:$0x1A000] =	vst v63  }
0x2fb: {  	_ =	swait.ge [sflag:s15], $0x2000  }
0x2fc: {  	[sflag:s15] =	ssyncset.done $0x0  }
0x2fd: {  	[sflag:s15] =	ssyncadd.s32 $0xFFFFE000  }
0x2fe: {  	_ =	swait.ge [sflag:s15], $0x2000  }
0x2ff: {  	[sflag:s15] =	ssyncset.done $0x0  }
0x300: {  	s1 =	rddreg [dreg:$0x12];
	[sflag:s15] =	ssyncadd.s32 $0xFFFFE000  }
0x301: {  	[hbm4b:s1+s2] =	stream.linear.scatter [tilespmem:s7], [sflag:$0x6], $0x4000, $0x38;
	[tilespmem:$0x1A000] =	vst v63  }
0x302: {  	_ =	swait.ge [sflag:s8], $0x4000  }
0x303: {  	s21 =	sld [smem:$0x7E2]  }
0x304: {  	[sflag:s8] =	ssyncset.done $0x0  }
0x305: {  	s31 =	sld [smem:$0x7E3];
	[sflag:s8] =	ssyncadd.s32 $0xFFFFC000  }
0x306: {  	[tilespmem:s9], [sflag:$0x1] =	stream.indirect.gather [spmem:s3], $0x40, s21, s5, $0xb8;
	[tilespmem:$0x1A000] =	vst v63  }
0x307: {  	_ = 	snop  }
0x308: {  	[tilespmem:s20], [sflag:$0x1] =	stream.indirect.gather [spmem:s3], $0x40, s31, s5, $0xb8;
	[tilespmem:$0x1A000] =	vst v63  }
0x309: {  	_ =	swait.ge [sflag:s14], $0x2000  }
0x30a: {  	[sflag:s14] =	ssyncset.done $0x0  }
0x30b: {  	[sflag:s14] =	ssyncadd.s32 $0xFFFFE000  }
0x30c: {  	_ =	swait.ge [sflag:s14], $0x2000  }
0x30d: {  	[sflag:s14] =	ssyncset.done $0x0  }
0x30e: {  	s1 =	rddreg [dreg:$0x13];
	[sflag:s14] =	ssyncadd.s32 $0xFFFFE000  }
0x30f: {  	[hbm4b:s1+s2] =	stream.linear.scatter [tilespmem:s4], [sflag:$0x7], $0x4000, $0x38;
	[tilespmem:$0x1A000] =	vst v63  }
0x310: {  	_ =	swait.ge [sflag:s10], $0x4000  }
0x311: {  	s21 =	sld [smem:$0x7E4]  }
0x312: {  	[sflag:s10] =	ssyncset.done $0x0  }
0x313: {  	s31 =	sld [smem:$0x7E5];
	[sflag:s10] =	ssyncadd.s32 $0xFFFFC000  }
0x314: {  	[tilespmem:s7], [sflag:$0x2] =	stream.indirect.gather [spmem:s3], $0x40, s21, s5, $0xb8;
	[tilespmem:$0x1A000] =	vst v63  }
0x315: {  	_ = 	snop  }
0x316: {  	[tilespmem:s19], [sflag:$0x2] =	stream.indirect.gather [spmem:s3], $0x40, s31, s5, $0xb8;
	[tilespmem:$0x1A000] =	vst v63  }
0x317: {  	_ =	swait.ge [sflag:s13], $0x2000  }
0x318: {  	[sflag:s13] =	ssyncset.done $0x0  }
0x319: {  	[sflag:s13] =	ssyncadd.s32 $0xFFFFE000  }
0x31a: {  	_ =	swait.ge [sflag:s13], $0x2000  }
0x31b: {  	[sflag:s13] =	ssyncset.done $0x0  }
0x31c: {  	s1 =	rddreg [dreg:$0x14];
	[sflag:s13] =	ssyncadd.s32 $0xFFFFE000  }
0x31d: {  	[hbm4b:s1+s2] =	stream.linear.scatter [tilespmem:s6], [sflag:$0x8], $0x4000, $0x38;
	[tilespmem:$0x1A000] =	vst v63  }
0x31e: {  	_ =	swait.ge [sflag:s11], $0x4000  }
0x31f: {  	s21 =	sld [smem:$0x7E6]  }
0x320: {  	[sflag:s11] =	ssyncset.done $0x0  }
0x321: {  	s31 =	sld [smem:$0x7E7];
	[sflag:s11] =	ssyncadd.s32 $0xFFFFC000  }
0x322: {  	[tilespmem:s4], [sflag:$0x3] =	stream.indirect.gather [spmem:s3], $0x40, s21, s5, $0xb8;
	[tilespmem:$0x1A000] =	vst v63  }
0x323: {  	_ = 	snop  }
0x324: {  	[tilespmem:s18], [sflag:$0x3] =	stream.indirect.gather [spmem:s3], $0x40, s31, s5, $0xb8;
	[tilespmem:$0x1A000] =	vst v63  }
0x325: {  	_ =	swait.ge [sflag:s16], $0x2000  }
0x326: {  	[sflag:s16] =	ssyncset.done $0x0  }
0x327: {  	[sflag:s16] =	ssyncadd.s32 $0xFFFFE000  }
0x328: {  	_ =	swait.ge [sflag:s16], $0x2000  }
0x329: {  	[sflag:s16] =	ssyncset.done $0x0  }
0x32a: {  	s1 =	rddreg [dreg:$0x15];
	[sflag:s16] =	ssyncadd.s32 $0xFFFFE000  }
0x32b: {  	[hbm4b:s1+s2] =	stream.linear.scatter [tilespmem:s9], [sflag:$0x5], $0x4000, $0x38;
	[tilespmem:$0x1A000] =	vst v63  }
0x32c: {  	_ =	swait.ge [sflag:s12], $0x4000  }
0x32d: {  	s21 =	sld [smem:$0x7E8]  }
0x32e: {  	[sflag:s12] =	ssyncset.done $0x0  }
0x32f: {  	s31 =	sld [smem:$0x7E9];
	[sflag:s12] =	ssyncadd.s32 $0xFFFFC000  }
0x330: {  	[tilespmem:s6], [sflag:$0x4] =	stream.indirect.gather [spmem:s3], $0x40, s21, s5, $0xb8;
	[tilespmem:$0x1A000] =	vst v63  }
0x331: {  	_ = 	snop  }
0x332: {  	[tilespmem:s17], [sflag:$0x4] =	stream.indirect.gather [spmem:s3], $0x40, s31, s5, $0xb8;
	[tilespmem:$0x1A000] =	vst v63  }
0x333: {  	_ =	swait.ge [sflag:s15], $0x2000  }
0x334: {  	[sflag:s15] =	ssyncset.done $0x0  }
0x335: {  	[sflag:s15] =	ssyncadd.s32 $0xFFFFE000  }
0x336: {  	_ =	swait.ge [sflag:s15], $0x2000  }
0x337: {  	[sflag:s15] =	ssyncset.done $0x0  }
0x338: {  	s1 =	rddreg [dreg:$0x16];
	[sflag:s15] =	ssyncadd.s32 $0xFFFFE000  }
0x339: {  	[hbm4b:s1+s2] =	stream.linear.scatter [tilespmem:s7], [sflag:$0x6], $0x4000, $0x38;
	[tilespmem:$0x1A000] =	vst v63  }
0x33a: {  	_ =	swait.ge [sflag:s8], $0x4000  }
0x33b: {  	s21 =	sld [smem:$0x7EA]  }
0x33c: {  	[sflag:s8] =	ssyncset.done $0x0  }
0x33d: {  	s31 =	sld [smem:$0x7EB];
	[sflag:s8] =	ssyncadd.s32 $0xFFFFC000  }
0x33e: {  	[tilespmem:s9], [sflag:$0x1] =	stream.indirect.gather [spmem:s3], $0x40, s21, s5, $0xb8;
	[tilespmem:$0x1A000] =	vst v63  }
0x33f: {  	_ = 	snop  }
0x340: {  	[tilespmem:s20], [sflag:$0x1] =	stream.indirect.gather [spmem:s3], $0x40, s31, s5, $0xb8;
	[tilespmem:$0x1A000] =	vst v63  }
0x341: {  	_ =	swait.ge [sflag:s14], $0x2000  }
0x342: {  	[sflag:s14] =	ssyncset.done $0x0  }
0x343: {  	[sflag:s14] =	ssyncadd.s32 $0xFFFFE000  }
0x344: {  	_ =	swait.ge [sflag:s14], $0x2000  }
0x345: {  	[sflag:s14] =	ssyncset.done $0x0  }
0x346: {  	s1 =	rddreg [dreg:$0x17];
	[sflag:s14] =	ssyncadd.s32 $0xFFFFE000  }
0x347: {  	[hbm4b:s1+s2] =	stream.linear.scatter [tilespmem:s4], [sflag:$0x7], $0x4000, $0x38;
	[tilespmem:$0x1A000] =	vst v63  }
0x348: {  	_ =	swait.ge [sflag:s10], $0x4000  }
0x349: {  	s21 =	sld [smem:$0x7EC]  }
0x34a: {  	[sflag:s10] =	ssyncset.done $0x0  }
0x34b: {  	s31 =	sld [smem:$0x7ED];
	[sflag:s10] =	ssyncadd.s32 $0xFFFFC000  }
0x34c: {  	[tilespmem:s7], [sflag:$0x2] =	stream.indirect.gather [spmem:s3], $0x40, s21, s5, $0xb8;
	[tilespmem:$0x1A000] =	vst v63  }
0x34d: {  	_ = 	snop  }
0x34e: {  	[tilespmem:s19], [sflag:$0x2] =	stream.indirect.gather [spmem:s3], $0x40, s31, s5, $0xb8;
	[tilespmem:$0x1A000] =	vst v63  }
0x34f: {  	_ =	swait.ge [sflag:s13], $0x2000  }
0x350: {  	[sflag:s13] =	ssyncset.done $0x0  }
0x351: {  	[sflag:s13] =	ssyncadd.s32 $0xFFFFE000  }
0x352: {  	_ =	swait.ge [sflag:s13], $0x2000  }
0x353: {  	[sflag:s13] =	ssyncset.done $0x0  }
0x354: {  	s1 =	rddreg [dreg:$0x18];
	[sflag:s13] =	ssyncadd.s32 $0xFFFFE000  }
0x355: {  	[hbm4b:s1+s2] =	stream.linear.scatter [tilespmem:s6], [sflag:$0x8], $0x4000, $0x38;
	[tilespmem:$0x1A000] =	vst v63  }
0x356: {  	_ =	swait.ge [sflag:s11], $0x4000  }
0x357: {  	s21 =	sld [smem:$0x7EE]  }
0x358: {  	[sflag:s11] =	ssyncset.done $0x0  }
0x359: {  	s31 =	sld [smem:$0x7EF];
	[sflag:s11] =	ssyncadd.s32 $0xFFFFC000  }
0x35a: {  	[tilespmem:s4], [sflag:$0x3] =	stream.indirect.gather [spmem:s3], $0x40, s21, s5, $0xb8;
	[tilespmem:$0x1A000] =	vst v63  }
0x35b: {  	_ = 	snop  }
0x35c: {  	[tilespmem:s18], [sflag:$0x3] =	stream.indirect.gather [spmem:s3], $0x40, s31, s5, $0xb8;
	[tilespmem:$0x1A000] =	vst v63  }
0x35d: {  	_ =	swait.ge [sflag:s16], $0x2000  }
0x35e: {  	[sflag:s16] =	ssyncset.done $0x0  }
0x35f: {  	[sflag:s16] =	ssyncadd.s32 $0xFFFFE000  }
0x360: {  	_ =	swait.ge [sflag:s16], $0x2000  }
0x361: {  	[sflag:s16] =	ssyncset.done $0x0  }
0x362: {  	s1 =	rddreg [dreg:$0x19];
	[sflag:s16] =	ssyncadd.s32 $0xFFFFE000  }
0x363: {  	[hbm4b:s1+s2] =	stream.linear.scatter [tilespmem:s9], [sflag:$0x5], $0x4000, $0x38;
	[tilespmem:$0x1A000] =	vst v63  }
0x364: {  	_ =	swait.ge [sflag:s12], $0x4000  }
0x365: {  	s21 =	sld [smem:$0x7F0]  }
0x366: {  	[sflag:s12] =	ssyncset.done $0x0  }
0x367: {  	s31 =	sld [smem:$0x7F1];
	[sflag:s12] =	ssyncadd.s32 $0xFFFFC000  }
0x368: {  	[tilespmem:s6], [sflag:$0x4] =	stream.indirect.gather [spmem:s3], $0x40, s21, s5, $0xb8;
	[tilespmem:$0x1A000] =	vst v63  }
0x369: {  	_ = 	snop  }
0x36a: {  	[tilespmem:s17], [sflag:$0x4] =	stream.indirect.gather [spmem:s3], $0x40, s31, s5, $0xb8;
	[tilespmem:$0x1A000] =	vst v63  }
0x36b: {  	_ =	swait.ge [sflag:s15], $0x2000  }
0x36c: {  	[sflag:s15] =	ssyncset.done $0x0  }
0x36d: {  	[sflag:s15] =	ssyncadd.s32 $0xFFFFE000  }
0x36e: {  	_ =	swait.ge [sflag:s15], $0x2000  }
0x36f: {  	[sflag:s15] =	ssyncset.done $0x0  }
0x370: {  	s1 =	rddreg [dreg:$0x1a];
	[sflag:s15] =	ssyncadd.s32 $0xFFFFE000  }
0x371: {  	[hbm4b:s1+s2] =	stream.linear.scatter [tilespmem:s7], [sflag:$0x6], $0x4000, $0x38;
	[tilespmem:$0x1A000] =	vst v63  }
0x372: {  	_ =	swait.ge [sflag:s8], $0x4000  }
0x373: {  	s21 =	sld [smem:$0x7F2]  }
0x374: {  	[sflag:s8] =	ssyncset.done $0x0  }
0x375: {  	s31 =	sld [smem:$0x7F3];
	[sflag:s8] =	ssyncadd.s32 $0xFFFFC000  }
0x376: {  	[tilespmem:s9], [sflag:$0x1] =	stream.indirect.gather [spmem:s3], $0x40, s21, s5, $0xb8;
	[tilespmem:$0x1A000] =	vst v63  }
0x377: {  	_ = 	snop  }
0x378: {  	[tilespmem:s20], [sflag:$0x1] =	stream.indirect.gather [spmem:s3], $0x40, s31, s5, $0xb8;
	[tilespmem:$0x1A000] =	vst v63  }
0x379: {  	_ =	swait.ge [sflag:s14], $0x2000  }
0x37a: {  	[sflag:s14] =	ssyncset.done $0x0  }
0x37b: {  	[sflag:s14] =	ssyncadd.s32 $0xFFFFE000  }
0x37c: {  	_ =	swait.ge [sflag:s14], $0x2000  }
0x37d: {  	[sflag:s14] =	ssyncset.done $0x0  }
0x37e: {  	s1 =	rddreg [dreg:$0x1b];
	[sflag:s14] =	ssyncadd.s32 $0xFFFFE000  }
0x37f: {  	[hbm4b:s1+s2] =	stream.linear.scatter [tilespmem:s4], [sflag:$0x7], $0x4000, $0x38;
	[tilespmem:$0x1A000] =	vst v63  }
0x380: {  	_ =	swait.ge [sflag:s10], $0x4000  }
0x381: {  	s21 =	sld [smem:$0x7F4]  }
0x382: {  	[sflag:s10] =	ssyncset.done $0x0  }
0x383: {  	s31 =	sld [smem:$0x7F5];
	[sflag:s10] =	ssyncadd.s32 $0xFFFFC000  }
0x384: {  	[tilespmem:s7], [sflag:$0x2] =	stream.indirect.gather [spmem:s3], $0x40, s21, s5, $0xb8;
	[tilespmem:$0x1A000] =	vst v63  }
0x385: {  	_ = 	snop  }
0x386: {  	[tilespmem:s19], [sflag:$0x2] =	stream.indirect.gather [spmem:s3], $0x40, s31, s5, $0xb8;
	[tilespmem:$0x1A000] =	vst v63  }
0x387: {  	_ =	swait.ge [sflag:s13], $0x2000  }
0x388: {  	[sflag:s13] =	ssyncset.done $0x0  }
0x389: {  	[sflag:s13] =	ssyncadd.s32 $0xFFFFE000  }
0x38a: {  	_ =	swait.ge [sflag:s13], $0x2000  }
0x38b: {  	[sflag:s13] =	ssyncset.done $0x0  }
0x38c: {  	s1 =	rddreg [dreg:$0x1c];
	[sflag:s13] =	ssyncadd.s32 $0xFFFFE000  }
0x38d: {  	[hbm4b:s1+s2] =	stream.linear.scatter [tilespmem:s6], [sflag:$0x8], $0x4000, $0x38;
	[tilespmem:$0x1A000] =	vst v63  }
0x38e: {  	_ =	swait.ge [sflag:s11], $0x4000  }
0x38f: {  	s21 =	sld [smem:$0x7F6]  }
0x390: {  	[sflag:s11] =	ssyncset.done $0x0  }
0x391: {  	s31 =	sld [smem:$0x7F7];
	[sflag:s11] =	ssyncadd.s32 $0xFFFFC000  }
0x392: {  	[tilespmem:s4], [sflag:$0x3] =	stream.indirect.gather [spmem:s3], $0x40, s21, s5, $0xb8;
	[tilespmem:$0x1A000] =	vst v63  }
0x393: {  	_ = 	snop  }
0x394: {  	[tilespmem:s18], [sflag:$0x3] =	stream.indirect.gather [spmem:s3], $0x40, s31, s5, $0xb8;
	[tilespmem:$0x1A000] =	vst v63  }
0x395: {  	_ =	swait.ge [sflag:s16], $0x2000  }
0x396: {  	[sflag:s16] =	ssyncset.done $0x0  }
0x397: {  	[sflag:s16] =	ssyncadd.s32 $0xFFFFE000  }
0x398: {  	_ =	swait.ge [sflag:s16], $0x2000  }
0x399: {  	[sflag:s16] =	ssyncset.done $0x0  }
0x39a: {  	s1 =	rddreg [dreg:$0x1d];
	[sflag:s16] =	ssyncadd.s32 $0xFFFFE000  }
0x39b: {  	[hbm4b:s1+s2] =	stream.linear.scatter [tilespmem:s9], [sflag:$0x5], $0x4000, $0x38;
	[tilespmem:$0x1A000] =	vst v63  }
0x39c: {  	_ =	swait.ge [sflag:s12], $0x4000  }
0x39d: {  	s21 =	sld [smem:$0x7F8]  }
0x39e: {  	[sflag:s12] =	ssyncset.done $0x0  }
0x39f: {  	s31 =	sld [smem:$0x7F9];
	[sflag:s12] =	ssyncadd.s32 $0xFFFFC000  }
0x3a0: {  	[tilespmem:s6], [sflag:$0x4] =	stream.indirect.gather [spmem:s3], $0x40, s21, s5, $0xb8;
	[tilespmem:$0x1A000] =	vst v63  }
0x3a1: {  	_ = 	snop  }
0x3a2: {  	[tilespmem:s17], [sflag:$0x4] =	stream.indirect.gather [spmem:s3], $0x40, s31, s5, $0xb8;
	[tilespmem:$0x1A000] =	vst v63  }
0x3a3: {  	_ =	swait.ge [sflag:s15], $0x2000  }
0x3a4: {  	[sflag:s15] =	ssyncset.done $0x0  }
0x3a5: {  	[sflag:s15] =	ssyncadd.s32 $0xFFFFE000  }
0x3a6: {  	_ =	swait.ge [sflag:s15], $0x2000  }
0x3a7: {  	[sflag:s15] =	ssyncset.done $0x0  }
0x3a8: {  	s1 =	rddreg [dreg:$0x1e];
	[sflag:s15] =	ssyncadd.s32 $0xFFFFE000  }
0x3a9: {  	[hbm4b:s1+s2] =	stream.linear.scatter [tilespmem:s7], [sflag:$0x6], $0x4000, $0x38;
	[tilespmem:$0x1A000] =	vst v63  }
0x3aa: {  	_ =	swait.ge [sflag:s8], $0x4000  }
0x3ab: {  	s21 =	sld [smem:$0x7FA]  }
0x3ac: {  	[sflag:s8] =	ssyncset.done $0x0  }
0x3ad: {  	s31 =	sld [smem:$0x7FB];
	[sflag:s8] =	ssyncadd.s32 $0xFFFFC000  }
0x3ae: {  	[tilespmem:s9], [sflag:$0x1] =	stream.indirect.gather [spmem:s3], $0x40, s21, s5, $0xb8;
	[tilespmem:$0x1A000] =	vst v63  }
0x3af: {  	_ = 	snop  }
0x3b0: {  	[tilespmem:s20], [sflag:$0x1] =	stream.indirect.gather [spmem:s3], $0x40, s31, s5, $0xb8;
	[tilespmem:$0x1A000] =	vst v63  }
0x3b1: {  	_ =	swait.ge [sflag:s14], $0x2000  }
0x3b2: {  	[sflag:s14] =	ssyncset.done $0x0  }
0x3b3: {  	[sflag:s14] =	ssyncadd.s32 $0xFFFFE000  }
0x3b4: {  	_ =	swait.ge [sflag:s14], $0x2000  }
0x3b5: {  	[sflag:s14] =	ssyncset.done $0x0  }
0x3b6: {  	s1 =	rddreg [dreg:$0x1f];
	[sflag:s14] =	ssyncadd.s32 $0xFFFFE000  }
0x3b7: {  	[hbm4b:s1+s2] =	stream.linear.scatter [tilespmem:s4], [sflag:$0x7], $0x4000, $0x38;
	[tilespmem:$0x1A000] =	vst v63  }
0x3b8: {  	_ =	swait.ge [sflag:s10], $0x4000  }
0x3b9: {  	s21 =	sld [smem:$0x7FC]  }
0x3ba: {  	[sflag:s10] =	ssyncset.done $0x0  }
0x3bb: {  	s31 =	sld [smem:$0x7FD];
	[sflag:s10] =	ssyncadd.s32 $0xFFFFC000  }
0x3bc: {  	[tilespmem:s7], [sflag:$0x2] =	stream.indirect.gather [spmem:s3], $0x40, s21, s5, $0xb8;
	[tilespmem:$0x1A000] =	vst v63  }
0x3bd: {  	_ = 	snop  }
0x3be: {  	[tilespmem:s19], [sflag:$0x2] =	stream.indirect.gather [spmem:s3], $0x40, s31, s5, $0xb8;
	[tilespmem:$0x1A000] =	vst v63  }
0x3bf: {  	_ =	swait.ge [sflag:s13], $0x2000  }
0x3c0: {  	[sflag:s13] =	ssyncset.done $0x0  }
0x3c1: {  	[sflag:s13] =	ssyncadd.s32 $0xFFFFE000  }
0x3c2: {  	_ =	swait.ge [sflag:s13], $0x2000  }
0x3c3: {  	s1 =	sld [smem:$0x7BE]  }
0x3c4: {  	[sflag:s13] =	ssyncset.done $0x0  }
0x3c5: {  	[sflag:s13] =	ssyncadd.s32 $0xFFFFE000  }
0x3c6: {  	[hbm4b:s1+s2] =	stream.linear.scatter [tilespmem:s6], [sflag:$0x8], $0x4000, $0x38;
	[tilespmem:$0x1A000] =	vst v63  }
0x3c7: {  	_ =	swait.ge [sflag:s11], $0x4000  }
0x3c8: {  	[sflag:s11] =	ssyncset.done $0x0  }
0x3c9: {  	[sflag:s11] =	ssyncadd.s32 $0xFFFFC000  }
0x3ca: {  	[tilespmem:s4], [sflag:$0x3] =	stream.indirect.gather [spmem:s3], $0x40, s23, s5, $0xb8;
	[tilespmem:$0x1A000] =	vst v63  }
0x3cb: {  	_ = 	snop  }
0x3cc: {  	[tilespmem:s18], [sflag:$0x3] =	stream.indirect.gather [spmem:s3], $0x40, s24, s5, $0xb8;
	[tilespmem:$0x1A000] =	vst v63  }
0x3cd: {  	_ =	swait.ge [sflag:s16], $0x2000  }
0x3ce: {  	[sflag:s16] =	ssyncset.done $0x0  }
0x3cf: {  	[sflag:s16] =	ssyncadd.s32 $0xFFFFE000  }
0x3d0: {  	_ =	swait.ge [sflag:s16], $0x2000  }
0x3d1: {  	s21 =	sld [smem:$0x7BF]  }
0x3d2: {  	[sflag:s16] =	ssyncset.done $0x0  }
0x3d3: {  	[sflag:s16] =	ssyncadd.s32 $0xFFFFE000  }
0x3d4: {  	[hbm4b:s21+s2] =	stream.linear.scatter [tilespmem:s9], [sflag:$0x5], $0x4000, $0x38;
	[tilespmem:$0x1A000] =	vst v63  }
0x3d5: {  	_ =	swait.ge [sflag:s12], $0x4000  }
0x3d6: {  	[sflag:s12] =	ssyncset.done $0x0  }
0x3d7: {  	s31 =	simm.s32 $0x1F00;
	[sflag:s12] =	ssyncadd.s32 $0xFFFFC000  }
0x3d8: {  	[tilespmem:s6], [sflag:$0x4] =	stream.indirect.gather [spmem:s3], $0x40, s31, s5, $0xb8;
	[tilespmem:$0x1A000] =	vst v63  }
0x3d9: {  	_ = 	snop  }
0x3da: {  	[tilespmem:s17], [sflag:$0x4] =	stream.indirect.gather [spmem:s3], $0x40, s22, s5, $0xb8;
	[tilespmem:$0x1A000] =	vst v63  }
0x3db: {  	_ =	swait.ge [sflag:s15], $0x2000  }
0x3dc: {  	[sflag:s15] =	ssyncset.done $0x0  }
0x3dd: {  	[sflag:s15] =	ssyncadd.s32 $0xFFFFE000  }
0x3de: {  	_ =	swait.ge [sflag:s15], $0x2000  }
0x3df: {  	s1 =	sld [smem:$0x7C0]  }
0x3e0: {  	[sflag:s15] =	ssyncset.done $0x0  }
0x3e1: {  	[sflag:s15] =	ssyncadd.s32 $0xFFFFE000  }
0x3e2: {  	[hbm4b:s1+s2] =	stream.linear.scatter [tilespmem:s7], [sflag:$0x6], $0x4000, $0x38;
	[tilespmem:$0x1A000] =	vst v63  }
0x3e3: {  	_ =	swait.ge [sflag:s14], $0x2000  }
0x3e4: {  	[sflag:s14] =	ssyncset.done $0x0  }
0x3e5: {  	[sflag:s14] =	ssyncadd.s32 $0xFFFFE000  }
0x3e6: {  	_ =	swait.ge [sflag:s14], $0x2000  }
0x3e7: {  	s21 =	sld [smem:$0x7C1]  }
0x3e8: {  	[sflag:s14] =	ssyncset.done $0x0  }
0x3e9: {  	[sflag:s14] =	ssyncadd.s32 $0xFFFFE000  }
0x3ea: {  	[hbm4b:s21+s2] =	stream.linear.scatter [tilespmem:s4], [sflag:$0x7], $0x4000, $0x38;
	[tilespmem:$0x1A000] =	vst v63  }
0x3eb: {  	_ =	swait.ge [sflag:s13], $0x2000  }
0x3ec: {  	[sflag:s13] =	ssyncset.done $0x0  }
0x3ed: {  	[sflag:s13] =	ssyncadd.s32 $0xFFFFE000  }
0x3ee: {  	_ =	swait.ge [sflag:s13], $0x2000  }
0x3ef: {  	s31 =	sld [smem:$0x7C2]  }
0x3f0: {  	[sflag:s13] =	ssyncset.done $0x0  }
0x3f1: {  	[sflag:s13] =	ssyncadd.s32 $0xFFFFE000  }
0x3f2: {  	[hbm4b:s31+s2] =	stream.linear.scatter [tilespmem:s6], [sflag:$0x8], $0x4000, $0x38;
	[tilespmem:$0x1A000] =	vst v63  }
0x3f3: {  	_ =	swait.ge [sflag:s8], $0x4000  }
0x3f4: {  	[sflag:s8] =	ssyncset.done $0x0  }
0x3f5: {  	[sflag:s8] =	ssyncadd.s32 $0xFFFFC000  }
0x3f6: {  	_ =	swait.ge [sflag:s10], $0x4000  }
0x3f7: {  	p1 =	sne.s32 s30, $0x1;
	[sflag:s10] =	ssyncset.done $0x0  }
.Ltmp2:
0x3f8: {  	[sflag:s10] =	ssyncadd.s32 $0xFFFFC000;
	(pc) =	sbr.rel @p1 .LBB2_3-.Ltmp2, $4  }
0x3f9: {  	_ =	swait.ge [sflag:s11], $0x4000  }
0x3fa: {  	[sflag:s11] =	ssyncset.done $0x0  }
0x3fb: {  	[sflag:s11] =	ssyncadd.s32 $0xFFFFC000  }
0x3fc: {  	s30 =	sadd.s32 $0xFFFFFFFF, s30;
	_ =	swait.ge [sflag:s12], $0x4000  }
0x3fd: {  	s29 =	stileid.u32;
	s31 =	rddreg [dreg:$0x3]  }
.LBB2_5:
0x3fe: {  	[sflag:s12] =	ssyncset.done @p0 $0x0  }
0x3ff: {  	s0 =	rddreg [dreg:$0x4];
	[sflag:s12] =	ssyncadd.s32 @p0 $0xFFFFC000  }
0x400: {  	[tilespmem:s2], [sflag:$0x9] =	stream.linear.gather [hbm4b:s0+s2], $0x2000, $0x38;
	[tilespmem:$0x1A000] =	vst v63  }
0x401: {  	_ =	swait.ge [sflag:s28], $0x2000  }
0x402: {  	[sflag:s28] =	ssyncset.done $0x0  }
0x403: {  	[sflag:s28] =	ssyncadd.s32 $0xFFFFE000  }
0x404: {  	[tilespmem:s9], [sflag:$0x1] =	stream.indirect.gather [hbm4b:s26+s5], $0x40, s2, s5, $0xb8;
	[tilespmem:$0x1A000] =	vst v63  }
0x405: {  	s30 =	sld [smem:$0x7C3]  }
0x406: {  	[tilespmem:s20], [sflag:$0x1] =	stream.indirect.gather [hbm4b:s26+s5], $0x40, s5, s5, $0xb8;
	[tilespmem:$0x1A000] =	vst v63  }
0x407: {  	s1 =	sld [smem:$0x7C4]  }
0x408: {  	[tilespmem:s7], [sflag:$0x2] =	stream.indirect.gather [hbm4b:s26+s5], $0x40, s30, s5, $0xb8;
	[tilespmem:$0x1A000] =	vst v63  }
0x409: {  	_ = 	snop  }
0x40a: {  	[tilespmem:s19], [sflag:$0x2] =	stream.indirect.gather [hbm4b:s26+s5], $0x40, s1, s5, $0xb8;
	[tilespmem:$0x1A000] =	vst v63  }
0x40b: {  	s1 =	sld [smem:$0x7C5]  }
0x40c: {  	s21 =	sshll.u32 s29, $0x6  }
0x40d: {  	s21 =	sor.u32 $0x1C09, s21;
	s26 =	rddreg [dreg:$0x5]  }
0x40e: {  	[spmem:s1], [sflag:s21] =	dma.local [hbm:s26], $0x1000  }
0x40f: {  	_ =	swait.ge [sflag:s28], $0x1000  }
0x410: {  	[sflag:s28] =	ssyncset.done $0x0  }
0x411: {  	[sflag:s28] =	ssyncadd.s32 $0xFFFFF000  }
0x412: {  	[bflag:$0x0] =	sbarrier.arrive $0xFFFF  }
0x413: {  	s28 =	sld [smem:$0x7C6];
	_ =	sdelay $0x1  }
0x414: {  	s30 =	sld [smem:$0x7C7]  }
0x415: {  	[tilespmem:s4], [sflag:$0x3] =	stream.indirect.gather [spmem:s3], $0x40, s28, s5, $0xb8;
	[tilespmem:$0x1A000] =	vst v63  }
0x416: {  	_ = 	snop  }
0x417: {  	[tilespmem:s18], [sflag:$0x3] =	stream.indirect.gather [spmem:s3], $0x40, s30, s5, $0xb8;
	[tilespmem:$0x1A000] =	vst v63  }
0x418: {  	_ =	swait.ge [sflag:s16], $0x2000  }
0x419: {  	[sflag:s16] =	ssyncset.done $0x0  }
0x41a: {  	[sflag:s16] =	ssyncadd.s32 $0xFFFFE000  }
0x41b: {  	_ =	swait.ge [sflag:s16], $0x2000  }
0x41c: {  	[sflag:s16] =	ssyncset.done $0x0  }
0x41d: {  	s1 =	sld [smem:$0x7C8];
	[sflag:s16] =	ssyncadd.s32 $0xFFFFE000  }
0x41e: {  	[hbm4b:s25+s2] =	stream.linear.scatter [tilespmem:s9], [sflag:$0x5], $0x4000, $0x38;
	[tilespmem:$0x1A000] =	vst v63  }
0x41f: {  	s21 =	sld [smem:$0x7C9]  }
0x420: {  	[tilespmem:s6], [sflag:$0x4] =	stream.indirect.gather [spmem:s3], $0x40, s1, s5, $0xb8;
	[tilespmem:$0x1A000] =	vst v63  }
0x421: {  	_ = 	snop  }
0x422: {  	[tilespmem:s17], [sflag:$0x4] =	stream.indirect.gather [spmem:s3], $0x40, s21, s5, $0xb8;
	[tilespmem:$0x1A000] =	vst v63  }
0x423: {  	_ =	swait.ge [sflag:s15], $0x2000  }
0x424: {  	[sflag:s15] =	ssyncset.done $0x0  }
0x425: {  	[sflag:s15] =	ssyncadd.s32 $0xFFFFE000  }
0x426: {  	_ =	swait.ge [sflag:s15], $0x2000  }
0x427: {  	[sflag:s15] =	ssyncset.done $0x0  }
0x428: {  	s25 =	rddreg [dreg:$0x6];
	[sflag:s15] =	ssyncadd.s32 $0xFFFFE000  }
0x429: {  	[hbm4b:s25+s2] =	stream.linear.scatter [tilespmem:s7], [sflag:$0x6], $0x4000, $0x38;
	[tilespmem:$0x1A000] =	vst v63  }
0x42a: {  	_ =	swait.ge [sflag:s8], $0x4000  }
0x42b: {  	s26 =	sld [smem:$0x7CA]  }
0x42c: {  	[sflag:s8] =	ssyncset.done $0x0  }
0x42d: {  	s28 =	sld [smem:$0x7CB];
	[sflag:s8] =	ssyncadd.s32 $0xFFFFC000  }
0x42e: {  	[tilespmem:s9], [sflag:$0x1] =	stream.indirect.gather [spmem:s3], $0x40, s26, s5, $0xb8;
	[tilespmem:$0x1A000] =	vst v63  }
0x42f: {  	_ = 	snop  }
0x430: {  	[tilespmem:s20], [sflag:$0x1] =	stream.indirect.gather [spmem:s3], $0x40, s28, s5, $0xb8;
	[tilespmem:$0x1A000] =	vst v63  }
0x431: {  	_ =	swait.ge [sflag:s14], $0x2000  }
0x432: {  	[sflag:s14] =	ssyncset.done $0x0  }
0x433: {  	[sflag:s14] =	ssyncadd.s32 $0xFFFFE000  }
0x434: {  	_ =	swait.ge [sflag:s14], $0x2000  }
0x435: {  	[sflag:s14] =	ssyncset.done $0x0  }
0x436: {  	s30 =	rddreg [dreg:$0x7];
	[sflag:s14] =	ssyncadd.s32 $0xFFFFE000  }
0x437: {  	[hbm4b:s30+s2] =	stream.linear.scatter [tilespmem:s4], [sflag:$0x7], $0x4000, $0x38;
	[tilespmem:$0x1A000] =	vst v63  }
0x438: {  	_ =	swait.ge [sflag:s10], $0x4000  }
0x439: {  	s1 =	sld [smem:$0x7CC]  }
0x43a: {  	[sflag:s10] =	ssyncset.done $0x0  }
0x43b: {  	s21 =	sld [smem:$0x7CD];
	[sflag:s10] =	ssyncadd.s32 $0xFFFFC000  }
0x43c: {  	[tilespmem:s7], [sflag:$0x2] =	stream.indirect.gather [spmem:s3], $0x40, s1, s5, $0xb8;
	[tilespmem:$0x1A000] =	vst v63  }
0x43d: {  	_ = 	snop  }
0x43e: {  	[tilespmem:s19], [sflag:$0x2] =	stream.indirect.gather [spmem:s3], $0x40, s21, s5, $0xb8;
	[tilespmem:$0x1A000] =	vst v63  }
0x43f: {  	_ =	swait.ge [sflag:s13], $0x2000  }
0x440: {  	[sflag:s13] =	ssyncset.done $0x0  }
0x441: {  	[sflag:s13] =	ssyncadd.s32 $0xFFFFE000  }
0x442: {  	_ =	swait.ge [sflag:s13], $0x2000  }
0x443: {  	[sflag:s13] =	ssyncset.done $0x0  }
0x444: {  	s25 =	rddreg [dreg:$0x8];
	[sflag:s13] =	ssyncadd.s32 $0xFFFFE000  }
0x445: {  	[hbm4b:s25+s2] =	stream.linear.scatter [tilespmem:s6], [sflag:$0x8], $0x4000, $0x38;
	[tilespmem:$0x1A000] =	vst v63  }
0x446: {  	_ =	swait.ge [sflag:s11], $0x4000  }
0x447: {  	s26 =	sld [smem:$0x7CE]  }
0x448: {  	[sflag:s11] =	ssyncset.done $0x0  }
0x449: {  	s28 =	sld [smem:$0x7CF];
	[sflag:s11] =	ssyncadd.s32 $0xFFFFC000  }
0x44a: {  	[tilespmem:s4], [sflag:$0x3] =	stream.indirect.gather [spmem:s3], $0x40, s26, s5, $0xb8;
	[tilespmem:$0x1A000] =	vst v63  }
0x44b: {  	_ = 	snop  }
0x44c: {  	[tilespmem:s18], [sflag:$0x3] =	stream.indirect.gather [spmem:s3], $0x40, s28, s5, $0xb8;
	[tilespmem:$0x1A000] =	vst v63  }
0x44d: {  	_ =	swait.ge [sflag:s16], $0x2000  }
0x44e: {  	[sflag:s16] =	ssyncset.done $0x0  }
0x44f: {  	[sflag:s16] =	ssyncadd.s32 $0xFFFFE000  }
0x450: {  	_ =	swait.ge [sflag:s16], $0x2000  }
0x451: {  	[sflag:s16] =	ssyncset.done $0x0  }
0x452: {  	s30 =	rddreg [dreg:$0x9];
	[sflag:s16] =	ssyncadd.s32 $0xFFFFE000  }
0x453: {  	[hbm4b:s30+s2] =	stream.linear.scatter [tilespmem:s9], [sflag:$0x5], $0x4000, $0x38;
	[tilespmem:$0x1A000] =	vst v63  }
0x454: {  	_ =	swait.ge [sflag:s12], $0x4000  }
0x455: {  	s1 =	sld [smem:$0x7D0]  }
0x456: {  	[sflag:s12] =	ssyncset.done $0x0  }
0x457: {  	s21 =	sld [smem:$0x7D1];
	[sflag:s12] =	ssyncadd.s32 $0xFFFFC000  }
0x458: {  	[tilespmem:s6], [sflag:$0x4] =	stream.indirect.gather [spmem:s3], $0x40, s1, s5, $0xb8;
	[tilespmem:$0x1A000] =	vst v63  }
0x459: {  	_ = 	snop  }
0x45a: {  	[tilespmem:s17], [sflag:$0x4] =	stream.indirect.gather [spmem:s3], $0x40, s21, s5, $0xb8;
	[tilespmem:$0x1A000] =	vst v63  }
0x45b: {  	_ =	swait.ge [sflag:s15], $0x2000  }
0x45c: {  	[sflag:s15] =	ssyncset.done $0x0  }
0x45d: {  	[sflag:s15] =	ssyncadd.s32 $0xFFFFE000  }
0x45e: {  	_ =	swait.ge [sflag:s15], $0x2000  }
0x45f: {  	[sflag:s15] =	ssyncset.done $0x0  }
0x460: {  	s25 =	rddreg [dreg:$0xa];
	[sflag:s15] =	ssyncadd.s32 $0xFFFFE000  }
0x461: {  	[hbm4b:s25+s2] =	stream.linear.scatter [tilespmem:s7], [sflag:$0x6], $0x4000, $0x38;
	[tilespmem:$0x1A000] =	vst v63  }
0x462: {  	_ =	swait.ge [sflag:s8], $0x4000  }
0x463: {  	s26 =	sld [smem:$0x7D2]  }
0x464: {  	[sflag:s8] =	ssyncset.done $0x0  }
0x465: {  	s28 =	sld [smem:$0x7D3];
	[sflag:s8] =	ssyncadd.s32 $0xFFFFC000  }
0x466: {  	[tilespmem:s9], [sflag:$0x1] =	stream.indirect.gather [spmem:s3], $0x40, s26, s5, $0xb8;
	[tilespmem:$0x1A000] =	vst v63  }
0x467: {  	_ = 	snop  }
0x468: {  	[tilespmem:s20], [sflag:$0x1] =	stream.indirect.gather [spmem:s3], $0x40, s28, s5, $0xb8;
	[tilespmem:$0x1A000] =	vst v63  }
0x469: {  	_ =	swait.ge [sflag:s14], $0x2000  }
0x46a: {  	[sflag:s14] =	ssyncset.done $0x0  }
0x46b: {  	[sflag:s14] =	ssyncadd.s32 $0xFFFFE000  }
0x46c: {  	_ =	swait.ge [sflag:s14], $0x2000  }
0x46d: {  	[sflag:s14] =	ssyncset.done $0x0  }
0x46e: {  	s30 =	rddreg [dreg:$0xb];
	[sflag:s14] =	ssyncadd.s32 $0xFFFFE000  }
0x46f: {  	[hbm4b:s30+s2] =	stream.linear.scatter [tilespmem:s4], [sflag:$0x7], $0x4000, $0x38;
	[tilespmem:$0x1A000] =	vst v63  }
0x470: {  	_ =	swait.ge [sflag:s10], $0x4000  }
0x471: {  	s1 =	sld [smem:$0x7D4]  }
0x472: {  	[sflag:s10] =	ssyncset.done $0x0  }
0x473: {  	s21 =	sld [smem:$0x7D5];
	[sflag:s10] =	ssyncadd.s32 $0xFFFFC000  }
0x474: {  	[tilespmem:s7], [sflag:$0x2] =	stream.indirect.gather [spmem:s3], $0x40, s1, s5, $0xb8;
	[tilespmem:$0x1A000] =	vst v63  }
0x475: {  	_ = 	snop  }
0x476: {  	[tilespmem:s19], [sflag:$0x2] =	stream.indirect.gather [spmem:s3], $0x40, s21, s5, $0xb8;
	[tilespmem:$0x1A000] =	vst v63  }
0x477: {  	_ =	swait.ge [sflag:s13], $0x2000  }
0x478: {  	[sflag:s13] =	ssyncset.done $0x0  }
0x479: {  	[sflag:s13] =	ssyncadd.s32 $0xFFFFE000  }
0x47a: {  	_ =	swait.ge [sflag:s13], $0x2000  }
0x47b: {  	[sflag:s13] =	ssyncset.done $0x0  }
0x47c: {  	s25 =	rddreg [dreg:$0xc];
	[sflag:s13] =	ssyncadd.s32 $0xFFFFE000  }
0x47d: {  	[hbm4b:s25+s2] =	stream.linear.scatter [tilespmem:s6], [sflag:$0x8], $0x4000, $0x38;
	[tilespmem:$0x1A000] =	vst v63  }
0x47e: {  	_ =	swait.ge [sflag:s11], $0x4000  }
0x47f: {  	s26 =	sld [smem:$0x7D6]  }
0x480: {  	[sflag:s11] =	ssyncset.done $0x0  }
0x481: {  	s28 =	sld [smem:$0x7D7];
	[sflag:s11] =	ssyncadd.s32 $0xFFFFC000  }
0x482: {  	[tilespmem:s4], [sflag:$0x3] =	stream.indirect.gather [spmem:s3], $0x40, s26, s5, $0xb8;
	[tilespmem:$0x1A000] =	vst v63  }
0x483: {  	_ = 	snop  }
0x484: {  	[tilespmem:s18], [sflag:$0x3] =	stream.indirect.gather [spmem:s3], $0x40, s28, s5, $0xb8;
	[tilespmem:$0x1A000] =	vst v63  }
0x485: {  	_ =	swait.ge [sflag:s16], $0x2000  }
0x486: {  	[sflag:s16] =	ssyncset.done $0x0  }
0x487: {  	[sflag:s16] =	ssyncadd.s32 $0xFFFFE000  }
0x488: {  	_ =	swait.ge [sflag:s16], $0x2000  }
0x489: {  	[sflag:s16] =	ssyncset.done $0x0  }
0x48a: {  	s30 =	rddreg [dreg:$0xd];
	[sflag:s16] =	ssyncadd.s32 $0xFFFFE000  }
0x48b: {  	[hbm4b:s30+s2] =	stream.linear.scatter [tilespmem:s9], [sflag:$0x5], $0x4000, $0x38;
	[tilespmem:$0x1A000] =	vst v63  }
0x48c: {  	_ =	swait.ge [sflag:s12], $0x4000  }
0x48d: {  	s1 =	sld [smem:$0x7D8]  }
0x48e: {  	[sflag:s12] =	ssyncset.done $0x0  }
0x48f: {  	s21 =	sld [smem:$0x7D9];
	[sflag:s12] =	ssyncadd.s32 $0xFFFFC000  }
0x490: {  	[tilespmem:s6], [sflag:$0x4] =	stream.indirect.gather [spmem:s3], $0x40, s1, s5, $0xb8;
	[tilespmem:$0x1A000] =	vst v63  }
0x491: {  	_ = 	snop  }
0x492: {  	[tilespmem:s17], [sflag:$0x4] =	stream.indirect.gather [spmem:s3], $0x40, s21, s5, $0xb8;
	[tilespmem:$0x1A000] =	vst v63  }
0x493: {  	_ =	swait.ge [sflag:s15], $0x2000  }
0x494: {  	[sflag:s15] =	ssyncset.done $0x0  }
0x495: {  	[sflag:s15] =	ssyncadd.s32 $0xFFFFE000  }
0x496: {  	_ =	swait.ge [sflag:s15], $0x2000  }
0x497: {  	[sflag:s15] =	ssyncset.done $0x0  }
0x498: {  	s25 =	rddreg [dreg:$0xe];
	[sflag:s15] =	ssyncadd.s32 $0xFFFFE000  }
0x499: {  	[hbm4b:s25+s2] =	stream.linear.scatter [tilespmem:s7], [sflag:$0x6], $0x4000, $0x38;
	[tilespmem:$0x1A000] =	vst v63  }
0x49a: {  	_ =	swait.ge [sflag:s8], $0x4000  }
0x49b: {  	s26 =	sld [smem:$0x7DA]  }
0x49c: {  	[sflag:s8] =	ssyncset.done $0x0  }
0x49d: {  	s28 =	sld [smem:$0x7DB];
	[sflag:s8] =	ssyncadd.s32 $0xFFFFC000  }
0x49e: {  	[tilespmem:s9], [sflag:$0x1] =	stream.indirect.gather [spmem:s3], $0x40, s26, s5, $0xb8;
	[tilespmem:$0x1A000] =	vst v63  }
0x49f: {  	_ = 	snop  }
0x4a0: {  	[tilespmem:s20], [sflag:$0x1] =	stream.indirect.gather [spmem:s3], $0x40, s28, s5, $0xb8;
	[tilespmem:$0x1A000] =	vst v63  }
0x4a1: {  	_ =	swait.ge [sflag:s14], $0x2000  }
0x4a2: {  	[sflag:s14] =	ssyncset.done $0x0  }
0x4a3: {  	[sflag:s14] =	ssyncadd.s32 $0xFFFFE000  }
0x4a4: {  	_ =	swait.ge [sflag:s14], $0x2000  }
0x4a5: {  	[sflag:s14] =	ssyncset.done $0x0  }
0x4a6: {  	s30 =	rddreg [dreg:$0xf];
	[sflag:s14] =	ssyncadd.s32 $0xFFFFE000  }
0x4a7: {  	[hbm4b:s30+s2] =	stream.linear.scatter [tilespmem:s4], [sflag:$0x7], $0x4000, $0x38;
	[tilespmem:$0x1A000] =	vst v63  }
0x4a8: {  	_ =	swait.ge [sflag:s10], $0x4000  }
0x4a9: {  	s1 =	sld [smem:$0x7DC]  }
0x4aa: {  	[sflag:s10] =	ssyncset.done $0x0  }
0x4ab: {  	s21 =	sld [smem:$0x7DD];
	[sflag:s10] =	ssyncadd.s32 $0xFFFFC000  }
0x4ac: {  	[tilespmem:s7], [sflag:$0x2] =	stream.indirect.gather [spmem:s3], $0x40, s1, s5, $0xb8;
	[tilespmem:$0x1A000] =	vst v63  }
0x4ad: {  	_ = 	snop  }
0x4ae: {  	[tilespmem:s19], [sflag:$0x2] =	stream.indirect.gather [spmem:s3], $0x40, s21, s5, $0xb8;
	[tilespmem:$0x1A000] =	vst v63  }
0x4af: {  	_ =	swait.ge [sflag:s13], $0x2000  }
0x4b0: {  	[sflag:s13] =	ssyncset.done $0x0  }
0x4b1: {  	[sflag:s13] =	ssyncadd.s32 $0xFFFFE000  }
0x4b2: {  	_ =	swait.ge [sflag:s13], $0x2000  }
0x4b3: {  	[sflag:s13] =	ssyncset.done $0x0  }
0x4b4: {  	s25 =	rddreg [dreg:$0x10];
	[sflag:s13] =	ssyncadd.s32 $0xFFFFE000  }
0x4b5: {  	[hbm4b:s25+s2] =	stream.linear.scatter [tilespmem:s6], [sflag:$0x8], $0x4000, $0x38;
	[tilespmem:$0x1A000] =	vst v63  }
0x4b6: {  	_ =	swait.ge [sflag:s11], $0x4000  }
0x4b7: {  	s26 =	sld [smem:$0x7DE]  }
0x4b8: {  	[sflag:s11] =	ssyncset.done $0x0  }
0x4b9: {  	s28 =	sld [smem:$0x7DF];
	[sflag:s11] =	ssyncadd.s32 $0xFFFFC000  }
0x4ba: {  	[tilespmem:s4], [sflag:$0x3] =	stream.indirect.gather [spmem:s3], $0x40, s26, s5, $0xb8;
	[tilespmem:$0x1A000] =	vst v63  }
0x4bb: {  	_ = 	snop  }
0x4bc: {  	[tilespmem:s18], [sflag:$0x3] =	stream.indirect.gather [spmem:s3], $0x40, s28, s5, $0xb8;
	[tilespmem:$0x1A000] =	vst v63  }
0x4bd: {  	_ =	swait.ge [sflag:s16], $0x2000  }
0x4be: {  	[sflag:s16] =	ssyncset.done $0x0  }
0x4bf: {  	[sflag:s16] =	ssyncadd.s32 $0xFFFFE000  }
0x4c0: {  	_ =	swait.ge [sflag:s16], $0x2000  }
0x4c1: {  	[sflag:s16] =	ssyncset.done $0x0  }
0x4c2: {  	s30 =	rddreg [dreg:$0x11];
	[sflag:s16] =	ssyncadd.s32 $0xFFFFE000  }
0x4c3: {  	[hbm4b:s30+s2] =	stream.linear.scatter [tilespmem:s9], [sflag:$0x5], $0x4000, $0x38;
	[tilespmem:$0x1A000] =	vst v63  }
0x4c4: {  	_ =	swait.ge [sflag:s12], $0x4000  }
0x4c5: {  	s1 =	sld [smem:$0x7E0]  }
0x4c6: {  	[sflag:s12] =	ssyncset.done $0x0  }
0x4c7: {  	s21 =	sld [smem:$0x7E1];
	[sflag:s12] =	ssyncadd.s32 $0xFFFFC000  }
0x4c8: {  	[tilespmem:s6], [sflag:$0x4] =	stream.indirect.gather [spmem:s3], $0x40, s1, s5, $0xb8;
	[tilespmem:$0x1A000] =	vst v63  }
0x4c9: {  	_ = 	snop  }
0x4ca: {  	[tilespmem:s17], [sflag:$0x4] =	stream.indirect.gather [spmem:s3], $0x40, s21, s5, $0xb8;
	[tilespmem:$0x1A000] =	vst v63  }
0x4cb: {  	_ =	swait.ge [sflag:s15], $0x2000  }
0x4cc: {  	[sflag:s15] =	ssyncset.done $0x0  }
0x4cd: {  	[sflag:s15] =	ssyncadd.s32 $0xFFFFE000  }
0x4ce: {  	_ =	swait.ge [sflag:s15], $0x2000  }
0x4cf: {  	[sflag:s15] =	ssyncset.done $0x0  }
0x4d0: {  	s25 =	rddreg [dreg:$0x12];
	[sflag:s15] =	ssyncadd.s32 $0xFFFFE000  }
0x4d1: {  	[hbm4b:s25+s2] =	stream.linear.scatter [tilespmem:s7], [sflag:$0x6], $0x4000, $0x38;
	[tilespmem:$0x1A000] =	vst v63  }
0x4d2: {  	_ =	swait.ge [sflag:s8], $0x4000  }
0x4d3: {  	s26 =	sld [smem:$0x7E2]  }
0x4d4: {  	[sflag:s8] =	ssyncset.done $0x0  }
0x4d5: {  	s28 =	sld [smem:$0x7E3];
	[sflag:s8] =	ssyncadd.s32 $0xFFFFC000  }
0x4d6: {  	[tilespmem:s9], [sflag:$0x1] =	stream.indirect.gather [spmem:s3], $0x40, s26, s5, $0xb8;
	[tilespmem:$0x1A000] =	vst v63  }
0x4d7: {  	_ = 	snop  }
0x4d8: {  	[tilespmem:s20], [sflag:$0x1] =	stream.indirect.gather [spmem:s3], $0x40, s28, s5, $0xb8;
	[tilespmem:$0x1A000] =	vst v63  }
0x4d9: {  	_ =	swait.ge [sflag:s14], $0x2000  }
0x4da: {  	[sflag:s14] =	ssyncset.done $0x0  }
0x4db: {  	[sflag:s14] =	ssyncadd.s32 $0xFFFFE000  }
0x4dc: {  	_ =	swait.ge [sflag:s14], $0x2000  }
0x4dd: {  	[sflag:s14] =	ssyncset.done $0x0  }
0x4de: {  	s30 =	rddreg [dreg:$0x13];
	[sflag:s14] =	ssyncadd.s32 $0xFFFFE000  }
0x4df: {  	[hbm4b:s30+s2] =	stream.linear.scatter [tilespmem:s4], [sflag:$0x7], $0x4000, $0x38;
	[tilespmem:$0x1A000] =	vst v63  }
0x4e0: {  	_ =	swait.ge [sflag:s10], $0x4000  }
0x4e1: {  	s1 =	sld [smem:$0x7E4]  }
0x4e2: {  	[sflag:s10] =	ssyncset.done $0x0  }
0x4e3: {  	s21 =	sld [smem:$0x7E5];
	[sflag:s10] =	ssyncadd.s32 $0xFFFFC000  }
0x4e4: {  	[tilespmem:s7], [sflag:$0x2] =	stream.indirect.gather [spmem:s3], $0x40, s1, s5, $0xb8;
	[tilespmem:$0x1A000] =	vst v63  }
0x4e5: {  	_ = 	snop  }
0x4e6: {  	[tilespmem:s19], [sflag:$0x2] =	stream.indirect.gather [spmem:s3], $0x40, s21, s5, $0xb8;
	[tilespmem:$0x1A000] =	vst v63  }
0x4e7: {  	_ =	swait.ge [sflag:s13], $0x2000  }
0x4e8: {  	[sflag:s13] =	ssyncset.done $0x0  }
0x4e9: {  	[sflag:s13] =	ssyncadd.s32 $0xFFFFE000  }
0x4ea: {  	_ =	swait.ge [sflag:s13], $0x2000  }
0x4eb: {  	[sflag:s13] =	ssyncset.done $0x0  }
0x4ec: {  	s25 =	rddreg [dreg:$0x14];
	[sflag:s13] =	ssyncadd.s32 $0xFFFFE000  }
0x4ed: {  	[hbm4b:s25+s2] =	stream.linear.scatter [tilespmem:s6], [sflag:$0x8], $0x4000, $0x38;
	[tilespmem:$0x1A000] =	vst v63  }
0x4ee: {  	_ =	swait.ge [sflag:s11], $0x4000  }
0x4ef: {  	s26 =	sld [smem:$0x7E6]  }
0x4f0: {  	[sflag:s11] =	ssyncset.done $0x0  }
0x4f1: {  	s28 =	sld [smem:$0x7E7];
	[sflag:s11] =	ssyncadd.s32 $0xFFFFC000  }
0x4f2: {  	[tilespmem:s4], [sflag:$0x3] =	stream.indirect.gather [spmem:s3], $0x40, s26, s5, $0xb8;
	[tilespmem:$0x1A000] =	vst v63  }
0x4f3: {  	_ = 	snop  }
0x4f4: {  	[tilespmem:s18], [sflag:$0x3] =	stream.indirect.gather [spmem:s3], $0x40, s28, s5, $0xb8;
	[tilespmem:$0x1A000] =	vst v63  }
0x4f5: {  	_ =	swait.ge [sflag:s16], $0x2000  }
0x4f6: {  	[sflag:s16] =	ssyncset.done $0x0  }
0x4f7: {  	[sflag:s16] =	ssyncadd.s32 $0xFFFFE000  }
0x4f8: {  	_ =	swait.ge [sflag:s16], $0x2000  }
0x4f9: {  	[sflag:s16] =	ssyncset.done $0x0  }
0x4fa: {  	s30 =	rddreg [dreg:$0x15];
	[sflag:s16] =	ssyncadd.s32 $0xFFFFE000  }
0x4fb: {  	[hbm4b:s30+s2] =	stream.linear.scatter [tilespmem:s9], [sflag:$0x5], $0x4000, $0x38;
	[tilespmem:$0x1A000] =	vst v63  }
0x4fc: {  	_ =	swait.ge [sflag:s12], $0x4000  }
0x4fd: {  	s1 =	sld [smem:$0x7E8]  }
0x4fe: {  	[sflag:s12] =	ssyncset.done $0x0  }
0x4ff: {  	s21 =	sld [smem:$0x7E9];
	[sflag:s12] =	ssyncadd.s32 $0xFFFFC000  }
0x500: {  	[tilespmem:s6], [sflag:$0x4] =	stream.indirect.gather [spmem:s3], $0x40, s1, s5, $0xb8;
	[tilespmem:$0x1A000] =	vst v63  }
0x501: {  	_ = 	snop  }
0x502: {  	[tilespmem:s17], [sflag:$0x4] =	stream.indirect.gather [spmem:s3], $0x40, s21, s5, $0xb8;
	[tilespmem:$0x1A000] =	vst v63  }
0x503: {  	_ =	swait.ge [sflag:s15], $0x2000  }
0x504: {  	[sflag:s15] =	ssyncset.done $0x0  }
0x505: {  	[sflag:s15] =	ssyncadd.s32 $0xFFFFE000  }
0x506: {  	_ =	swait.ge [sflag:s15], $0x2000  }
0x507: {  	[sflag:s15] =	ssyncset.done $0x0  }
0x508: {  	s25 =	rddreg [dreg:$0x16];
	[sflag:s15] =	ssyncadd.s32 $0xFFFFE000  }
0x509: {  	[hbm4b:s25+s2] =	stream.linear.scatter [tilespmem:s7], [sflag:$0x6], $0x4000, $0x38;
	[tilespmem:$0x1A000] =	vst v63  }
0x50a: {  	_ =	swait.ge [sflag:s8], $0x4000  }
0x50b: {  	s26 =	sld [smem:$0x7EA]  }
0x50c: {  	[sflag:s8] =	ssyncset.done $0x0  }
0x50d: {  	s28 =	sld [smem:$0x7EB];
	[sflag:s8] =	ssyncadd.s32 $0xFFFFC000  }
0x50e: {  	[tilespmem:s9], [sflag:$0x1] =	stream.indirect.gather [spmem:s3], $0x40, s26, s5, $0xb8;
	[tilespmem:$0x1A000] =	vst v63  }
0x50f: {  	_ = 	snop  }
0x510: {  	[tilespmem:s20], [sflag:$0x1] =	stream.indirect.gather [spmem:s3], $0x40, s28, s5, $0xb8;
	[tilespmem:$0x1A000] =	vst v63  }
0x511: {  	_ =	swait.ge [sflag:s14], $0x2000  }
0x512: {  	[sflag:s14] =	ssyncset.done $0x0  }
0x513: {  	[sflag:s14] =	ssyncadd.s32 $0xFFFFE000  }
0x514: {  	_ =	swait.ge [sflag:s14], $0x2000  }
0x515: {  	[sflag:s14] =	ssyncset.done $0x0  }
0x516: {  	s30 =	rddreg [dreg:$0x17];
	[sflag:s14] =	ssyncadd.s32 $0xFFFFE000  }
0x517: {  	[hbm4b:s30+s2] =	stream.linear.scatter [tilespmem:s4], [sflag:$0x7], $0x4000, $0x38;
	[tilespmem:$0x1A000] =	vst v63  }
0x518: {  	_ =	swait.ge [sflag:s10], $0x4000  }
0x519: {  	s1 =	sld [smem:$0x7EC]  }
0x51a: {  	[sflag:s10] =	ssyncset.done $0x0  }
0x51b: {  	s21 =	sld [smem:$0x7ED];
	[sflag:s10] =	ssyncadd.s32 $0xFFFFC000  }
0x51c: {  	[tilespmem:s7], [sflag:$0x2] =	stream.indirect.gather [spmem:s3], $0x40, s1, s5, $0xb8;
	[tilespmem:$0x1A000] =	vst v63  }
0x51d: {  	_ = 	snop  }
0x51e: {  	[tilespmem:s19], [sflag:$0x2] =	stream.indirect.gather [spmem:s3], $0x40, s21, s5, $0xb8;
	[tilespmem:$0x1A000] =	vst v63  }
0x51f: {  	_ =	swait.ge [sflag:s13], $0x2000  }
0x520: {  	[sflag:s13] =	ssyncset.done $0x0  }
0x521: {  	[sflag:s13] =	ssyncadd.s32 $0xFFFFE000  }
0x522: {  	_ =	swait.ge [sflag:s13], $0x2000  }
0x523: {  	[sflag:s13] =	ssyncset.done $0x0  }
0x524: {  	s25 =	rddreg [dreg:$0x18];
	[sflag:s13] =	ssyncadd.s32 $0xFFFFE000  }
0x525: {  	[hbm4b:s25+s2] =	stream.linear.scatter [tilespmem:s6], [sflag:$0x8], $0x4000, $0x38;
	[tilespmem:$0x1A000] =	vst v63  }
0x526: {  	_ =	swait.ge [sflag:s11], $0x4000  }
0x527: {  	s26 =	sld [smem:$0x7EE]  }
0x528: {  	[sflag:s11] =	ssyncset.done $0x0  }
0x529: {  	s28 =	sld [smem:$0x7EF];
	[sflag:s11] =	ssyncadd.s32 $0xFFFFC000  }
0x52a: {  	[tilespmem:s4], [sflag:$0x3] =	stream.indirect.gather [spmem:s3], $0x40, s26, s5, $0xb8;
	[tilespmem:$0x1A000] =	vst v63  }
0x52b: {  	_ = 	snop  }
0x52c: {  	[tilespmem:s18], [sflag:$0x3] =	stream.indirect.gather [spmem:s3], $0x40, s28, s5, $0xb8;
	[tilespmem:$0x1A000] =	vst v63  }
0x52d: {  	_ =	swait.ge [sflag:s16], $0x2000  }
0x52e: {  	[sflag:s16] =	ssyncset.done $0x0  }
0x52f: {  	[sflag:s16] =	ssyncadd.s32 $0xFFFFE000  }
0x530: {  	_ =	swait.ge [sflag:s16], $0x2000  }
0x531: {  	[sflag:s16] =	ssyncset.done $0x0  }
0x532: {  	s30 =	rddreg [dreg:$0x19];
	[sflag:s16] =	ssyncadd.s32 $0xFFFFE000  }
0x533: {  	[hbm4b:s30+s2] =	stream.linear.scatter [tilespmem:s9], [sflag:$0x5], $0x4000, $0x38;
	[tilespmem:$0x1A000] =	vst v63  }
0x534: {  	_ =	swait.ge [sflag:s12], $0x4000  }
0x535: {  	s1 =	sld [smem:$0x7F0]  }
0x536: {  	[sflag:s12] =	ssyncset.done $0x0  }
0x537: {  	s21 =	sld [smem:$0x7F1];
	[sflag:s12] =	ssyncadd.s32 $0xFFFFC000  }
0x538: {  	[tilespmem:s6], [sflag:$0x4] =	stream.indirect.gather [spmem:s3], $0x40, s1, s5, $0xb8;
	[tilespmem:$0x1A000] =	vst v63  }
0x539: {  	_ = 	snop  }
0x53a: {  	[tilespmem:s17], [sflag:$0x4] =	stream.indirect.gather [spmem:s3], $0x40, s21, s5, $0xb8;
	[tilespmem:$0x1A000] =	vst v63  }
0x53b: {  	_ =	swait.ge [sflag:s15], $0x2000  }
0x53c: {  	[sflag:s15] =	ssyncset.done $0x0  }
0x53d: {  	[sflag:s15] =	ssyncadd.s32 $0xFFFFE000  }
0x53e: {  	_ =	swait.ge [sflag:s15], $0x2000  }
0x53f: {  	[sflag:s15] =	ssyncset.done $0x0  }
0x540: {  	s25 =	rddreg [dreg:$0x1a];
	[sflag:s15] =	ssyncadd.s32 $0xFFFFE000  }
0x541: {  	[hbm4b:s25+s2] =	stream.linear.scatter [tilespmem:s7], [sflag:$0x6], $0x4000, $0x38;
	[tilespmem:$0x1A000] =	vst v63  }
0x542: {  	_ =	swait.ge [sflag:s8], $0x4000  }
0x543: {  	s26 =	sld [smem:$0x7F2]  }
0x544: {  	[sflag:s8] =	ssyncset.done $0x0  }
0x545: {  	s28 =	sld [smem:$0x7F3];
	[sflag:s8] =	ssyncadd.s32 $0xFFFFC000  }
0x546: {  	[tilespmem:s9], [sflag:$0x1] =	stream.indirect.gather [spmem:s3], $0x40, s26, s5, $0xb8;
	[tilespmem:$0x1A000] =	vst v63  }
0x547: {  	_ = 	snop  }
0x548: {  	[tilespmem:s20], [sflag:$0x1] =	stream.indirect.gather [spmem:s3], $0x40, s28, s5, $0xb8;
	[tilespmem:$0x1A000] =	vst v63  }
0x549: {  	_ =	swait.ge [sflag:s14], $0x2000  }
0x54a: {  	[sflag:s14] =	ssyncset.done $0x0  }
0x54b: {  	[sflag:s14] =	ssyncadd.s32 $0xFFFFE000  }
0x54c: {  	_ =	swait.ge [sflag:s14], $0x2000  }
0x54d: {  	[sflag:s14] =	ssyncset.done $0x0  }
0x54e: {  	s30 =	rddreg [dreg:$0x1b];
	[sflag:s14] =	ssyncadd.s32 $0xFFFFE000  }
0x54f: {  	[hbm4b:s30+s2] =	stream.linear.scatter [tilespmem:s4], [sflag:$0x7], $0x4000, $0x38;
	[tilespmem:$0x1A000] =	vst v63  }
0x550: {  	_ =	swait.ge [sflag:s10], $0x4000  }
0x551: {  	s1 =	sld [smem:$0x7F4]  }
0x552: {  	[sflag:s10] =	ssyncset.done $0x0  }
0x553: {  	s21 =	sld [smem:$0x7F5];
	[sflag:s10] =	ssyncadd.s32 $0xFFFFC000  }
0x554: {  	[tilespmem:s7], [sflag:$0x2] =	stream.indirect.gather [spmem:s3], $0x40, s1, s5, $0xb8;
	[tilespmem:$0x1A000] =	vst v63  }
0x555: {  	_ = 	snop  }
0x556: {  	[tilespmem:s19], [sflag:$0x2] =	stream.indirect.gather [spmem:s3], $0x40, s21, s5, $0xb8;
	[tilespmem:$0x1A000] =	vst v63  }
0x557: {  	_ =	swait.ge [sflag:s13], $0x2000  }
0x558: {  	[sflag:s13] =	ssyncset.done $0x0  }
0x559: {  	[sflag:s13] =	ssyncadd.s32 $0xFFFFE000  }
0x55a: {  	_ =	swait.ge [sflag:s13], $0x2000  }
0x55b: {  	[sflag:s13] =	ssyncset.done $0x0  }
0x55c: {  	s25 =	rddreg [dreg:$0x1c];
	[sflag:s13] =	ssyncadd.s32 $0xFFFFE000  }
0x55d: {  	[hbm4b:s25+s2] =	stream.linear.scatter [tilespmem:s6], [sflag:$0x8], $0x4000, $0x38;
	[tilespmem:$0x1A000] =	vst v63  }
0x55e: {  	_ =	swait.ge [sflag:s11], $0x4000  }
0x55f: {  	s26 =	sld [smem:$0x7F6]  }
0x560: {  	[sflag:s11] =	ssyncset.done $0x0  }
0x561: {  	s28 =	sld [smem:$0x7F7];
	[sflag:s11] =	ssyncadd.s32 $0xFFFFC000  }
0x562: {  	[tilespmem:s4], [sflag:$0x3] =	stream.indirect.gather [spmem:s3], $0x40, s26, s5, $0xb8;
	[tilespmem:$0x1A000] =	vst v63  }
0x563: {  	_ = 	snop  }
0x564: {  	[tilespmem:s18], [sflag:$0x3] =	stream.indirect.gather [spmem:s3], $0x40, s28, s5, $0xb8;
	[tilespmem:$0x1A000] =	vst v63  }
0x565: {  	_ =	swait.ge [sflag:s16], $0x2000  }
0x566: {  	[sflag:s16] =	ssyncset.done $0x0  }
0x567: {  	[sflag:s16] =	ssyncadd.s32 $0xFFFFE000  }
0x568: {  	_ =	swait.ge [sflag:s16], $0x2000  }
0x569: {  	[sflag:s16] =	ssyncset.done $0x0  }
0x56a: {  	s30 =	rddreg [dreg:$0x1d];
	[sflag:s16] =	ssyncadd.s32 $0xFFFFE000  }
0x56b: {  	[hbm4b:s30+s2] =	stream.linear.scatter [tilespmem:s9], [sflag:$0x5], $0x4000, $0x38;
	[tilespmem:$0x1A000] =	vst v63  }
0x56c: {  	_ =	swait.ge [sflag:s12], $0x4000  }
0x56d: {  	s1 =	sld [smem:$0x7F8]  }
0x56e: {  	[sflag:s12] =	ssyncset.done $0x0  }
0x56f: {  	s21 =	sld [smem:$0x7F9];
	[sflag:s12] =	ssyncadd.s32 $0xFFFFC000  }
0x570: {  	[tilespmem:s6], [sflag:$0x4] =	stream.indirect.gather [spmem:s3], $0x40, s1, s5, $0xb8;
	[tilespmem:$0x1A000] =	vst v63  }
0x571: {  	_ = 	snop  }
0x572: {  	[tilespmem:s17], [sflag:$0x4] =	stream.indirect.gather [spmem:s3], $0x40, s21, s5, $0xb8;
	[tilespmem:$0x1A000] =	vst v63  }
0x573: {  	_ =	swait.ge [sflag:s15], $0x2000  }
0x574: {  	[sflag:s15] =	ssyncset.done $0x0  }
0x575: {  	[sflag:s15] =	ssyncadd.s32 $0xFFFFE000  }
0x576: {  	_ =	swait.ge [sflag:s15], $0x2000  }
0x577: {  	[sflag:s15] =	ssyncset.done $0x0  }
0x578: {  	s25 =	rddreg [dreg:$0x1e];
	[sflag:s15] =	ssyncadd.s32 $0xFFFFE000  }
0x579: {  	[hbm4b:s25+s2] =	stream.linear.scatter [tilespmem:s7], [sflag:$0x6], $0x4000, $0x38;
	[tilespmem:$0x1A000] =	vst v63  }
0x57a: {  	_ =	swait.ge [sflag:s8], $0x4000  }
0x57b: {  	s26 =	sld [smem:$0x7FA]  }
0x57c: {  	[sflag:s8] =	ssyncset.done $0x0  }
0x57d: {  	s28 =	sld [smem:$0x7FB];
	[sflag:s8] =	ssyncadd.s32 $0xFFFFC000  }
0x57e: {  	[tilespmem:s9], [sflag:$0x1] =	stream.indirect.gather [spmem:s3], $0x40, s26, s5, $0xb8;
	[tilespmem:$0x1A000] =	vst v63  }
0x57f: {  	_ = 	snop  }
0x580: {  	[tilespmem:s20], [sflag:$0x1] =	stream.indirect.gather [spmem:s3], $0x40, s28, s5, $0xb8;
	[tilespmem:$0x1A000] =	vst v63  }
0x581: {  	_ =	swait.ge [sflag:s14], $0x2000  }
0x582: {  	[sflag:s14] =	ssyncset.done $0x0  }
0x583: {  	[sflag:s14] =	ssyncadd.s32 $0xFFFFE000  }
0x584: {  	_ =	swait.ge [sflag:s14], $0x2000  }
0x585: {  	[sflag:s14] =	ssyncset.done $0x0  }
0x586: {  	s30 =	rddreg [dreg:$0x1f];
	[sflag:s14] =	ssyncadd.s32 $0xFFFFE000  }
0x587: {  	[hbm4b:s30+s2] =	stream.linear.scatter [tilespmem:s4], [sflag:$0x7], $0x4000, $0x38;
	[tilespmem:$0x1A000] =	vst v63  }
0x588: {  	_ =	swait.ge [sflag:s10], $0x4000  }
0x589: {  	s1 =	sld [smem:$0x7FC]  }
0x58a: {  	[sflag:s10] =	ssyncset.done $0x0  }
0x58b: {  	s20 =	sld [smem:$0x7FD];
	[sflag:s10] =	ssyncadd.s32 $0xFFFFC000  }
0x58c: {  	[tilespmem:s7], [sflag:$0x2] =	stream.indirect.gather [spmem:s3], $0x40, s1, s5, $0xb8;
	[tilespmem:$0x1A000] =	vst v63  }
0x58d: {  	_ = 	snop  }
0x58e: {  	[tilespmem:s19], [sflag:$0x2] =	stream.indirect.gather [spmem:s3], $0x40, s20, s5, $0xb8;
	[tilespmem:$0x1A000] =	vst v63  }
0x58f: {  	_ =	swait.ge [sflag:s13], $0x2000  }
0x590: {  	[sflag:s13] =	ssyncset.done $0x0  }
0x591: {  	[sflag:s13] =	ssyncadd.s32 $0xFFFFE000  }
0x592: {  	_ =	swait.ge [sflag:s13], $0x2000  }
0x593: {  	s21 =	sld [smem:$0x7BE]  }
0x594: {  	[sflag:s13] =	ssyncset.done $0x0  }
0x595: {  	[sflag:s13] =	ssyncadd.s32 $0xFFFFE000  }
0x596: {  	[hbm4b:s21+s2] =	stream.linear.scatter [tilespmem:s6], [sflag:$0x8], $0x4000, $0x38;
	[tilespmem:$0x1A000] =	vst v63  }
0x597: {  	_ =	swait.ge [sflag:s11], $0x4000  }
0x598: {  	[sflag:s11] =	ssyncset.done $0x0  }
0x599: {  	[sflag:s11] =	ssyncadd.s32 $0xFFFFC000  }
0x59a: {  	[tilespmem:s4], [sflag:$0x3] =	stream.indirect.gather [spmem:s3], $0x40, s23, s5, $0xb8;
	[tilespmem:$0x1A000] =	vst v63  }
0x59b: {  	_ = 	snop  }
0x59c: {  	[tilespmem:s18], [sflag:$0x3] =	stream.indirect.gather [spmem:s3], $0x40, s24, s5, $0xb8;
	[tilespmem:$0x1A000] =	vst v63  }
0x59d: {  	_ =	swait.ge [sflag:s16], $0x2000  }
0x59e: {  	[sflag:s16] =	ssyncset.done $0x0  }
0x59f: {  	[sflag:s16] =	ssyncadd.s32 $0xFFFFE000  }
0x5a0: {  	_ =	swait.ge [sflag:s16], $0x2000  }
0x5a1: {  	s24 =	sld [smem:$0x7BF]  }
0x5a2: {  	[sflag:s16] =	ssyncset.done $0x0  }
0x5a3: {  	[sflag:s16] =	ssyncadd.s32 $0xFFFFE000  }
0x5a4: {  	[hbm4b:s24+s2] =	stream.linear.scatter [tilespmem:s9], [sflag:$0x5], $0x4000, $0x38;
	[tilespmem:$0x1A000] =	vst v63  }
0x5a5: {  	_ =	swait.ge [sflag:s12], $0x4000  }
0x5a6: {  	[sflag:s12] =	ssyncset.done $0x0  }
0x5a7: {  	s25 =	simm.s32 $0x1F00;
	[sflag:s12] =	ssyncadd.s32 $0xFFFFC000  }
0x5a8: {  	[tilespmem:s6], [sflag:$0x4] =	stream.indirect.gather [spmem:s3], $0x40, s25, s5, $0xb8;
	[tilespmem:$0x1A000] =	vst v63  }
0x5a9: {  	_ = 	snop  }
0x5aa: {  	[tilespmem:s17], [sflag:$0x4] =	stream.indirect.gather [spmem:s3], $0x40, s22, s5, $0xb8;
	[tilespmem:$0x1A000] =	vst v63  }
0x5ab: {  	_ =	swait.ge [sflag:s15], $0x2000  }
0x5ac: {  	[sflag:s15] =	ssyncset.done $0x0  }
0x5ad: {  	[sflag:s15] =	ssyncadd.s32 $0xFFFFE000  }
0x5ae: {  	_ =	swait.ge [sflag:s15], $0x2000  }
0x5af: {  	s26 =	sld [smem:$0x7C0]  }
0x5b0: {  	[sflag:s15] =	ssyncset.done $0x0  }
0x5b1: {  	[sflag:s15] =	ssyncadd.s32 $0xFFFFE000  }
0x5b2: {  	[hbm4b:s26+s2] =	stream.linear.scatter [tilespmem:s7], [sflag:$0x6], $0x4000, $0x38;
	[tilespmem:$0x1A000] =	vst v63  }
0x5b3: {  	_ =	swait.ge [sflag:s14], $0x2000  }
0x5b4: {  	[sflag:s14] =	ssyncset.done $0x0  }
0x5b5: {  	[sflag:s14] =	ssyncadd.s32 $0xFFFFE000  }
0x5b6: {  	_ =	swait.ge [sflag:s14], $0x2000  }
0x5b7: {  	s28 =	sld [smem:$0x7C1]  }
0x5b8: {  	[sflag:s14] =	ssyncset.done $0x0  }
0x5b9: {  	[sflag:s14] =	ssyncadd.s32 $0xFFFFE000  }
0x5ba: {  	[hbm4b:s28+s2] =	stream.linear.scatter [tilespmem:s4], [sflag:$0x7], $0x4000, $0x38;
	[tilespmem:$0x1A000] =	vst v63  }
0x5bb: {  	_ =	swait.ge [sflag:s13], $0x2000  }
0x5bc: {  	[sflag:s13] =	ssyncset.done $0x0  }
0x5bd: {  	[sflag:s13] =	ssyncadd.s32 $0xFFFFE000  }
0x5be: {  	_ =	swait.ge [sflag:s13], $0x2000  }
0x5bf: {  	s30 =	sld [smem:$0x7C2]  }
0x5c0: {  	[sflag:s13] =	ssyncset.done $0x0  }
0x5c1: {  	[sflag:s13] =	ssyncadd.s32 $0xFFFFE000  }
0x5c2: {  	[hbm4b:s30+s2] =	stream.linear.scatter [tilespmem:s6], [sflag:$0x8], $0x4000, $0x38;
	[tilespmem:$0x1A000] =	vst v63  }
0x5c3: {  	_ =	swait.ge [sflag:s8], $0x4000  }
0x5c4: {  	[sflag:s8] =	ssyncset.done $0x0  }
0x5c5: {  	[sflag:s8] =	ssyncadd.s32 $0xFFFFC000  }
0x5c6: {  	_ =	swait.ge [sflag:s10], $0x4000  }
0x5c7: {  	[sflag:s10] =	ssyncset.done $0x0  }
0x5c8: {  	[sflag:s10] =	ssyncadd.s32 $0xFFFFC000  }
0x5c9: {  	_ =	swait.ge [sflag:s11], $0x4000  }
0x5ca: {  	[sflag:s11] =	ssyncset.done $0x0  }
0x5cb: {  	[sflag:s11] =	ssyncadd.s32 $0xFFFFC000  }
0x5cc: {  	_ =	swait.ge [sflag:s12], $0x4000  }
0x5cd: {  	[sflag:s12] =	ssyncset.done $0x0  }
0x5ce: {  	[sflag:s12] =	ssyncadd.s32 $0xFFFFC000  }
0x5cf: {  	_ =	sfence.sel $0x180000  }
0x5d0: {  	[bflag:$0x0] =	sbarrier.arrive $0xFFFF  }
0x5d1: {  	p0 =	sne.s32 s29, $0x0;
	_ =	strace $0x90000047  }
0x5d2: {  	s0 =	sadd.s32 @!p0 $0x100000, s31;
	[bflag:$0x2] =	sbarrier.arrive $0xFFFF  }
0x5d3: {  	[sflag:s0] =	ssyncadd.tile.s32 @!p0 $0x1;
	_ =	shalt  }
.LBB2_2:
.Ltmp3:
0x5d4: {  	(pc) =	sbr.rel .LBB2_5-.Ltmp3, $2  }
0x5d5: {  	_ =	sdelay $0x2  }
0x5d6: {  	s29 =	stileid.u32;
	s31 =	rddreg [dreg:$0x3]  }
.Lfunc_end2:
_tile_overlayer_lowered:
.L_overlay_start_2:
0x5d7: {  	(tag) =	ssettag $0x2  }
0x5d8: {  	s0 =	rddreg [dreg:$0x0];
	s2 =	stileid.u32  }
0x5d9: {  	s1 =	rddreg [dreg:$0x1];
	p0 =	sne.s32 s2, $0x0  }
0x5da: {  	s3 =	rddreg [dreg:$0x2];
	[bflag:$0x3] =	sbarrier.arrive $0xFFFF;
	s2 =	simm.s32 @!p0 $0x1C09  }
0x5db: {  	[timem:s3], [sflag:s2] =	dma.local @!p0 [hbm:s0], s1  }
0x5dc: {  	s0 =	simm.s32 @!p0 $0x9  }
0x5dd: {  	_ =	swait.ge @!p0 [sflag:s0], s1  }
0x5de: {  	s1 =	ssub.s32 @!p0 $0x0, s1;
	[sflag:s0] =	ssyncset.done @!p0 $0x0  }
0x5df: {  	[sflag:s0] =	ssyncadd.s32 @!p0 s1  }
0x5e0: {  	[bflag:$0x3] =	sbarrier.arrive $0xFFFF  }
0x5e1: {  	_ =	shalt  }

// kernel: sparse-core-data-format-call.cloned.1.call-start
scs
called_computation_lowered:
.L_overlay_start_0:
0x0: {  	s2 =	sld [smem:$0x3FD9]  }
0x1: {  	s3 =	sld [smem:$0x3FFE];
	_ =	sdelay $0x1  }
0x2: {  	s1 =	srdreg.scid  }
0x3: {  	s0 =	sand.u32 $0x1, s1  }
0x4: {  	s18 =	sshll.u32 s0, $0xA;
	s2 =	sadd.s32 s3, s2  }
0x5: {  	s2 =	sadd.s32 s2, s18  }
0x6: {  	[smem:$0x3FC6] =	sst s2  }
0x7: {  	_ = 	snop  }
0x8: {  	s2 =	sld [smem:$0x3FD0];
	(tm) =	ssettm $0x1  }
0x9: {  	s19 =	sld [smem:$0x3FFB];
	_ =	sdelay $0x3  }
0xa: {  	_ =	strace s19  }
0xb: {  	s3 =	sld [smem:$0x3FFC];
	_ =	sdelay $0x3  }
0xc: {  	_ =	strace s3  }
0xd: {  	s3 =	sld [smem:$0x3FFD];
	_ =	sdelay $0x3  }
0xe: {  	_ =	strace s3  }
0xf: {  	_ =	strace $0x8FFFFFFF  }
0x10: {  	s20 =	sld [smem:$0x3FDB];
	_ =	sdelay $0x1  }
0x11: {  	s4 =	simm.s32 $_scs_section_size  }
0x12: {  	s5 =	simm.s32 $_size__tile_overlayer_lowered;
	s6 =	simm.s32 $_tile_overlayer_lowered  }
0x13: {  	s23 =	simm.s32 $0x1BFF;
	s22 =	sshll.u32 s6, $0x1;
	s3 =	sadd.s32 s4, s20  }
0x14: {  	s7 =	simm.s32 $0x0;
	s21 =	sshll.u32 s5, $0x1;
	s5 =	sadd.s32 s22, s3  }
0x15: {  	[timem:s7], [sflag:s23] =	dma.local [hbm:s5], s21  }
0x16: {  	_ =	swait.ge [sflag:s23], s21  }
0x17: {  	s4 =	ssub.s32 $0x0, s21;
	[sflag:s23] =	ssyncset.done $0x0  }
0x18: {  	[sflag:s23] =	ssyncadd.s32 s4;
	_ =	sdelay $0x1  }
0x19: {  	s24 =	simm.s32 $0x1B8B  }
0x1a: {  	_ =	swait.ge [sflag:s24], $0x1  }
0x1b: {  	[sflag:s24] =	ssyncset.done $0x0  }
0x1c: {  	s26 =	simm.s32 $0x1B8E;
	s25 =	sld [smem:$0x3FFE];
	[sflag:s24] =	ssyncadd.s32 $0xFFFFFFFF  }
0x1d: {  	s27 =	simm.s32 $execute0_lowered;
	[smem:$0x3FD2] =	sst s26  }
0x1e: {  	s5 =	sshll.u32 s27, $0x1;
	_ =	strace $0x80000049;
	[dreg:$0x1] =	wrdreg $0xFFFFFFFF  }
0x1f: {  	s28 =	simm.s32 $_size_execute0_lowered;
	s3 =	sadd.s32 s3, s5;
	[dreg:$0x0] =	wrdreg $0x0  }
0x20: {  	s5 =	sshll.u32 s28, $0x1;
	[dreg:$0x2] =	wrdreg s3  }
0x21: {  	[dreg:$0x3] =	wrdreg s5  }
0x22: {  	[dreg:$0x4] =	wrdreg $0xC0  }
0x23: {  	_ =	task [dreg:s7], $0x5FFFF  }
0x24: {  	[dreg:$0x1] =	wrdreg $0xFFFFFFFF  }
0x25: {  	[dreg:$0x0] =	wrdreg $0x60  }
0x26: {  	[dreg:$0x2] =	wrdreg s25  }
0x27: {  	[dreg:$0x3] =	wrdreg s2  }
0x28: {  	[dreg:$0x4] =	wrdreg $0x9  }
0x29: {  	_ =	task.clear_ibuf [dreg:s7], $0x5FFFF;
	_ =	strace $0x90000049  }
0x2a: {  	s29 =	simm.s32 $0x9;
	_ =	strace $0x8000004B  }
0x2b: {  	_ =	swait.ge [sflag:s29], $0x1  }
0x2c: {  	[sflag:s29] =	ssyncadd.s32 $0xFFFFFFFF  }
0x2d: {  	_ =	strace $0x9000004B  }
0x2e: {  	_ =	sfence  }
0x2f: {  	s30 =	sld [smem:$0x0];
	_ =	sdelay $0x2  }
0x30: {  	s31 =	sshll.u32 s1, $0xD;
	s1 =	sshrl.u32 s1, $0x2  }
0x31: {  	s3 =	sand.u32 $0x4000, s31;
	s1 =	sadd.s32 s1, s30  }
0x32: {  	s0 =	sor.u32 s3, s0;
	s1 =	sshll.u32 s1, $0x11  }
0x33: {  	s0 =	sor.u32 s1, s0  }
0x34: {  	s0 =	sadd.s32 $0x8F2B, s0  }
0x35: {  	[sflag:s0] =	ssyncadd.remote.s32 $0x1  }
0x36: {  	_ =	sfence.sel $0xFFFF  }
0x37: {  	[dreg:$0x0] =	wrdreg $0xFFFFFFFF;
	(pc) =	sbr.abs _section_cstart, $3  }
0x38: {  	[dreg:$0x1] =	wrdreg $0xFFFFFFFF  }
0x39: {  	_ =	task.clear_ibuf [dreg:s7], $0x2FFFF;
	_ =	strace $0x9FFFFFFF  }
0x3a: {  	(tm) =	ssettm $0x7FFFFFFF  }
0x3b: {  	_ =	shalt  }
tec
execute0_lowered:
.L_overlay_start_1:
0x0: {  	(tag) =	ssettag $0x1  }
0x1: {  	s0 =	srdreg.scid  }
0x2: {  	s1 =	sshll.u32 s0, $0x4  }
0x3: {  	s6 =	rddreg [dreg:$0x0];
	s0 =	stileid.u32;
	s1 =	sand.u32 $0x10, s1  }
0x4: {  	s3 =	rddreg [dreg:$0x1];
	s5 =	simm.s32 $0x1;
	s1 =	sor.u32 s0, s1  }
0x5: {  	s31 =	simm.s32 $0x2;
	s12 =	simm.s32 $0x0;
	s2 =	sshll.u32 s1, $0x7  }
0x6: {  	s8 =	simm.s32 $0x20000;
	s13 =	simm.s32 $0x0;
	s4 =	ssub.s32 $0x4000, s2  }
0x7: {  	s9 =	simm.s32 $0x0;
	s11 =	simm.s32 $0x0;
	s30 =	sand.u32 $0xF80, s4  }
.Ltmp0:
0x8: {  	s6 =	sadd.s32 $0xA00, s6;
	p0 =	sne.s32 s30, $0x0;
	(pc) =	sbr.rel .LBB1_1-.Ltmp0, $4  }
0x9: {  	s1 =	rddreg [dreg:$0x2];
	s7 =	sshrl.u32 s4, $0xC;
	s5 =	simm.s32 @!p0 $0x0  }
0xa: {  	_ =	strace $0x8000004A;
	s4 =	simm.s32 $0x1;
	s5 =	sadd.s32 s5, s7  }
0xb: {  	s10 =	smov.u32 s2;
	[sflag:s4] =	ssyncpa.u1 $0x0;
	s5 =	sshll.u32 s5, $0x4  }
0xc: {  	[sflag:s31] =	ssyncpa.u1 $0x0;
	p0 =	por $0x0, $0x0;
	s7 =	sor.u32 $0x1, s5  }
.LBB1_4:
0xd: {  	s16 =	sshll.u32 s13, $0x3;
	s17 =	sand.u32 $0x78, s13  }
0xe: {  	s30 =	sand.u32 $0x1F800, s13;
	s12 =	sshll.u32 s12, $0x11;
	s16 =	sand.u32 $0x3C00, s16  }
0xf: {  	[tilespmem:s15+$0x810 ss:$0x81] =	vst.msk $0xffff, v2;
	s31 =	sand.u32 $0x7, s13;
	s16 =	sor.u32 s17, s16;
	s17 =	sadd.s32 s3, s30  }
0x10: {  	[tilespmem:s15+$0x1020 ss:$0x81] =	vst.msk $0xffff, v0;
	s13 =	sshll.u32 s31, $0x12;
	s12 =	sadd.s32 s12, s17;
	s16 =	sshrl.u32 s16, $0x3  }
0x11: {  	[tilespmem:s15+$0x0 ss:$0x81] =	vst.msk $0xffff, v1;
	s13 =	sor.u32 $0x400, s13;
	s12 =	sadd.s32 s16, s12  }
0x12: {  	[hbm4b:s12+s13] =	stream.strided.scatter [tilespmem:s14], [sflag:$0x2], $0x2000, s8, s13, $0x20;
	[tilespmem:$0x8080] =	vst v63  }
.LBB1_5:
0x13: {  	s14 =	sadd.s32 $0x1, s9  }
0x14: {  	s12 =	sadd.s32 $0x1000, s10;
	s16 =	smov.u32 s10;
	p2 =	sgt.s32 s14, $0xF  }
0x15: {  	s16 =	smov.u32 @p2 s12  }
0x16: {  	s14 =	simm.s32 @p2 $0x0;
	p2 =	sgt.s32 s16, $0x3FFF  }
0x17: {  	s16 =	smov.u32 @p2 s2;
	p2 =	sne.s32 s11, s7  }
.Ltmp1:
0x18: {  	p1 =	slt.u32 s11, $0x2;
	(pc) =	sbr.rel @!p2 .LBB1_6-.Ltmp1, $4  }
0x19: {  	s15 =	simm.s32 @!p1 $0x2  }
0x1a: {  	s13 =	smov.u32 s10;
	p0 =	por !p0, !p0;
	_ =	swait.ge @!p1 [sflag:s15], $0x2000  }
0x1b: {  	s12 =	smov.u32 s9;
	[sflag:s15] =	ssyncset.done @!p1 $0x0;
	s9 =	smov.u32 s14  }
0x1c: {  	s11 =	sadd.s32 $0x1, s11;
	[sflag:s15] =	ssyncadd.s32 @!p1 $0xFFFFE000;
	s10 =	smov.u32 s16  }
.LBB1_1:
0x1d: {  	p1 =	sge.u32 s11, s5  }
0x1e: {  	s31 =	sadd.s32 $0xFFFFFFFF, s11;
	s14 =	sxor.u32 @!p1 $0xFFFFFFFF, s11  }
0x1f: {  	s15 =	sshll.u32 @!p1 s10, $0x8;
	s16 =	sshll.u32 @!p1 s9, $0x4;
	s17 =	simm.s32 @!p1 $0x800  }
0x20: {  	s14 =	sshll.u32 @!p1 s14, $0xD;
	s16 =	sand.u32 @!p1 $0xF0, s16;
	s15 =	sadd.s32 @!p1 s6, s15  }
0x21: {  	s14 =	sand.u32 @!p1 $0x2000, s14;
	s15 =	sadd.s32 @!p1 s16, s15;
	s16 =	simm.s32 @!p1 $0x40  }
0x22: {  	[tilespmem:s14], [sflag:$0x1] =	stream.strided.gather @!p1 [hbm4b:s15+s16], $0x2000, s17, s16, $0x38;
	[tilespmem:$0x8080] =	vst v63  }
0x23: {  	p1 =	sge.u32 s31, s5  }
.Ltmp2:
0x24: {  	_ = 	snop;
	(pc) =	sbr.rel @p1 .LBB1_5-.Ltmp2, $1  }
0x25: {  	_ =	sdelay $0x3  }
0x26: {  	s14 =	simm.s32 $0x1  }
0x27: {  	_ =	swait.ge [sflag:s4], $0x2000;
	s14 =	simm.s32 @!p0 $0x0  }
0x28: {  	[sflag:s4] =	ssyncset.done $0x0;
	s15 =	sshll.u32 s14, $0xD  }
0x29: {  	[sflag:s4] =	ssyncadd.s32 $0xFFFFE000;
	s18 =	sor.u32 $0x20, s15  }
0x2a: {  	s14 =	smul.u32 $0x8100, s14;
	v3 =	vld [tilespmem:s18+$0x10]  }
0x2b: {  	s30 =	sand.u32 $0x1, s11;
	v2 =	vld [tilespmem:s18+$0xFFFFFFF0]  }
0x2c: {  	s15 =	smul.u32 $0x8100, s30;
	s14 =	sshrl.u32 s14, $0x2;
	v0 =	vld [tilespmem:s18+$0x0]  }
0x2d: {  	v1 =	vld [tilespmem:s18+$0xFFFFFFE0];
	s16 =	sor.u32 $0x4000, s14  }
0x2e: {  	s31 =	sshrl.u32 s15, $0x2;
	s15 =	sadd.s32 $0x0, s16  }
0x2f: {  	s17 =	simm.s32 $0x4;
	s18 =	sadd.s32 $0x40, s18;
	s14 =	sor.u32 $0x4000, s31;
	[tilespmem:s15+$0x1830 ss:$0x81] =	vst.msk $0xffff, v3  }
.LBB1_3:
0x30: {  	v3 =	vld [tilespmem:s18+$0x10];
	p1 =	sne.s32 s17, $0x1FC;
	[tilespmem:s15+$0x810 ss:$0x81] =	vst.msk $0xffff, v2;
	s19 =	smov.u32 s17;
	s17 =	sadd.s32 $0x4, s17  }
.Ltmp3:
0x31: {  	v2 =	vld [tilespmem:s18+$0xFFFFFFF0];
	[tilespmem:s15+$0x1020 ss:$0x81] =	vst.msk $0xffff, v0;
	(pc) =	sbr.rel @p1 .LBB1_3-.Ltmp3, $4  }
0x32: {  	v0 =	vld [tilespmem:s18+$0x0];
	[tilespmem:s15+$0x0 ss:$0x81] =	vst.msk $0xffff, v1  }
0x33: {  	s15 =	sshra.s32 s19, $0x2;
	v1 =	vld [tilespmem:s18+$0xFFFFFFE0]  }
0x34: {  	s15 =	sadd.s32 s15, s16  }
0x35: {  	s18 =	sadd.s32 $0x40, s18;
	[tilespmem:s15+$0x1830 ss:$0x81] =	vst.msk $0xffff, v3  }
.Ltmp4:
0x36: {  	_ = 	snop;
	(pc) =	sbr.rel .LBB1_4-.Ltmp4, $1  }
0x37: {  	_ =	sdelay $0x3  }
.LBB1_6:
0x38: {  	_ =	sfence.sel $0x180000  }
0x39: {  	s2 =	simm.s32 $0x1;
	[bflag:$0x0] =	sbarrier.arrive $0xFFFF  }
0x3a: {  	s31 =	simm.s32 $0x2;
	[sflag:s2] =	ssyncpa.u1 $0x1  }
0x3b: {  	[sflag:s31] =	ssyncpa.u1 $0x1  }
0x3c: {  	p0 =	sne.s32 s0, $0x0;
	_ =	strace $0x9000004A  }
0x3d: {  	s0 =	sadd.s32 @!p0 $0x100000, s1;
	[bflag:$0x2] =	sbarrier.arrive $0xFFFF  }
0x3e: {  	[sflag:s0] =	ssyncadd.tile.s32 @!p0 $0x1;
	_ =	shalt  }
.Lfunc_end1:
_tile_overlayer_lowered:
.L_overlay_start_2:
0x3f: {  	(tag) =	ssettag $0x2  }
0x40: {  	s0 =	rddreg [dreg:$0x0];
	s2 =	stileid.u32  }
0x41: {  	s1 =	rddreg [dreg:$0x1];
	p0 =	sne.s32 s2, $0x0  }
0x42: {  	s3 =	rddreg [dreg:$0x2];
	[bflag:$0x3] =	sbarrier.arrive $0xFFFF;
	s2 =	simm.s32 @!p0 $0x1C01  }
0x43: {  	[timem:s3], [sflag:s2] =	dma.local @!p0 [hbm:s0], s1  }
0x44: {  	s0 =	simm.s32 @!p0 $0x1  }
0x45: {  	_ =	swait.ge @!p0 [sflag:s0], s1  }
0x46: {  	s1 =	ssub.s32 @!p0 $0x0, s1;
	[sflag:s0] =	ssyncset.done @!p0 $0x0  }
0x47: {  	[sflag:s0] =	ssyncadd.s32 @!p0 s1  }
0x48: {  	[bflag:$0x3] =	sbarrier.arrive $0xFFFF  }
0x49: {  	_ =	shalt  }

</sc_bundles>
